<compile_context>
chip_gen: v7x
topology: tpu7x:2x2x1
jax: 0.10.2.dev20260603
libtpu: 0.0.44.dev20260713+nightly
codegen_flags: <defaults>
</compile_context>

<pallas_src>
import functools

import jax
import jax.numpy as jnp
from jax import lax
from jax.experimental import pallas as pl
from jax.experimental.pallas import tpu as pltpu
from jax.experimental.pallas import tpu_sc as plsc

_T, _D, _H, _E, _O, _K = 2048, 1024, 1024, 8, 1024, 2

_BB = 256
_L = _T * _K + _E * _BB
_NBLK = _L // _BB

_NC, _NS = 2, 16
_NW = _NC * _NS



def _gate_body(x_ref, gw_ref, gb_ref, gow_ref, gob_ref,
               i0_ref, i1_ref, g0_ref, g1_ref):
    x = x_ref[...]
    h = jnp.maximum(
        jnp.dot(x, gw_ref[...], preferred_element_type=jnp.float32)
        + gb_ref[...], 0.0)
    logits = (jnp.dot(h, gow_ref[...], preferred_element_type=jnp.float32)
              + gob_ref[...])
    cols = lax.broadcasted_iota(jnp.int32, logits.shape, 1)
    v0 = jnp.max(logits, axis=1, keepdims=True)
    i0 = jnp.min(jnp.where(logits == v0, cols, _E), axis=1, keepdims=True)
    masked = jnp.where(cols == i0, -jnp.inf, logits)
    v1 = jnp.max(masked, axis=1, keepdims=True)
    i1 = jnp.min(jnp.where(masked == v1, cols, _E), axis=1, keepdims=True)
    e1 = jnp.exp(v1 - v0)
    g0 = 1.0 / (1.0 + e1)
    i0_ref[...] = i0
    i1_ref[...] = i1
    g0_ref[...] = g0
    g1_ref[...] = 1.0 - g0


def _gate_topk(x, gate_w, gate_b, gate_out_w, gate_out_b):
    tb = 512
    grid = (_T // tb,)
    out_shape = [
        jax.ShapeDtypeStruct((_T, 1), jnp.int32),
        jax.ShapeDtypeStruct((_T, 1), jnp.int32),
        jax.ShapeDtypeStruct((_T, 1), jnp.float32),
        jax.ShapeDtypeStruct((_T, 1), jnp.float32),
    ]
    tspec = lambda: pl.BlockSpec((tb, 1), lambda i: (i, 0))
    return pl.pallas_call(
        _gate_body,
        grid=grid,
        in_specs=[
            pl.BlockSpec((tb, _D), lambda i: (i, 0)),
            pl.BlockSpec((_D, _H), lambda i: (0, 0)),
            pl.BlockSpec((1, _H), lambda i: (0, 0)),
            pl.BlockSpec((_H, _E), lambda i: (0, 0)),
            pl.BlockSpec((1, _E), lambda i: (0, 0)),
        ],
        out_specs=[tspec(), tspec(), tspec(), tspec()],
        out_shape=out_shape,
        compiler_params=pltpu.CompilerParams(
            dimension_semantics=("arbitrary",)),
    )(x, gate_w, gate_b.reshape(1, _H), gate_out_w, gate_out_b.reshape(1, _E))



_XPW = _T // _NW


def _sc_dispatch_body(x_hbm, d0_hbm, d1_hbm, out_hbm, d0_v, d1_v, rows_v,
                      s0, s1):
    wid = lax.axis_index("s") * _NC + lax.axis_index("c")
    base = wid * _XPW
    pltpu.sync_copy(d0_hbm.at[pl.ds(base, _XPW)], d0_v)
    pltpu.sync_copy(d1_hbm.at[pl.ds(base, _XPW)], d1_v)
    pltpu.sync_copy(x_hbm.at[pl.ds(base, _XPW)], rows_v)
    c0 = pltpu.async_copy(rows_v, out_hbm.at[d0_v], s0)
    c1 = pltpu.async_copy(rows_v, out_hbm.at[d1_v], s1)
    c0.wait()
    c1.wait()


def _sc_dispatch(x, d0, d1):
    mesh = plsc.VectorSubcoreMesh(core_axis_name="c", subcore_axis_name="s",
                                  num_cores=_NC, num_subcores=_NS)
    k = functools.partial(
        pl.kernel,
        out_type=jax.ShapeDtypeStruct((_L, _D), jnp.float32),
        mesh=mesh,
        scratch_types=[
            pltpu.VMEM((_XPW,), jnp.int32),
            pltpu.VMEM((_XPW,), jnp.int32),
            pltpu.VMEM((_XPW, _D), jnp.float32),
            pltpu.SemaphoreType.DMA,
            pltpu.SemaphoreType.DMA,
        ],
    )(_sc_dispatch_body)
    return k(x, d0, d1)



def _cast_body(a_ref, b_ref, c_ref, oa_ref, ob_ref, oc_ref):
    oa_ref[...] = a_ref[...].astype(jnp.bfloat16)
    ob_ref[...] = b_ref[...].astype(jnp.bfloat16)
    oc_ref[...] = c_ref[...].astype(jnp.bfloat16)


def _weights_bf16(w1, w2, w3):
    rb = 128
    spec = pl.BlockSpec((rb, _E * _H), lambda i: (i, 0))
    return pl.pallas_call(
        _cast_body,
        grid=(_D // rb,),
        in_specs=[spec, spec, spec],
        out_specs=[spec, spec, spec],
        out_shape=[jax.ShapeDtypeStruct(w.shape, jnp.bfloat16)
                   for w in (w1, w2, w3)],
        compiler_params=pltpu.CompilerParams(
            dimension_semantics=("arbitrary",)),
    )(w1, w2, w3)



def _gemm_body(be_ref, xs_ref, w1_ref, b1_ref, w2_ref, b2_ref,
               w3_ref, b3_ref, out_ref):
    @pl.when(pl.program_id(0) < be_ref[_NBLK])
    def _():
        _gemm_compute(xs_ref, w1_ref, b1_ref, w2_ref, b2_ref,
                      w3_ref, b3_ref, out_ref)


def _gemm_compute(xs_ref, w1_ref, b1_ref, w2_ref, b2_ref,
                  w3_ref, b3_ref, out_ref):
    x = xs_ref[...].astype(jnp.bfloat16)
    h1 = jnp.maximum(
        jnp.dot(x, w1_ref[...], preferred_element_type=jnp.float32)
        + b1_ref[...], 0.0).astype(jnp.bfloat16)
    h2 = jnp.maximum(
        jnp.dot(h1, w2_ref[...], preferred_element_type=jnp.float32)
        + b2_ref[...], 0.0).astype(jnp.bfloat16)
    y = (jnp.dot(h2, w3_ref[...], preferred_element_type=jnp.float32)
         + b3_ref[...])
    out_ref[...] = y


def _grouped_mlp(xs, block_expert, w1, b1, w2, b2, w3, b3):
    grid_spec = pltpu.PrefetchScalarGridSpec(
        num_scalar_prefetch=1,
        grid=(_NBLK,),
        in_specs=[
            pl.BlockSpec((_BB, _D), lambda j, be: (j, 0)),
            pl.BlockSpec((_D, _H), lambda j, be: (0, be[j])),
            pl.BlockSpec((1, _H), lambda j, be: (0, be[j])),
            pl.BlockSpec((_H, _H), lambda j, be: (0, be[j])),
            pl.BlockSpec((1, _H), lambda j, be: (0, be[j])),
            pl.BlockSpec((_H, _O), lambda j, be: (0, be[j])),
            pl.BlockSpec((1, _O), lambda j, be: (0, be[j])),
        ],
        out_specs=pl.BlockSpec((_BB, _O), lambda j, be: (j, 0)),
    )
    return pl.pallas_call(
        _gemm_body,
        grid_spec=grid_spec,
        out_shape=jax.ShapeDtypeStruct((_L, _O), jnp.float32),
        compiler_params=pltpu.CompilerParams(
            dimension_semantics=("arbitrary",)),
    )(block_expert, xs, w1, b1, w2, b2, w3, b3)



_CPW = _T // _NW
_CC = 32


def _sc_combine_body(y_hbm, d0_hbm, d1_hbm, g0_hbm, g1_hbm, out_hbm,
                     d0_v, d1_v, g0_v, g1_v, ya_v, yb_v, s0, s1):
    wid = lax.axis_index("s") * _NC + lax.axis_index("c")
    base = wid * _CPW
    pltpu.sync_copy(d0_hbm.at[pl.ds(base, _CPW)], d0_v)
    pltpu.sync_copy(d1_hbm.at[pl.ds(base, _CPW)], d1_v)
    pltpu.sync_copy(g0_hbm.at[pl.ds(base, _CPW)], g0_v)
    pltpu.sync_copy(g1_hbm.at[pl.ds(base, _CPW)], g1_v)
    for c in range(_CPW // _CC):
        c0 = pltpu.async_copy(
            y_hbm.at[d0_v.at[pl.ds(c * _CC, _CC)]], ya_v, s0)
        c1 = pltpu.async_copy(
            y_hbm.at[d1_v.at[pl.ds(c * _CC, _CC)]], yb_v, s1)
        c0.wait()
        c1.wait()

        def _row(r, _):
            t = c * _CC + r
            av = g0_v[t, pl.ds(0, 16)]
            bv = g1_v[t, pl.ds(0, 16)]
            for q in range(_O // 16):
                ya_v[r, pl.ds(q * 16, 16)] = (
                    av * ya_v[r, pl.ds(q * 16, 16)]
                    + bv * yb_v[r, pl.ds(q * 16, 16)])
            return 0

        lax.fori_loop(0, _CC, _row, 0)
        pltpu.sync_copy(ya_v, out_hbm.at[pl.ds(base + c * _CC, _CC)])


def _sc_combine(ys, d0, d1, g0, g1):
    g0b = jnp.broadcast_to(g0.reshape(_T, 1), (_T, 16))
    g1b = jnp.broadcast_to(g1.reshape(_T, 1), (_T, 16))
    mesh = plsc.VectorSubcoreMesh(core_axis_name="c", subcore_axis_name="s",
                                  num_cores=_NC, num_subcores=_NS)
    k = functools.partial(
        pl.kernel,
        out_type=jax.ShapeDtypeStruct((_T, _O), jnp.float32),
        mesh=mesh,
        scratch_types=[
            pltpu.VMEM((_CPW,), jnp.int32),
            pltpu.VMEM((_CPW,), jnp.int32),
            pltpu.VMEM((_CPW, 16), jnp.float32),
            pltpu.VMEM((_CPW, 16), jnp.float32),
            pltpu.VMEM((_CC, _O), jnp.float32),
            pltpu.VMEM((_CC, _O), jnp.float32),
            pltpu.SemaphoreType.DMA,
            pltpu.SemaphoreType.DMA,
        ],
    )(_sc_combine_body)
    return k(ys, d0, d1, g0b, g1b)



def kernel(x, gate_w, gate_b, gate_out_w, gate_out_b,
           mlp_w1, mlp_b1, mlp_w2, mlp_b2, mlp_w3, mlp_b3):
    i0, i1, g0, g1 = _gate_topk(x, gate_w, gate_b, gate_out_w, gate_out_b)
    top_idx = jnp.concatenate([i0, i1], axis=1)

    ef = top_idx.reshape(-1)
    oh = (ef[:, None] == jnp.arange(_E, dtype=jnp.int32)[None, :])
    oh = oh.astype(jnp.int32)
    pos = jnp.cumsum(oh, axis=0) - oh
    pos_e = jnp.take_along_axis(pos, ef[:, None], axis=1)[:, 0]
    counts = jnp.sum(oh, axis=0)
    padded = ((counts + _BB - 1) // _BB) * _BB
    cum = jnp.cumsum(padded)
    start = cum - padded
    dest = start[ef] + pos_e
    block_expert = jnp.minimum(
        jnp.searchsorted(cum, jnp.arange(_NBLK, dtype=jnp.int32) * _BB,
                         side="right"),
        _E - 1).astype(jnp.int32)
    block_expert = jnp.concatenate(
        [block_expert, (cum[_E - 1] // _BB).astype(jnp.int32)[None]])
    dest2 = dest.reshape(_T, _K).astype(jnp.int32)
    d0 = dest2[:, 0]
    d1 = dest2[:, 1]

    xs = _sc_dispatch(x, d0, d1)

    w1, w2, w3 = _weights_bf16(mlp_w1.reshape(_D, _E * _H),
                               mlp_w2.reshape(_H, _E * _H),
                               mlp_w3.reshape(_H, _E * _O))
    b1 = mlp_b1.reshape(1, _E * _H)
    b2 = mlp_b2.reshape(1, _E * _H)
    b3 = mlp_b3.reshape(1, _E * _O)
    ys = _grouped_mlp(xs, block_expert,
                      w1, b1, w2, b2, w3, b3)

    return _sc_combine(ys, d0, d1, g0[:, 0], g1[:, 0])

# --- scband reference (transcript-rebuilt; emitter-appended) ---
"""Pipeline reference for scband-moe-triton-layer-24086176596767 (READ-ONLY COPY).

The authoritative reference and input builder live on the scoring server;
editing this copy changes nothing except your own understanding.
"""

import jax, jax.numpy as jnp
import numpy as np

T, D, H, E, O, K = 2048, 1024, 1024, 8, 1024, 2

def setup_inputs(seed: int = 0) -> dict:
    key = jax.random.key(seed)
    ks = jax.random.split(key, 11)
    s = 0.02
    return {
        "x": jax.random.normal(ks[0], (T, D), jnp.float32),
        "gate_w": jax.random.normal(ks[1], (D, H), jnp.float32) * s,
        "gate_b": jax.random.normal(ks[2], (H,), jnp.float32) * s,
        "gate_out_w": jax.random.normal(ks[3], (H, E), jnp.float32) * s,
        "gate_out_b": jax.random.normal(ks[4], (E,), jnp.float32) * s,
        "mlp_w1": jax.random.normal(ks[5], (D, E, H), jnp.float32) * s,
        "mlp_b1": jax.random.normal(ks[6], (E, H), jnp.float32) * s,
        "mlp_w2": jax.random.normal(ks[7], (H, E, H), jnp.float32) * s,
        "mlp_b2": jax.random.normal(ks[8], (E, H), jnp.float32) * s,
        "mlp_w3": jax.random.normal(ks[9], (H, E, O), jnp.float32) * s,
        "mlp_b3": jax.random.normal(ks[10], (E, O), jnp.float32) * s,
    }

def reference(x, gate_w, gate_b, gate_out_w, gate_out_b, mlp_w1, mlp_b1, mlp_w2, mlp_b2, mlp_w3, mlp_b3):
    # Gating network: MLP with relu then linear to expert logits
    gate_h = jax.nn.relu(x @ gate_w + gate_b)
    gate_logits = gate_h @ gate_out_w + gate_out_b  # [T, E]
    # Top-k expert selection + softmax over selected gate values
    top_vals, top_idx = jax.lax.top_k(gate_logits, K)  # [T, K]
    gates = jax.nn.softmax(top_vals, axis=1)           # [T, K]
    # Per-expert 3-layer MLP (relu, relu, linear), computed densely for all experts
    h1 = jax.nn.relu(jnp.einsum('td,deh->teh', x, mlp_w1) + mlp_b1[None, :, :])
    h2 = jax.nn.relu(jnp.einsum('teh,hef->tef', h1, mlp_w2) + mlp_b2[None, :, :])
    out_e = jnp.einsum('tef,feo->teo', h2, mlp_w3) + mlp_b3[None, :, :]  # [T, E, O]
    # Combine weights: scatter softmaxed gates of the selected experts into [T, E]
    combine = jnp.sum(jax.nn.one_hot(top_idx, E, dtype=x.dtype) * gates[:, :, None], axis=1)  # [T, E]
    out = jnp.einsum('te,teo->to', combine, out_e)  # [T, O]
    return out

if __name__ == "__main__":
    import jax
    _d = setup_inputs()
    print(jax.jit(kernel)(*tuple(_d.values())))

</pallas_src>

<mosaic_0001>
#map = affine_map<(d0, d1) -> (0, 0)>
#map1 = affine_map<(d0, d1) -> (0)>
module attributes {stable_mosaic.version = 14 : i64} {
  func.func @_sc_dispatch_body(%arg0: i32, %arg1: i32, %arg2: memref<2048x1024xf32, #tpu.memory_space<hbm>>, %arg3: memref<2048xi32, #tpu.memory_space<hbm>>, %arg4: memref<2048xi32, #tpu.memory_space<hbm>>, %arg5: memref<6144x1024xf32, #tpu.memory_space<hbm>>, %arg6: memref<64xi32, #tpu.memory_space<vmem>>, %arg7: memref<64xi32, #tpu.memory_space<vmem>>, %arg8: memref<64x1024xf32, #tpu.memory_space<vmem>>, %arg9: memref<!tpu.dma_semaphore, #tpu.memory_space<semaphore_mem>>, %arg10: memref<!tpu.dma_semaphore, #tpu.memory_space<semaphore_mem>>) attributes {dimension_semantics = [#tpu.dimension_semantics<core_parallel>, #tpu.dimension_semantics<subcore_parallel>], iteration_bounds = array<i64: 2, 16>, scalar_prefetch = 0 : i64, scratch_operands = 5 : i64, tpu.core_type = #tpu.core_type<sc_vector_subcore>, window_params = [{transform_indices = #map}, {transform_indices = #map1}, {transform_indices = #map1}, {transform_indices = #map}]} {
    %mul3A = arith.constant 2 : i32
    %mul3A_0 = arith.muli %arg1, %mul3A : i32
    %add3A = arith.addi %mul3A_0, %arg0 : i32
    %mul3A_1 = arith.constant 64 : i32
    %mul3A_2 = arith.muli %add3A, %mul3A_1 : i32
    "tpu.region"() ({
      %run_scoped3A = tpu.sem_alloc : memref<!tpu.dma_semaphore, #tpu.memory_space<semaphore_mem>>
      %dma_start3A_13 = tpu.memref_slice %arg3[%mul3A_2] : memref<2048xi32, #tpu.memory_space<hbm>> -> memref<64xi32, #tpu.memory_space<hbm>>
      %dma_start3A_14 = tpu.memref_slice %arg3[%mul3A_2] : memref<2048xi32, #tpu.memory_space<hbm>> -> memref<64xi32, #tpu.memory_space<hbm>>
      tpu.enqueue_dma source(%dma_start3A_14 : memref<64xi32, #tpu.memory_space<hbm>>) target(%arg6 : memref<64xi32, #tpu.memory_space<vmem>>) target_semaphore(%run_scoped3A : memref<!tpu.dma_semaphore, #tpu.memory_space<semaphore_mem>>)
      %dma_wait3A_15 = tpu.memref_slice %arg3[%mul3A_2] : memref<2048xi32, #tpu.memory_space<hbm>> -> memref<64xi32, #tpu.memory_space<hbm>>
      %dma_wait3A_16 = tpu.memref_slice %arg3[%mul3A_2] : memref<2048xi32, #tpu.memory_space<hbm>> -> memref<64xi32, #tpu.memory_space<hbm>>
      tpu.wait_dma2 semaphore(%run_scoped3A : memref<!tpu.dma_semaphore, #tpu.memory_space<semaphore_mem>>) src(%dma_wait3A_16 : memref<64xi32, #tpu.memory_space<hbm>>) dst(%arg6 : memref<64xi32, #tpu.memory_space<vmem>>)
      tpu.yield
    }) : () -> ()
    "tpu.region"() ({
      %run_scoped3A = tpu.sem_alloc : memref<!tpu.dma_semaphore, #tpu.memory_space<semaphore_mem>>
      %dma_start3A_13 = tpu.memref_slice %arg4[%mul3A_2] : memref<2048xi32, #tpu.memory_space<hbm>> -> memref<64xi32, #tpu.memory_space<hbm>>
      %dma_start3A_14 = tpu.memref_slice %arg4[%mul3A_2] : memref<2048xi32, #tpu.memory_space<hbm>> -> memref<64xi32, #tpu.memory_space<hbm>>
      tpu.enqueue_dma source(%dma_start3A_14 : memref<64xi32, #tpu.memory_space<hbm>>) target(%arg7 : memref<64xi32, #tpu.memory_space<vmem>>) target_semaphore(%run_scoped3A : memref<!tpu.dma_semaphore, #tpu.memory_space<semaphore_mem>>)
      %dma_wait3A_15 = tpu.memref_slice %arg4[%mul3A_2] : memref<2048xi32, #tpu.memory_space<hbm>> -> memref<64xi32, #tpu.memory_space<hbm>>
      %dma_wait3A_16 = tpu.memref_slice %arg4[%mul3A_2] : memref<2048xi32, #tpu.memory_space<hbm>> -> memref<64xi32, #tpu.memory_space<hbm>>
      tpu.wait_dma2 semaphore(%run_scoped3A : memref<!tpu.dma_semaphore, #tpu.memory_space<semaphore_mem>>) src(%dma_wait3A_16 : memref<64xi32, #tpu.memory_space<hbm>>) dst(%arg7 : memref<64xi32, #tpu.memory_space<vmem>>)
      tpu.yield
    }) : () -> ()
    "tpu.region"() ({
      %run_scoped3A = tpu.sem_alloc : memref<!tpu.dma_semaphore, #tpu.memory_space<semaphore_mem>>
      %dma_start3A_13 = arith.constant 0 : i32
      %dma_start3A_14 = tpu.memref_slice %arg2[%mul3A_2, %dma_start3A_13] : memref<2048x1024xf32, #tpu.memory_space<hbm>> -> memref<64x1024xf32, #tpu.memory_space<hbm>>
      %dma_start3A_15 = arith.constant 0 : i32
      %dma_start3A_16 = tpu.memref_slice %arg2[%mul3A_2, %dma_start3A_15] : memref<2048x1024xf32, #tpu.memory_space<hbm>> -> memref<64x1024xf32, #tpu.memory_space<hbm>>
      tpu.enqueue_dma source(%dma_start3A_16 : memref<64x1024xf32, #tpu.memory_space<hbm>>) target(%arg8 : memref<64x1024xf32, #tpu.memory_space<vmem>>) target_semaphore(%run_scoped3A : memref<!tpu.dma_semaphore, #tpu.memory_space<semaphore_mem>>)
      %dma_wait3A_17 = arith.constant 0 : i32
      %dma_wait3A_18 = tpu.memref_slice %arg2[%mul3A_2, %dma_wait3A_17] : memref<2048x1024xf32, #tpu.memory_space<hbm>> -> memref<64x1024xf32, #tpu.memory_space<hbm>>
      %dma_wait3A_19 = arith.constant 0 : i32
      %dma_wait3A_20 = tpu.memref_slice %arg2[%mul3A_2, %dma_wait3A_19] : memref<2048x1024xf32, #tpu.memory_space<hbm>> -> memref<64x1024xf32, #tpu.memory_space<hbm>>
      tpu.wait_dma2 semaphore(%run_scoped3A : memref<!tpu.dma_semaphore, #tpu.memory_space<semaphore_mem>>) src(%dma_wait3A_20 : memref<64x1024xf32, #tpu.memory_space<hbm>>) dst(%arg8 : memref<64x1024xf32, #tpu.memory_space<vmem>>)
      tpu.yield
    }) : () -> ()
    %dma_start3A = arith.constant 0 : i32
    %dma_start3A_3 = arith.constant 0 : i32
    %dma_start3A_4 = tpu.memref_slice %arg5[%dma_start3A, %dma_start3A_3] : memref<6144x1024xf32, #tpu.memory_space<hbm>> -> memref<6144x1024xf32, #tpu.memory_space<hbm>>
    tpu.enqueue_indirect_dma source(%arg8 : memref<64x1024xf32, #tpu.memory_space<vmem>>) target(%dma_start3A_4 : memref<6144x1024xf32, #tpu.memory_space<hbm>>) offsets(%arg6 : memref<64xi32, #tpu.memory_space<vmem>>) semaphore(%arg9 : memref<!tpu.dma_semaphore, #tpu.memory_space<semaphore_mem>>)
    %dma_start3A_5 = arith.constant 0 : i32
    %dma_start3A_6 = arith.constant 0 : i32
    %dma_start3A_7 = tpu.memref_slice %arg5[%dma_start3A_5, %dma_start3A_6] : memref<6144x1024xf32, #tpu.memory_space<hbm>> -> memref<6144x1024xf32, #tpu.memory_space<hbm>>
    tpu.enqueue_indirect_dma source(%arg8 : memref<64x1024xf32, #tpu.memory_space<vmem>>) target(%dma_start3A_7 : memref<6144x1024xf32, #tpu.memory_space<hbm>>) offsets(%arg7 : memref<64xi32, #tpu.memory_space<vmem>>) semaphore(%arg10 : memref<!tpu.dma_semaphore, #tpu.memory_space<semaphore_mem>>)
    %dma_wait3A = arith.constant 0 : i32
    %dma_wait3A_8 = arith.constant 0 : i32
    %dma_wait3A_9 = tpu.memref_slice %arg5[%dma_wait3A, %dma_wait3A_8] : memref<6144x1024xf32, #tpu.memory_space<hbm>> -> memref<6144x1024xf32, #tpu.memory_space<hbm>>
    tpu.wait_indirect_dma semaphore(%arg9 : memref<!tpu.dma_semaphore, #tpu.memory_space<semaphore_mem>>) src(%arg8 : memref<64x1024xf32, #tpu.memory_space<vmem>>) dst(%dma_wait3A_9 : memref<6144x1024xf32, #tpu.memory_space<hbm>>)
    %dma_wait3A_10 = arith.constant 0 : i32
    %dma_wait3A_11 = arith.constant 0 : i32
    %dma_wait3A_12 = tpu.memref_slice %arg5[%dma_wait3A_10, %dma_wait3A_11] : memref<6144x1024xf32, #tpu.memory_space<hbm>> -> memref<6144x1024xf32, #tpu.memory_space<hbm>>
    tpu.wait_indirect_dma semaphore(%arg10 : memref<!tpu.dma_semaphore, #tpu.memory_space<semaphore_mem>>) src(%arg8 : memref<64x1024xf32, #tpu.memory_space<vmem>>) dst(%dma_wait3A_12 : memref<6144x1024xf32, #tpu.memory_space<hbm>>)
    return
  }
}

#map = affine_map<(d0, d1) -> (0, 0)>
#map1 = affine_map<(d0, d1) -> (0)>
module attributes {stable_mosaic.version = 14 : i64} {
  func.func @_sc_combine_body(%arg0: i32, %arg1: i32, %arg2: memref<6144x1024xf32, #tpu.memory_space<hbm>>, %arg3: memref<2048xi32, #tpu.memory_space<hbm>>, %arg4: memref<2048xi32, #tpu.memory_space<hbm>>, %arg5: memref<2048x16xf32, #tpu.memory_space<hbm>>, %arg6: memref<2048x16xf32, #tpu.memory_space<hbm>>, %arg7: memref<2048x1024xf32, #tpu.memory_space<hbm>>, %arg8: memref<64xi32, #tpu.memory_space<vmem>>, %arg9: memref<64xi32, #tpu.memory_space<vmem>>, %arg10: memref<64x16xf32, #tpu.memory_space<vmem>>, %arg11: memref<64x16xf32, #tpu.memory_space<vmem>>, %arg12: memref<32x1024xf32, #tpu.memory_space<vmem>>, %arg13: memref<32x1024xf32, #tpu.memory_space<vmem>>, %arg14: memref<!tpu.dma_semaphore, #tpu.memory_space<semaphore_mem>>, %arg15: memref<!tpu.dma_semaphore, #tpu.memory_space<semaphore_mem>>) attributes {dimension_semantics = [#tpu.dimension_semantics<core_parallel>, #tpu.dimension_semantics<subcore_parallel>], iteration_bounds = array<i64: 2, 16>, scalar_prefetch = 0 : i64, scratch_operands = 8 : i64, tpu.core_type = #tpu.core_type<sc_vector_subcore>, window_params = [{transform_indices = #map}, {transform_indices = #map1}, {transform_indices = #map1}, {transform_indices = #map}, {transform_indices = #map}, {transform_indices = #map}]} {
    %mul3A = arith.constant 2 : i32
    %mul3A_0 = arith.muli %arg1, %mul3A : i32
    %add3A = arith.addi %mul3A_0, %arg0 : i32
    %mul3A_1 = arith.constant 64 : i32
    %mul3A_2 = arith.muli %add3A, %mul3A_1 : i32
    "tpu.region"() ({
      %run_scoped3A = tpu.sem_alloc : memref<!tpu.dma_semaphore, #tpu.memory_space<semaphore_mem>>
      %dma_start3A_58 = tpu.memref_slice %arg3[%mul3A_2] : memref<2048xi32, #tpu.memory_space<hbm>> -> memref<64xi32, #tpu.memory_space<hbm>>
      %dma_start3A_59 = tpu.memref_slice %arg3[%mul3A_2] : memref<2048xi32, #tpu.memory_space<hbm>> -> memref<64xi32, #tpu.memory_space<hbm>>
      tpu.enqueue_dma source(%dma_start3A_59 : memref<64xi32, #tpu.memory_space<hbm>>) target(%arg8 : memref<64xi32, #tpu.memory_space<vmem>>) target_semaphore(%run_scoped3A : memref<!tpu.dma_semaphore, #tpu.memory_space<semaphore_mem>>)
      %dma_wait3A_60 = tpu.memref_slice %arg3[%mul3A_2] : memref<2048xi32, #tpu.memory_space<hbm>> -> memref<64xi32, #tpu.memory_space<hbm>>
      %dma_wait3A_61 = tpu.memref_slice %arg3[%mul3A_2] : memref<2048xi32, #tpu.memory_space<hbm>> -> memref<64xi32, #tpu.memory_space<hbm>>
      tpu.wait_dma2 semaphore(%run_scoped3A : memref<!tpu.dma_semaphore, #tpu.memory_space<semaphore_mem>>) src(%dma_wait3A_61 : memref<64xi32, #tpu.memory_space<hbm>>) dst(%arg8 : memref<64xi32, #tpu.memory_space<vmem>>)
      tpu.yield
    }) : () -> ()
    "tpu.region"() ({
      %run_scoped3A = tpu.sem_alloc : memref<!tpu.dma_semaphore, #tpu.memory_space<semaphore_mem>>
      %dma_start3A_58 = tpu.memref_slice %arg4[%mul3A_2] : memref<2048xi32, #tpu.memory_space<hbm>> -> memref<64xi32, #tpu.memory_space<hbm>>
      %dma_start3A_59 = tpu.memref_slice %arg4[%mul3A_2] : memref<2048xi32, #tpu.memory_space<hbm>> -> memref<64xi32, #tpu.memory_space<hbm>>
      tpu.enqueue_dma source(%dma_start3A_59 : memref<64xi32, #tpu.memory_space<hbm>>) target(%arg9 : memref<64xi32, #tpu.memory_space<vmem>>) target_semaphore(%run_scoped3A : memref<!tpu.dma_semaphore, #tpu.memory_space<semaphore_mem>>)
      %dma_wait3A_60 = tpu.memref_slice %arg4[%mul3A_2] : memref<2048xi32, #tpu.memory_space<hbm>> -> memref<64xi32, #tpu.memory_space<hbm>>
      %dma_wait3A_61 = tpu.memref_slice %arg4[%mul3A_2] : memref<2048xi32, #tpu.memory_space<hbm>> -> memref<64xi32, #tpu.memory_space<hbm>>
      tpu.wait_dma2 semaphore(%run_scoped3A : memref<!tpu.dma_semaphore, #tpu.memory_space<semaphore_mem>>) src(%dma_wait3A_61 : memref<64xi32, #tpu.memory_space<hbm>>) dst(%arg9 : memref<64xi32, #tpu.memory_space<vmem>>)
      tpu.yield
    }) : () -> ()
    "tpu.region"() ({
      %run_scoped3A = tpu.sem_alloc : memref<!tpu.dma_semaphore, #tpu.memory_space<semaphore_mem>>
      %dma_start3A_58 = arith.constant 0 : i32
      %dma_start3A_59 = tpu.memref_slice %arg5[%mul3A_2, %dma_start3A_58] : memref<2048x16xf32, #tpu.memory_space<hbm>> -> memref<64x16xf32, #tpu.memory_space<hbm>>
      %dma_start3A_60 = arith.constant 0 : i32
      %dma_start3A_61 = tpu.memref_slice %arg5[%mul3A_2, %dma_start3A_60] : memref<2048x16xf32, #tpu.memory_space<hbm>> -> memref<64x16xf32, #tpu.memory_space<hbm>>
      tpu.enqueue_dma source(%dma_start3A_61 : memref<64x16xf32, #tpu.memory_space<hbm>>) target(%arg10 : memref<64x16xf32, #tpu.memory_space<vmem>>) target_semaphore(%run_scoped3A : memref<!tpu.dma_semaphore, #tpu.memory_space<semaphore_mem>>)
      %dma_wait3A_62 = arith.constant 0 : i32
      %dma_wait3A_63 = tpu.memref_slice %arg5[%mul3A_2, %dma_wait3A_62] : memref<2048x16xf32, #tpu.memory_space<hbm>> -> memref<64x16xf32, #tpu.memory_space<hbm>>
      %dma_wait3A_64 = arith.constant 0 : i32
      %dma_wait3A_65 = tpu.memref_slice %arg5[%mul3A_2, %dma_wait3A_64] : memref<2048x16xf32, #tpu.memory_space<hbm>> -> memref<64x16xf32, #tpu.memory_space<hbm>>
      tpu.wait_dma2 semaphore(%run_scoped3A : memref<!tpu.dma_semaphore, #tpu.memory_space<semaphore_mem>>) src(%dma_wait3A_65 : memref<64x16xf32, #tpu.memory_space<hbm>>) dst(%arg10 : memref<64x16xf32, #tpu.memory_space<vmem>>)
      tpu.yield
    }) : () -> ()
    "tpu.region"() ({
      %run_scoped3A = tpu.sem_alloc : memref<!tpu.dma_semaphore, #tpu.memory_space<semaphore_mem>>
      %dma_start3A_58 = arith.constant 0 : i32
      %dma_start3A_59 = tpu.memref_slice %arg6[%mul3A_2, %dma_start3A_58] : memref<2048x16xf32, #tpu.memory_space<hbm>> -> memref<64x16xf32, #tpu.memory_space<hbm>>
      %dma_start3A_60 = arith.constant 0 : i32
      %dma_start3A_61 = tpu.memref_slice %arg6[%mul3A_2, %dma_start3A_60] : memref<2048x16xf32, #tpu.memory_space<hbm>> -> memref<64x16xf32, #tpu.memory_space<hbm>>
      tpu.enqueue_dma source(%dma_start3A_61 : memref<64x16xf32, #tpu.memory_space<hbm>>) target(%arg11 : memref<64x16xf32, #tpu.memory_space<vmem>>) target_semaphore(%run_scoped3A : memref<!tpu.dma_semaphore, #tpu.memory_space<semaphore_mem>>)
      %dma_wait3A_62 = arith.constant 0 : i32
      %dma_wait3A_63 = tpu.memref_slice %arg6[%mul3A_2, %dma_wait3A_62] : memref<2048x16xf32, #tpu.memory_space<hbm>> -> memref<64x16xf32, #tpu.memory_space<hbm>>
      %dma_wait3A_64 = arith.constant 0 : i32
      %dma_wait3A_65 = tpu.memref_slice %arg6[%mul3A_2, %dma_wait3A_64] : memref<2048x16xf32, #tpu.memory_space<hbm>> -> memref<64x16xf32, #tpu.memory_space<hbm>>
      tpu.wait_dma2 semaphore(%run_scoped3A : memref<!tpu.dma_semaphore, #tpu.memory_space<semaphore_mem>>) src(%dma_wait3A_65 : memref<64x16xf32, #tpu.memory_space<hbm>>) dst(%arg11 : memref<64x16xf32, #tpu.memory_space<vmem>>)
      tpu.yield
    }) : () -> ()
    %dma_start3A = arith.constant 0 : i32
    %dma_start3A_3 = tpu.memref_slice %arg8[%dma_start3A] : memref<64xi32, #tpu.memory_space<vmem>> -> memref<32xi32, #tpu.memory_space<vmem>>
    %dma_start3A_4 = arith.constant 0 : i32
    %dma_start3A_5 = arith.constant 0 : i32
    %dma_start3A_6 = tpu.memref_slice %arg2[%dma_start3A_4, %dma_start3A_5] : memref<6144x1024xf32, #tpu.memory_space<hbm>> -> memref<6144x1024xf32, #tpu.memory_space<hbm>>
    tpu.enqueue_indirect_dma source(%dma_start3A_6 : memref<6144x1024xf32, #tpu.memory_space<hbm>>) target(%arg12 : memref<32x1024xf32, #tpu.memory_space<vmem>>) offsets(%dma_start3A_3 : memref<32xi32, #tpu.memory_space<vmem>>) semaphore(%arg14 : memref<!tpu.dma_semaphore, #tpu.memory_space<semaphore_mem>>)
    %dma_start3A_7 = arith.constant 0 : i32
    %dma_start3A_8 = tpu.memref_slice %arg9[%dma_start3A_7] : memref<64xi32, #tpu.memory_space<vmem>> -> memref<32xi32, #tpu.memory_space<vmem>>
    %dma_start3A_9 = arith.constant 0 : i32
    %dma_start3A_10 = arith.constant 0 : i32
    %dma_start3A_11 = tpu.memref_slice %arg2[%dma_start3A_9, %dma_start3A_10] : memref<6144x1024xf32, #tpu.memory_space<hbm>> -> memref<6144x1024xf32, #tpu.memory_space<hbm>>
    tpu.enqueue_indirect_dma source(%dma_start3A_11 : memref<6144x1024xf32, #tpu.memory_space<hbm>>) target(%arg13 : memref<32x1024xf32, #tpu.memory_space<vmem>>) offsets(%dma_start3A_8 : memref<32xi32, #tpu.memory_space<vmem>>) semaphore(%arg15 : memref<!tpu.dma_semaphore, #tpu.memory_space<semaphore_mem>>)
    %dma_wait3A = arith.constant 0 : i32
    %dma_wait3A_12 = tpu.memref_slice %arg8[%dma_wait3A] : memref<64xi32, #tpu.memory_space<vmem>> -> memref<32xi32, #tpu.memory_space<vmem>>
    %dma_wait3A_13 = arith.constant 0 : i32
    %dma_wait3A_14 = arith.constant 0 : i32
    %dma_wait3A_15 = tpu.memref_slice %arg2[%dma_wait3A_13, %dma_wait3A_14] : memref<6144x1024xf32, #tpu.memory_space<hbm>> -> memref<6144x1024xf32, #tpu.memory_space<hbm>>
    tpu.wait_indirect_dma semaphore(%arg14 : memref<!tpu.dma_semaphore, #tpu.memory_space<semaphore_mem>>) src(%dma_wait3A_15 : memref<6144x1024xf32, #tpu.memory_space<hbm>>) dst(%arg12 : memref<32x1024xf32, #tpu.memory_space<vmem>>)
    %dma_wait3A_16 = arith.constant 0 : i32
    %dma_wait3A_17 = tpu.memref_slice %arg9[%dma_wait3A_16] : memref<64xi32, #tpu.memory_space<vmem>> -> memref<32xi32, #tpu.memory_space<vmem>>
    %dma_wait3A_18 = arith.constant 0 : i32
    %dma_wait3A_19 = arith.constant 0 : i32
    %dma_wait3A_20 = tpu.memref_slice %arg2[%dma_wait3A_18, %dma_wait3A_19] : memref<6144x1024xf32, #tpu.memory_space<hbm>> -> memref<6144x1024xf32, #tpu.memory_space<hbm>>
    tpu.wait_indirect_dma semaphore(%arg15 : memref<!tpu.dma_semaphore, #tpu.memory_space<semaphore_mem>>) src(%dma_wait3A_20 : memref<6144x1024xf32, #tpu.memory_space<hbm>>) dst(%arg13 : memref<32x1024xf32, #tpu.memory_space<vmem>>)
    %scan3A = arith.constant 0 : i32
    %scan3A_21 = arith.constant 0 : i32
    %scan3A_22 = arith.constant 32 : i32
    %scan3A_23 = arith.addi %scan3A_21, %scan3A_22 : i32
    %scan3A_24 = arith.constant 1 : i32
    %scan3A_25 = scf.for %scan3A_58 = %scan3A_21 to %scan3A_23 step %scan3A_24 iter_args(%scan3A_59 = %scan3A) -> (i32)  : i32 {
      %add3A_60 = arith.constant 0 : i32
      %add3A_61 = arith.addi %add3A_60, %scan3A_58 : i32
      %get3A = arith.index_cast %add3A_61 : i32 to index
      %get3A_62 = arith.constant 0 : index
      %get3A_63 = tpu.vector_load %arg10[%get3A, %get3A_62] {strides = array<i32>} : memref<64x16xf32, #tpu.memory_space<vmem>>, vector<1x16xf32>,
      %get3A_64 = vector.shape_cast %get3A_63 : vector<1x16xf32> to vector<16xf32>
      %get3A_65 = arith.index_cast %add3A_61 : i32 to index
      %get3A_66 = arith.constant 0 : index
      %get3A_67 = tpu.vector_load %arg11[%get3A_65, %get3A_66] {strides = array<i32>} : memref<64x16xf32, #tpu.memory_space<vmem>>, vector<1x16xf32>,
      %get3A_68 = vector.shape_cast %get3A_67 : vector<1x16xf32> to vector<16xf32>
      %get3A_69 = arith.index_cast %scan3A_58 : i32 to index
      %get3A_70 = arith.constant 0 : index
      %get3A_71 = tpu.vector_load %arg12[%get3A_69, %get3A_70] {strides = array<i32>} : memref<32x1024xf32, #tpu.memory_space<vmem>>, vector<1x16xf32>,
      %get3A_72 = vector.shape_cast %get3A_71 : vector<1x16xf32> to vector<16xf32>
      %mul3A_73 = arith.mulf %get3A_64, %get3A_72 : vector<16xf32>
      %get3A_74 = arith.index_cast %scan3A_58 : i32 to index
      %get3A_75 = arith.constant 0 : index
      %get3A_76 = tpu.vector_load %arg13[%get3A_74, %get3A_75] {strides = array<i32>} : memref<32x1024xf32, #tpu.memory_space<vmem>>, vector<1x16xf32>,
      %get3A_77 = vector.shape_cast %get3A_76 : vector<1x16xf32> to vector<16xf32>
      %mul3A_78 = arith.mulf %get3A_68, %get3A_77 : vector<16xf32>
      %add3A_79 = arith.addf %mul3A_73, %mul3A_78 : vector<16xf32>
      %swap3A = arith.index_cast %scan3A_58 : i32 to index
      %swap3A_80 = arith.constant 0 : index
      %swap3A_81 = tpu.vector_load %arg12[%swap3A, %swap3A_80] {strides = array<i32>} : memref<32x1024xf32, #tpu.memory_space<vmem>>, vector<1x16xf32>,
      %swap3A_82 = vector.shape_cast %swap3A_81 : vector<1x16xf32> to vector<16xf32>
      %swap3A_83 = vector.shape_cast %add3A_79 : vector<16xf32> to vector<1x16xf32>
      tpu.vector_store %arg12[%swap3A, %swap3A_80], %swap3A_83 {strides = array<i32>} : memref<32x1024xf32, #tpu.memory_space<vmem>>, vector<1x16xf32>,
      %get3A_84 = arith.index_cast %scan3A_58 : i32 to index
      %get3A_85 = arith.constant 16 : index
      %get3A_86 = tpu.vector_load %arg12[%get3A_84, %get3A_85] {strides = array<i32>} : memref<32x1024xf32, #tpu.memory_space<vmem>>, vector<1x16xf32>,
      %get3A_87 = vector.shape_cast %get3A_86 : vector<1x16xf32> to vector<16xf32>
      %mul3A_88 = arith.mulf %get3A_64, %get3A_87 : vector<16xf32>
      %get3A_89 = arith.index_cast %scan3A_58 : i32 to index
      %get3A_90 = arith.constant 16 : index
      %get3A_91 = tpu.vector_load %arg13[%get3A_89, %get3A_90] {strides = array<i32>} : memref<32x1024xf32, #tpu.memory_space<vmem>>, vector<1x16xf32>,
      %get3A_92 = vector.shape_cast %get3A_91 : vector<1x16xf32> to vector<16xf32>
      %mul3A_93 = arith.mulf %get3A_68, %get3A_92 : vector<16xf32>
      %add3A_94 = arith.addf %mul3A_88, %mul3A_93 : vector<16xf32>
      %swap3A_95 = arith.index_cast %scan3A_58 : i32 to index
      %swap3A_96 = arith.constant 16 : index
      %swap3A_97 = tpu.vector_load %arg12[%swap3A_95, %swap3A_96] {strides = array<i32>} : memref<32x1024xf32, #tpu.memory_space<vmem>>, vector<1x16xf32>,
      %swap3A_98 = vector.shape_cast %swap3A_97 : vector<1x16xf32> to vector<16xf32>
      %swap3A_99 = vector.shape_cast %add3A_94 : vector<16xf32> to vector<1x16xf32>
      tpu.vector_store %arg12[%swap3A_95, %swap3A_96], %swap3A_99 {strides = array<i32>} : memref<32x1024xf32, #tpu.memory_space<vmem>>, vector<1x16xf32>,
      %get3A_100 = arith.index_cast %scan3A_58 : i32 to index
      %get3A_101 = arith.constant 32 : index
      %get3A_102 = tpu.vector_load %arg12[%get3A_100, %get3A_101] {strides = array<i32>} : memref<32x1024xf32, #tpu.memory_space<vmem>>, vector<1x16xf32>,
      %get3A_103 = vector.shape_cast %get3A_102 : vector<1x16xf32> to vector<16xf32>
      %mul3A_104 = arith.mulf %get3A_64, %get3A_103 : vector<16xf32>
      %get3A_105 = arith.index_cast %scan3A_58 : i32 to index
      %get3A_106 = arith.constant 32 : index
      %get3A_107 = tpu.vector_load %arg13[%get3A_105, %get3A_106] {strides = array<i32>} : memref<32x1024xf32, #tpu.memory_space<vmem>>, vector<1x16xf32>,
      %get3A_108 = vector.shape_cast %get3A_107 : vector<1x16xf32> to vector<16xf32>
      %mul3A_109 = arith.mulf %get3A_68, %get3A_108 : vector<16xf32>
      %add3A_110 = arith.addf %mul3A_104, %mul3A_109 : vector<16xf32>
      %swap3A_111 = arith.index_cast %scan3A_58 : i32 to index
      %swap3A_112 = arith.constant 32 : index
      %swap3A_113 = tpu.vector_load %arg12[%swap3A_111, %swap3A_112] {strides = array<i32>} : memref<32x1024xf32, #tpu.memory_space<vmem>>, vector<1x16xf32>,
      %swap3A_114 = vector.shape_cast %swap3A_113 : vector<1x16xf32> to vector<16xf32>
      %swap3A_115 = vector.shape_cast %add3A_110 : vector<16xf32> to vector<1x16xf32>
      tpu.vector_store %arg12[%swap3A_111, %swap3A_112], %swap3A_115 {strides = array<i32>} : memref<32x1024xf32, #tpu.memory_space<vmem>>, vector<1x16xf32>,
      %get3A_116 = arith.index_cast %scan3A_58 : i32 to index
      %get3A_117 = arith.constant 48 : index
      %get3A_118 = tpu.vector_load %arg12[%get3A_116, %get3A_117] {strides = array<i32>} : memref<32x1024xf32, #tpu.memory_space<vmem>>, vector<1x16xf32>,
      %get3A_119 = vector.shape_cast %get3A_118 : vector<1x16xf32> to vector<16xf32>
      %mul3A_120 = arith.mulf %get3A_64, %get3A_119 : vector<16xf32>
      %get3A_121 = arith.index_cast %scan3A_58 : i32 to index
      %get3A_122 = arith.constant 48 : index
      %get3A_123 = tpu.vector_load %arg13[%get3A_121, %get3A_122] {strides = array<i32>} : memref<32x1024xf32, #tpu.memory_space<vmem>>, vector<1x16xf32>,
      %get3A_124 = vector.shape_cast %get3A_123 : vector<1x16xf32> to vector<16xf32>
      %mul3A_125 = arith.mulf %get3A_68, %get3A_124 : vector<16xf32>
      %add3A_126 = arith.addf %mul3A_120, %mul3A_125 : vector<16xf32>
      %swap3A_127 = arith.index_cast %scan3A_58 : i32 to index
      %swap3A_128 = arith.constant 48 : index
      %swap3A_129 = tpu.vector_load %arg12[%swap3A_127, %swap3A_128] {strides = array<i32>} : memref<32x1024xf32, #tpu.memory_space<vmem>>, vector<1x16xf32>,
      %swap3A_130 = vector.shape_cast %swap3A_129 : vector<1x16xf32> to vector<16xf32>
      %swap3A_131 = vector.shape_cast %add3A_126 : vector<16xf32> to vector<1x16xf32>
      tpu.vector_store %arg12[%swap3A_127, %swap3A_128], %swap3A_131 {strides = array<i32>} : memref<32x1024xf32, #tpu.memory_space<vmem>>, vector<1x16xf32>,
      %get3A_132 = arith.index_cast %scan3A_58 : i32 to index
      %get3A_133 = arith.constant 64 : index
      %get3A_134 = tpu.vector_load %arg12[%get3A_132, %get3A_133] {strides = array<i32>} : memref<32x1024xf32, #tpu.memory_space<vmem>>, vector<1x16xf32>,
      %get3A_135 = vector.shape_cast %get3A_134 : vector<1x16xf32> to vector<16xf32>
      %mul3A_136 = arith.mulf %get3A_64, %get3A_135 : vector<16xf32>
      %get3A_137 = arith.index_cast %scan3A_58 : i32 to index
      %get3A_138 = arith.constant 64 : index
      %get3A_139 = tpu.vector_load %arg13[%get3A_137, %get3A_138] {strides = array<i32>} : memref<32x1024xf32, #tpu.memory_space<vmem>>, vector<1x16xf32>,
      %get3A_140 = vector.shape_cast %get3A_139 : vector<1x16xf32> to vector<16xf32>
      %mul3A_141 = arith.mulf %get3A_68, %get3A_140 : vector<16xf32>
      %add3A_142 = arith.addf %mul3A_136, %mul3A_141 : vector<16xf32>
      %swap3A_143 = arith.index_cast %scan3A_58 : i32 to index
      %swap3A_144 = arith.constant 64 : index
      %swap3A_145 = tpu.vector_load %arg12[%swap3A_143, %swap3A_144] {strides = array<i32>} : memref<32x1024xf32, #tpu.memory_space<vmem>>, vector<1x16xf32>,
      %swap3A_146 = vector.shape_cast %swap3A_145 : vector<1x16xf32> to vector<16xf32>
      %swap3A_147 = vector.shape_cast %add3A_142 : vector<16xf32> to vector<1x16xf32>
      tpu.vector_store %arg12[%swap3A_143, %swap3A_144], %swap3A_147 {strides = array<i32>} : memref<32x1024xf32, #tpu.memory_space<vmem>>, vector<1x16xf32>,
      %get3A_148 = arith.index_cast %scan3A_58 : i32 to index
      %get3A_149 = arith.constant 80 : index
      %get3A_150 = tpu.vector_load %arg12[%get3A_148, %get3A_149] {strides = array<i32>} : memref<32x1024xf32, #tpu.memory_space<vmem>>, vector<1x16xf32>,
      %get3A_151 = vector.shape_cast %get3A_150 : vector<1x16xf32> to vector<16xf32>
      %mul3A_152 = arith.mulf %get3A_64, %get3A_151 : vector<16xf32>
      %get3A_153 = arith.index_cast %scan3A_58 : i32 to index
      %get3A_154 = arith.constant 80 : index
      %get3A_155 = tpu.vector_load %arg13[%get3A_153, %get3A_154] {strides = array<i32>} : memref<32x1024xf32, #tpu.memory_space<vmem>>, vector<1x16xf32>,
      %get3A_156 = vector.shape_cast %get3A_155 : vector<1x16xf32> to vector<16xf32>
      %mul3A_157 = arith.mulf %get3A_68, %get3A_156 : vector<16xf32>
      %add3A_158 = arith.addf %mul3A_152, %mul3A_157 : vector<16xf32>
      %swap3A_159 = arith.index_cast %scan3A_58 : i32 to index
      %swap3A_160 = arith.constant 80 : index
      %swap3A_161 = tpu.vector_load %arg12[%swap3A_159, %swap3A_160] {strides = array<i32>} : memref<32x1024xf32, #tpu.memory_space<vmem>>, vector<1x16xf32>,
      %swap3A_162 = vector.shape_cast %swap3A_161 : vector<1x16xf32> to vector<16xf32>
      %swap3A_163 = vector.shape_cast %add3A_158 : vector<16xf32> to vector<1x16xf32>
      tpu.vector_store %arg12[%swap3A_159, %swap3A_160], %swap3A_163 {strides = array<i32>} : memref<32x1024xf32, #tpu.memory_space<vmem>>, vector<1x16xf32>,
      %get3A_164 = arith.index_cast %scan3A_58 : i32 to index
      %get3A_165 = arith.constant 96 : index
      %get3A_166 = tpu.vector_load %arg12[%get3A_164, %get3A_165] {strides = array<i32>} : memref<32x1024xf32, #tpu.memory_space<vmem>>, vector<1x16xf32>,
      %get3A_167 = vector.shape_cast %get3A_166 : vector<1x16xf32> to vector<16xf32>
      %mul3A_168 = arith.mulf %get3A_64, %get3A_167 : vector<16xf32>
      %get3A_169 = arith.index_cast %scan3A_58 : i32 to index
      %get3A_170 = arith.constant 96 : index
      %get3A_171 = tpu.vector_load %arg13[%get3A_169, %get3A_170] {strides = array<i32>} : memref<32x1024xf32, #tpu.memory_space<vmem>>, vector<1x16xf32>,
      %get3A_172 = vector.shape_cast %get3A_171 : vector<1x16xf32> to vector<16xf32>
      %mul3A_173 = arith.mulf %get3A_68, %get3A_172 : vector<16xf32>
      %add3A_174 = arith.addf %mul3A_168, %mul3A_173 : vector<16xf32>
      %swap3A_175 = arith.index_cast %scan3A_58 : i32 to index
      %swap3A_176 = arith.constant 96 : index
      %swap3A_177 = tpu.vector_load %arg12[%swap3A_175, %swap3A_176] {strides = array<i32>} : memref<32x1024xf32, #tpu.memory_space<vmem>>, vector<1x16xf32>,
      %swap3A_178 = vector.shape_cast %swap3A_177 : vector<1x16xf32> to vector<16xf32>
      %swap3A_179 = vector.shape_cast %add3A_174 : vector<16xf32> to vector<1x16xf32>
      tpu.vector_store %arg12[%swap3A_175, %swap3A_176], %swap3A_179 {strides = array<i32>} : memref<32x1024xf32, #tpu.memory_space<vmem>>, vector<1x16xf32>,
      %get3A_180 = arith.index_cast %scan3A_58 : i32 to index
      %get3A_181 = arith.constant 112 : index
      %get3A_182 = tpu.vector_load %arg12[%get3A_180, %get3A_181] {strides = array<i32>} : memref<32x1024xf32, #tpu.memory_space<vmem>>, vector<1x16xf32>,
      %get3A_183 = vector.shape_cast %get3A_182 : vector<1x16xf32> to vector<16xf32>
      %mul3A_184 = arith.mulf %get3A_64, %get3A_183 : vector<16xf32>
      %get3A_185 = arith.index_cast %scan3A_58 : i32 to index
      %get3A_186 = arith.constant 112 : index
      %get3A_187 = tpu.vector_load %arg13[%get3A_185, %get3A_186] {strides = array<i32>} : memref<32x1024xf32, #tpu.memory_space<vmem>>, vector<1x16xf32>,
      %get3A_188 = vector.shape_cast %get3A_187 : vector<1x16xf32> to vector<16xf32>
      %mul3A_189 = arith.mulf %get3A_68, %get3A_188 : vector<16xf32>
      %add3A_190 = arith.addf %mul3A_184, %mul3A_189 : vector<16xf32>
      %swap3A_191 = arith.index_cast %scan3A_58 : i32 to index
      %swap3A_192 = arith.constant 112 : index
      %swap3A_193 = tpu.vector_load %arg12[%swap3A_191, %swap3A_192] {strides = array<i32>} : memref<32x1024xf32, #tpu.memory_space<vmem>>, vector<1x16xf32>,
      %swap3A_194 = vector.shape_cast %swap3A_193 : vector<1x16xf32> to vector<16xf32>
      %swap3A_195 = vector.shape_cast %add3A_190 : vector<16xf32> to vector<1x16xf32>
      tpu.vector_store %arg12[%swap3A_191, %swap3A_192], %swap3A_195 {strides = array<i32>} : memref<32x1024xf32, #tpu.memory_space<vmem>>, vector<1x16xf32>,
      %get3A_196 = arith.index_cast %scan3A_58 : i32 to index
      %get3A_197 = arith.constant 128 : index
      %get3A_198 = tpu.vector_load %arg12[%get3A_196, %get3A_197] {strides = array<i32>} : memref<32x1024xf32, #tpu.memory_space<vmem>>, vector<1x16xf32>,
      %get3A_199 = vector.shape_cast %get3A_198 : vector<1x16xf32> to vector<16xf32>
      %mul3A_200 = arith.mulf %get3A_64, %get3A_199 : vector<16xf32>
      %get3A_201 = arith.index_cast %scan3A_58 : i32 to index
      %get3A_202 = arith.constant 128 : index
      %get3A_203 = tpu.vector_load %arg13[%get3A_201, %get3A_202] {strides = array<i32>} : memref<32x1024xf32, #tpu.memory_space<vmem>>, vector<1x16xf32>,
      %get3A_204 = vector.shape_cast %get3A_203 : vector<1x16xf32> to vector<16xf32>
      %mul3A_205 = arith.mulf %get3A_68, %get3A_204 : vector<16xf32>
      %add3A_206 = arith.addf %mul3A_200, %mul3A_205 : vector<16xf32>
      %swap3A_207 = arith.index_cast %scan3A_58 : i32 to index
      %swap3A_208 = arith.constant 128 : index
      %swap3A_209 = tpu.vector_load %arg12[%swap3A_207, %swap3A_208] {strides = array<i32>} : memref<32x1024xf32, #tpu.memory_space<vmem>>, vector<1x16xf32>,
      %swap3A_210 = vector.shape_cast %swap3A_209 : vector<1x16xf32> to vector<16xf32>
      %swap3A_211 = vector.shape_cast %add3A_206 : vector<16xf32> to vector<1x16xf32>
      tpu.vector_store %arg12[%swap3A_207, %swap3A_208], %swap3A_211 {strides = array<i32>} : memref<32x1024xf32, #tpu.memory_space<vmem>>, vector<1x16xf32>,
      %get3A_212 = arith.index_cast %scan3A_58 : i32 to index
      %get3A_213 = arith.constant 144 : index
      %get3A_214 = tpu.vector_load %arg12[%get3A_212, %get3A_213] {strides = array<i32>} : memref<32x1024xf32, #tpu.memory_space<vmem>>, vector<1x16xf32>,
      %get3A_215 = vector.shape_cast %get3A_214 : vector<1x16xf32> to vector<16xf32>
      %mul3A_216 = arith.mulf %get3A_64, %get3A_215 : vector<16xf32>
      %get3A_217 = arith.index_cast %scan3A_58 : i32 to index
      %get3A_218 = arith.constant 144 : index
      %get3A_219 = tpu.vector_load %arg13[%get3A_217, %get3A_218] {strides = array<i32>} : memref<32x1024xf32, #tpu.memory_space<vmem>>, vector<1x16xf32>,
      %get3A_220 = vector.shape_cast %get3A_219 : vector<1x16xf32> to vector<16xf32>
      %mul3A_221 = arith.mulf %get3A_68, %get3A_220 : vector<16xf32>
      %add3A_222 = arith.addf %mul3A_216, %mul3A_221 : vector<16xf32>
      %swap3A_223 = arith.index_cast %scan3A_58 : i32 to index
      %swap3A_224 = arith.constant 144 : index
      %swap3A_225 = tpu.vector_load %arg12[%swap3A_223, %swap3A_224] {strides = array<i32>} : memref<32x1024xf32, #tpu.memory_space<vmem>>, vector<1x16xf32>,
      %swap3A_226 = vector.shape_cast %swap3A_225 : vector<1x16xf32> to vector<16xf32>
      %swap3A_227 = vector.shape_cast %add3A_222 : vector<16xf32> to vector<1x16xf32>
      tpu.vector_store %arg12[%swap3A_223, %swap3A_224], %swap3A_227 {strides = array<i32>} : memref<32x1024xf32, #tpu.memory_space<vmem>>, vector<1x16xf32>,
      %get3A_228 = arith.index_cast %scan3A_58 : i32 to index
      %get3A_229 = arith.constant 160 : index
      %get3A_230 = tpu.vector_load %arg12[%get3A_228, %get3A_229] {strides = array<i32>} : memref<32x1024xf32, #tpu.memory_space<vmem>>, vector<1x16xf32>,
      %get3A_231 = vector.shape_cast %get3A_230 : vector<1x16xf32> to vector<16xf32>
      %mul3A_232 = arith.mulf %get3A_64, %get3A_231 : vector<16xf32>
      %get3A_233 = arith.index_cast %scan3A_58 : i32 to index
      %get3A_234 = arith.constant 160 : index
      %get3A_235 = tpu.vector_load %arg13[%get3A_233, %get3A_234] {strides = array<i32>} : memref<32x1024xf32, #tpu.memory_space<vmem>>, vector<1x16xf32>,
      %get3A_236 = vector.shape_cast %get3A_235 : vector<1x16xf32> to vector<16xf32>
      %mul3A_237 = arith.mulf %get3A_68, %get3A_236 : vector<16xf32>
      %add3A_238 = arith.addf %mul3A_232, %mul3A_237 : vector<16xf32>
      %swap3A_239 = arith.index_cast %scan3A_58 : i32 to index
      %swap3A_240 = arith.constant 160 : index
      %swap3A_241 = tpu.vector_load %arg12[%swap3A_239, %swap3A_240] {strides = array<i32>} : memref<32x1024xf32, #tpu.memory_space<vmem>>, vector<1x16xf32>,
      %swap3A_242 = vector.shape_cast %swap3A_241 : vector<1x16xf32> to vector<16xf32>
      %swap3A_243 = vector.shape_cast %add3A_238 : vector<16xf32> to vector<1x16xf32>
      tpu.vector_store %arg12[%swap3A_239, %swap3A_240], %swap3A_243 {strides = array<i32>} : memref<32x1024xf32, #tpu.memory_space<vmem>>, vector<1x16xf32>,
      %get3A_244 = arith.index_cast %scan3A_58 : i32 to index
      %get3A_245 = arith.constant 176 : index
      %get3A_246 = tpu.vector_load %arg12[%get3A_244, %get3A_245] {strides = array<i32>} : memref<32x1024xf32, #tpu.memory_space<vmem>>, vector<1x16xf32>,
      %get3A_247 = vector.shape_cast %get3A_246 : vector<1x16xf32> to vector<16xf32>
      %mul3A_248 = arith.mulf %get3A_64, %get3A_247 : vector<16xf32>
      %get3A_249 = arith.index_cast %scan3A_58 : i32 to index
      %get3A_250 = arith.constant 176 : index
      %get3A_251 = tpu.vector_load %arg13[%get3A_249, %get3A_250] {strides = array<i32>} : memref<32x1024xf32, #tpu.memory_space<vmem>>, vector<1x16xf32>,
      %get3A_252 = vector.shape_cast %get3A_251 : vector<1x16xf32> to vector<16xf32>
      %mul3A_253 = arith.mulf %get3A_68, %get3A_252 : vector<16xf32>
      %add3A_254 = arith.addf %mul3A_248, %mul3A_253 : vector<16xf32>
      %swap3A_255 = arith.index_cast %scan3A_58 : i32 to index
      %swap3A_256 = arith.constant 176 : index
      %swap3A_257 = tpu.vector_load %arg12[%swap3A_255, %swap3A_256] {strides = array<i32>} : memref<32x1024xf32, #tpu.memory_space<vmem>>, vector<1x16xf32>,
      %swap3A_258 = vector.shape_cast %swap3A_257 : vector<1x16xf32> to vector<16xf32>
      %swap3A_259 = vector.shape_cast %add3A_254 : vector<16xf32> to vector<1x16xf32>
      tpu.vector_store %arg12[%swap3A_255, %swap3A_256], %swap3A_259 {strides = array<i32>} : memref<32x1024xf32, #tpu.memory_space<vmem>>, vector<1x16xf32>,
      %get3A_260 = arith.index_cast %scan3A_58 : i32 to index
      %get3A_261 = arith.constant 192 : index
      %get3A_262 = tpu.vector_load %arg12[%get3A_260, %get3A_261] {strides = array<i32>} : memref<32x1024xf32, #tpu.memory_space<vmem>>, vector<1x16xf32>,
      %get3A_263 = vector.shape_cast %get3A_262 : vector<1x16xf32> to vector<16xf32>
      %mul3A_264 = arith.mulf %get3A_64, %get3A_263 : vector<16xf32>
      %get3A_265 = arith.index_cast %scan3A_58 : i32 to index
      %get3A_266 = arith.constant 192 : index
      %get3A_267 = tpu.vector_load %arg13[%get3A_265, %get3A_266] {strides = array<i32>} : memref<32x1024xf32, #tpu.memory_space<vmem>>, vector<1x16xf32>,
      %get3A_268 = vector.shape_cast %get3A_267 : vector<1x16xf32> to vector<16xf32>
      %mul3A_269 = arith.mulf %get3A_68, %get3A_268 : vector<16xf32>
      %add3A_270 = arith.addf %mul3A_264, %mul3A_269 : vector<16xf32>
      %swap3A_271 = arith.index_cast %scan3A_58 : i32 to index
      %swap3A_272 = arith.constant 192 : index
      %swap3A_273 = tpu.vector_load %arg12[%swap3A_271, %swap3A_272] {strides = array<i32>} : memref<32x1024xf32, #tpu.memory_space<vmem>>, vector<1x16xf32>,
      %swap3A_274 = vector.shape_cast %swap3A_273 : vector<1x16xf32> to vector<16xf32>
      %swap3A_275 = vector.shape_cast %add3A_270 : vector<16xf32> to vector<1x16xf32>
      tpu.vector_store %arg12[%swap3A_271, %swap3A_272], %swap3A_275 {strides = array<i32>} : memref<32x1024xf32, #tpu.memory_space<vmem>>, vector<1x16xf32>,
      %get3A_276 = arith.index_cast %scan3A_58 : i32 to index
      %get3A_277 = arith.constant 208 : index
      %get3A_278 = tpu.vector_load %arg12[%get3A_276, %get3A_277] {strides = array<i32>} : memref<32x1024xf32, #tpu.memory_space<vmem>>, vector<1x16xf32>,
      %get3A_279 = vector.shape_cast %get3A_278 : vector<1x16xf32> to vector<16xf32>
      %mul3A_280 = arith.mulf %get3A_64, %get3A_279 : vector<16xf32>
      %get3A_281 = arith.index_cast %scan3A_58 : i32 to index
      %get3A_282 = arith.constant 208 : index
      %get3A_283 = tpu.vector_load %arg13[%get3A_281, %get3A_282] {strides = array<i32>} : memref<32x1024xf32, #tpu.memory_space<vmem>>, vector<1x16xf32>,
      %get3A_284 = vector.shape_cast %get3A_283 : vector<1x16xf32> to vector<16xf32>
      %mul3A_285 = arith.mulf %get3A_68, %get3A_284 : vector<16xf32>
      %add3A_286 = arith.addf %mul3A_280, %mul3A_285 : vector<16xf32>
      %swap3A_287 = arith.index_cast %scan3A_58 : i32 to index
      %swap3A_288 = arith.constant 208 : index
      %swap3A_289 = tpu.vector_load %arg12[%swap3A_287, %swap3A_288] {strides = array<i32>} : memref<32x1024xf32, #tpu.memory_space<vmem>>, vector<1x16xf32>,
      %swap3A_290 = vector.shape_cast %swap3A_289 : vector<1x16xf32> to vector<16xf32>
      %swap3A_291 = vector.shape_cast %add3A_286 : vector<16xf32> to vector<1x16xf32>
      tpu.vector_store %arg12[%swap3A_287, %swap3A_288], %swap3A_291 {strides = array<i32>} : memref<32x1024xf32, #tpu.memory_space<vmem>>, vector<1x16xf32>,
      %get3A_292 = arith.index_cast %scan3A_58 : i32 to index
      %get3A_293 = arith.constant 224 : index
      %get3A_294 = tpu.vector_load %arg12[%get3A_292, %get3A_293] {strides = array<i32>} : memref<32x1024xf32, #tpu.memory_space<vmem>>, vector<1x16xf32>,
      %get3A_295 = vector.shape_cast %get3A_294 : vector<1x16xf32> to vector<16xf32>
      %mul3A_296 = arith.mulf %get3A_64, %get3A_295 : vector<16xf32>
      %get3A_297 = arith.index_cast %scan3A_58 : i32 to index
      %get3A_298 = arith.constant 224 : index
      %get3A_299 = tpu.vector_load %arg13[%get3A_297, %get3A_298] {strides = array<i32>} : memref<32x1024xf32, #tpu.memory_space<vmem>>, vector<1x16xf32>,
      %get3A_300 = vector.shape_cast %get3A_299 : vector<1x16xf32> to vector<16xf32>
      %mul3A_301 = arith.mulf %get3A_68, %get3A_300 : vector<16xf32>
      %add3A_302 = arith.addf %mul3A_296, %mul3A_301 : vector<16xf32>
      %swap3A_303 = arith.index_cast %scan3A_58 : i32 to index
      %swap3A_304 = arith.constant 224 : index
      %swap3A_305 = tpu.vector_load %arg12[%swap3A_303, %swap3A_304] {strides = array<i32>} : memref<32x1024xf32, #tpu.memory_space<vmem>>, vector<1x16xf32>,
      %swap3A_306 = vector.shape_cast %swap3A_305 : vector<1x16xf32> to vector<16xf32>
      %swap3A_307 = vector.shape_cast %add3A_302 : vector<16xf32> to vector<1x16xf32>
      tpu.vector_store %arg12[%swap3A_303, %swap3A_304], %swap3A_307 {strides = array<i32>} : memref<32x1024xf32, #tpu.memory_space<vmem>>, vector<1x16xf32>,
      %get3A_308 = arith.index_cast %scan3A_58 : i32 to index
      %get3A_309 = arith.constant 240 : index
      %get3A_310 = tpu.vector_load %arg12[%get3A_308, %get3A_309] {strides = array<i32>} : memref<32x1024xf32, #tpu.memory_space<vmem>>, vector<1x16xf32>,
      %get3A_311 = vector.shape_cast %get3A_310 : vector<1x16xf32> to vector<16xf32>
      %mul3A_312 = arith.mulf %get3A_64, %get3A_311 : vector<16xf32>
      %get3A_313 = arith.index_cast %scan3A_58 : i32 to index
      %get3A_314 = arith.constant 240 : index
      %get3A_315 = tpu.vector_load %arg13[%get3A_313, %get3A_314] {strides = array<i32>} : memref<32x1024xf32, #tpu.memory_space<vmem>>, vector<1x16xf32>,
      %get3A_316 = vector.shape_cast %get3A_315 : vector<1x16xf32> to vector<16xf32>
      %mul3A_317 = arith.mulf %get3A_68, %get3A_316 : vector<16xf32>
      %add3A_318 = arith.addf %mul3A_312, %mul3A_317 : vector<16xf32>
      %swap3A_319 = arith.index_cast %scan3A_58 : i32 to index
      %swap3A_320 = arith.constant 240 : index
      %swap3A_321 = tpu.vector_load %arg12[%swap3A_319, %swap3A_320] {strides = array<i32>} : memref<32x1024xf32, #tpu.memory_space<vmem>>, vector<1x16xf32>,
      %swap3A_322 = vector.shape_cast %swap3A_321 : vector<1x16xf32> to vector<16xf32>
      %swap3A_323 = vector.shape_cast %add3A_318 : vector<16xf32> to vector<1x16xf32>
      tpu.vector_store %arg12[%swap3A_319, %swap3A_320], %swap3A_323 {strides = array<i32>} : memref<32x1024xf32, #tpu.memory_space<vmem>>, vector<1x16xf32>,
      %get3A_324 = arith.index_cast %scan3A_58 : i32 to index
      %get3A_325 = arith.constant 256 : index
      %get3A_326 = tpu.vector_load %arg12[%get3A_324, %get3A_325] {strides = array<i32>} : memref<32x1024xf32, #tpu.memory_space<vmem>>, vector<1x16xf32>,
      %get3A_327 = vector.shape_cast %get3A_326 : vector<1x16xf32> to vector<16xf32>
      %mul3A_328 = arith.mulf %get3A_64, %get3A_327 : vector<16xf32>
      %get3A_329 = arith.index_cast %scan3A_58 : i32 to index
      %get3A_330 = arith.constant 256 : index
      %get3A_331 = tpu.vector_load %arg13[%get3A_329, %get3A_330] {strides = array<i32>} : memref<32x1024xf32, #tpu.memory_space<vmem>>, vector<1x16xf32>,
      %get3A_332 = vector.shape_cast %get3A_331 : vector<1x16xf32> to vector<16xf32>
      %mul3A_333 = arith.mulf %get3A_68, %get3A_332 : vector<16xf32>
      %add3A_334 = arith.addf %mul3A_328, %mul3A_333 : vector<16xf32>
      %swap3A_335 = arith.index_cast %scan3A_58 : i32 to index
      %swap3A_336 = arith.constant 256 : index
      %swap3A_337 = tpu.vector_load %arg12[%swap3A_335, %swap3A_336] {strides = array<i32>} : memref<32x1024xf32, #tpu.memory_space<vmem>>, vector<1x16xf32>,
      %swap3A_338 = vector.shape_cast %swap3A_337 : vector<1x16xf32> to vector<16xf32>
      %swap3A_339 = vector.shape_cast %add3A_334 : vector<16xf32> to vector<1x16xf32>
      tpu.vector_store %arg12[%swap3A_335, %swap3A_336], %swap3A_339 {strides = array<i32>} : memref<32x1024xf32, #tpu.memory_space<vmem>>, vector<1x16xf32>,
      %get3A_340 = arith.index_cast %scan3A_58 : i32 to index
      %get3A_341 = arith.constant 272 : index
      %get3A_342 = tpu.vector_load %arg12[%get3A_340, %get3A_341] {strides = array<i32>} : memref<32x1024xf32, #tpu.memory_space<vmem>>, vector<1x16xf32>,
      %get3A_343 = vector.shape_cast %get3A_342 : vector<1x16xf32> to vector<16xf32>
      %mul3A_344 = arith.mulf %get3A_64, %get3A_343 : vector<16xf32>
      %get3A_345 = arith.index_cast %scan3A_58 : i32 to index
      %get3A_346 = arith.constant 272 : index
      %get3A_347 = tpu.vector_load %arg13[%get3A_345, %get3A_346] {strides = array<i32>} : memref<32x1024xf32, #tpu.memory_space<vmem>>, vector<1x16xf32>,
      %get3A_348 = vector.shape_cast %get3A_347 : vector<1x16xf32> to vector<16xf32>
      %mul3A_349 = arith.mulf %get3A_68, %get3A_348 : vector<16xf32>
      %add3A_350 = arith.addf %mul3A_344, %mul3A_349 : vector<16xf32>
      %swap3A_351 = arith.index_cast %scan3A_58 : i32 to index
      %swap3A_352 = arith.constant 272 : index
      %swap3A_353 = tpu.vector_load %arg12[%swap3A_351, %swap3A_352] {strides = array<i32>} : memref<32x1024xf32, #tpu.memory_space<vmem>>, vector<1x16xf32>,
      %swap3A_354 = vector.shape_cast %swap3A_353 : vector<1x16xf32> to vector<16xf32>
      %swap3A_355 = vector.shape_cast %add3A_350 : vector<16xf32> to vector<1x16xf32>
      tpu.vector_store %arg12[%swap3A_351, %swap3A_352], %swap3A_355 {strides = array<i32>} : memref<32x1024xf32, #tpu.memory_space<vmem>>, vector<1x16xf32>,
      %get3A_356 = arith.index_cast %scan3A_58 : i32 to index
      %get3A_357 = arith.constant 288 : index
      %get3A_358 = tpu.vector_load %arg12[%get3A_356, %get3A_357] {strides = array<i32>} : memref<32x1024xf32, #tpu.memory_space<vmem>>, vector<1x16xf32>,
      %get3A_359 = vector.shape_cast %get3A_358 : vector<1x16xf32> to vector<16xf32>
      %mul3A_360 = arith.mulf %get3A_64, %get3A_359 : vector<16xf32>
      %get3A_361 = arith.index_cast %scan3A_58 : i32 to index
      %get3A_362 = arith.constant 288 : index
      %get3A_363 = tpu.vector_load %arg13[%get3A_361, %get3A_362] {strides = array<i32>} : memref<32x1024xf32, #tpu.memory_space<vmem>>, vector<1x16xf32>,
      %get3A_364 = vector.shape_cast %get3A_363 : vector<1x16xf32> to vector<16xf32>
      %mul3A_365 = arith.mulf %get3A_68, %get3A_364 : vector<16xf32>
      %add3A_366 = arith.addf %mul3A_360, %mul3A_365 : vector<16xf32>
      %swap3A_367 = arith.index_cast %scan3A_58 : i32 to index
      %swap3A_368 = arith.constant 288 : index
      %swap3A_369 = tpu.vector_load %arg12[%swap3A_367, %swap3A_368] {strides = array<i32>} : memref<32x1024xf32, #tpu.memory_space<vmem>>, vector<1x16xf32>,
      %swap3A_370 = vector.shape_cast %swap3A_369 : vector<1x16xf32> to vector<16xf32>
      %swap3A_371 = vector.shape_cast %add3A_366 : vector<16xf32> to vector<1x16xf32>
      tpu.vector_store %arg12[%swap3A_367, %swap3A_368], %swap3A_371 {strides = array<i32>} : memref<32x1024xf32, #tpu.memory_space<vmem>>, vector<1x16xf32>,
      %get3A_372 = arith.index_cast %scan3A_58 : i32 to index
      %get3A_373 = arith.constant 304 : index
      %get3A_374 = tpu.vector_load %arg12[%get3A_372, %get3A_373] {strides = array<i32>} : memref<32x1024xf32, #tpu.memory_space<vmem>>, vector<1x16xf32>,
      %get3A_375 = vector.shape_cast %get3A_374 : vector<1x16xf32> to vector<16xf32>
      %mul3A_376 = arith.mulf %get3A_64, %get3A_375 : vector<16xf32>
      %get3A_377 = arith.index_cast %scan3A_58 : i32 to index
      %get3A_378 = arith.constant 304 : index
      %get3A_379 = tpu.vector_load %arg13[%get3A_377, %get3A_378] {strides = array<i32>} : memref<32x1024xf32, #tpu.memory_space<vmem>>, vector<1x16xf32>,
      %get3A_380 = vector.shape_cast %get3A_379 : vector<1x16xf32> to vector<16xf32>
      %mul3A_381 = arith.mulf %get3A_68, %get3A_380 : vector<16xf32>
      %add3A_382 = arith.addf %mul3A_376, %mul3A_381 : vector<16xf32>
      %swap3A_383 = arith.index_cast %scan3A_58 : i32 to index
      %swap3A_384 = arith.constant 304 : index
      %swap3A_385 = tpu.vector_load %arg12[%swap3A_383, %swap3A_384] {strides = array<i32>} : memref<32x1024xf32, #tpu.memory_space<vmem>>, vector<1x16xf32>,
      %swap3A_386 = vector.shape_cast %swap3A_385 : vector<1x16xf32> to vector<16xf32>
      %swap3A_387 = vector.shape_cast %add3A_382 : vector<16xf32> to vector<1x16xf32>
      tpu.vector_store %arg12[%swap3A_383, %swap3A_384], %swap3A_387 {strides = array<i32>} : memref<32x1024xf32, #tpu.memory_space<vmem>>, vector<1x16xf32>,
      %get3A_388 = arith.index_cast %scan3A_58 : i32 to index
      %get3A_389 = arith.constant 320 : index
      %get3A_390 = tpu.vector_load %arg12[%get3A_388, %get3A_389] {strides = array<i32>} : memref<32x1024xf32, #tpu.memory_space<vmem>>, vector<1x16xf32>,
      %get3A_391 = vector.shape_cast %get3A_390 : vector<1x16xf32> to vector<16xf32>
      %mul3A_392 = arith.mulf %get3A_64, %get3A_391 : vector<16xf32>
      %get3A_393 = arith.index_cast %scan3A_58 : i32 to index
      %get3A_394 = arith.constant 320 : index
      %get3A_395 = tpu.vector_load %arg13[%get3A_393, %get3A_394] {strides = array<i32>} : memref<32x1024xf32, #tpu.memory_space<vmem>>, vector<1x16xf32>,
      %get3A_396 = vector.shape_cast %get3A_395 : vector<1x16xf32> to vector<16xf32>
      %mul3A_397 = arith.mulf %get3A_68, %get3A_396 : vector<16xf32>
      %add3A_398 = arith.addf %mul3A_392, %mul3A_397 : vector<16xf32>
      %swap3A_399 = arith.index_cast %scan3A_58 : i32 to index
      %swap3A_400 = arith.constant 320 : index
      %swap3A_401 = tpu.vector_load %arg12[%swap3A_399, %swap3A_400] {strides = array<i32>} : memref<32x1024xf32, #tpu.memory_space<vmem>>, vector<1x16xf32>,
      %swap3A_402 = vector.shape_cast %swap3A_401 : vector<1x16xf32> to vector<16xf32>
      %swap3A_403 = vector.shape_cast %add3A_398 : vector<16xf32> to vector<1x16xf32>
      tpu.vector_store %arg12[%swap3A_399, %swap3A_400], %swap3A_403 {strides = array<i32>} : memref<32x1024xf32, #tpu.memory_space<vmem>>, vector<1x16xf32>,
      %get3A_404 = arith.index_cast %scan3A_58 : i32 to index
      %get3A_405 = arith.constant 336 : index
      %get3A_406 = tpu.vector_load %arg12[%get3A_404, %get3A_405] {strides = array<i32>} : memref<32x1024xf32, #tpu.memory_space<vmem>>, vector<1x16xf32>,
      %get3A_407 = vector.shape_cast %get3A_406 : vector<1x16xf32> to vector<16xf32>
      %mul3A_408 = arith.mulf %get3A_64, %get3A_407 : vector<16xf32>
      %get3A_409 = arith.index_cast %scan3A_58 : i32 to index
      %get3A_410 = arith.constant 336 : index
      %get3A_411 = tpu.vector_load %arg13[%get3A_409, %get3A_410] {strides = array<i32>} : memref<32x1024xf32, #tpu.memory_space<vmem>>, vector<1x16xf32>,
      %get3A_412 = vector.shape_cast %get3A_411 : vector<1x16xf32> to vector<16xf32>
      %mul3A_413 = arith.mulf %get3A_68, %get3A_412 : vector<16xf32>
      %add3A_414 = arith.addf %mul3A_408, %mul3A_413 : vector<16xf32>
      %swap3A_415 = arith.index_cast %scan3A_58 : i32 to index
      %swap3A_416 = arith.constant 336 : index
      %swap3A_417 = tpu.vector_load %arg12[%swap3A_415, %swap3A_416] {strides = array<i32>} : memref<32x1024xf32, #tpu.memory_space<vmem>>, vector<1x16xf32>,
      %swap3A_418 = vector.shape_cast %swap3A_417 : vector<1x16xf32> to vector<16xf32>
      %swap3A_419 = vector.shape_cast %add3A_414 : vector<16xf32> to vector<1x16xf32>
      tpu.vector_store %arg12[%swap3A_415, %swap3A_416], %swap3A_419 {strides = array<i32>} : memref<32x1024xf32, #tpu.memory_space<vmem>>, vector<1x16xf32>,
      %get3A_420 = arith.index_cast %scan3A_58 : i32 to index
      %get3A_421 = arith.constant 352 : index
      %get3A_422 = tpu.vector_load %arg12[%get3A_420, %get3A_421] {strides = array<i32>} : memref<32x1024xf32, #tpu.memory_space<vmem>>, vector<1x16xf32>,
      %get3A_423 = vector.shape_cast %get3A_422 : vector<1x16xf32> to vector<16xf32>
      %mul3A_424 = arith.mulf %get3A_64, %get3A_423 : vector<16xf32>
      %get3A_425 = arith.index_cast %scan3A_58 : i32 to index
      %get3A_426 = arith.constant 352 : index
      %get3A_427 = tpu.vector_load %arg13[%get3A_425, %get3A_426] {strides = array<i32>} : memref<32x1024xf32, #tpu.memory_space<vmem>>, vector<1x16xf32>,
      %get3A_428 = vector.shape_cast %get3A_427 : vector<1x16xf32> to vector<16xf32>
      %mul3A_429 = arith.mulf %get3A_68, %get3A_428 : vector<16xf32>
      %add3A_430 = arith.addf %mul3A_424, %mul3A_429 : vector<16xf32>
      %swap3A_431 = arith.index_cast %scan3A_58 : i32 to index
      %swap3A_432 = arith.constant 352 : index
      %swap3A_433 = tpu.vector_load %arg12[%swap3A_431, %swap3A_432] {strides = array<i32>} : memref<32x1024xf32, #tpu.memory_space<vmem>>, vector<1x16xf32>,
      %swap3A_434 = vector.shape_cast %swap3A_433 : vector<1x16xf32> to vector<16xf32>
      %swap3A_435 = vector.shape_cast %add3A_430 : vector<16xf32> to vector<1x16xf32>
      tpu.vector_store %arg12[%swap3A_431, %swap3A_432], %swap3A_435 {strides = array<i32>} : memref<32x1024xf32, #tpu.memory_space<vmem>>, vector<1x16xf32>,
      %get3A_436 = arith.index_cast %scan3A_58 : i32 to index
      %get3A_437 = arith.constant 368 : index
      %get3A_438 = tpu.vector_load %arg12[%get3A_436, %get3A_437] {strides = array<i32>} : memref<32x1024xf32, #tpu.memory_space<vmem>>, vector<1x16xf32>,
      %get3A_439 = vector.shape_cast %get3A_438 : vector<1x16xf32> to vector<16xf32>
      %mul3A_440 = arith.mulf %get3A_64, %get3A_439 : vector<16xf32>
      %get3A_441 = arith.index_cast %scan3A_58 : i32 to index
      %get3A_442 = arith.constant 368 : index
      %get3A_443 = tpu.vector_load %arg13[%get3A_441, %get3A_442] {strides = array<i32>} : memref<32x1024xf32, #tpu.memory_space<vmem>>, vector<1x16xf32>,
      %get3A_444 = vector.shape_cast %get3A_443 : vector<1x16xf32> to vector<16xf32>
      %mul3A_445 = arith.mulf %get3A_68, %get3A_444 : vector<16xf32>
      %add3A_446 = arith.addf %mul3A_440, %mul3A_445 : vector<16xf32>
      %swap3A_447 = arith.index_cast %scan3A_58 : i32 to index
      %swap3A_448 = arith.constant 368 : index
      %swap3A_449 = tpu.vector_load %arg12[%swap3A_447, %swap3A_448] {strides = array<i32>} : memref<32x1024xf32, #tpu.memory_space<vmem>>, vector<1x16xf32>,
      %swap3A_450 = vector.shape_cast %swap3A_449 : vector<1x16xf32> to vector<16xf32>
      %swap3A_451 = vector.shape_cast %add3A_446 : vector<16xf32> to vector<1x16xf32>
      tpu.vector_store %arg12[%swap3A_447, %swap3A_448], %swap3A_451 {strides = array<i32>} : memref<32x1024xf32, #tpu.memory_space<vmem>>, vector<1x16xf32>,
      %get3A_452 = arith.index_cast %scan3A_58 : i32 to index
      %get3A_453 = arith.constant 384 : index
      %get3A_454 = tpu.vector_load %arg12[%get3A_452, %get3A_453] {strides = array<i32>} : memref<32x1024xf32, #tpu.memory_space<vmem>>, vector<1x16xf32>,
      %get3A_455 = vector.shape_cast %get3A_454 : vector<1x16xf32> to vector<16xf32>
      %mul3A_456 = arith.mulf %get3A_64, %get3A_455 : vector<16xf32>
      %get3A_457 = arith.index_cast %scan3A_58 : i32 to index
      %get3A_458 = arith.constant 384 : index
      %get3A_459 = tpu.vector_load %arg13[%get3A_457, %get3A_458] {strides = array<i32>} : memref<32x1024xf32, #tpu.memory_space<vmem>>, vector<1x16xf32>,
      %get3A_460 = vector.shape_cast %get3A_459 : vector<1x16xf32> to vector<16xf32>
      %mul3A_461 = arith.mulf %get3A_68, %get3A_460 : vector<16xf32>
      %add3A_462 = arith.addf %mul3A_456, %mul3A_461 : vector<16xf32>
      %swap3A_463 = arith.index_cast %scan3A_58 : i32 to index
      %swap3A_464 = arith.constant 384 : index
      %swap3A_465 = tpu.vector_load %arg12[%swap3A_463, %swap3A_464] {strides = array<i32>} : memref<32x1024xf32, #tpu.memory_space<vmem>>, vector<1x16xf32>,
      %swap3A_466 = vector.shape_cast %swap3A_465 : vector<1x16xf32> to vector<16xf32>
      %swap3A_467 = vector.shape_cast %add3A_462 : vector<16xf32> to vector<1x16xf32>
      tpu.vector_store %arg12[%swap3A_463, %swap3A_464], %swap3A_467 {strides = array<i32>} : memref<32x1024xf32, #tpu.memory_space<vmem>>, vector<1x16xf32>,
      %get3A_468 = arith.index_cast %scan3A_58 : i32 to index
      %get3A_469 = arith.constant 400 : index
      %get3A_470 = tpu.vector_load %arg12[%get3A_468, %get3A_469] {strides = array<i32>} : memref<32x1024xf32, #tpu.memory_space<vmem>>, vector<1x16xf32>,
      %get3A_471 = vector.shape_cast %get3A_470 : vector<1x16xf32> to vector<16xf32>
      %mul3A_472 = arith.mulf %get3A_64, %get3A_471 : vector<16xf32>
      %get3A_473 = arith.index_cast %scan3A_58 : i32 to index
      %get3A_474 = arith.constant 400 : index
      %get3A_475 = tpu.vector_load %arg13[%get3A_473, %get3A_474] {strides = array<i32>} : memref<32x1024xf32, #tpu.memory_space<vmem>>, vector<1x16xf32>,
      %get3A_476 = vector.shape_cast %get3A_475 : vector<1x16xf32> to vector<16xf32>
      %mul3A_477 = arith.mulf %get3A_68, %get3A_476 : vector<16xf32>
      %add3A_478 = arith.addf %mul3A_472, %mul3A_477 : vector<16xf32>
      %swap3A_479 = arith.index_cast %scan3A_58 : i32 to index
      %swap3A_480 = arith.constant 400 : index
      %swap3A_481 = tpu.vector_load %arg12[%swap3A_479, %swap3A_480] {strides = array<i32>} : memref<32x1024xf32, #tpu.memory_space<vmem>>, vector<1x16xf32>,
      %swap3A_482 = vector.shape_cast %swap3A_481 : vector<1x16xf32> to vector<16xf32>
      %swap3A_483 = vector.shape_cast %add3A_478 : vector<16xf32> to vector<1x16xf32>
      tpu.vector_store %arg12[%swap3A_479, %swap3A_480], %swap3A_483 {strides = array<i32>} : memref<32x1024xf32, #tpu.memory_space<vmem>>, vector<1x16xf32>,
      %get3A_484 = arith.index_cast %scan3A_58 : i32 to index
      %get3A_485 = arith.constant 416 : index
      %get3A_486 = tpu.vector_load %arg12[%get3A_484, %get3A_485] {strides = array<i32>} : memref<32x1024xf32, #tpu.memory_space<vmem>>, vector<1x16xf32>,
      %get3A_487 = vector.shape_cast %get3A_486 : vector<1x16xf32> to vector<16xf32>
      %mul3A_488 = arith.mulf %get3A_64, %get3A_487 : vector<16xf32>
      %get3A_489 = arith.index_cast %scan3A_58 : i32 to index
      %get3A_490 = arith.constant 416 : index
      %get3A_491 = tpu.vector_load %arg13[%get3A_489, %get3A_490] {strides = array<i32>} : memref<32x1024xf32, #tpu.memory_space<vmem>>, vector<1x16xf32>,
      %get3A_492 = vector.shape_cast %get3A_491 : vector<1x16xf32> to vector<16xf32>
      %mul3A_493 = arith.mulf %get3A_68, %get3A_492 : vector<16xf32>
      %add3A_494 = arith.addf %mul3A_488, %mul3A_493 : vector<16xf32>
      %swap3A_495 = arith.index_cast %scan3A_58 : i32 to index
      %swap3A_496 = arith.constant 416 : index
      %swap3A_497 = tpu.vector_load %arg12[%swap3A_495, %swap3A_496] {strides = array<i32>} : memref<32x1024xf32, #tpu.memory_space<vmem>>, vector<1x16xf32>,
      %swap3A_498 = vector.shape_cast %swap3A_497 : vector<1x16xf32> to vector<16xf32>
      %swap3A_499 = vector.shape_cast %add3A_494 : vector<16xf32> to vector<1x16xf32>
      tpu.vector_store %arg12[%swap3A_495, %swap3A_496], %swap3A_499 {strides = array<i32>} : memref<32x1024xf32, #tpu.memory_space<vmem>>, vector<1x16xf32>,
      %get3A_500 = arith.index_cast %scan3A_58 : i32 to index
      %get3A_501 = arith.constant 432 : index
      %get3A_502 = tpu.vector_load %arg12[%get3A_500, %get3A_501] {strides = array<i32>} : memref<32x1024xf32, #tpu.memory_space<vmem>>, vector<1x16xf32>,
      %get3A_503 = vector.shape_cast %get3A_502 : vector<1x16xf32> to vector<16xf32>
      %mul3A_504 = arith.mulf %get3A_64, %get3A_503 : vector<16xf32>
      %get3A_505 = arith.index_cast %scan3A_58 : i32 to index
      %get3A_506 = arith.constant 432 : index
      %get3A_507 = tpu.vector_load %arg13[%get3A_505, %get3A_506] {strides = array<i32>} : memref<32x1024xf32, #tpu.memory_space<vmem>>, vector<1x16xf32>,
      %get3A_508 = vector.shape_cast %get3A_507 : vector<1x16xf32> to vector<16xf32>
      %mul3A_509 = arith.mulf %get3A_68, %get3A_508 : vector<16xf32>
      %add3A_510 = arith.addf %mul3A_504, %mul3A_509 : vector<16xf32>
      %swap3A_511 = arith.index_cast %scan3A_58 : i32 to index
      %swap3A_512 = arith.constant 432 : index
      %swap3A_513 = tpu.vector_load %arg12[%swap3A_511, %swap3A_512] {strides = array<i32>} : memref<32x1024xf32, #tpu.memory_space<vmem>>, vector<1x16xf32>,
      %swap3A_514 = vector.shape_cast %swap3A_513 : vector<1x16xf32> to vector<16xf32>
      %swap3A_515 = vector.shape_cast %add3A_510 : vector<16xf32> to vector<1x16xf32>
      tpu.vector_store %arg12[%swap3A_511, %swap3A_512], %swap3A_515 {strides = array<i32>} : memref<32x1024xf32, #tpu.memory_space<vmem>>, vector<1x16xf32>,
      %get3A_516 = arith.index_cast %scan3A_58 : i32 to index
      %get3A_517 = arith.constant 448 : index
      %get3A_518 = tpu.vector_load %arg12[%get3A_516, %get3A_517] {strides = array<i32>} : memref<32x1024xf32, #tpu.memory_space<vmem>>, vector<1x16xf32>,
      %get3A_519 = vector.shape_cast %get3A_518 : vector<1x16xf32> to vector<16xf32>
      %mul3A_520 = arith.mulf %get3A_64, %get3A_519 : vector<16xf32>
      %get3A_521 = arith.index_cast %scan3A_58 : i32 to index
      %get3A_522 = arith.constant 448 : index
      %get3A_523 = tpu.vector_load %arg13[%get3A_521, %get3A_522] {strides = array<i32>} : memref<32x1024xf32, #tpu.memory_space<vmem>>, vector<1x16xf32>,
      %get3A_524 = vector.shape_cast %get3A_523 : vector<1x16xf32> to vector<16xf32>
      %mul3A_525 = arith.mulf %get3A_68, %get3A_524 : vector<16xf32>
      %add3A_526 = arith.addf %mul3A_520, %mul3A_525 : vector<16xf32>
      %swap3A_527 = arith.index_cast %scan3A_58 : i32 to index
      %swap3A_528 = arith.constant 448 : index
      %swap3A_529 = tpu.vector_load %arg12[%swap3A_527, %swap3A_528] {strides = array<i32>} : memref<32x1024xf32, #tpu.memory_space<vmem>>, vector<1x16xf32>,
      %swap3A_530 = vector.shape_cast %swap3A_529 : vector<1x16xf32> to vector<16xf32>
      %swap3A_531 = vector.shape_cast %add3A_526 : vector<16xf32> to vector<1x16xf32>
      tpu.vector_store %arg12[%swap3A_527, %swap3A_528], %swap3A_531 {strides = array<i32>} : memref<32x1024xf32, #tpu.memory_space<vmem>>, vector<1x16xf32>,
      %get3A_532 = arith.index_cast %scan3A_58 : i32 to index
      %get3A_533 = arith.constant 464 : index
      %get3A_534 = tpu.vector_load %arg12[%get3A_532, %get3A_533] {strides = array<i32>} : memref<32x1024xf32, #tpu.memory_space<vmem>>, vector<1x16xf32>,
      %get3A_535 = vector.shape_cast %get3A_534 : vector<1x16xf32> to vector<16xf32>
      %mul3A_536 = arith.mulf %get3A_64, %get3A_535 : vector<16xf32>
      %get3A_537 = arith.index_cast %scan3A_58 : i32 to index
      %get3A_538 = arith.constant 464 : index
      %get3A_539 = tpu.vector_load %arg13[%get3A_537, %get3A_538] {strides = array<i32>} : memref<32x1024xf32, #tpu.memory_space<vmem>>, vector<1x16xf32>,
      %get3A_540 = vector.shape_cast %get3A_539 : vector<1x16xf32> to vector<16xf32>
      %mul3A_541 = arith.mulf %get3A_68, %get3A_540 : vector<16xf32>
      %add3A_542 = arith.addf %mul3A_536, %mul3A_541 : vector<16xf32>
      %swap3A_543 = arith.index_cast %scan3A_58 : i32 to index
      %swap3A_544 = arith.constant 464 : index
      %swap3A_545 = tpu.vector_load %arg12[%swap3A_543, %swap3A_544] {strides = array<i32>} : memref<32x1024xf32, #tpu.memory_space<vmem>>, vector<1x16xf32>,
      %swap3A_546 = vector.shape_cast %swap3A_545 : vector<1x16xf32> to vector<16xf32>
      %swap3A_547 = vector.shape_cast %add3A_542 : vector<16xf32> to vector<1x16xf32>
      tpu.vector_store %arg12[%swap3A_543, %swap3A_544], %swap3A_547 {strides = array<i32>} : memref<32x1024xf32, #tpu.memory_space<vmem>>, vector<1x16xf32>,
      %get3A_548 = arith.index_cast %scan3A_58 : i32 to index
      %get3A_549 = arith.constant 480 : index
      %get3A_550 = tpu.vector_load %arg12[%get3A_548, %get3A_549] {strides = array<i32>} : memref<32x1024xf32, #tpu.memory_space<vmem>>, vector<1x16xf32>,
      %get3A_551 = vector.shape_cast %get3A_550 : vector<1x16xf32> to vector<16xf32>
      %mul3A_552 = arith.mulf %get3A_64, %get3A_551 : vector<16xf32>
      %get3A_553 = arith.index_cast %scan3A_58 : i32 to index
      %get3A_554 = arith.constant 480 : index
      %get3A_555 = tpu.vector_load %arg13[%get3A_553, %get3A_554] {strides = array<i32>} : memref<32x1024xf32, #tpu.memory_space<vmem>>, vector<1x16xf32>,
      %get3A_556 = vector.shape_cast %get3A_555 : vector<1x16xf32> to vector<16xf32>
      %mul3A_557 = arith.mulf %get3A_68, %get3A_556 : vector<16xf32>
      %add3A_558 = arith.addf %mul3A_552, %mul3A_557 : vector<16xf32>
      %swap3A_559 = arith.index_cast %scan3A_58 : i32 to index
      %swap3A_560 = arith.constant 480 : index
      %swap3A_561 = tpu.vector_load %arg12[%swap3A_559, %swap3A_560] {strides = array<i32>} : memref<32x1024xf32, #tpu.memory_space<vmem>>, vector<1x16xf32>,
      %swap3A_562 = vector.shape_cast %swap3A_561 : vector<1x16xf32> to vector<16xf32>
      %swap3A_563 = vector.shape_cast %add3A_558 : vector<16xf32> to vector<1x16xf32>
      tpu.vector_store %arg12[%swap3A_559, %swap3A_560], %swap3A_563 {strides = array<i32>} : memref<32x1024xf32, #tpu.memory_space<vmem>>, vector<1x16xf32>,
      %get3A_564 = arith.index_cast %scan3A_58 : i32 to index
      %get3A_565 = arith.constant 496 : index
      %get3A_566 = tpu.vector_load %arg12[%get3A_564, %get3A_565] {strides = array<i32>} : memref<32x1024xf32, #tpu.memory_space<vmem>>, vector<1x16xf32>,
      %get3A_567 = vector.shape_cast %get3A_566 : vector<1x16xf32> to vector<16xf32>
      %mul3A_568 = arith.mulf %get3A_64, %get3A_567 : vector<16xf32>
      %get3A_569 = arith.index_cast %scan3A_58 : i32 to index
      %get3A_570 = arith.constant 496 : index
      %get3A_571 = tpu.vector_load %arg13[%get3A_569, %get3A_570] {strides = array<i32>} : memref<32x1024xf32, #tpu.memory_space<vmem>>, vector<1x16xf32>,
      %get3A_572 = vector.shape_cast %get3A_571 : vector<1x16xf32> to vector<16xf32>
      %mul3A_573 = arith.mulf %get3A_68, %get3A_572 : vector<16xf32>
      %add3A_574 = arith.addf %mul3A_568, %mul3A_573 : vector<16xf32>
      %swap3A_575 = arith.index_cast %scan3A_58 : i32 to index
      %swap3A_576 = arith.constant 496 : index
      %swap3A_577 = tpu.vector_load %arg12[%swap3A_575, %swap3A_576] {strides = array<i32>} : memref<32x1024xf32, #tpu.memory_space<vmem>>, vector<1x16xf32>,
      %swap3A_578 = vector.shape_cast %swap3A_577 : vector<1x16xf32> to vector<16xf32>
      %swap3A_579 = vector.shape_cast %add3A_574 : vector<16xf32> to vector<1x16xf32>
      tpu.vector_store %arg12[%swap3A_575, %swap3A_576], %swap3A_579 {strides = array<i32>} : memref<32x1024xf32, #tpu.memory_space<vmem>>, vector<1x16xf32>,
      %get3A_580 = arith.index_cast %scan3A_58 : i32 to index
      %get3A_581 = arith.constant 512 : index
      %get3A_582 = tpu.vector_load %arg12[%get3A_580, %get3A_581] {strides = array<i32>} : memref<32x1024xf32, #tpu.memory_space<vmem>>, vector<1x16xf32>,
      %get3A_583 = vector.shape_cast %get3A_582 : vector<1x16xf32> to vector<16xf32>
      %mul3A_584 = arith.mulf %get3A_64, %get3A_583 : vector<16xf32>
      %get3A_585 = arith.index_cast %scan3A_58 : i32 to index
      %get3A_586 = arith.constant 512 : index
      %get3A_587 = tpu.vector_load %arg13[%get3A_585, %get3A_586] {strides = array<i32>} : memref<32x1024xf32, #tpu.memory_space<vmem>>, vector<1x16xf32>,
      %get3A_588 = vector.shape_cast %get3A_587 : vector<1x16xf32> to vector<16xf32>
      %mul3A_589 = arith.mulf %get3A_68, %get3A_588 : vector<16xf32>
      %add3A_590 = arith.addf %mul3A_584, %mul3A_589 : vector<16xf32>
      %swap3A_591 = arith.index_cast %scan3A_58 : i32 to index
      %swap3A_592 = arith.constant 512 : index
      %swap3A_593 = tpu.vector_load %arg12[%swap3A_591, %swap3A_592] {strides = array<i32>} : memref<32x1024xf32, #tpu.memory_space<vmem>>, vector<1x16xf32>,
      %swap3A_594 = vector.shape_cast %swap3A_593 : vector<1x16xf32> to vector<16xf32>
      %swap3A_595 = vector.shape_cast %add3A_590 : vector<16xf32> to vector<1x16xf32>
      tpu.vector_store %arg12[%swap3A_591, %swap3A_592], %swap3A_595 {strides = array<i32>} : memref<32x1024xf32, #tpu.memory_space<vmem>>, vector<1x16xf32>,
      %get3A_596 = arith.index_cast %scan3A_58 : i32 to index
      %get3A_597 = arith.constant 528 : index
      %get3A_598 = tpu.vector_load %arg12[%get3A_596, %get3A_597] {strides = array<i32>} : memref<32x1024xf32, #tpu.memory_space<vmem>>, vector<1x16xf32>,
      %get3A_599 = vector.shape_cast %get3A_598 : vector<1x16xf32> to vector<16xf32>
      %mul3A_600 = arith.mulf %get3A_64, %get3A_599 : vector<16xf32>
      %get3A_601 = arith.index_cast %scan3A_58 : i32 to index
      %get3A_602 = arith.constant 528 : index
      %get3A_603 = tpu.vector_load %arg13[%get3A_601, %get3A_602] {strides = array<i32>} : memref<32x1024xf32, #tpu.memory_space<vmem>>, vector<1x16xf32>,
      %get3A_604 = vector.shape_cast %get3A_603 : vector<1x16xf32> to vector<16xf32>
      %mul3A_605 = arith.mulf %get3A_68, %get3A_604 : vector<16xf32>
      %add3A_606 = arith.addf %mul3A_600, %mul3A_605 : vector<16xf32>
      %swap3A_607 = arith.index_cast %scan3A_58 : i32 to index
      %swap3A_608 = arith.constant 528 : index
      %swap3A_609 = tpu.vector_load %arg12[%swap3A_607, %swap3A_608] {strides = array<i32>} : memref<32x1024xf32, #tpu.memory_space<vmem>>, vector<1x16xf32>,
      %swap3A_610 = vector.shape_cast %swap3A_609 : vector<1x16xf32> to vector<16xf32>
      %swap3A_611 = vector.shape_cast %add3A_606 : vector<16xf32> to vector<1x16xf32>
      tpu.vector_store %arg12[%swap3A_607, %swap3A_608], %swap3A_611 {strides = array<i32>} : memref<32x1024xf32, #tpu.memory_space<vmem>>, vector<1x16xf32>,
      %get3A_612 = arith.index_cast %scan3A_58 : i32 to index
      %get3A_613 = arith.constant 544 : index
      %get3A_614 = tpu.vector_load %arg12[%get3A_612, %get3A_613] {strides = array<i32>} : memref<32x1024xf32, #tpu.memory_space<vmem>>, vector<1x16xf32>,
      %get3A_615 = vector.shape_cast %get3A_614 : vector<1x16xf32> to vector<16xf32>
      %mul3A_616 = arith.mulf %get3A_64, %get3A_615 : vector<16xf32>
      %get3A_617 = arith.index_cast %scan3A_58 : i32 to index
      %get3A_618 = arith.constant 544 : index
      %get3A_619 = tpu.vector_load %arg13[%get3A_617, %get3A_618] {strides = array<i32>} : memref<32x1024xf32, #tpu.memory_space<vmem>>, vector<1x16xf32>,
      %get3A_620 = vector.shape_cast %get3A_619 : vector<1x16xf32> to vector<16xf32>
      %mul3A_621 = arith.mulf %get3A_68, %get3A_620 : vector<16xf32>
      %add3A_622 = arith.addf %mul3A_616, %mul3A_621 : vector<16xf32>
      %swap3A_623 = arith.index_cast %scan3A_58 : i32 to index
      %swap3A_624 = arith.constant 544 : index
      %swap3A_625 = tpu.vector_load %arg12[%swap3A_623, %swap3A_624] {strides = array<i32>} : memref<32x1024xf32, #tpu.memory_space<vmem>>, vector<1x16xf32>,
      %swap3A_626 = vector.shape_cast %swap3A_625 : vector<1x16xf32> to vector<16xf32>
      %swap3A_627 = vector.shape_cast %add3A_622 : vector<16xf32> to vector<1x16xf32>
      tpu.vector_store %arg12[%swap3A_623, %swap3A_624], %swap3A_627 {strides = array<i32>} : memref<32x1024xf32, #tpu.memory_space<vmem>>, vector<1x16xf32>,
      %get3A_628 = arith.index_cast %scan3A_58 : i32 to index
      %get3A_629 = arith.constant 560 : index
      %get3A_630 = tpu.vector_load %arg12[%get3A_628, %get3A_629] {strides = array<i32>} : memref<32x1024xf32, #tpu.memory_space<vmem>>, vector<1x16xf32>,
      %get3A_631 = vector.shape_cast %get3A_630 : vector<1x16xf32> to vector<16xf32>
      %mul3A_632 = arith.mulf %get3A_64, %get3A_631 : vector<16xf32>
      %get3A_633 = arith.index_cast %scan3A_58 : i32 to index
      %get3A_634 = arith.constant 560 : index
      %get3A_635 = tpu.vector_load %arg13[%get3A_633, %get3A_634] {strides = array<i32>} : memref<32x1024xf32, #tpu.memory_space<vmem>>, vector<1x16xf32>,
      %get3A_636 = vector.shape_cast %get3A_635 : vector<1x16xf32> to vector<16xf32>
      %mul3A_637 = arith.mulf %get3A_68, %get3A_636 : vector<16xf32>
      %add3A_638 = arith.addf %mul3A_632, %mul3A_637 : vector<16xf32>
      %swap3A_639 = arith.index_cast %scan3A_58 : i32 to index
      %swap3A_640 = arith.constant 560 : index
      %swap3A_641 = tpu.vector_load %arg12[%swap3A_639, %swap3A_640] {strides = array<i32>} : memref<32x1024xf32, #tpu.memory_space<vmem>>, vector<1x16xf32>,
      %swap3A_642 = vector.shape_cast %swap3A_641 : vector<1x16xf32> to vector<16xf32>
      %swap3A_643 = vector.shape_cast %add3A_638 : vector<16xf32> to vector<1x16xf32>
      tpu.vector_store %arg12[%swap3A_639, %swap3A_640], %swap3A_643 {strides = array<i32>} : memref<32x1024xf32, #tpu.memory_space<vmem>>, vector<1x16xf32>,
      %get3A_644 = arith.index_cast %scan3A_58 : i32 to index
      %get3A_645 = arith.constant 576 : index
      %get3A_646 = tpu.vector_load %arg12[%get3A_644, %get3A_645] {strides = array<i32>} : memref<32x1024xf32, #tpu.memory_space<vmem>>, vector<1x16xf32>,
      %get3A_647 = vector.shape_cast %get3A_646 : vector<1x16xf32> to vector<16xf32>
      %mul3A_648 = arith.mulf %get3A_64, %get3A_647 : vector<16xf32>
      %get3A_649 = arith.index_cast %scan3A_58 : i32 to index
      %get3A_650 = arith.constant 576 : index
      %get3A_651 = tpu.vector_load %arg13[%get3A_649, %get3A_650] {strides = array<i32>} : memref<32x1024xf32, #tpu.memory_space<vmem>>, vector<1x16xf32>,
      %get3A_652 = vector.shape_cast %get3A_651 : vector<1x16xf32> to vector<16xf32>
      %mul3A_653 = arith.mulf %get3A_68, %get3A_652 : vector<16xf32>
      %add3A_654 = arith.addf %mul3A_648, %mul3A_653 : vector<16xf32>
      %swap3A_655 = arith.index_cast %scan3A_58 : i32 to index
      %swap3A_656 = arith.constant 576 : index
      %swap3A_657 = tpu.vector_load %arg12[%swap3A_655, %swap3A_656] {strides = array<i32>} : memref<32x1024xf32, #tpu.memory_space<vmem>>, vector<1x16xf32>,
      %swap3A_658 = vector.shape_cast %swap3A_657 : vector<1x16xf32> to vector<16xf32>
      %swap3A_659 = vector.shape_cast %add3A_654 : vector<16xf32> to vector<1x16xf32>
      tpu.vector_store %arg12[%swap3A_655, %swap3A_656], %swap3A_659 {strides = array<i32>} : memref<32x1024xf32, #tpu.memory_space<vmem>>, vector<1x16xf32>,
      %get3A_660 = arith.index_cast %scan3A_58 : i32 to index
      %get3A_661 = arith.constant 592 : index
      %get3A_662 = tpu.vector_load %arg12[%get3A_660, %get3A_661] {strides = array<i32>} : memref<32x1024xf32, #tpu.memory_space<vmem>>, vector<1x16xf32>,
      %get3A_663 = vector.shape_cast %get3A_662 : vector<1x16xf32> to vector<16xf32>
      %mul3A_664 = arith.mulf %get3A_64, %get3A_663 : vector<16xf32>
      %get3A_665 = arith.index_cast %scan3A_58 : i32 to index
      %get3A_666 = arith.constant 592 : index
      %get3A_667 = tpu.vector_load %arg13[%get3A_665, %get3A_666] {strides = array<i32>} : memref<32x1024xf32, #tpu.memory_space<vmem>>, vector<1x16xf32>,
      %get3A_668 = vector.shape_cast %get3A_667 : vector<1x16xf32> to vector<16xf32>
      %mul3A_669 = arith.mulf %get3A_68, %get3A_668 : vector<16xf32>
      %add3A_670 = arith.addf %mul3A_664, %mul3A_669 : vector<16xf32>
      %swap3A_671 = arith.index_cast %scan3A_58 : i32 to index
      %swap3A_672 = arith.constant 592 : index
      %swap3A_673 = tpu.vector_load %arg12[%swap3A_671, %swap3A_672] {strides = array<i32>} : memref<32x1024xf32, #tpu.memory_space<vmem>>, vector<1x16xf32>,
      %swap3A_674 = vector.shape_cast %swap3A_673 : vector<1x16xf32> to vector<16xf32>
      %swap3A_675 = vector.shape_cast %add3A_670 : vector<16xf32> to vector<1x16xf32>
      tpu.vector_store %arg12[%swap3A_671, %swap3A_672], %swap3A_675 {strides = array<i32>} : memref<32x1024xf32, #tpu.memory_space<vmem>>, vector<1x16xf32>,
      %get3A_676 = arith.index_cast %scan3A_58 : i32 to index
      %get3A_677 = arith.constant 608 : index
      %get3A_678 = tpu.vector_load %arg12[%get3A_676, %get3A_677] {strides = array<i32>} : memref<32x1024xf32, #tpu.memory_space<vmem>>, vector<1x16xf32>,
      %get3A_679 = vector.shape_cast %get3A_678 : vector<1x16xf32> to vector<16xf32>
      %mul3A_680 = arith.mulf %get3A_64, %get3A_679 : vector<16xf32>
      %get3A_681 = arith.index_cast %scan3A_58 : i32 to index
      %get3A_682 = arith.constant 608 : index
      %get3A_683 = tpu.vector_load %arg13[%get3A_681, %get3A_682] {strides = array<i32>} : memref<32x1024xf32, #tpu.memory_space<vmem>>, vector<1x16xf32>,
      %get3A_684 = vector.shape_cast %get3A_683 : vector<1x16xf32> to vector<16xf32>
      %mul3A_685 = arith.mulf %get3A_68, %get3A_684 : vector<16xf32>
      %add3A_686 = arith.addf %mul3A_680, %mul3A_685 : vector<16xf32>
      %swap3A_687 = arith.index_cast %scan3A_58 : i32 to index
      %swap3A_688 = arith.constant 608 : index
      %swap3A_689 = tpu.vector_load %arg12[%swap3A_687, %swap3A_688] {strides = array<i32>} : memref<32x1024xf32, #tpu.memory_space<vmem>>, vector<1x16xf32>,
      %swap3A_690 = vector.shape_cast %swap3A_689 : vector<1x16xf32> to vector<16xf32>
      %swap3A_691 = vector.shape_cast %add3A_686 : vector<16xf32> to vector<1x16xf32>
      tpu.vector_store %arg12[%swap3A_687, %swap3A_688], %swap3A_691 {strides = array<i32>} : memref<32x1024xf32, #tpu.memory_space<vmem>>, vector<1x16xf32>,
      %get3A_692 = arith.index_cast %scan3A_58 : i32 to index
      %get3A_693 = arith.constant 624 : index
      %get3A_694 = tpu.vector_load %arg12[%get3A_692, %get3A_693] {strides = array<i32>} : memref<32x1024xf32, #tpu.memory_space<vmem>>, vector<1x16xf32>,
      %get3A_695 = vector.shape_cast %get3A_694 : vector<1x16xf32> to vector<16xf32>
      %mul3A_696 = arith.mulf %get3A_64, %get3A_695 : vector<16xf32>
      %get3A_697 = arith.index_cast %scan3A_58 : i32 to index
      %get3A_698 = arith.constant 624 : index
      %get3A_699 = tpu.vector_load %arg13[%get3A_697, %get3A_698] {strides = array<i32>} : memref<32x1024xf32, #tpu.memory_space<vmem>>, vector<1x16xf32>,
      %get3A_700 = vector.shape_cast %get3A_699 : vector<1x16xf32> to vector<16xf32>
      %mul3A_701 = arith.mulf %get3A_68, %get3A_700 : vector<16xf32>
      %add3A_702 = arith.addf %mul3A_696, %mul3A_701 : vector<16xf32>
      %swap3A_703 = arith.index_cast %scan3A_58 : i32 to index
      %swap3A_704 = arith.constant 624 : index
      %swap3A_705 = tpu.vector_load %arg12[%swap3A_703, %swap3A_704] {strides = array<i32>} : memref<32x1024xf32, #tpu.memory_space<vmem>>, vector<1x16xf32>,
      %swap3A_706 = vector.shape_cast %swap3A_705 : vector<1x16xf32> to vector<16xf32>
      %swap3A_707 = vector.shape_cast %add3A_702 : vector<16xf32> to vector<1x16xf32>
      tpu.vector_store %arg12[%swap3A_703, %swap3A_704], %swap3A_707 {strides = array<i32>} : memref<32x1024xf32, #tpu.memory_space<vmem>>, vector<1x16xf32>,
      %get3A_708 = arith.index_cast %scan3A_58 : i32 to index
      %get3A_709 = arith.constant 640 : index
      %get3A_710 = tpu.vector_load %arg12[%get3A_708, %get3A_709] {strides = array<i32>} : memref<32x1024xf32, #tpu.memory_space<vmem>>, vector<1x16xf32>,
      %get3A_711 = vector.shape_cast %get3A_710 : vector<1x16xf32> to vector<16xf32>
      %mul3A_712 = arith.mulf %get3A_64, %get3A_711 : vector<16xf32>
      %get3A_713 = arith.index_cast %scan3A_58 : i32 to index
      %get3A_714 = arith.constant 640 : index
      %get3A_715 = tpu.vector_load %arg13[%get3A_713, %get3A_714] {strides = array<i32>} : memref<32x1024xf32, #tpu.memory_space<vmem>>, vector<1x16xf32>,
      %get3A_716 = vector.shape_cast %get3A_715 : vector<1x16xf32> to vector<16xf32>
      %mul3A_717 = arith.mulf %get3A_68, %get3A_716 : vector<16xf32>
      %add3A_718 = arith.addf %mul3A_712, %mul3A_717 : vector<16xf32>
      %swap3A_719 = arith.index_cast %scan3A_58 : i32 to index
      %swap3A_720 = arith.constant 640 : index
      %swap3A_721 = tpu.vector_load %arg12[%swap3A_719, %swap3A_720] {strides = array<i32>} : memref<32x1024xf32, #tpu.memory_space<vmem>>, vector<1x16xf32>,
      %swap3A_722 = vector.shape_cast %swap3A_721 : vector<1x16xf32> to vector<16xf32>
      %swap3A_723 = vector.shape_cast %add3A_718 : vector<16xf32> to vector<1x16xf32>
      tpu.vector_store %arg12[%swap3A_719, %swap3A_720], %swap3A_723 {strides = array<i32>} : memref<32x1024xf32, #tpu.memory_space<vmem>>, vector<1x16xf32>,
      %get3A_724 = arith.index_cast %scan3A_58 : i32 to index
      %get3A_725 = arith.constant 656 : index
      %get3A_726 = tpu.vector_load %arg12[%get3A_724, %get3A_725] {strides = array<i32>} : memref<32x1024xf32, #tpu.memory_space<vmem>>, vector<1x16xf32>,
      %get3A_727 = vector.shape_cast %get3A_726 : vector<1x16xf32> to vector<16xf32>
      %mul3A_728 = arith.mulf %get3A_64, %get3A_727 : vector<16xf32>
      %get3A_729 = arith.index_cast %scan3A_58 : i32 to index
      %get3A_730 = arith.constant 656 : index
      %get3A_731 = tpu.vector_load %arg13[%get3A_729, %get3A_730] {strides = array<i32>} : memref<32x1024xf32, #tpu.memory_space<vmem>>, vector<1x16xf32>,
      %get3A_732 = vector.shape_cast %get3A_731 : vector<1x16xf32> to vector<16xf32>
      %mul3A_733 = arith.mulf %get3A_68, %get3A_732 : vector<16xf32>
      %add3A_734 = arith.addf %mul3A_728, %mul3A_733 : vector<16xf32>
      %swap3A_735 = arith.index_cast %scan3A_58 : i32 to index
      %swap3A_736 = arith.constant 656 : index
      %swap3A_737 = tpu.vector_load %arg12[%swap3A_735, %swap3A_736] {strides = array<i32>} : memref<32x1024xf32, #tpu.memory_space<vmem>>, vector<1x16xf32>,
      %swap3A_738 = vector.shape_cast %swap3A_737 : vector<1x16xf32> to vector<16xf32>
      %swap3A_739 = vector.shape_cast %add3A_734 : vector<16xf32> to vector<1x16xf32>
      tpu.vector_store %arg12[%swap3A_735, %swap3A_736], %swap3A_739 {strides = array<i32>} : memref<32x1024xf32, #tpu.memory_space<vmem>>, vector<1x16xf32>,
      %get3A_740 = arith.index_cast %scan3A_58 : i32 to index
      %get3A_741 = arith.constant 672 : index
      %get3A_742 = tpu.vector_load %arg12[%get3A_740, %get3A_741] {strides = array<i32>} : memref<32x1024xf32, #tpu.memory_space<vmem>>, vector<1x16xf32>,
      %get3A_743 = vector.shape_cast %get3A_742 : vector<1x16xf32> to vector<16xf32>
      %mul3A_744 = arith.mulf %get3A_64, %get3A_743 : vector<16xf32>
      %get3A_745 = arith.index_cast %scan3A_58 : i32 to index
      %get3A_746 = arith.constant 672 : index
      %get3A_747 = tpu.vector_load %arg13[%get3A_745, %get3A_746] {strides = array<i32>} : memref<32x1024xf32, #tpu.memory_space<vmem>>, vector<1x16xf32>,
      %get3A_748 = vector.shape_cast %get3A_747 : vector<1x16xf32> to vector<16xf32>
      %mul3A_749 = arith.mulf %get3A_68, %get3A_748 : vector<16xf32>
      %add3A_750 = arith.addf %mul3A_744, %mul3A_749 : vector<16xf32>
      %swap3A_751 = arith.index_cast %scan3A_58 : i32 to index
      %swap3A_752 = arith.constant 672 : index
      %swap3A_753 = tpu.vector_load %arg12[%swap3A_751, %swap3A_752] {strides = array<i32>} : memref<32x1024xf32, #tpu.memory_space<vmem>>, vector<1x16xf32>,
      %swap3A_754 = vector.shape_cast %swap3A_753 : vector<1x16xf32> to vector<16xf32>
      %swap3A_755 = vector.shape_cast %add3A_750 : vector<16xf32> to vector<1x16xf32>
      tpu.vector_store %arg12[%swap3A_751, %swap3A_752], %swap3A_755 {strides = array<i32>} : memref<32x1024xf32, #tpu.memory_space<vmem>>, vector<1x16xf32>,
      %get3A_756 = arith.index_cast %scan3A_58 : i32 to index
      %get3A_757 = arith.constant 688 : index
      %get3A_758 = tpu.vector_load %arg12[%get3A_756, %get3A_757] {strides = array<i32>} : memref<32x1024xf32, #tpu.memory_space<vmem>>, vector<1x16xf32>,
      %get3A_759 = vector.shape_cast %get3A_758 : vector<1x16xf32> to vector<16xf32>
      %mul3A_760 = arith.mulf %get3A_64, %get3A_759 : vector<16xf32>
      %get3A_761 = arith.index_cast %scan3A_58 : i32 to index
      %get3A_762 = arith.constant 688 : index
      %get3A_763 = tpu.vector_load %arg13[%get3A_761, %get3A_762] {strides = array<i32>} : memref<32x1024xf32, #tpu.memory_space<vmem>>, vector<1x16xf32>,
      %get3A_764 = vector.shape_cast %get3A_763 : vector<1x16xf32> to vector<16xf32>
      %mul3A_765 = arith.mulf %get3A_68, %get3A_764 : vector<16xf32>
      %add3A_766 = arith.addf %mul3A_760, %mul3A_765 : vector<16xf32>
      %swap3A_767 = arith.index_cast %scan3A_58 : i32 to index
      %swap3A_768 = arith.constant 688 : index
      %swap3A_769 = tpu.vector_load %arg12[%swap3A_767, %swap3A_768] {strides = array<i32>} : memref<32x1024xf32, #tpu.memory_space<vmem>>, vector<1x16xf32>,
      %swap3A_770 = vector.shape_cast %swap3A_769 : vector<1x16xf32> to vector<16xf32>
      %swap3A_771 = vector.shape_cast %add3A_766 : vector<16xf32> to vector<1x16xf32>
      tpu.vector_store %arg12[%swap3A_767, %swap3A_768], %swap3A_771 {strides = array<i32>} : memref<32x1024xf32, #tpu.memory_space<vmem>>, vector<1x16xf32>,
      %get3A_772 = arith.index_cast %scan3A_58 : i32 to index
      %get3A_773 = arith.constant 704 : index
      %get3A_774 = tpu.vector_load %arg12[%get3A_772, %get3A_773] {strides = array<i32>} : memref<32x1024xf32, #tpu.memory_space<vmem>>, vector<1x16xf32>,
      %get3A_775 = vector.shape_cast %get3A_774 : vector<1x16xf32> to vector<16xf32>
      %mul3A_776 = arith.mulf %get3A_64, %get3A_775 : vector<16xf32>
      %get3A_777 = arith.index_cast %scan3A_58 : i32 to index
      %get3A_778 = arith.constant 704 : index
      %get3A_779 = tpu.vector_load %arg13[%get3A_777, %get3A_778] {strides = array<i32>} : memref<32x1024xf32, #tpu.memory_space<vmem>>, vector<1x16xf32>,
      %get3A_780 = vector.shape_cast %get3A_779 : vector<1x16xf32> to vector<16xf32>
      %mul3A_781 = arith.mulf %get3A_68, %get3A_780 : vector<16xf32>
      %add3A_782 = arith.addf %mul3A_776, %mul3A_781 : vector<16xf32>
      %swap3A_783 = arith.index_cast %scan3A_58 : i32 to index
      %swap3A_784 = arith.constant 704 : index
      %swap3A_785 = tpu.vector_load %arg12[%swap3A_783, %swap3A_784] {strides = array<i32>} : memref<32x1024xf32, #tpu.memory_space<vmem>>, vector<1x16xf32>,
      %swap3A_786 = vector.shape_cast %swap3A_785 : vector<1x16xf32> to vector<16xf32>
      %swap3A_787 = vector.shape_cast %add3A_782 : vector<16xf32> to vector<1x16xf32>
      tpu.vector_store %arg12[%swap3A_783, %swap3A_784], %swap3A_787 {strides = array<i32>} : memref<32x1024xf32, #tpu.memory_space<vmem>>, vector<1x16xf32>,
      %get3A_788 = arith.index_cast %scan3A_58 : i32 to index
      %get3A_789 = arith.constant 720 : index
      %get3A_790 = tpu.vector_load %arg12[%get3A_788, %get3A_789] {strides = array<i32>} : memref<32x1024xf32, #tpu.memory_space<vmem>>, vector<1x16xf32>,
      %get3A_791 = vector.shape_cast %get3A_790 : vector<1x16xf32> to vector<16xf32>
      %mul3A_792 = arith.mulf %get3A_64, %get3A_791 : vector<16xf32>
      %get3A_793 = arith.index_cast %scan3A_58 : i32 to index
      %get3A_794 = arith.constant 720 : index
      %get3A_795 = tpu.vector_load %arg13[%get3A_793, %get3A_794] {strides = array<i32>} : memref<32x1024xf32, #tpu.memory_space<vmem>>, vector<1x16xf32>,
      %get3A_796 = vector.shape_cast %get3A_795 : vector<1x16xf32> to vector<16xf32>
      %mul3A_797 = arith.mulf %get3A_68, %get3A_796 : vector<16xf32>
      %add3A_798 = arith.addf %mul3A_792, %mul3A_797 : vector<16xf32>
      %swap3A_799 = arith.index_cast %scan3A_58 : i32 to index
      %swap3A_800 = arith.constant 720 : index
      %swap3A_801 = tpu.vector_load %arg12[%swap3A_799, %swap3A_800] {strides = array<i32>} : memref<32x1024xf32, #tpu.memory_space<vmem>>, vector<1x16xf32>,
      %swap3A_802 = vector.shape_cast %swap3A_801 : vector<1x16xf32> to vector<16xf32>
      %swap3A_803 = vector.shape_cast %add3A_798 : vector<16xf32> to vector<1x16xf32>
      tpu.vector_store %arg12[%swap3A_799, %swap3A_800], %swap3A_803 {strides = array<i32>} : memref<32x1024xf32, #tpu.memory_space<vmem>>, vector<1x16xf32>,
      %get3A_804 = arith.index_cast %scan3A_58 : i32 to index
      %get3A_805 = arith.constant 736 : index
      %get3A_806 = tpu.vector_load %arg12[%get3A_804, %get3A_805] {strides = array<i32>} : memref<32x1024xf32, #tpu.memory_space<vmem>>, vector<1x16xf32>,
      %get3A_807 = vector.shape_cast %get3A_806 : vector<1x16xf32> to vector<16xf32>
      %mul3A_808 = arith.mulf %get3A_64, %get3A_807 : vector<16xf32>
      %get3A_809 = arith.index_cast %scan3A_58 : i32 to index
      %get3A_810 = arith.constant 736 : index
      %get3A_811 = tpu.vector_load %arg13[%get3A_809, %get3A_810] {strides = array<i32>} : memref<32x1024xf32, #tpu.memory_space<vmem>>, vector<1x16xf32>,
      %get3A_812 = vector.shape_cast %get3A_811 : vector<1x16xf32> to vector<16xf32>
      %mul3A_813 = arith.mulf %get3A_68, %get3A_812 : vector<16xf32>
      %add3A_814 = arith.addf %mul3A_808, %mul3A_813 : vector<16xf32>
      %swap3A_815 = arith.index_cast %scan3A_58 : i32 to index
      %swap3A_816 = arith.constant 736 : index
      %swap3A_817 = tpu.vector_load %arg12[%swap3A_815, %swap3A_816] {strides = array<i32>} : memref<32x1024xf32, #tpu.memory_space<vmem>>, vector<1x16xf32>,
      %swap3A_818 = vector.shape_cast %swap3A_817 : vector<1x16xf32> to vector<16xf32>
      %swap3A_819 = vector.shape_cast %add3A_814 : vector<16xf32> to vector<1x16xf32>
      tpu.vector_store %arg12[%swap3A_815, %swap3A_816], %swap3A_819 {strides = array<i32>} : memref<32x1024xf32, #tpu.memory_space<vmem>>, vector<1x16xf32>,
      %get3A_820 = arith.index_cast %scan3A_58 : i32 to index
      %get3A_821 = arith.constant 752 : index
      %get3A_822 = tpu.vector_load %arg12[%get3A_820, %get3A_821] {strides = array<i32>} : memref<32x1024xf32, #tpu.memory_space<vmem>>, vector<1x16xf32>,
      %get3A_823 = vector.shape_cast %get3A_822 : vector<1x16xf32> to vector<16xf32>
      %mul3A_824 = arith.mulf %get3A_64, %get3A_823 : vector<16xf32>
      %get3A_825 = arith.index_cast %scan3A_58 : i32 to index
      %get3A_826 = arith.constant 752 : index
      %get3A_827 = tpu.vector_load %arg13[%get3A_825, %get3A_826] {strides = array<i32>} : memref<32x1024xf32, #tpu.memory_space<vmem>>, vector<1x16xf32>,
      %get3A_828 = vector.shape_cast %get3A_827 : vector<1x16xf32> to vector<16xf32>
      %mul3A_829 = arith.mulf %get3A_68, %get3A_828 : vector<16xf32>
      %add3A_830 = arith.addf %mul3A_824, %mul3A_829 : vector<16xf32>
      %swap3A_831 = arith.index_cast %scan3A_58 : i32 to index
      %swap3A_832 = arith.constant 752 : index
      %swap3A_833 = tpu.vector_load %arg12[%swap3A_831, %swap3A_832] {strides = array<i32>} : memref<32x1024xf32, #tpu.memory_space<vmem>>, vector<1x16xf32>,
      %swap3A_834 = vector.shape_cast %swap3A_833 : vector<1x16xf32> to vector<16xf32>
      %swap3A_835 = vector.shape_cast %add3A_830 : vector<16xf32> to vector<1x16xf32>
      tpu.vector_store %arg12[%swap3A_831, %swap3A_832], %swap3A_835 {strides = array<i32>} : memref<32x1024xf32, #tpu.memory_space<vmem>>, vector<1x16xf32>,
      %get3A_836 = arith.index_cast %scan3A_58 : i32 to index
      %get3A_837 = arith.constant 768 : index
      %get3A_838 = tpu.vector_load %arg12[%get3A_836, %get3A_837] {strides = array<i32>} : memref<32x1024xf32, #tpu.memory_space<vmem>>, vector<1x16xf32>,
      %get3A_839 = vector.shape_cast %get3A_838 : vector<1x16xf32> to vector<16xf32>
      %mul3A_840 = arith.mulf %get3A_64, %get3A_839 : vector<16xf32>
      %get3A_841 = arith.index_cast %scan3A_58 : i32 to index
      %get3A_842 = arith.constant 768 : index
      %get3A_843 = tpu.vector_load %arg13[%get3A_841, %get3A_842] {strides = array<i32>} : memref<32x1024xf32, #tpu.memory_space<vmem>>, vector<1x16xf32>,
      %get3A_844 = vector.shape_cast %get3A_843 : vector<1x16xf32> to vector<16xf32>
      %mul3A_845 = arith.mulf %get3A_68, %get3A_844 : vector<16xf32>
      %add3A_846 = arith.addf %mul3A_840, %mul3A_845 : vector<16xf32>
      %swap3A_847 = arith.index_cast %scan3A_58 : i32 to index
      %swap3A_848 = arith.constant 768 : index
      %swap3A_849 = tpu.vector_load %arg12[%swap3A_847, %swap3A_848] {strides = array<i32>} : memref<32x1024xf32, #tpu.memory_space<vmem>>, vector<1x16xf32>,
      %swap3A_850 = vector.shape_cast %swap3A_849 : vector<1x16xf32> to vector<16xf32>
      %swap3A_851 = vector.shape_cast %add3A_846 : vector<16xf32> to vector<1x16xf32>
      tpu.vector_store %arg12[%swap3A_847, %swap3A_848], %swap3A_851 {strides = array<i32>} : memref<32x1024xf32, #tpu.memory_space<vmem>>, vector<1x16xf32>,
      %get3A_852 = arith.index_cast %scan3A_58 : i32 to index
      %get3A_853 = arith.constant 784 : index
      %get3A_854 = tpu.vector_load %arg12[%get3A_852, %get3A_853] {strides = array<i32>} : memref<32x1024xf32, #tpu.memory_space<vmem>>, vector<1x16xf32>,
      %get3A_855 = vector.shape_cast %get3A_854 : vector<1x16xf32> to vector<16xf32>
      %mul3A_856 = arith.mulf %get3A_64, %get3A_855 : vector<16xf32>
      %get3A_857 = arith.index_cast %scan3A_58 : i32 to index
      %get3A_858 = arith.constant 784 : index
      %get3A_859 = tpu.vector_load %arg13[%get3A_857, %get3A_858] {strides = array<i32>} : memref<32x1024xf32, #tpu.memory_space<vmem>>, vector<1x16xf32>,
      %get3A_860 = vector.shape_cast %get3A_859 : vector<1x16xf32> to vector<16xf32>
      %mul3A_861 = arith.mulf %get3A_68, %get3A_860 : vector<16xf32>
      %add3A_862 = arith.addf %mul3A_856, %mul3A_861 : vector<16xf32>
      %swap3A_863 = arith.index_cast %scan3A_58 : i32 to index
      %swap3A_864 = arith.constant 784 : index
      %swap3A_865 = tpu.vector_load %arg12[%swap3A_863, %swap3A_864] {strides = array<i32>} : memref<32x1024xf32, #tpu.memory_space<vmem>>, vector<1x16xf32>,
      %swap3A_866 = vector.shape_cast %swap3A_865 : vector<1x16xf32> to vector<16xf32>
      %swap3A_867 = vector.shape_cast %add3A_862 : vector<16xf32> to vector<1x16xf32>
      tpu.vector_store %arg12[%swap3A_863, %swap3A_864], %swap3A_867 {strides = array<i32>} : memref<32x1024xf32, #tpu.memory_space<vmem>>, vector<1x16xf32>,
      %get3A_868 = arith.index_cast %scan3A_58 : i32 to index
      %get3A_869 = arith.constant 800 : index
      %get3A_870 = tpu.vector_load %arg12[%get3A_868, %get3A_869] {strides = array<i32>} : memref<32x1024xf32, #tpu.memory_space<vmem>>, vector<1x16xf32>,
      %get3A_871 = vector.shape_cast %get3A_870 : vector<1x16xf32> to vector<16xf32>
      %mul3A_872 = arith.mulf %get3A_64, %get3A_871 : vector<16xf32>
      %get3A_873 = arith.index_cast %scan3A_58 : i32 to index
      %get3A_874 = arith.constant 800 : index
      %get3A_875 = tpu.vector_load %arg13[%get3A_873, %get3A_874] {strides = array<i32>} : memref<32x1024xf32, #tpu.memory_space<vmem>>, vector<1x16xf32>,
      %get3A_876 = vector.shape_cast %get3A_875 : vector<1x16xf32> to vector<16xf32>
      %mul3A_877 = arith.mulf %get3A_68, %get3A_876 : vector<16xf32>
      %add3A_878 = arith.addf %mul3A_872, %mul3A_877 : vector<16xf32>
      %swap3A_879 = arith.index_cast %scan3A_58 : i32 to index
      %swap3A_880 = arith.constant 800 : index
      %swap3A_881 = tpu.vector_load %arg12[%swap3A_879, %swap3A_880] {strides = array<i32>} : memref<32x1024xf32, #tpu.memory_space<vmem>>, vector<1x16xf32>,
      %swap3A_882 = vector.shape_cast %swap3A_881 : vector<1x16xf32> to vector<16xf32>
      %swap3A_883 = vector.shape_cast %add3A_878 : vector<16xf32> to vector<1x16xf32>
      tpu.vector_store %arg12[%swap3A_879, %swap3A_880], %swap3A_883 {strides = array<i32>} : memref<32x1024xf32, #tpu.memory_space<vmem>>, vector<1x16xf32>,
      %get3A_884 = arith.index_cast %scan3A_58 : i32 to index
      %get3A_885 = arith.constant 816 : index
      %get3A_886 = tpu.vector_load %arg12[%get3A_884, %get3A_885] {strides = array<i32>} : memref<32x1024xf32, #tpu.memory_space<vmem>>, vector<1x16xf32>,
      %get3A_887 = vector.shape_cast %get3A_886 : vector<1x16xf32> to vector<16xf32>
      %mul3A_888 = arith.mulf %get3A_64, %get3A_887 : vector<16xf32>
      %get3A_889 = arith.index_cast %scan3A_58 : i32 to index
      %get3A_890 = arith.constant 816 : index
      %get3A_891 = tpu.vector_load %arg13[%get3A_889, %get3A_890] {strides = array<i32>} : memref<32x1024xf32, #tpu.memory_space<vmem>>, vector<1x16xf32>,
      %get3A_892 = vector.shape_cast %get3A_891 : vector<1x16xf32> to vector<16xf32>
      %mul3A_893 = arith.mulf %get3A_68, %get3A_892 : vector<16xf32>
      %add3A_894 = arith.addf %mul3A_888, %mul3A_893 : vector<16xf32>
      %swap3A_895 = arith.index_cast %scan3A_58 : i32 to index
      %swap3A_896 = arith.constant 816 : index
      %swap3A_897 = tpu.vector_load %arg12[%swap3A_895, %swap3A_896] {strides = array<i32>} : memref<32x1024xf32, #tpu.memory_space<vmem>>, vector<1x16xf32>,
      %swap3A_898 = vector.shape_cast %swap3A_897 : vector<1x16xf32> to vector<16xf32>
      %swap3A_899 = vector.shape_cast %add3A_894 : vector<16xf32> to vector<1x16xf32>
      tpu.vector_store %arg12[%swap3A_895, %swap3A_896], %swap3A_899 {strides = array<i32>} : memref<32x1024xf32, #tpu.memory_space<vmem>>, vector<1x16xf32>,
      %get3A_900 = arith.index_cast %scan3A_58 : i32 to index
      %get3A_901 = arith.constant 832 : index
      %get3A_902 = tpu.vector_load %arg12[%get3A_900, %get3A_901] {strides = array<i32>} : memref<32x1024xf32, #tpu.memory_space<vmem>>, vector<1x16xf32>,
      %get3A_903 = vector.shape_cast %get3A_902 : vector<1x16xf32> to vector<16xf32>
      %mul3A_904 = arith.mulf %get3A_64, %get3A_903 : vector<16xf32>
      %get3A_905 = arith.index_cast %scan3A_58 : i32 to index
      %get3A_906 = arith.constant 832 : index
      %get3A_907 = tpu.vector_load %arg13[%get3A_905, %get3A_906] {strides = array<i32>} : memref<32x1024xf32, #tpu.memory_space<vmem>>, vector<1x16xf32>,
      %get3A_908 = vector.shape_cast %get3A_907 : vector<1x16xf32> to vector<16xf32>
      %mul3A_909 = arith.mulf %get3A_68, %get3A_908 : vector<16xf32>
      %add3A_910 = arith.addf %mul3A_904, %mul3A_909 : vector<16xf32>
      %swap3A_911 = arith.index_cast %scan3A_58 : i32 to index
      %swap3A_912 = arith.constant 832 : index
      %swap3A_913 = tpu.vector_load %arg12[%swap3A_911, %swap3A_912] {strides = array<i32>} : memref<32x1024xf32, #tpu.memory_space<vmem>>, vector<1x16xf32>,
      %swap3A_914 = vector.shape_cast %swap3A_913 : vector<1x16xf32> to vector<16xf32>
      %swap3A_915 = vector.shape_cast %add3A_910 : vector<16xf32> to vector<1x16xf32>
      tpu.vector_store %arg12[%swap3A_911, %swap3A_912], %swap3A_915 {strides = array<i32>} : memref<32x1024xf32, #tpu.memory_space<vmem>>, vector<1x16xf32>,
      %get3A_916 = arith.index_cast %scan3A_58 : i32 to index
      %get3A_917 = arith.constant 848 : index
      %get3A_918 = tpu.vector_load %arg12[%get3A_916, %get3A_917] {strides = array<i32>} : memref<32x1024xf32, #tpu.memory_space<vmem>>, vector<1x16xf32>,
      %get3A_919 = vector.shape_cast %get3A_918 : vector<1x16xf32> to vector<16xf32>
      %mul3A_920 = arith.mulf %get3A_64, %get3A_919 : vector<16xf32>
      %get3A_921 = arith.index_cast %scan3A_58 : i32 to index
      %get3A_922 = arith.constant 848 : index
      %get3A_923 = tpu.vector_load %arg13[%get3A_921, %get3A_922] {strides = array<i32>} : memref<32x1024xf32, #tpu.memory_space<vmem>>, vector<1x16xf32>,
      %get3A_924 = vector.shape_cast %get3A_923 : vector<1x16xf32> to vector<16xf32>
      %mul3A_925 = arith.mulf %get3A_68, %get3A_924 : vector<16xf32>
      %add3A_926 = arith.addf %mul3A_920, %mul3A_925 : vector<16xf32>
      %swap3A_927 = arith.index_cast %scan3A_58 : i32 to index
      %swap3A_928 = arith.constant 848 : index
      %swap3A_929 = tpu.vector_load %arg12[%swap3A_927, %swap3A_928] {strides = array<i32>} : memref<32x1024xf32, #tpu.memory_space<vmem>>, vector<1x16xf32>,
      %swap3A_930 = vector.shape_cast %swap3A_929 : vector<1x16xf32> to vector<16xf32>
      %swap3A_931 = vector.shape_cast %add3A_926 : vector<16xf32> to vector<1x16xf32>
      tpu.vector_store %arg12[%swap3A_927, %swap3A_928], %swap3A_931 {strides = array<i32>} : memref<32x1024xf32, #tpu.memory_space<vmem>>, vector<1x16xf32>,
      %get3A_932 = arith.index_cast %scan3A_58 : i32 to index
      %get3A_933 = arith.constant 864 : index
      %get3A_934 = tpu.vector_load %arg12[%get3A_932, %get3A_933] {strides = array<i32>} : memref<32x1024xf32, #tpu.memory_space<vmem>>, vector<1x16xf32>,
      %get3A_935 = vector.shape_cast %get3A_934 : vector<1x16xf32> to vector<16xf32>
      %mul3A_936 = arith.mulf %get3A_64, %get3A_935 : vector<16xf32>
      %get3A_937 = arith.index_cast %scan3A_58 : i32 to index
      %get3A_938 = arith.constant 864 : index
      %get3A_939 = tpu.vector_load %arg13[%get3A_937, %get3A_938] {strides = array<i32>} : memref<32x1024xf32, #tpu.memory_space<vmem>>, vector<1x16xf32>,
      %get3A_940 = vector.shape_cast %get3A_939 : vector<1x16xf32> to vector<16xf32>
      %mul3A_941 = arith.mulf %get3A_68, %get3A_940 : vector<16xf32>
      %add3A_942 = arith.addf %mul3A_936, %mul3A_941 : vector<16xf32>
      %swap3A_943 = arith.index_cast %scan3A_58 : i32 to index
      %swap3A_944 = arith.constant 864 : index
      %swap3A_945 = tpu.vector_load %arg12[%swap3A_943, %swap3A_944] {strides = array<i32>} : memref<32x1024xf32, #tpu.memory_space<vmem>>, vector<1x16xf32>,
      %swap3A_946 = vector.shape_cast %swap3A_945 : vector<1x16xf32> to vector<16xf32>
      %swap3A_947 = vector.shape_cast %add3A_942 : vector<16xf32> to vector<1x16xf32>
      tpu.vector_store %arg12[%swap3A_943, %swap3A_944], %swap3A_947 {strides = array<i32>} : memref<32x1024xf32, #tpu.memory_space<vmem>>, vector<1x16xf32>,
      %get3A_948 = arith.index_cast %scan3A_58 : i32 to index
      %get3A_949 = arith.constant 880 : index
      %get3A_950 = tpu.vector_load %arg12[%get3A_948, %get3A_949] {strides = array<i32>} : memref<32x1024xf32, #tpu.memory_space<vmem>>, vector<1x16xf32>,
      %get3A_951 = vector.shape_cast %get3A_950 : vector<1x16xf32> to vector<16xf32>
      %mul3A_952 = arith.mulf %get3A_64, %get3A_951 : vector<16xf32>
      %get3A_953 = arith.index_cast %scan3A_58 : i32 to index
      %get3A_954 = arith.constant 880 : index
      %get3A_955 = tpu.vector_load %arg13[%get3A_953, %get3A_954] {strides = array<i32>} : memref<32x1024xf32, #tpu.memory_space<vmem>>, vector<1x16xf32>,
      %get3A_956 = vector.shape_cast %get3A_955 : vector<1x16xf32> to vector<16xf32>
      %mul3A_957 = arith.mulf %get3A_68, %get3A_956 : vector<16xf32>
      %add3A_958 = arith.addf %mul3A_952, %mul3A_957 : vector<16xf32>
      %swap3A_959 = arith.index_cast %scan3A_58 : i32 to index
      %swap3A_960 = arith.constant 880 : index
      %swap3A_961 = tpu.vector_load %arg12[%swap3A_959, %swap3A_960] {strides = array<i32>} : memref<32x1024xf32, #tpu.memory_space<vmem>>, vector<1x16xf32>,
      %swap3A_962 = vector.shape_cast %swap3A_961 : vector<1x16xf32> to vector<16xf32>
      %swap3A_963 = vector.shape_cast %add3A_958 : vector<16xf32> to vector<1x16xf32>
      tpu.vector_store %arg12[%swap3A_959, %swap3A_960], %swap3A_963 {strides = array<i32>} : memref<32x1024xf32, #tpu.memory_space<vmem>>, vector<1x16xf32>,
      %get3A_964 = arith.index_cast %scan3A_58 : i32 to index
      %get3A_965 = arith.constant 896 : index
      %get3A_966 = tpu.vector_load %arg12[%get3A_964, %get3A_965] {strides = array<i32>} : memref<32x1024xf32, #tpu.memory_space<vmem>>, vector<1x16xf32>,
      %get3A_967 = vector.shape_cast %get3A_966 : vector<1x16xf32> to vector<16xf32>
      %mul3A_968 = arith.mulf %get3A_64, %get3A_967 : vector<16xf32>
      %get3A_969 = arith.index_cast %scan3A_58 : i32 to index
      %get3A_970 = arith.constant 896 : index
      %get3A_971 = tpu.vector_load %arg13[%get3A_969, %get3A_970] {strides = array<i32>} : memref<32x1024xf32, #tpu.memory_space<vmem>>, vector<1x16xf32>,
      %get3A_972 = vector.shape_cast %get3A_971 : vector<1x16xf32> to vector<16xf32>
      %mul3A_973 = arith.mulf %get3A_68, %get3A_972 : vector<16xf32>
      %add3A_974 = arith.addf %mul3A_968, %mul3A_973 : vector<16xf32>
      %swap3A_975 = arith.index_cast %scan3A_58 : i32 to index
      %swap3A_976 = arith.constant 896 : index
      %swap3A_977 = tpu.vector_load %arg12[%swap3A_975, %swap3A_976] {strides = array<i32>} : memref<32x1024xf32, #tpu.memory_space<vmem>>, vector<1x16xf32>,
      %swap3A_978 = vector.shape_cast %swap3A_977 : vector<1x16xf32> to vector<16xf32>
      %swap3A_979 = vector.shape_cast %add3A_974 : vector<16xf32> to vector<1x16xf32>
      tpu.vector_store %arg12[%swap3A_975, %swap3A_976], %swap3A_979 {strides = array<i32>} : memref<32x1024xf32, #tpu.memory_space<vmem>>, vector<1x16xf32>,
      %get3A_980 = arith.index_cast %scan3A_58 : i32 to index
      %get3A_981 = arith.constant 912 : index
      %get3A_982 = tpu.vector_load %arg12[%get3A_980, %get3A_981] {strides = array<i32>} : memref<32x1024xf32, #tpu.memory_space<vmem>>, vector<1x16xf32>,
      %get3A_983 = vector.shape_cast %get3A_982 : vector<1x16xf32> to vector<16xf32>
      %mul3A_984 = arith.mulf %get3A_64, %get3A_983 : vector<16xf32>
      %get3A_985 = arith.index_cast %scan3A_58 : i32 to index
      %get3A_986 = arith.constant 912 : index
      %get3A_987 = tpu.vector_load %arg13[%get3A_985, %get3A_986] {strides = array<i32>} : memref<32x1024xf32, #tpu.memory_space<vmem>>, vector<1x16xf32>,
      %get3A_988 = vector.shape_cast %get3A_987 : vector<1x16xf32> to vector<16xf32>
      %mul3A_989 = arith.mulf %get3A_68, %get3A_988 : vector<16xf32>
      %add3A_990 = arith.addf %mul3A_984, %mul3A_989 : vector<16xf32>
      %swap3A_991 = arith.index_cast %scan3A_58 : i32 to index
      %swap3A_992 = arith.constant 912 : index
      %swap3A_993 = tpu.vector_load %arg12[%swap3A_991, %swap3A_992] {strides = array<i32>} : memref<32x1024xf32, #tpu.memory_space<vmem>>, vector<1x16xf32>,
      %swap3A_994 = vector.shape_cast %swap3A_993 : vector<1x16xf32> to vector<16xf32>
      %swap3A_995 = vector.shape_cast %add3A_990 : vector<16xf32> to vector<1x16xf32>
      tpu.vector_store %arg12[%swap3A_991, %swap3A_992], %swap3A_995 {strides = array<i32>} : memref<32x1024xf32, #tpu.memory_space<vmem>>, vector<1x16xf32>,
      %get3A_996 = arith.index_cast %scan3A_58 : i32 to index
      %get3A_997 = arith.constant 928 : index
      %get3A_998 = tpu.vector_load %arg12[%get3A_996, %get3A_997] {strides = array<i32>} : memref<32x1024xf32, #tpu.memory_space<vmem>>, vector<1x16xf32>,
      %get3A_999 = vector.shape_cast %get3A_998 : vector<1x16xf32> to vector<16xf32>
      %mul3A_1000 = arith.mulf %get3A_64, %get3A_999 : vector<16xf32>
      %get3A_1001 = arith.index_cast %scan3A_58 : i32 to index
      %get3A_1002 = arith.constant 928 : index
      %get3A_1003 = tpu.vector_load %arg13[%get3A_1001, %get3A_1002] {strides = array<i32>} : memref<32x1024xf32, #tpu.memory_space<vmem>>, vector<1x16xf32>,
      %get3A_1004 = vector.shape_cast %get3A_1003 : vector<1x16xf32> to vector<16xf32>
      %mul3A_1005 = arith.mulf %get3A_68, %get3A_1004 : vector<16xf32>
      %add3A_1006 = arith.addf %mul3A_1000, %mul3A_1005 : vector<16xf32>
      %swap3A_1007 = arith.index_cast %scan3A_58 : i32 to index
      %swap3A_1008 = arith.constant 928 : index
      %swap3A_1009 = tpu.vector_load %arg12[%swap3A_1007, %swap3A_1008] {strides = array<i32>} : memref<32x1024xf32, #tpu.memory_space<vmem>>, vector<1x16xf32>,
      %swap3A_1010 = vector.shape_cast %swap3A_1009 : vector<1x16xf32> to vector<16xf32>
      %swap3A_1011 = vector.shape_cast %add3A_1006 : vector<16xf32> to vector<1x16xf32>
      tpu.vector_store %arg12[%swap3A_1007, %swap3A_1008], %swap3A_1011 {strides = array<i32>} : memref<32x1024xf32, #tpu.memory_space<vmem>>, vector<1x16xf32>,
      %get3A_1012 = arith.index_cast %scan3A_58 : i32 to index
      %get3A_1013 = arith.constant 944 : index
      %get3A_1014 = tpu.vector_load %arg12[%get3A_1012, %get3A_1013] {strides = array<i32>} : memref<32x1024xf32, #tpu.memory_space<vmem>>, vector<1x16xf32>,
      %get3A_1015 = vector.shape_cast %get3A_1014 : vector<1x16xf32> to vector<16xf32>
      %mul3A_1016 = arith.mulf %get3A_64, %get3A_1015 : vector<16xf32>
      %get3A_1017 = arith.index_cast %scan3A_58 : i32 to index
      %get3A_1018 = arith.constant 944 : index
      %get3A_1019 = tpu.vector_load %arg13[%get3A_1017, %get3A_1018] {strides = array<i32>} : memref<32x1024xf32, #tpu.memory_space<vmem>>, vector<1x16xf32>,
      %get3A_1020 = vector.shape_cast %get3A_1019 : vector<1x16xf32> to vector<16xf32>
      %mul3A_1021 = arith.mulf %get3A_68, %get3A_1020 : vector<16xf32>
      %add3A_1022 = arith.addf %mul3A_1016, %mul3A_1021 : vector<16xf32>
      %swap3A_1023 = arith.index_cast %scan3A_58 : i32 to index
      %swap3A_1024 = arith.constant 944 : index
      %swap3A_1025 = tpu.vector_load %arg12[%swap3A_1023, %swap3A_1024] {strides = array<i32>} : memref<32x1024xf32, #tpu.memory_space<vmem>>, vector<1x16xf32>,
      %swap3A_1026 = vector.shape_cast %swap3A_1025 : vector<1x16xf32> to vector<16xf32>
      %swap3A_1027 = vector.shape_cast %add3A_1022 : vector<16xf32> to vector<1x16xf32>
      tpu.vector_store %arg12[%swap3A_1023, %swap3A_1024], %swap3A_1027 {strides = array<i32>} : memref<32x1024xf32, #tpu.memory_space<vmem>>, vector<1x16xf32>,
      %get3A_1028 = arith.index_cast %scan3A_58 : i32 to index
      %get3A_1029 = arith.constant 960 : index
      %get3A_1030 = tpu.vector_load %arg12[%get3A_1028, %get3A_1029] {strides = array<i32>} : memref<32x1024xf32, #tpu.memory_space<vmem>>, vector<1x16xf32>,
      %get3A_1031 = vector.shape_cast %get3A_1030 : vector<1x16xf32> to vector<16xf32>
      %mul3A_1032 = arith.mulf %get3A_64, %get3A_1031 : vector<16xf32>
      %get3A_1033 = arith.index_cast %scan3A_58 : i32 to index
      %get3A_1034 = arith.constant 960 : index
      %get3A_1035 = tpu.vector_load %arg13[%get3A_1033, %get3A_1034] {strides = array<i32>} : memref<32x1024xf32, #tpu.memory_space<vmem>>, vector<1x16xf32>,
      %get3A_1036 = vector.shape_cast %get3A_1035 : vector<1x16xf32> to vector<16xf32>
      %mul3A_1037 = arith.mulf %get3A_68, %get3A_1036 : vector<16xf32>
      %add3A_1038 = arith.addf %mul3A_1032, %mul3A_1037 : vector<16xf32>
      %swap3A_1039 = arith.index_cast %scan3A_58 : i32 to index
      %swap3A_1040 = arith.constant 960 : index
      %swap3A_1041 = tpu.vector_load %arg12[%swap3A_1039, %swap3A_1040] {strides = array<i32>} : memref<32x1024xf32, #tpu.memory_space<vmem>>, vector<1x16xf32>,
      %swap3A_1042 = vector.shape_cast %swap3A_1041 : vector<1x16xf32> to vector<16xf32>
      %swap3A_1043 = vector.shape_cast %add3A_1038 : vector<16xf32> to vector<1x16xf32>
      tpu.vector_store %arg12[%swap3A_1039, %swap3A_1040], %swap3A_1043 {strides = array<i32>} : memref<32x1024xf32, #tpu.memory_space<vmem>>, vector<1x16xf32>,
      %get3A_1044 = arith.index_cast %scan3A_58 : i32 to index
      %get3A_1045 = arith.constant 976 : index
      %get3A_1046 = tpu.vector_load %arg12[%get3A_1044, %get3A_1045] {strides = array<i32>} : memref<32x1024xf32, #tpu.memory_space<vmem>>, vector<1x16xf32>,
      %get3A_1047 = vector.shape_cast %get3A_1046 : vector<1x16xf32> to vector<16xf32>
      %mul3A_1048 = arith.mulf %get3A_64, %get3A_1047 : vector<16xf32>
      %get3A_1049 = arith.index_cast %scan3A_58 : i32 to index
      %get3A_1050 = arith.constant 976 : index
      %get3A_1051 = tpu.vector_load %arg13[%get3A_1049, %get3A_1050] {strides = array<i32>} : memref<32x1024xf32, #tpu.memory_space<vmem>>, vector<1x16xf32>,
      %get3A_1052 = vector.shape_cast %get3A_1051 : vector<1x16xf32> to vector<16xf32>
      %mul3A_1053 = arith.mulf %get3A_68, %get3A_1052 : vector<16xf32>
      %add3A_1054 = arith.addf %mul3A_1048, %mul3A_1053 : vector<16xf32>
      %swap3A_1055 = arith.index_cast %scan3A_58 : i32 to index
      %swap3A_1056 = arith.constant 976 : index
      %swap3A_1057 = tpu.vector_load %arg12[%swap3A_1055, %swap3A_1056] {strides = array<i32>} : memref<32x1024xf32, #tpu.memory_space<vmem>>, vector<1x16xf32>,
      %swap3A_1058 = vector.shape_cast %swap3A_1057 : vector<1x16xf32> to vector<16xf32>
      %swap3A_1059 = vector.shape_cast %add3A_1054 : vector<16xf32> to vector<1x16xf32>
      tpu.vector_store %arg12[%swap3A_1055, %swap3A_1056], %swap3A_1059 {strides = array<i32>} : memref<32x1024xf32, #tpu.memory_space<vmem>>, vector<1x16xf32>,
      %get3A_1060 = arith.index_cast %scan3A_58 : i32 to index
      %get3A_1061 = arith.constant 992 : index
      %get3A_1062 = tpu.vector_load %arg12[%get3A_1060, %get3A_1061] {strides = array<i32>} : memref<32x1024xf32, #tpu.memory_space<vmem>>, vector<1x16xf32>,
      %get3A_1063 = vector.shape_cast %get3A_1062 : vector<1x16xf32> to vector<16xf32>
      %mul3A_1064 = arith.mulf %get3A_64, %get3A_1063 : vector<16xf32>
      %get3A_1065 = arith.index_cast %scan3A_58 : i32 to index
      %get3A_1066 = arith.constant 992 : index
      %get3A_1067 = tpu.vector_load %arg13[%get3A_1065, %get3A_1066] {strides = array<i32>} : memref<32x1024xf32, #tpu.memory_space<vmem>>, vector<1x16xf32>,
      %get3A_1068 = vector.shape_cast %get3A_1067 : vector<1x16xf32> to vector<16xf32>
      %mul3A_1069 = arith.mulf %get3A_68, %get3A_1068 : vector<16xf32>
      %add3A_1070 = arith.addf %mul3A_1064, %mul3A_1069 : vector<16xf32>
      %swap3A_1071 = arith.index_cast %scan3A_58 : i32 to index
      %swap3A_1072 = arith.constant 992 : index
      %swap3A_1073 = tpu.vector_load %arg12[%swap3A_1071, %swap3A_1072] {strides = array<i32>} : memref<32x1024xf32, #tpu.memory_space<vmem>>, vector<1x16xf32>,
      %swap3A_1074 = vector.shape_cast %swap3A_1073 : vector<1x16xf32> to vector<16xf32>
      %swap3A_1075 = vector.shape_cast %add3A_1070 : vector<16xf32> to vector<1x16xf32>
      tpu.vector_store %arg12[%swap3A_1071, %swap3A_1072], %swap3A_1075 {strides = array<i32>} : memref<32x1024xf32, #tpu.memory_space<vmem>>, vector<1x16xf32>,
      %get3A_1076 = arith.index_cast %scan3A_58 : i32 to index
      %get3A_1077 = arith.constant 1008 : index
      %get3A_1078 = tpu.vector_load %arg12[%get3A_1076, %get3A_1077] {strides = array<i32>} : memref<32x1024xf32, #tpu.memory_space<vmem>>, vector<1x16xf32>,
      %get3A_1079 = vector.shape_cast %get3A_1078 : vector<1x16xf32> to vector<16xf32>
      %mul3A_1080 = arith.mulf %get3A_64, %get3A_1079 : vector<16xf32>
      %get3A_1081 = arith.index_cast %scan3A_58 : i32 to index
      %get3A_1082 = arith.constant 1008 : index
      %get3A_1083 = tpu.vector_load %arg13[%get3A_1081, %get3A_1082] {strides = array<i32>} : memref<32x1024xf32, #tpu.memory_space<vmem>>, vector<1x16xf32>,
      %get3A_1084 = vector.shape_cast %get3A_1083 : vector<1x16xf32> to vector<16xf32>
      %mul3A_1085 = arith.mulf %get3A_68, %get3A_1084 : vector<16xf32>
      %add3A_1086 = arith.addf %mul3A_1080, %mul3A_1085 : vector<16xf32>
      %swap3A_1087 = arith.index_cast %scan3A_58 : i32 to index
      %swap3A_1088 = arith.constant 1008 : index
      %swap3A_1089 = tpu.vector_load %arg12[%swap3A_1087, %swap3A_1088] {strides = array<i32>} : memref<32x1024xf32, #tpu.memory_space<vmem>>, vector<1x16xf32>,
      %swap3A_1090 = vector.shape_cast %swap3A_1089 : vector<1x16xf32> to vector<16xf32>
      %swap3A_1091 = vector.shape_cast %add3A_1086 : vector<16xf32> to vector<1x16xf32>
      tpu.vector_store %arg12[%swap3A_1087, %swap3A_1088], %swap3A_1091 {strides = array<i32>} : memref<32x1024xf32, #tpu.memory_space<vmem>>, vector<1x16xf32>,
      %scan3A_1092 = arith.constant 0 : i32
      scf.yield %scan3A_1092 : i32
    }
    %scan3A_26 = arith.constant 32 : i32
    %add3A_27 = arith.constant 0 : i32
    %add3A_28 = arith.addi %mul3A_2, %add3A_27 : i32
    "tpu.region"() ({
      %run_scoped3A = tpu.sem_alloc : memref<!tpu.dma_semaphore, #tpu.memory_space<semaphore_mem>>
      %dma_start3A_58 = arith.constant 0 : i32
      %dma_start3A_59 = tpu.memref_slice %arg7[%add3A_28, %dma_start3A_58] : memref<2048x1024xf32, #tpu.memory_space<hbm>> -> memref<32x1024xf32, #tpu.memory_space<hbm>>
      %dma_start3A_60 = arith.constant 0 : i32
      %dma_start3A_61 = tpu.memref_slice %arg7[%add3A_28, %dma_start3A_60] : memref<2048x1024xf32, #tpu.memory_space<hbm>> -> memref<32x1024xf32, #tpu.memory_space<hbm>>
      tpu.enqueue_dma source(%arg12 : memref<32x1024xf32, #tpu.memory_space<vmem>>) target(%dma_start3A_61 : memref<32x1024xf32, #tpu.memory_space<hbm>>) target_semaphore(%run_scoped3A : memref<!tpu.dma_semaphore, #tpu.memory_space<semaphore_mem>>)
      %dma_wait3A_62 = arith.constant 0 : i32
      %dma_wait3A_63 = tpu.memref_slice %arg7[%add3A_28, %dma_wait3A_62] : memref<2048x1024xf32, #tpu.memory_space<hbm>> -> memref<32x1024xf32, #tpu.memory_space<hbm>>
      %dma_wait3A_64 = arith.constant 0 : i32
      %dma_wait3A_65 = tpu.memref_slice %arg7[%add3A_28, %dma_wait3A_64] : memref<2048x1024xf32, #tpu.memory_space<hbm>> -> memref<32x1024xf32, #tpu.memory_space<hbm>>
      tpu.wait_dma2 semaphore(%run_scoped3A : memref<!tpu.dma_semaphore, #tpu.memory_space<semaphore_mem>>) src(%arg12 : memref<32x1024xf32, #tpu.memory_space<vmem>>) dst(%dma_wait3A_65 : memref<32x1024xf32, #tpu.memory_space<hbm>>)
      tpu.yield
    }) : () -> ()
    %dma_start3A_29 = arith.constant 32 : i32
    %dma_start3A_30 = tpu.memref_slice %arg8[%dma_start3A_29] : memref<64xi32, #tpu.memory_space<vmem>> -> memref<32xi32, #tpu.memory_space<vmem>>
    %dma_start3A_31 = arith.constant 0 : i32
    %dma_start3A_32 = arith.constant 0 : i32
    %dma_start3A_33 = tpu.memref_slice %arg2[%dma_start3A_31, %dma_start3A_32] : memref<6144x1024xf32, #tpu.memory_space<hbm>> -> memref<6144x1024xf32, #tpu.memory_space<hbm>>
    tpu.enqueue_indirect_dma source(%dma_start3A_33 : memref<6144x1024xf32, #tpu.memory_space<hbm>>) target(%arg12 : memref<32x1024xf32, #tpu.memory_space<vmem>>) offsets(%dma_start3A_30 : memref<32xi32, #tpu.memory_space<vmem>>) semaphore(%arg14 : memref<!tpu.dma_semaphore, #tpu.memory_space<semaphore_mem>>)
    %dma_start3A_34 = arith.constant 32 : i32
    %dma_start3A_35 = tpu.memref_slice %arg9[%dma_start3A_34] : memref<64xi32, #tpu.memory_space<vmem>> -> memref<32xi32, #tpu.memory_space<vmem>>
    %dma_start3A_36 = arith.constant 0 : i32
    %dma_start3A_37 = arith.constant 0 : i32
    %dma_start3A_38 = tpu.memref_slice %arg2[%dma_start3A_36, %dma_start3A_37] : memref<6144x1024xf32, #tpu.memory_space<hbm>> -> memref<6144x1024xf32, #tpu.memory_space<hbm>>
    tpu.enqueue_indirect_dma source(%dma_start3A_38 : memref<6144x1024xf32, #tpu.memory_space<hbm>>) target(%arg13 : memref<32x1024xf32, #tpu.memory_space<vmem>>) offsets(%dma_start3A_35 : memref<32xi32, #tpu.memory_space<vmem>>) semaphore(%arg15 : memref<!tpu.dma_semaphore, #tpu.memory_space<semaphore_mem>>)
    %dma_wait3A_39 = arith.constant 32 : i32
    %dma_wait3A_40 = tpu.memref_slice %arg8[%dma_wait3A_39] : memref<64xi32, #tpu.memory_space<vmem>> -> memref<32xi32, #tpu.memory_space<vmem>>
    %dma_wait3A_41 = arith.constant 0 : i32
    %dma_wait3A_42 = arith.constant 0 : i32
    %dma_wait3A_43 = tpu.memref_slice %arg2[%dma_wait3A_41, %dma_wait3A_42] : memref<6144x1024xf32, #tpu.memory_space<hbm>> -> memref<6144x1024xf32, #tpu.memory_space<hbm>>
    tpu.wait_indirect_dma semaphore(%arg14 : memref<!tpu.dma_semaphore, #tpu.memory_space<semaphore_mem>>) src(%dma_wait3A_43 : memref<6144x1024xf32, #tpu.memory_space<hbm>>) dst(%arg12 : memref<32x1024xf32, #tpu.memory_space<vmem>>)
    %dma_wait3A_44 = arith.constant 32 : i32
    %dma_wait3A_45 = tpu.memref_slice %arg9[%dma_wait3A_44] : memref<64xi32, #tpu.memory_space<vmem>> -> memref<32xi32, #tpu.memory_space<vmem>>
    %dma_wait3A_46 = arith.constant 0 : i32
    %dma_wait3A_47 = arith.constant 0 : i32
    %dma_wait3A_48 = tpu.memref_slice %arg2[%dma_wait3A_46, %dma_wait3A_47] : memref<6144x1024xf32, #tpu.memory_space<hbm>> -> memref<6144x1024xf32, #tpu.memory_space<hbm>>
    tpu.wait_indirect_dma semaphore(%arg15 : memref<!tpu.dma_semaphore, #tpu.memory_space<semaphore_mem>>) src(%dma_wait3A_48 : memref<6144x1024xf32, #tpu.memory_space<hbm>>) dst(%arg13 : memref<32x1024xf32, #tpu.memory_space<vmem>>)
    %scan3A_49 = arith.constant 0 : i32
    %scan3A_50 = arith.constant 0 : i32
    %scan3A_51 = arith.constant 32 : i32
    %scan3A_52 = arith.addi %scan3A_50, %scan3A_51 : i32
    %scan3A_53 = arith.constant 1 : i32
    %scan3A_54 = scf.for %scan3A_58 = %scan3A_50 to %scan3A_52 step %scan3A_53 iter_args(%scan3A_59 = %scan3A_49) -> (i32)  : i32 {
      %add3A_60 = arith.constant 32 : i32
      %add3A_61 = arith.addi %add3A_60, %scan3A_58 : i32
      %get3A = arith.index_cast %add3A_61 : i32 to index
      %get3A_62 = arith.constant 0 : index
      %get3A_63 = tpu.vector_load %arg10[%get3A, %get3A_62] {strides = array<i32>} : memref<64x16xf32, #tpu.memory_space<vmem>>, vector<1x16xf32>,
      %get3A_64 = vector.shape_cast %get3A_63 : vector<1x16xf32> to vector<16xf32>
      %get3A_65 = arith.index_cast %add3A_61 : i32 to index
      %get3A_66 = arith.constant 0 : index
      %get3A_67 = tpu.vector_load %arg11[%get3A_65, %get3A_66] {strides = array<i32>} : memref<64x16xf32, #tpu.memory_space<vmem>>, vector<1x16xf32>,
      %get3A_68 = vector.shape_cast %get3A_67 : vector<1x16xf32> to vector<16xf32>
      %get3A_69 = arith.index_cast %scan3A_58 : i32 to index
      %get3A_70 = arith.constant 0 : index
      %get3A_71 = tpu.vector_load %arg12[%get3A_69, %get3A_70] {strides = array<i32>} : memref<32x1024xf32, #tpu.memory_space<vmem>>, vector<1x16xf32>,
      %get3A_72 = vector.shape_cast %get3A_71 : vector<1x16xf32> to vector<16xf32>
      %mul3A_73 = arith.mulf %get3A_64, %get3A_72 : vector<16xf32>
      %get3A_74 = arith.index_cast %scan3A_58 : i32 to index
      %get3A_75 = arith.constant 0 : index
      %get3A_76 = tpu.vector_load %arg13[%get3A_74, %get3A_75] {strides = array<i32>} : memref<32x1024xf32, #tpu.memory_space<vmem>>, vector<1x16xf32>,
      %get3A_77 = vector.shape_cast %get3A_76 : vector<1x16xf32> to vector<16xf32>
      %mul3A_78 = arith.mulf %get3A_68, %get3A_77 : vector<16xf32>
      %add3A_79 = arith.addf %mul3A_73, %mul3A_78 : vector<16xf32>
      %swap3A = arith.index_cast %scan3A_58 : i32 to index
      %swap3A_80 = arith.constant 0 : index
      %swap3A_81 = tpu.vector_load %arg12[%swap3A, %swap3A_80] {strides = array<i32>} : memref<32x1024xf32, #tpu.memory_space<vmem>>, vector<1x16xf32>,
      %swap3A_82 = vector.shape_cast %swap3A_81 : vector<1x16xf32> to vector<16xf32>
      %swap3A_83 = vector.shape_cast %add3A_79 : vector<16xf32> to vector<1x16xf32>
      tpu.vector_store %arg12[%swap3A, %swap3A_80], %swap3A_83 {strides = array<i32>} : memref<32x1024xf32, #tpu.memory_space<vmem>>, vector<1x16xf32>,
      %get3A_84 = arith.index_cast %scan3A_58 : i32 to index
      %get3A_85 = arith.constant 16 : index
      %get3A_86 = tpu.vector_load %arg12[%get3A_84, %get3A_85] {strides = array<i32>} : memref<32x1024xf32, #tpu.memory_space<vmem>>, vector<1x16xf32>,
      %get3A_87 = vector.shape_cast %get3A_86 : vector<1x16xf32> to vector<16xf32>
      %mul3A_88 = arith.mulf %get3A_64, %get3A_87 : vector<16xf32>
      %get3A_89 = arith.index_cast %scan3A_58 : i32 to index
      %get3A_90 = arith.constant 16 : index
      %get3A_91 = tpu.vector_load %arg13[%get3A_89, %get3A_90] {strides = array<i32>} : memref<32x1024xf32, #tpu.memory_space<vmem>>, vector<1x16xf32>,
      %get3A_92 = vector.shape_cast %get3A_91 : vector<1x16xf32> to vector<16xf32>
      %mul3A_93 = arith.mulf %get3A_68, %get3A_92 : vector<16xf32>
      %add3A_94 = arith.addf %mul3A_88, %mul3A_93 : vector<16xf32>
      %swap3A_95 = arith.index_cast %scan3A_58 : i32 to index
      %swap3A_96 = arith.constant 16 : index
      %swap3A_97 = tpu.vector_load %arg12[%swap3A_95, %swap3A_96] {strides = array<i32>} : memref<32x1024xf32, #tpu.memory_space<vmem>>, vector<1x16xf32>,
      %swap3A_98 = vector.shape_cast %swap3A_97 : vector<1x16xf32> to vector<16xf32>
      %swap3A_99 = vector.shape_cast %add3A_94 : vector<16xf32> to vector<1x16xf32>
      tpu.vector_store %arg12[%swap3A_95, %swap3A_96], %swap3A_99 {strides = array<i32>} : memref<32x1024xf32, #tpu.memory_space<vmem>>, vector<1x16xf32>,
      %get3A_100 = arith.index_cast %scan3A_58 : i32 to index
      %get3A_101 = arith.constant 32 : index
      %get3A_102 = tpu.vector_load %arg12[%get3A_100, %get3A_101] {strides = array<i32>} : memref<32x1024xf32, #tpu.memory_space<vmem>>, vector<1x16xf32>,
      %get3A_103 = vector.shape_cast %get3A_102 : vector<1x16xf32> to vector<16xf32>
      %mul3A_104 = arith.mulf %get3A_64, %get3A_103 : vector<16xf32>
      %get3A_105 = arith.index_cast %scan3A_58 : i32 to index
      %get3A_106 = arith.constant 32 : index
      %get3A_107 = tpu.vector_load %arg13[%get3A_105, %get3A_106] {strides = array<i32>} : memref<32x1024xf32, #tpu.memory_space<vmem>>, vector<1x16xf32>,
      %get3A_108 = vector.shape_cast %get3A_107 : vector<1x16xf32> to vector<16xf32>
      %mul3A_109 = arith.mulf %get3A_68, %get3A_108 : vector<16xf32>
      %add3A_110 = arith.addf %mul3A_104, %mul3A_109 : vector<16xf32>
      %swap3A_111 = arith.index_cast %scan3A_58 : i32 to index
      %swap3A_112 = arith.constant 32 : index
      %swap3A_113 = tpu.vector_load %arg12[%swap3A_111, %swap3A_112] {strides = array<i32>} : memref<32x1024xf32, #tpu.memory_space<vmem>>, vector<1x16xf32>,
      %swap3A_114 = vector.shape_cast %swap3A_113 : vector<1x16xf32> to vector<16xf32>
      %swap3A_115 = vector.shape_cast %add3A_110 : vector<16xf32> to vector<1x16xf32>
      tpu.vector_store %arg12[%swap3A_111, %swap3A_112], %swap3A_115 {strides = array<i32>} : memref<32x1024xf32, #tpu.memory_space<vmem>>, vector<1x16xf32>,
      %get3A_116 = arith.index_cast %scan3A_58 : i32 to index
      %get3A_117 = arith.constant 48 : index
      %get3A_118 = tpu.vector_load %arg12[%get3A_116, %get3A_117] {strides = array<i32>} : memref<32x1024xf32, #tpu.memory_space<vmem>>, vector<1x16xf32>,
      %get3A_119 = vector.shape_cast %get3A_118 : vector<1x16xf32> to vector<16xf32>
      %mul3A_120 = arith.mulf %get3A_64, %get3A_119 : vector<16xf32>
      %get3A_121 = arith.index_cast %scan3A_58 : i32 to index
      %get3A_122 = arith.constant 48 : index
      %get3A_123 = tpu.vector_load %arg13[%get3A_121, %get3A_122] {strides = array<i32>} : memref<32x1024xf32, #tpu.memory_space<vmem>>, vector<1x16xf32>,
      %get3A_124 = vector.shape_cast %get3A_123 : vector<1x16xf32> to vector<16xf32>
      %mul3A_125 = arith.mulf %get3A_68, %get3A_124 : vector<16xf32>
      %add3A_126 = arith.addf %mul3A_120, %mul3A_125 : vector<16xf32>
      %swap3A_127 = arith.index_cast %scan3A_58 : i32 to index
      %swap3A_128 = arith.constant 48 : index
      %swap3A_129 = tpu.vector_load %arg12[%swap3A_127, %swap3A_128] {strides = array<i32>} : memref<32x1024xf32, #tpu.memory_space<vmem>>, vector<1x16xf32>,
      %swap3A_130 = vector.shape_cast %swap3A_129 : vector<1x16xf32> to vector<16xf32>
      %swap3A_131 = vector.shape_cast %add3A_126 : vector<16xf32> to vector<1x16xf32>
      tpu.vector_store %arg12[%swap3A_127, %swap3A_128], %swap3A_131 {strides = array<i32>} : memref<32x1024xf32, #tpu.memory_space<vmem>>, vector<1x16xf32>,
      %get3A_132 = arith.index_cast %scan3A_58 : i32 to index
      %get3A_133 = arith.constant 64 : index
      %get3A_134 = tpu.vector_load %arg12[%get3A_132, %get3A_133] {strides = array<i32>} : memref<32x1024xf32, #tpu.memory_space<vmem>>, vector<1x16xf32>,
      %get3A_135 = vector.shape_cast %get3A_134 : vector<1x16xf32> to vector<16xf32>
      %mul3A_136 = arith.mulf %get3A_64, %get3A_135 : vector<16xf32>
      %get3A_137 = arith.index_cast %scan3A_58 : i32 to index
      %get3A_138 = arith.constant 64 : index
      %get3A_139 = tpu.vector_load %arg13[%get3A_137, %get3A_138] {strides = array<i32>} : memref<32x1024xf32, #tpu.memory_space<vmem>>, vector<1x16xf32>,
      %get3A_140 = vector.shape_cast %get3A_139 : vector<1x16xf32> to vector<16xf32>
      %mul3A_141 = arith.mulf %get3A_68, %get3A_140 : vector<16xf32>
      %add3A_142 = arith.addf %mul3A_136, %mul3A_141 : vector<16xf32>
      %swap3A_143 = arith.index_cast %scan3A_58 : i32 to index
      %swap3A_144 = arith.constant 64 : index
      %swap3A_145 = tpu.vector_load %arg12[%swap3A_143, %swap3A_144] {strides = array<i32>} : memref<32x1024xf32, #tpu.memory_space<vmem>>, vector<1x16xf32>,
      %swap3A_146 = vector.shape_cast %swap3A_145 : vector<1x16xf32> to vector<16xf32>
      %swap3A_147 = vector.shape_cast %add3A_142 : vector<16xf32> to vector<1x16xf32>
      tpu.vector_store %arg12[%swap3A_143, %swap3A_144], %swap3A_147 {strides = array<i32>} : memref<32x1024xf32, #tpu.memory_space<vmem>>, vector<1x16xf32>,
      %get3A_148 = arith.index_cast %scan3A_58 : i32 to index
      %get3A_149 = arith.constant 80 : index
      %get3A_150 = tpu.vector_load %arg12[%get3A_148, %get3A_149] {strides = array<i32>} : memref<32x1024xf32, #tpu.memory_space<vmem>>, vector<1x16xf32>,
      %get3A_151 = vector.shape_cast %get3A_150 : vector<1x16xf32> to vector<16xf32>
      %mul3A_152 = arith.mulf %get3A_64, %get3A_151 : vector<16xf32>
      %get3A_153 = arith.index_cast %scan3A_58 : i32 to index
      %get3A_154 = arith.constant 80 : index
      %get3A_155 = tpu.vector_load %arg13[%get3A_153, %get3A_154] {strides = array<i32>} : memref<32x1024xf32, #tpu.memory_space<vmem>>, vector<1x16xf32>,
      %get3A_156 = vector.shape_cast %get3A_155 : vector<1x16xf32> to vector<16xf32>
      %mul3A_157 = arith.mulf %get3A_68, %get3A_156 : vector<16xf32>
      %add3A_158 = arith.addf %mul3A_152, %mul3A_157 : vector<16xf32>
      %swap3A_159 = arith.index_cast %scan3A_58 : i32 to index
      %swap3A_160 = arith.constant 80 : index
      %swap3A_161 = tpu.vector_load %arg12[%swap3A_159, %swap3A_160] {strides = array<i32>} : memref<32x1024xf32, #tpu.memory_space<vmem>>, vector<1x16xf32>,
      %swap3A_162 = vector.shape_cast %swap3A_161 : vector<1x16xf32> to vector<16xf32>
      %swap3A_163 = vector.shape_cast %add3A_158 : vector<16xf32> to vector<1x16xf32>
      tpu.vector_store %arg12[%swap3A_159, %swap3A_160], %swap3A_163 {strides = array<i32>} : memref<32x1024xf32, #tpu.memory_space<vmem>>, vector<1x16xf32>,
      %get3A_164 = arith.index_cast %scan3A_58 : i32 to index
      %get3A_165 = arith.constant 96 : index
      %get3A_166 = tpu.vector_load %arg12[%get3A_164, %get3A_165] {strides = array<i32>} : memref<32x1024xf32, #tpu.memory_space<vmem>>, vector<1x16xf32>,
      %get3A_167 = vector.shape_cast %get3A_166 : vector<1x16xf32> to vector<16xf32>
      %mul3A_168 = arith.mulf %get3A_64, %get3A_167 : vector<16xf32>
      %get3A_169 = arith.index_cast %scan3A_58 : i32 to index
      %get3A_170 = arith.constant 96 : index
      %get3A_171 = tpu.vector_load %arg13[%get3A_169, %get3A_170] {strides = array<i32>} : memref<32x1024xf32, #tpu.memory_space<vmem>>, vector<1x16xf32>,
      %get3A_172 = vector.shape_cast %get3A_171 : vector<1x16xf32> to vector<16xf32>
      %mul3A_173 = arith.mulf %get3A_68, %get3A_172 : vector<16xf32>
      %add3A_174 = arith.addf %mul3A_168, %mul3A_173 : vector<16xf32>
      %swap3A_175 = arith.index_cast %scan3A_58 : i32 to index
      %swap3A_176 = arith.constant 96 : index
      %swap3A_177 = tpu.vector_load %arg12[%swap3A_175, %swap3A_176] {strides = array<i32>} : memref<32x1024xf32, #tpu.memory_space<vmem>>, vector<1x16xf32>,
      %swap3A_178 = vector.shape_cast %swap3A_177 : vector<1x16xf32> to vector<16xf32>
      %swap3A_179 = vector.shape_cast %add3A_174 : vector<16xf32> to vector<1x16xf32>
      tpu.vector_store %arg12[%swap3A_175, %swap3A_176], %swap3A_179 {strides = array<i32>} : memref<32x1024xf32, #tpu.memory_space<vmem>>, vector<1x16xf32>,
      %get3A_180 = arith.index_cast %scan3A_58 : i32 to index
      %get3A_181 = arith.constant 112 : index
      %get3A_182 = tpu.vector_load %arg12[%get3A_180, %get3A_181] {strides = array<i32>} : memref<32x1024xf32, #tpu.memory_space<vmem>>, vector<1x16xf32>,
      %get3A_183 = vector.shape_cast %get3A_182 : vector<1x16xf32> to vector<16xf32>
      %mul3A_184 = arith.mulf %get3A_64, %get3A_183 : vector<16xf32>
      %get3A_185 = arith.index_cast %scan3A_58 : i32 to index
      %get3A_186 = arith.constant 112 : index
      %get3A_187 = tpu.vector_load %arg13[%get3A_185, %get3A_186] {strides = array<i32>} : memref<32x1024xf32, #tpu.memory_space<vmem>>, vector<1x16xf32>,
      %get3A_188 = vector.shape_cast %get3A_187 : vector<1x16xf32> to vector<16xf32>
      %mul3A_189 = arith.mulf %get3A_68, %get3A_188 : vector<16xf32>
      %add3A_190 = arith.addf %mul3A_184, %mul3A_189 : vector<16xf32>
      %swap3A_191 = arith.index_cast %scan3A_58 : i32 to index
      %swap3A_192 = arith.constant 112 : index
      %swap3A_193 = tpu.vector_load %arg12[%swap3A_191, %swap3A_192] {strides = array<i32>} : memref<32x1024xf32, #tpu.memory_space<vmem>>, vector<1x16xf32>,
      %swap3A_194 = vector.shape_cast %swap3A_193 : vector<1x16xf32> to vector<16xf32>
      %swap3A_195 = vector.shape_cast %add3A_190 : vector<16xf32> to vector<1x16xf32>
      tpu.vector_store %arg12[%swap3A_191, %swap3A_192], %swap3A_195 {strides = array<i32>} : memref<32x1024xf32, #tpu.memory_space<vmem>>, vector<1x16xf32>,
      %get3A_196 = arith.index_cast %scan3A_58 : i32 to index
      %get3A_197 = arith.constant 128 : index
      %get3A_198 = tpu.vector_load %arg12[%get3A_196, %get3A_197] {strides = array<i32>} : memref<32x1024xf32, #tpu.memory_space<vmem>>, vector<1x16xf32>,
      %get3A_199 = vector.shape_cast %get3A_198 : vector<1x16xf32> to vector<16xf32>
      %mul3A_200 = arith.mulf %get3A_64, %get3A_199 : vector<16xf32>
      %get3A_201 = arith.index_cast %scan3A_58 : i32 to index
      %get3A_202 = arith.constant 128 : index
      %get3A_203 = tpu.vector_load %arg13[%get3A_201, %get3A_202] {strides = array<i32>} : memref<32x1024xf32, #tpu.memory_space<vmem>>, vector<1x16xf32>,
      %get3A_204 = vector.shape_cast %get3A_203 : vector<1x16xf32> to vector<16xf32>
      %mul3A_205 = arith.mulf %get3A_68, %get3A_204 : vector<16xf32>
      %add3A_206 = arith.addf %mul3A_200, %mul3A_205 : vector<16xf32>
      %swap3A_207 = arith.index_cast %scan3A_58 : i32 to index
      %swap3A_208 = arith.constant 128 : index
      %swap3A_209 = tpu.vector_load %arg12[%swap3A_207, %swap3A_208] {strides = array<i32>} : memref<32x1024xf32, #tpu.memory_space<vmem>>, vector<1x16xf32>,
      %swap3A_210 = vector.shape_cast %swap3A_209 : vector<1x16xf32> to vector<16xf32>
      %swap3A_211 = vector.shape_cast %add3A_206 : vector<16xf32> to vector<1x16xf32>
      tpu.vector_store %arg12[%swap3A_207, %swap3A_208], %swap3A_211 {strides = array<i32>} : memref<32x1024xf32, #tpu.memory_space<vmem>>, vector<1x16xf32>,
      %get3A_212 = arith.index_cast %scan3A_58 : i32 to index
      %get3A_213 = arith.constant 144 : index
      %get3A_214 = tpu.vector_load %arg12[%get3A_212, %get3A_213] {strides = array<i32>} : memref<32x1024xf32, #tpu.memory_space<vmem>>, vector<1x16xf32>,
      %get3A_215 = vector.shape_cast %get3A_214 : vector<1x16xf32> to vector<16xf32>
      %mul3A_216 = arith.mulf %get3A_64, %get3A_215 : vector<16xf32>
      %get3A_217 = arith.index_cast %scan3A_58 : i32 to index
      %get3A_218 = arith.constant 144 : index
      %get3A_219 = tpu.vector_load %arg13[%get3A_217, %get3A_218] {strides = array<i32>} : memref<32x1024xf32, #tpu.memory_space<vmem>>, vector<1x16xf32>,
      %get3A_220 = vector.shape_cast %get3A_219 : vector<1x16xf32> to vector<16xf32>
      %mul3A_221 = arith.mulf %get3A_68, %get3A_220 : vector<16xf32>
      %add3A_222 = arith.addf %mul3A_216, %mul3A_221 : vector<16xf32>
      %swap3A_223 = arith.index_cast %scan3A_58 : i32 to index
      %swap3A_224 = arith.constant 144 : index
      %swap3A_225 = tpu.vector_load %arg12[%swap3A_223, %swap3A_224] {strides = array<i32>} : memref<32x1024xf32, #tpu.memory_space<vmem>>, vector<1x16xf32>,
      %swap3A_226 = vector.shape_cast %swap3A_225 : vector<1x16xf32> to vector<16xf32>
      %swap3A_227 = vector.shape_cast %add3A_222 : vector<16xf32> to vector<1x16xf32>
      tpu.vector_store %arg12[%swap3A_223, %swap3A_224], %swap3A_227 {strides = array<i32>} : memref<32x1024xf32, #tpu.memory_space<vmem>>, vector<1x16xf32>,
      %get3A_228 = arith.index_cast %scan3A_58 : i32 to index
      %get3A_229 = arith.constant 160 : index
      %get3A_230 = tpu.vector_load %arg12[%get3A_228, %get3A_229] {strides = array<i32>} : memref<32x1024xf32, #tpu.memory_space<vmem>>, vector<1x16xf32>,
      %get3A_231 = vector.shape_cast %get3A_230 : vector<1x16xf32> to vector<16xf32>
      %mul3A_232 = arith.mulf %get3A_64, %get3A_231 : vector<16xf32>
      %get3A_233 = arith.index_cast %scan3A_58 : i32 to index
      %get3A_234 = arith.constant 160 : index
      %get3A_235 = tpu.vector_load %arg13[%get3A_233, %get3A_234] {strides = array<i32>} : memref<32x1024xf32, #tpu.memory_space<vmem>>, vector<1x16xf32>,
      %get3A_236 = vector.shape_cast %get3A_235 : vector<1x16xf32> to vector<16xf32>
      %mul3A_237 = arith.mulf %get3A_68, %get3A_236 : vector<16xf32>
      %add3A_238 = arith.addf %mul3A_232, %mul3A_237 : vector<16xf32>
      %swap3A_239 = arith.index_cast %scan3A_58 : i32 to index
      %swap3A_240 = arith.constant 160 : index
      %swap3A_241 = tpu.vector_load %arg12[%swap3A_239, %swap3A_240] {strides = array<i32>} : memref<32x1024xf32, #tpu.memory_space<vmem>>, vector<1x16xf32>,
      %swap3A_242 = vector.shape_cast %swap3A_241 : vector<1x16xf32> to vector<16xf32>
      %swap3A_243 = vector.shape_cast %add3A_238 : vector<16xf32> to vector<1x16xf32>
      tpu.vector_store %arg12[%swap3A_239, %swap3A_240], %swap3A_243 {strides = array<i32>} : memref<32x1024xf32, #tpu.memory_space<vmem>>, vector<1x16xf32>,
      %get3A_244 = arith.index_cast %scan3A_58 : i32 to index
      %get3A_245 = arith.constant 176 : index
      %get3A_246 = tpu.vector_load %arg12[%get3A_244, %get3A_245] {strides = array<i32>} : memref<32x1024xf32, #tpu.memory_space<vmem>>, vector<1x16xf32>,
      %get3A_247 = vector.shape_cast %get3A_246 : vector<1x16xf32> to vector<16xf32>
      %mul3A_248 = arith.mulf %get3A_64, %get3A_247 : vector<16xf32>
      %get3A_249 = arith.index_cast %scan3A_58 : i32 to index
      %get3A_250 = arith.constant 176 : index
      %get3A_251 = tpu.vector_load %arg13[%get3A_249, %get3A_250] {strides = array<i32>} : memref<32x1024xf32, #tpu.memory_space<vmem>>, vector<1x16xf32>,
      %get3A_252 = vector.shape_cast %get3A_251 : vector<1x16xf32> to vector<16xf32>
      %mul3A_253 = arith.mulf %get3A_68, %get3A_252 : vector<16xf32>
      %add3A_254 = arith.addf %mul3A_248, %mul3A_253 : vector<16xf32>
      %swap3A_255 = arith.index_cast %scan3A_58 : i32 to index
      %swap3A_256 = arith.constant 176 : index
      %swap3A_257 = tpu.vector_load %arg12[%swap3A_255, %swap3A_256] {strides = array<i32>} : memref<32x1024xf32, #tpu.memory_space<vmem>>, vector<1x16xf32>,
      %swap3A_258 = vector.shape_cast %swap3A_257 : vector<1x16xf32> to vector<16xf32>
      %swap3A_259 = vector.shape_cast %add3A_254 : vector<16xf32> to vector<1x16xf32>
      tpu.vector_store %arg12[%swap3A_255, %swap3A_256], %swap3A_259 {strides = array<i32>} : memref<32x1024xf32, #tpu.memory_space<vmem>>, vector<1x16xf32>,
      %get3A_260 = arith.index_cast %scan3A_58 : i32 to index
      %get3A_261 = arith.constant 192 : index
      %get3A_262 = tpu.vector_load %arg12[%get3A_260, %get3A_261] {strides = array<i32>} : memref<32x1024xf32, #tpu.memory_space<vmem>>, vector<1x16xf32>,
      %get3A_263 = vector.shape_cast %get3A_262 : vector<1x16xf32> to vector<16xf32>
      %mul3A_264 = arith.mulf %get3A_64, %get3A_263 : vector<16xf32>
      %get3A_265 = arith.index_cast %scan3A_58 : i32 to index
      %get3A_266 = arith.constant 192 : index
      %get3A_267 = tpu.vector_load %arg13[%get3A_265, %get3A_266] {strides = array<i32>} : memref<32x1024xf32, #tpu.memory_space<vmem>>, vector<1x16xf32>,
      %get3A_268 = vector.shape_cast %get3A_267 : vector<1x16xf32> to vector<16xf32>
      %mul3A_269 = arith.mulf %get3A_68, %get3A_268 : vector<16xf32>
      %add3A_270 = arith.addf %mul3A_264, %mul3A_269 : vector<16xf32>
      %swap3A_271 = arith.index_cast %scan3A_58 : i32 to index
      %swap3A_272 = arith.constant 192 : index
      %swap3A_273 = tpu.vector_load %arg12[%swap3A_271, %swap3A_272] {strides = array<i32>} : memref<32x1024xf32, #tpu.memory_space<vmem>>, vector<1x16xf32>,
      %swap3A_274 = vector.shape_cast %swap3A_273 : vector<1x16xf32> to vector<16xf32>
      %swap3A_275 = vector.shape_cast %add3A_270 : vector<16xf32> to vector<1x16xf32>
      tpu.vector_store %arg12[%swap3A_271, %swap3A_272], %swap3A_275 {strides = array<i32>} : memref<32x1024xf32, #tpu.memory_space<vmem>>, vector<1x16xf32>,
      %get3A_276 = arith.index_cast %scan3A_58 : i32 to index
      %get3A_277 = arith.constant 208 : index
      %get3A_278 = tpu.vector_load %arg12[%get3A_276, %get3A_277] {strides = array<i32>} : memref<32x1024xf32, #tpu.memory_space<vmem>>, vector<1x16xf32>,
      %get3A_279 = vector.shape_cast %get3A_278 : vector<1x16xf32> to vector<16xf32>
      %mul3A_280 = arith.mulf %get3A_64, %get3A_279 : vector<16xf32>
      %get3A_281 = arith.index_cast %scan3A_58 : i32 to index
      %get3A_282 = arith.constant 208 : index
      %get3A_283 = tpu.vector_load %arg13[%get3A_281, %get3A_282] {strides = array<i32>} : memref<32x1024xf32, #tpu.memory_space<vmem>>, vector<1x16xf32>,
      %get3A_284 = vector.shape_cast %get3A_283 : vector<1x16xf32> to vector<16xf32>
      %mul3A_285 = arith.mulf %get3A_68, %get3A_284 : vector<16xf32>
      %add3A_286 = arith.addf %mul3A_280, %mul3A_285 : vector<16xf32>
      %swap3A_287 = arith.index_cast %scan3A_58 : i32 to index
      %swap3A_288 = arith.constant 208 : index
      %swap3A_289 = tpu.vector_load %arg12[%swap3A_287, %swap3A_288] {strides = array<i32>} : memref<32x1024xf32, #tpu.memory_space<vmem>>, vector<1x16xf32>,
      %swap3A_290 = vector.shape_cast %swap3A_289 : vector<1x16xf32> to vector<16xf32>
      %swap3A_291 = vector.shape_cast %add3A_286 : vector<16xf32> to vector<1x16xf32>
      tpu.vector_store %arg12[%swap3A_287, %swap3A_288], %swap3A_291 {strides = array<i32>} : memref<32x1024xf32, #tpu.memory_space<vmem>>, vector<1x16xf32>,
      %get3A_292 = arith.index_cast %scan3A_58 : i32 to index
      %get3A_293 = arith.constant 224 : index
      %get3A_294 = tpu.vector_load %arg12[%get3A_292, %get3A_293] {strides = array<i32>} : memref<32x1024xf32, #tpu.memory_space<vmem>>, vector<1x16xf32>,
      %get3A_295 = vector.shape_cast %get3A_294 : vector<1x16xf32> to vector<16xf32>
      %mul3A_296 = arith.mulf %get3A_64, %get3A_295 : vector<16xf32>
      %get3A_297 = arith.index_cast %scan3A_58 : i32 to index
      %get3A_298 = arith.constant 224 : index
      %get3A_299 = tpu.vector_load %arg13[%get3A_297, %get3A_298] {strides = array<i32>} : memref<32x1024xf32, #tpu.memory_space<vmem>>, vector<1x16xf32>,
      %get3A_300 = vector.shape_cast %get3A_299 : vector<1x16xf32> to vector<16xf32>
      %mul3A_301 = arith.mulf %get3A_68, %get3A_300 : vector<16xf32>
      %add3A_302 = arith.addf %mul3A_296, %mul3A_301 : vector<16xf32>
      %swap3A_303 = arith.index_cast %scan3A_58 : i32 to index
      %swap3A_304 = arith.constant 224 : index
      %swap3A_305 = tpu.vector_load %arg12[%swap3A_303, %swap3A_304] {strides = array<i32>} : memref<32x1024xf32, #tpu.memory_space<vmem>>, vector<1x16xf32>,
      %swap3A_306 = vector.shape_cast %swap3A_305 : vector<1x16xf32> to vector<16xf32>
      %swap3A_307 = vector.shape_cast %add3A_302 : vector<16xf32> to vector<1x16xf32>
      tpu.vector_store %arg12[%swap3A_303, %swap3A_304], %swap3A_307 {strides = array<i32>} : memref<32x1024xf32, #tpu.memory_space<vmem>>, vector<1x16xf32>,
      %get3A_308 = arith.index_cast %scan3A_58 : i32 to index
      %get3A_309 = arith.constant 240 : index
      %get3A_310 = tpu.vector_load %arg12[%get3A_308, %get3A_309] {strides = array<i32>} : memref<32x1024xf32, #tpu.memory_space<vmem>>, vector<1x16xf32>,
      %get3A_311 = vector.shape_cast %get3A_310 : vector<1x16xf32> to vector<16xf32>
      %mul3A_312 = arith.mulf %get3A_64, %get3A_311 : vector<16xf32>
      %get3A_313 = arith.index_cast %scan3A_58 : i32 to index
      %get3A_314 = arith.constant 240 : index
      %get3A_315 = tpu.vector_load %arg13[%get3A_313, %get3A_314] {strides = array<i32>} : memref<32x1024xf32, #tpu.memory_space<vmem>>, vector<1x16xf32>,
      %get3A_316 = vector.shape_cast %get3A_315 : vector<1x16xf32> to vector<16xf32>
      %mul3A_317 = arith.mulf %get3A_68, %get3A_316 : vector<16xf32>
      %add3A_318 = arith.addf %mul3A_312, %mul3A_317 : vector<16xf32>
      %swap3A_319 = arith.index_cast %scan3A_58 : i32 to index
      %swap3A_320 = arith.constant 240 : index
      %swap3A_321 = tpu.vector_load %arg12[%swap3A_319, %swap3A_320] {strides = array<i32>} : memref<32x1024xf32, #tpu.memory_space<vmem>>, vector<1x16xf32>,
      %swap3A_322 = vector.shape_cast %swap3A_321 : vector<1x16xf32> to vector<16xf32>
      %swap3A_323 = vector.shape_cast %add3A_318 : vector<16xf32> to vector<1x16xf32>
      tpu.vector_store %arg12[%swap3A_319, %swap3A_320], %swap3A_323 {strides = array<i32>} : memref<32x1024xf32, #tpu.memory_space<vmem>>, vector<1x16xf32>,
      %get3A_324 = arith.index_cast %scan3A_58 : i32 to index
      %get3A_325 = arith.constant 256 : index
      %get3A_326 = tpu.vector_load %arg12[%get3A_324, %get3A_325] {strides = array<i32>} : memref<32x1024xf32, #tpu.memory_space<vmem>>, vector<1x16xf32>,
      %get3A_327 = vector.shape_cast %get3A_326 : vector<1x16xf32> to vector<16xf32>
      %mul3A_328 = arith.mulf %get3A_64, %get3A_327 : vector<16xf32>
      %get3A_329 = arith.index_cast %scan3A_58 : i32 to index
      %get3A_330 = arith.constant 256 : index
      %get3A_331 = tpu.vector_load %arg13[%get3A_329, %get3A_330] {strides = array<i32>} : memref<32x1024xf32, #tpu.memory_space<vmem>>, vector<1x16xf32>,
      %get3A_332 = vector.shape_cast %get3A_331 : vector<1x16xf32> to vector<16xf32>
      %mul3A_333 = arith.mulf %get3A_68, %get3A_332 : vector<16xf32>
      %add3A_334 = arith.addf %mul3A_328, %mul3A_333 : vector<16xf32>
      %swap3A_335 = arith.index_cast %scan3A_58 : i32 to index
      %swap3A_336 = arith.constant 256 : index
      %swap3A_337 = tpu.vector_load %arg12[%swap3A_335, %swap3A_336] {strides = array<i32>} : memref<32x1024xf32, #tpu.memory_space<vmem>>, vector<1x16xf32>,
      %swap3A_338 = vector.shape_cast %swap3A_337 : vector<1x16xf32> to vector<16xf32>
      %swap3A_339 = vector.shape_cast %add3A_334 : vector<16xf32> to vector<1x16xf32>
      tpu.vector_store %arg12[%swap3A_335, %swap3A_336], %swap3A_339 {strides = array<i32>} : memref<32x1024xf32, #tpu.memory_space<vmem>>, vector<1x16xf32>,
      %get3A_340 = arith.index_cast %scan3A_58 : i32 to index
      %get3A_341 = arith.constant 272 : index
      %get3A_342 = tpu.vector_load %arg12[%get3A_340, %get3A_341] {strides = array<i32>} : memref<32x1024xf32, #tpu.memory_space<vmem>>, vector<1x16xf32>,
      %get3A_343 = vector.shape_cast %get3A_342 : vector<1x16xf32> to vector<16xf32>
      %mul3A_344 = arith.mulf %get3A_64, %get3A_343 : vector<16xf32>
      %get3A_345 = arith.index_cast %scan3A_58 : i32 to index
      %get3A_346 = arith.constant 272 : index
      %get3A_347 = tpu.vector_load %arg13[%get3A_345, %get3A_346] {strides = array<i32>} : memref<32x1024xf32, #tpu.memory_space<vmem>>, vector<1x16xf32>,
      %get3A_348 = vector.shape_cast %get3A_347 : vector<1x16xf32> to vector<16xf32>
      %mul3A_349 = arith.mulf %get3A_68, %get3A_348 : vector<16xf32>
      %add3A_350 = arith.addf %mul3A_344, %mul3A_349 : vector<16xf32>
      %swap3A_351 = arith.index_cast %scan3A_58 : i32 to index
      %swap3A_352 = arith.constant 272 : index
      %swap3A_353 = tpu.vector_load %arg12[%swap3A_351, %swap3A_352] {strides = array<i32>} : memref<32x1024xf32, #tpu.memory_space<vmem>>, vector<1x16xf32>,
      %swap3A_354 = vector.shape_cast %swap3A_353 : vector<1x16xf32> to vector<16xf32>
      %swap3A_355 = vector.shape_cast %add3A_350 : vector<16xf32> to vector<1x16xf32>
      tpu.vector_store %arg12[%swap3A_351, %swap3A_352], %swap3A_355 {strides = array<i32>} : memref<32x1024xf32, #tpu.memory_space<vmem>>, vector<1x16xf32>,
      %get3A_356 = arith.index_cast %scan3A_58 : i32 to index
      %get3A_357 = arith.constant 288 : index
      %get3A_358 = tpu.vector_load %arg12[%get3A_356, %get3A_357] {strides = array<i32>} : memref<32x1024xf32, #tpu.memory_space<vmem>>, vector<1x16xf32>,
      %get3A_359 = vector.shape_cast %get3A_358 : vector<1x16xf32> to vector<16xf32>
      %mul3A_360 = arith.mulf %get3A_64, %get3A_359 : vector<16xf32>
      %get3A_361 = arith.index_cast %scan3A_58 : i32 to index
      %get3A_362 = arith.constant 288 : index
      %get3A_363 = tpu.vector_load %arg13[%get3A_361, %get3A_362] {strides = array<i32>} : memref<32x1024xf32, #tpu.memory_space<vmem>>, vector<1x16xf32>,
      %get3A_364 = vector.shape_cast %get3A_363 : vector<1x16xf32> to vector<16xf32>
      %mul3A_365 = arith.mulf %get3A_68, %get3A_364 : vector<16xf32>
      %add3A_366 = arith.addf %mul3A_360, %mul3A_365 : vector<16xf32>
      %swap3A_367 = arith.index_cast %scan3A_58 : i32 to index
      %swap3A_368 = arith.constant 288 : index
      %swap3A_369 = tpu.vector_load %arg12[%swap3A_367, %swap3A_368] {strides = array<i32>} : memref<32x1024xf32, #tpu.memory_space<vmem>>, vector<1x16xf32>,
      %swap3A_370 = vector.shape_cast %swap3A_369 : vector<1x16xf32> to vector<16xf32>
      %swap3A_371 = vector.shape_cast %add3A_366 : vector<16xf32> to vector<1x16xf32>
      tpu.vector_store %arg12[%swap3A_367, %swap3A_368], %swap3A_371 {strides = array<i32>} : memref<32x1024xf32, #tpu.memory_space<vmem>>, vector<1x16xf32>,
      %get3A_372 = arith.index_cast %scan3A_58 : i32 to index
      %get3A_373 = arith.constant 304 : index
      %get3A_374 = tpu.vector_load %arg12[%get3A_372, %get3A_373] {strides = array<i32>} : memref<32x1024xf32, #tpu.memory_space<vmem>>, vector<1x16xf32>,
      %get3A_375 = vector.shape_cast %get3A_374 : vector<1x16xf32> to vector<16xf32>
      %mul3A_376 = arith.mulf %get3A_64, %get3A_375 : vector<16xf32>
      %get3A_377 = arith.index_cast %scan3A_58 : i32 to index
      %get3A_378 = arith.constant 304 : index
      %get3A_379 = tpu.vector_load %arg13[%get3A_377, %get3A_378] {strides = array<i32>} : memref<32x1024xf32, #tpu.memory_space<vmem>>, vector<1x16xf32>,
      %get3A_380 = vector.shape_cast %get3A_379 : vector<1x16xf32> to vector<16xf32>
      %mul3A_381 = arith.mulf %get3A_68, %get3A_380 : vector<16xf32>
      %add3A_382 = arith.addf %mul3A_376, %mul3A_381 : vector<16xf32>
      %swap3A_383 = arith.index_cast %scan3A_58 : i32 to index
      %swap3A_384 = arith.constant 304 : index
      %swap3A_385 = tpu.vector_load %arg12[%swap3A_383, %swap3A_384] {strides = array<i32>} : memref<32x1024xf32, #tpu.memory_space<vmem>>, vector<1x16xf32>,
      %swap3A_386 = vector.shape_cast %swap3A_385 : vector<1x16xf32> to vector<16xf32>
      %swap3A_387 = vector.shape_cast %add3A_382 : vector<16xf32> to vector<1x16xf32>
      tpu.vector_store %arg12[%swap3A_383, %swap3A_384], %swap3A_387 {strides = array<i32>} : memref<32x1024xf32, #tpu.memory_space<vmem>>, vector<1x16xf32>,
      %get3A_388 = arith.index_cast %scan3A_58 : i32 to index
      %get3A_389 = arith.constant 320 : index
      %get3A_390 = tpu.vector_load %arg12[%get3A_388, %get3A_389] {strides = array<i32>} : memref<32x1024xf32, #tpu.memory_space<vmem>>, vector<1x16xf32>,
      %get3A_391 = vector.shape_cast %get3A_390 : vector<1x16xf32> to vector<16xf32>
      %mul3A_392 = arith.mulf %get3A_64, %get3A_391 : vector<16xf32>
      %get3A_393 = arith.index_cast %scan3A_58 : i32 to index
      %get3A_394 = arith.constant 320 : index
      %get3A_395 = tpu.vector_load %arg13[%get3A_393, %get3A_394] {strides = array<i32>} : memref<32x1024xf32, #tpu.memory_space<vmem>>, vector<1x16xf32>,
      %get3A_396 = vector.shape_cast %get3A_395 : vector<1x16xf32> to vector<16xf32>
      %mul3A_397 = arith.mulf %get3A_68, %get3A_396 : vector<16xf32>
      %add3A_398 = arith.addf %mul3A_392, %mul3A_397 : vector<16xf32>
      %swap3A_399 = arith.index_cast %scan3A_58 : i32 to index
      %swap3A_400 = arith.constant 320 : index
      %swap3A_401 = tpu.vector_load %arg12[%swap3A_399, %swap3A_400] {strides = array<i32>} : memref<32x1024xf32, #tpu.memory_space<vmem>>, vector<1x16xf32>,
      %swap3A_402 = vector.shape_cast %swap3A_401 : vector<1x16xf32> to vector<16xf32>
      %swap3A_403 = vector.shape_cast %add3A_398 : vector<16xf32> to vector<1x16xf32>
      tpu.vector_store %arg12[%swap3A_399, %swap3A_400], %swap3A_403 {strides = array<i32>} : memref<32x1024xf32, #tpu.memory_space<vmem>>, vector<1x16xf32>,
      %get3A_404 = arith.index_cast %scan3A_58 : i32 to index
      %get3A_405 = arith.constant 336 : index
      %get3A_406 = tpu.vector_load %arg12[%get3A_404, %get3A_405] {strides = array<i32>} : memref<32x1024xf32, #tpu.memory_space<vmem>>, vector<1x16xf32>,
      %get3A_407 = vector.shape_cast %get3A_406 : vector<1x16xf32> to vector<16xf32>
      %mul3A_408 = arith.mulf %get3A_64, %get3A_407 : vector<16xf32>
      %get3A_409 = arith.index_cast %scan3A_58 : i32 to index
      %get3A_410 = arith.constant 336 : index
      %get3A_411 = tpu.vector_load %arg13[%get3A_409, %get3A_410] {strides = array<i32>} : memref<32x1024xf32, #tpu.memory_space<vmem>>, vector<1x16xf32>,
      %get3A_412 = vector.shape_cast %get3A_411 : vector<1x16xf32> to vector<16xf32>
      %mul3A_413 = arith.mulf %get3A_68, %get3A_412 : vector<16xf32>
      %add3A_414 = arith.addf %mul3A_408, %mul3A_413 : vector<16xf32>
      %swap3A_415 = arith.index_cast %scan3A_58 : i32 to index
      %swap3A_416 = arith.constant 336 : index
      %swap3A_417 = tpu.vector_load %arg12[%swap3A_415, %swap3A_416] {strides = array<i32>} : memref<32x1024xf32, #tpu.memory_space<vmem>>, vector<1x16xf32>,
      %swap3A_418 = vector.shape_cast %swap3A_417 : vector<1x16xf32> to vector<16xf32>
      %swap3A_419 = vector.shape_cast %add3A_414 : vector<16xf32> to vector<1x16xf32>
      tpu.vector_store %arg12[%swap3A_415, %swap3A_416], %swap3A_419 {strides = array<i32>} : memref<32x1024xf32, #tpu.memory_space<vmem>>, vector<1x16xf32>,
      %get3A_420 = arith.index_cast %scan3A_58 : i32 to index
      %get3A_421 = arith.constant 352 : index
      %get3A_422 = tpu.vector_load %arg12[%get3A_420, %get3A_421] {strides = array<i32>} : memref<32x1024xf32, #tpu.memory_space<vmem>>, vector<1x16xf32>,
      %get3A_423 = vector.shape_cast %get3A_422 : vector<1x16xf32> to vector<16xf32>
      %mul3A_424 = arith.mulf %get3A_64, %get3A_423 : vector<16xf32>
      %get3A_425 = arith.index_cast %scan3A_58 : i32 to index
      %get3A_426 = arith.constant 352 : index
      %get3A_427 = tpu.vector_load %arg13[%get3A_425, %get3A_426] {strides = array<i32>} : memref<32x1024xf32, #tpu.memory_space<vmem>>, vector<1x16xf32>,
      %get3A_428 = vector.shape_cast %get3A_427 : vector<1x16xf32> to vector<16xf32>
      %mul3A_429 = arith.mulf %get3A_68, %get3A_428 : vector<16xf32>
      %add3A_430 = arith.addf %mul3A_424, %mul3A_429 : vector<16xf32>
      %swap3A_431 = arith.index_cast %scan3A_58 : i32 to index
      %swap3A_432 = arith.constant 352 : index
      %swap3A_433 = tpu.vector_load %arg12[%swap3A_431, %swap3A_432] {strides = array<i32>} : memref<32x1024xf32, #tpu.memory_space<vmem>>, vector<1x16xf32>,
      %swap3A_434 = vector.shape_cast %swap3A_433 : vector<1x16xf32> to vector<16xf32>
      %swap3A_435 = vector.shape_cast %add3A_430 : vector<16xf32> to vector<1x16xf32>
      tpu.vector_store %arg12[%swap3A_431, %swap3A_432], %swap3A_435 {strides = array<i32>} : memref<32x1024xf32, #tpu.memory_space<vmem>>, vector<1x16xf32>,
      %get3A_436 = arith.index_cast %scan3A_58 : i32 to index
      %get3A_437 = arith.constant 368 : index
      %get3A_438 = tpu.vector_load %arg12[%get3A_436, %get3A_437] {strides = array<i32>} : memref<32x1024xf32, #tpu.memory_space<vmem>>, vector<1x16xf32>,
      %get3A_439 = vector.shape_cast %get3A_438 : vector<1x16xf32> to vector<16xf32>
      %mul3A_440 = arith.mulf %get3A_64, %get3A_439 : vector<16xf32>
      %get3A_441 = arith.index_cast %scan3A_58 : i32 to index
      %get3A_442 = arith.constant 368 : index
      %get3A_443 = tpu.vector_load %arg13[%get3A_441, %get3A_442] {strides = array<i32>} : memref<32x1024xf32, #tpu.memory_space<vmem>>, vector<1x16xf32>,
      %get3A_444 = vector.shape_cast %get3A_443 : vector<1x16xf32> to vector<16xf32>
      %mul3A_445 = arith.mulf %get3A_68, %get3A_444 : vector<16xf32>
      %add3A_446 = arith.addf %mul3A_440, %mul3A_445 : vector<16xf32>
      %swap3A_447 = arith.index_cast %scan3A_58 : i32 to index
      %swap3A_448 = arith.constant 368 : index
      %swap3A_449 = tpu.vector_load %arg12[%swap3A_447, %swap3A_448] {strides = array<i32>} : memref<32x1024xf32, #tpu.memory_space<vmem>>, vector<1x16xf32>,
      %swap3A_450 = vector.shape_cast %swap3A_449 : vector<1x16xf32> to vector<16xf32>
      %swap3A_451 = vector.shape_cast %add3A_446 : vector<16xf32> to vector<1x16xf32>
      tpu.vector_store %arg12[%swap3A_447, %swap3A_448], %swap3A_451 {strides = array<i32>} : memref<32x1024xf32, #tpu.memory_space<vmem>>, vector<1x16xf32>,
      %get3A_452 = arith.index_cast %scan3A_58 : i32 to index
      %get3A_453 = arith.constant 384 : index
      %get3A_454 = tpu.vector_load %arg12[%get3A_452, %get3A_453] {strides = array<i32>} : memref<32x1024xf32, #tpu.memory_space<vmem>>, vector<1x16xf32>,
      %get3A_455 = vector.shape_cast %get3A_454 : vector<1x16xf32> to vector<16xf32>
      %mul3A_456 = arith.mulf %get3A_64, %get3A_455 : vector<16xf32>
      %get3A_457 = arith.index_cast %scan3A_58 : i32 to index
      %get3A_458 = arith.constant 384 : index
      %get3A_459 = tpu.vector_load %arg13[%get3A_457, %get3A_458] {strides = array<i32>} : memref<32x1024xf32, #tpu.memory_space<vmem>>, vector<1x16xf32>,
      %get3A_460 = vector.shape_cast %get3A_459 : vector<1x16xf32> to vector<16xf32>
      %mul3A_461 = arith.mulf %get3A_68, %get3A_460 : vector<16xf32>
      %add3A_462 = arith.addf %mul3A_456, %mul3A_461 : vector<16xf32>
      %swap3A_463 = arith.index_cast %scan3A_58 : i32 to index
      %swap3A_464 = arith.constant 384 : index
      %swap3A_465 = tpu.vector_load %arg12[%swap3A_463, %swap3A_464] {strides = array<i32>} : memref<32x1024xf32, #tpu.memory_space<vmem>>, vector<1x16xf32>,
      %swap3A_466 = vector.shape_cast %swap3A_465 : vector<1x16xf32> to vector<16xf32>
      %swap3A_467 = vector.shape_cast %add3A_462 : vector<16xf32> to vector<1x16xf32>
      tpu.vector_store %arg12[%swap3A_463, %swap3A_464], %swap3A_467 {strides = array<i32>} : memref<32x1024xf32, #tpu.memory_space<vmem>>, vector<1x16xf32>,
      %get3A_468 = arith.index_cast %scan3A_58 : i32 to index
      %get3A_469 = arith.constant 400 : index
      %get3A_470 = tpu.vector_load %arg12[%get3A_468, %get3A_469] {strides = array<i32>} : memref<32x1024xf32, #tpu.memory_space<vmem>>, vector<1x16xf32>,
      %get3A_471 = vector.shape_cast %get3A_470 : vector<1x16xf32> to vector<16xf32>
      %mul3A_472 = arith.mulf %get3A_64, %get3A_471 : vector<16xf32>
      %get3A_473 = arith.index_cast %scan3A_58 : i32 to index
      %get3A_474 = arith.constant 400 : index
      %get3A_475 = tpu.vector_load %arg13[%get3A_473, %get3A_474] {strides = array<i32>} : memref<32x1024xf32, #tpu.memory_space<vmem>>, vector<1x16xf32>,
      %get3A_476 = vector.shape_cast %get3A_475 : vector<1x16xf32> to vector<16xf32>
      %mul3A_477 = arith.mulf %get3A_68, %get3A_476 : vector<16xf32>
      %add3A_478 = arith.addf %mul3A_472, %mul3A_477 : vector<16xf32>
      %swap3A_479 = arith.index_cast %scan3A_58 : i32 to index
      %swap3A_480 = arith.constant 400 : index
      %swap3A_481 = tpu.vector_load %arg12[%swap3A_479, %swap3A_480] {strides = array<i32>} : memref<32x1024xf32, #tpu.memory_space<vmem>>, vector<1x16xf32>,
      %swap3A_482 = vector.shape_cast %swap3A_481 : vector<1x16xf32> to vector<16xf32>
      %swap3A_483 = vector.shape_cast %add3A_478 : vector<16xf32> to vector<1x16xf32>
      tpu.vector_store %arg12[%swap3A_479, %swap3A_480], %swap3A_483 {strides = array<i32>} : memref<32x1024xf32, #tpu.memory_space<vmem>>, vector<1x16xf32>,
      %get3A_484 = arith.index_cast %scan3A_58 : i32 to index
      %get3A_485 = arith.constant 416 : index
      %get3A_486 = tpu.vector_load %arg12[%get3A_484, %get3A_485] {strides = array<i32>} : memref<32x1024xf32, #tpu.memory_space<vmem>>, vector<1x16xf32>,
      %get3A_487 = vector.shape_cast %get3A_486 : vector<1x16xf32> to vector<16xf32>
      %mul3A_488 = arith.mulf %get3A_64, %get3A_487 : vector<16xf32>
      %get3A_489 = arith.index_cast %scan3A_58 : i32 to index
      %get3A_490 = arith.constant 416 : index
      %get3A_491 = tpu.vector_load %arg13[%get3A_489, %get3A_490] {strides = array<i32>} : memref<32x1024xf32, #tpu.memory_space<vmem>>, vector<1x16xf32>,
      %get3A_492 = vector.shape_cast %get3A_491 : vector<1x16xf32> to vector<16xf32>
      %mul3A_493 = arith.mulf %get3A_68, %get3A_492 : vector<16xf32>
      %add3A_494 = arith.addf %mul3A_488, %mul3A_493 : vector<16xf32>
      %swap3A_495 = arith.index_cast %scan3A_58 : i32 to index
      %swap3A_496 = arith.constant 416 : index
      %swap3A_497 = tpu.vector_load %arg12[%swap3A_495, %swap3A_496] {strides = array<i32>} : memref<32x1024xf32, #tpu.memory_space<vmem>>, vector<1x16xf32>,
      %swap3A_498 = vector.shape_cast %swap3A_497 : vector<1x16xf32> to vector<16xf32>
      %swap3A_499 = vector.shape_cast %add3A_494 : vector<16xf32> to vector<1x16xf32>
      tpu.vector_store %arg12[%swap3A_495, %swap3A_496], %swap3A_499 {strides = array<i32>} : memref<32x1024xf32, #tpu.memory_space<vmem>>, vector<1x16xf32>,
      %get3A_500 = arith.index_cast %scan3A_58 : i32 to index
      %get3A_501 = arith.constant 432 : index
      %get3A_502 = tpu.vector_load %arg12[%get3A_500, %get3A_501] {strides = array<i32>} : memref<32x1024xf32, #tpu.memory_space<vmem>>, vector<1x16xf32>,
      %get3A_503 = vector.shape_cast %get3A_502 : vector<1x16xf32> to vector<16xf32>
      %mul3A_504 = arith.mulf %get3A_64, %get3A_503 : vector<16xf32>
      %get3A_505 = arith.index_cast %scan3A_58 : i32 to index
      %get3A_506 = arith.constant 432 : index
      %get3A_507 = tpu.vector_load %arg13[%get3A_505, %get3A_506] {strides = array<i32>} : memref<32x1024xf32, #tpu.memory_space<vmem>>, vector<1x16xf32>,
      %get3A_508 = vector.shape_cast %get3A_507 : vector<1x16xf32> to vector<16xf32>
      %mul3A_509 = arith.mulf %get3A_68, %get3A_508 : vector<16xf32>
      %add3A_510 = arith.addf %mul3A_504, %mul3A_509 : vector<16xf32>
      %swap3A_511 = arith.index_cast %scan3A_58 : i32 to index
      %swap3A_512 = arith.constant 432 : index
      %swap3A_513 = tpu.vector_load %arg12[%swap3A_511, %swap3A_512] {strides = array<i32>} : memref<32x1024xf32, #tpu.memory_space<vmem>>, vector<1x16xf32>,
      %swap3A_514 = vector.shape_cast %swap3A_513 : vector<1x16xf32> to vector<16xf32>
      %swap3A_515 = vector.shape_cast %add3A_510 : vector<16xf32> to vector<1x16xf32>
      tpu.vector_store %arg12[%swap3A_511, %swap3A_512], %swap3A_515 {strides = array<i32>} : memref<32x1024xf32, #tpu.memory_space<vmem>>, vector<1x16xf32>,
      %get3A_516 = arith.index_cast %scan3A_58 : i32 to index
      %get3A_517 = arith.constant 448 : index
      %get3A_518 = tpu.vector_load %arg12[%get3A_516, %get3A_517] {strides = array<i32>} : memref<32x1024xf32, #tpu.memory_space<vmem>>, vector<1x16xf32>,
      %get3A_519 = vector.shape_cast %get3A_518 : vector<1x16xf32> to vector<16xf32>
      %mul3A_520 = arith.mulf %get3A_64, %get3A_519 : vector<16xf32>
      %get3A_521 = arith.index_cast %scan3A_58 : i32 to index
      %get3A_522 = arith.constant 448 : index
      %get3A_523 = tpu.vector_load %arg13[%get3A_521, %get3A_522] {strides = array<i32>} : memref<32x1024xf32, #tpu.memory_space<vmem>>, vector<1x16xf32>,
      %get3A_524 = vector.shape_cast %get3A_523 : vector<1x16xf32> to vector<16xf32>
      %mul3A_525 = arith.mulf %get3A_68, %get3A_524 : vector<16xf32>
      %add3A_526 = arith.addf %mul3A_520, %mul3A_525 : vector<16xf32>
      %swap3A_527 = arith.index_cast %scan3A_58 : i32 to index
      %swap3A_528 = arith.constant 448 : index
      %swap3A_529 = tpu.vector_load %arg12[%swap3A_527, %swap3A_528] {strides = array<i32>} : memref<32x1024xf32, #tpu.memory_space<vmem>>, vector<1x16xf32>,
      %swap3A_530 = vector.shape_cast %swap3A_529 : vector<1x16xf32> to vector<16xf32>
      %swap3A_531 = vector.shape_cast %add3A_526 : vector<16xf32> to vector<1x16xf32>
      tpu.vector_store %arg12[%swap3A_527, %swap3A_528], %swap3A_531 {strides = array<i32>} : memref<32x1024xf32, #tpu.memory_space<vmem>>, vector<1x16xf32>,
      %get3A_532 = arith.index_cast %scan3A_58 : i32 to index
      %get3A_533 = arith.constant 464 : index
      %get3A_534 = tpu.vector_load %arg12[%get3A_532, %get3A_533] {strides = array<i32>} : memref<32x1024xf32, #tpu.memory_space<vmem>>, vector<1x16xf32>,
      %get3A_535 = vector.shape_cast %get3A_534 : vector<1x16xf32> to vector<16xf32>
      %mul3A_536 = arith.mulf %get3A_64, %get3A_535 : vector<16xf32>
      %get3A_537 = arith.index_cast %scan3A_58 : i32 to index
      %get3A_538 = arith.constant 464 : index
      %get3A_539 = tpu.vector_load %arg13[%get3A_537, %get3A_538] {strides = array<i32>} : memref<32x1024xf32, #tpu.memory_space<vmem>>, vector<1x16xf32>,
      %get3A_540 = vector.shape_cast %get3A_539 : vector<1x16xf32> to vector<16xf32>
      %mul3A_541 = arith.mulf %get3A_68, %get3A_540 : vector<16xf32>
      %add3A_542 = arith.addf %mul3A_536, %mul3A_541 : vector<16xf32>
      %swap3A_543 = arith.index_cast %scan3A_58 : i32 to index
      %swap3A_544 = arith.constant 464 : index
      %swap3A_545 = tpu.vector_load %arg12[%swap3A_543, %swap3A_544] {strides = array<i32>} : memref<32x1024xf32, #tpu.memory_space<vmem>>, vector<1x16xf32>,
      %swap3A_546 = vector.shape_cast %swap3A_545 : vector<1x16xf32> to vector<16xf32>
      %swap3A_547 = vector.shape_cast %add3A_542 : vector<16xf32> to vector<1x16xf32>
      tpu.vector_store %arg12[%swap3A_543, %swap3A_544], %swap3A_547 {strides = array<i32>} : memref<32x1024xf32, #tpu.memory_space<vmem>>, vector<1x16xf32>,
      %get3A_548 = arith.index_cast %scan3A_58 : i32 to index
      %get3A_549 = arith.constant 480 : index
      %get3A_550 = tpu.vector_load %arg12[%get3A_548, %get3A_549] {strides = array<i32>} : memref<32x1024xf32, #tpu.memory_space<vmem>>, vector<1x16xf32>,
      %get3A_551 = vector.shape_cast %get3A_550 : vector<1x16xf32> to vector<16xf32>
      %mul3A_552 = arith.mulf %get3A_64, %get3A_551 : vector<16xf32>
      %get3A_553 = arith.index_cast %scan3A_58 : i32 to index
      %get3A_554 = arith.constant 480 : index
      %get3A_555 = tpu.vector_load %arg13[%get3A_553, %get3A_554] {strides = array<i32>} : memref<32x1024xf32, #tpu.memory_space<vmem>>, vector<1x16xf32>,
      %get3A_556 = vector.shape_cast %get3A_555 : vector<1x16xf32> to vector<16xf32>
      %mul3A_557 = arith.mulf %get3A_68, %get3A_556 : vector<16xf32>
      %add3A_558 = arith.addf %mul3A_552, %mul3A_557 : vector<16xf32>
      %swap3A_559 = arith.index_cast %scan3A_58 : i32 to index
      %swap3A_560 = arith.constant 480 : index
      %swap3A_561 = tpu.vector_load %arg12[%swap3A_559, %swap3A_560] {strides = array<i32>} : memref<32x1024xf32, #tpu.memory_space<vmem>>, vector<1x16xf32>,
      %swap3A_562 = vector.shape_cast %swap3A_561 : vector<1x16xf32> to vector<16xf32>
      %swap3A_563 = vector.shape_cast %add3A_558 : vector<16xf32> to vector<1x16xf32>
      tpu.vector_store %arg12[%swap3A_559, %swap3A_560], %swap3A_563 {strides = array<i32>} : memref<32x1024xf32, #tpu.memory_space<vmem>>, vector<1x16xf32>,
      %get3A_564 = arith.index_cast %scan3A_58 : i32 to index
      %get3A_565 = arith.constant 496 : index
      %get3A_566 = tpu.vector_load %arg12[%get3A_564, %get3A_565] {strides = array<i32>} : memref<32x1024xf32, #tpu.memory_space<vmem>>, vector<1x16xf32>,
      %get3A_567 = vector.shape_cast %get3A_566 : vector<1x16xf32> to vector<16xf32>
      %mul3A_568 = arith.mulf %get3A_64, %get3A_567 : vector<16xf32>
      %get3A_569 = arith.index_cast %scan3A_58 : i32 to index
      %get3A_570 = arith.constant 496 : index
      %get3A_571 = tpu.vector_load %arg13[%get3A_569, %get3A_570] {strides = array<i32>} : memref<32x1024xf32, #tpu.memory_space<vmem>>, vector<1x16xf32>,
      %get3A_572 = vector.shape_cast %get3A_571 : vector<1x16xf32> to vector<16xf32>
      %mul3A_573 = arith.mulf %get3A_68, %get3A_572 : vector<16xf32>
      %add3A_574 = arith.addf %mul3A_568, %mul3A_573 : vector<16xf32>
      %swap3A_575 = arith.index_cast %scan3A_58 : i32 to index
      %swap3A_576 = arith.constant 496 : index
      %swap3A_577 = tpu.vector_load %arg12[%swap3A_575, %swap3A_576] {strides = array<i32>} : memref<32x1024xf32, #tpu.memory_space<vmem>>, vector<1x16xf32>,
      %swap3A_578 = vector.shape_cast %swap3A_577 : vector<1x16xf32> to vector<16xf32>
      %swap3A_579 = vector.shape_cast %add3A_574 : vector<16xf32> to vector<1x16xf32>
      tpu.vector_store %arg12[%swap3A_575, %swap3A_576], %swap3A_579 {strides = array<i32>} : memref<32x1024xf32, #tpu.memory_space<vmem>>, vector<1x16xf32>,
      %get3A_580 = arith.index_cast %scan3A_58 : i32 to index
      %get3A_581 = arith.constant 512 : index
      %get3A_582 = tpu.vector_load %arg12[%get3A_580, %get3A_581] {strides = array<i32>} : memref<32x1024xf32, #tpu.memory_space<vmem>>, vector<1x16xf32>,
      %get3A_583 = vector.shape_cast %get3A_582 : vector<1x16xf32> to vector<16xf32>
      %mul3A_584 = arith.mulf %get3A_64, %get3A_583 : vector<16xf32>
      %get3A_585 = arith.index_cast %scan3A_58 : i32 to index
      %get3A_586 = arith.constant 512 : index
      %get3A_587 = tpu.vector_load %arg13[%get3A_585, %get3A_586] {strides = array<i32>} : memref<32x1024xf32, #tpu.memory_space<vmem>>, vector<1x16xf32>,
      %get3A_588 = vector.shape_cast %get3A_587 : vector<1x16xf32> to vector<16xf32>
      %mul3A_589 = arith.mulf %get3A_68, %get3A_588 : vector<16xf32>
      %add3A_590 = arith.addf %mul3A_584, %mul3A_589 : vector<16xf32>
      %swap3A_591 = arith.index_cast %scan3A_58 : i32 to index
      %swap3A_592 = arith.constant 512 : index
      %swap3A_593 = tpu.vector_load %arg12[%swap3A_591, %swap3A_592] {strides = array<i32>} : memref<32x1024xf32, #tpu.memory_space<vmem>>, vector<1x16xf32>,
      %swap3A_594 = vector.shape_cast %swap3A_593 : vector<1x16xf32> to vector<16xf32>
      %swap3A_595 = vector.shape_cast %add3A_590 : vector<16xf32> to vector<1x16xf32>
      tpu.vector_store %arg12[%swap3A_591, %swap3A_592], %swap3A_595 {strides = array<i32>} : memref<32x1024xf32, #tpu.memory_space<vmem>>, vector<1x16xf32>,
      %get3A_596 = arith.index_cast %scan3A_58 : i32 to index
      %get3A_597 = arith.constant 528 : index
      %get3A_598 = tpu.vector_load %arg12[%get3A_596, %get3A_597] {strides = array<i32>} : memref<32x1024xf32, #tpu.memory_space<vmem>>, vector<1x16xf32>,
      %get3A_599 = vector.shape_cast %get3A_598 : vector<1x16xf32> to vector<16xf32>
      %mul3A_600 = arith.mulf %get3A_64, %get3A_599 : vector<16xf32>
      %get3A_601 = arith.index_cast %scan3A_58 : i32 to index
      %get3A_602 = arith.constant 528 : index
      %get3A_603 = tpu.vector_load %arg13[%get3A_601, %get3A_602] {strides = array<i32>} : memref<32x1024xf32, #tpu.memory_space<vmem>>, vector<1x16xf32>,
      %get3A_604 = vector.shape_cast %get3A_603 : vector<1x16xf32> to vector<16xf32>
      %mul3A_605 = arith.mulf %get3A_68, %get3A_604 : vector<16xf32>
      %add3A_606 = arith.addf %mul3A_600, %mul3A_605 : vector<16xf32>
      %swap3A_607 = arith.index_cast %scan3A_58 : i32 to index
      %swap3A_608 = arith.constant 528 : index
      %swap3A_609 = tpu.vector_load %arg12[%swap3A_607, %swap3A_608] {strides = array<i32>} : memref<32x1024xf32, #tpu.memory_space<vmem>>, vector<1x16xf32>,
      %swap3A_610 = vector.shape_cast %swap3A_609 : vector<1x16xf32> to vector<16xf32>
      %swap3A_611 = vector.shape_cast %add3A_606 : vector<16xf32> to vector<1x16xf32>
      tpu.vector_store %arg12[%swap3A_607, %swap3A_608], %swap3A_611 {strides = array<i32>} : memref<32x1024xf32, #tpu.memory_space<vmem>>, vector<1x16xf32>,
      %get3A_612 = arith.index_cast %scan3A_58 : i32 to index
      %get3A_613 = arith.constant 544 : index
      %get3A_614 = tpu.vector_load %arg12[%get3A_612, %get3A_613] {strides = array<i32>} : memref<32x1024xf32, #tpu.memory_space<vmem>>, vector<1x16xf32>,
      %get3A_615 = vector.shape_cast %get3A_614 : vector<1x16xf32> to vector<16xf32>
      %mul3A_616 = arith.mulf %get3A_64, %get3A_615 : vector<16xf32>
      %get3A_617 = arith.index_cast %scan3A_58 : i32 to index
      %get3A_618 = arith.constant 544 : index
      %get3A_619 = tpu.vector_load %arg13[%get3A_617, %get3A_618] {strides = array<i32>} : memref<32x1024xf32, #tpu.memory_space<vmem>>, vector<1x16xf32>,
      %get3A_620 = vector.shape_cast %get3A_619 : vector<1x16xf32> to vector<16xf32>
      %mul3A_621 = arith.mulf %get3A_68, %get3A_620 : vector<16xf32>
      %add3A_622 = arith.addf %mul3A_616, %mul3A_621 : vector<16xf32>
      %swap3A_623 = arith.index_cast %scan3A_58 : i32 to index
      %swap3A_624 = arith.constant 544 : index
      %swap3A_625 = tpu.vector_load %arg12[%swap3A_623, %swap3A_624] {strides = array<i32>} : memref<32x1024xf32, #tpu.memory_space<vmem>>, vector<1x16xf32>,
      %swap3A_626 = vector.shape_cast %swap3A_625 : vector<1x16xf32> to vector<16xf32>
      %swap3A_627 = vector.shape_cast %add3A_622 : vector<16xf32> to vector<1x16xf32>
      tpu.vector_store %arg12[%swap3A_623, %swap3A_624], %swap3A_627 {strides = array<i32>} : memref<32x1024xf32, #tpu.memory_space<vmem>>, vector<1x16xf32>,
      %get3A_628 = arith.index_cast %scan3A_58 : i32 to index
      %get3A_629 = arith.constant 560 : index
      %get3A_630 = tpu.vector_load %arg12[%get3A_628, %get3A_629] {strides = array<i32>} : memref<32x1024xf32, #tpu.memory_space<vmem>>, vector<1x16xf32>,
      %get3A_631 = vector.shape_cast %get3A_630 : vector<1x16xf32> to vector<16xf32>
      %mul3A_632 = arith.mulf %get3A_64, %get3A_631 : vector<16xf32>
      %get3A_633 = arith.index_cast %scan3A_58 : i32 to index
      %get3A_634 = arith.constant 560 : index
      %get3A_635 = tpu.vector_load %arg13[%get3A_633, %get3A_634] {strides = array<i32>} : memref<32x1024xf32, #tpu.memory_space<vmem>>, vector<1x16xf32>,
      %get3A_636 = vector.shape_cast %get3A_635 : vector<1x16xf32> to vector<16xf32>
      %mul3A_637 = arith.mulf %get3A_68, %get3A_636 : vector<16xf32>
      %add3A_638 = arith.addf %mul3A_632, %mul3A_637 : vector<16xf32>
      %swap3A_639 = arith.index_cast %scan3A_58 : i32 to index
      %swap3A_640 = arith.constant 560 : index
      %swap3A_641 = tpu.vector_load %arg12[%swap3A_639, %swap3A_640] {strides = array<i32>} : memref<32x1024xf32, #tpu.memory_space<vmem>>, vector<1x16xf32>,
      %swap3A_642 = vector.shape_cast %swap3A_641 : vector<1x16xf32> to vector<16xf32>
      %swap3A_643 = vector.shape_cast %add3A_638 : vector<16xf32> to vector<1x16xf32>
      tpu.vector_store %arg12[%swap3A_639, %swap3A_640], %swap3A_643 {strides = array<i32>} : memref<32x1024xf32, #tpu.memory_space<vmem>>, vector<1x16xf32>,
      %get3A_644 = arith.index_cast %scan3A_58 : i32 to index
      %get3A_645 = arith.constant 576 : index
      %get3A_646 = tpu.vector_load %arg12[%get3A_644, %get3A_645] {strides = array<i32>} : memref<32x1024xf32, #tpu.memory_space<vmem>>, vector<1x16xf32>,
      %get3A_647 = vector.shape_cast %get3A_646 : vector<1x16xf32> to vector<16xf32>
      %mul3A_648 = arith.mulf %get3A_64, %get3A_647 : vector<16xf32>
      %get3A_649 = arith.index_cast %scan3A_58 : i32 to index
      %get3A_650 = arith.constant 576 : index
      %get3A_651 = tpu.vector_load %arg13[%get3A_649, %get3A_650] {strides = array<i32>} : memref<32x1024xf32, #tpu.memory_space<vmem>>, vector<1x16xf32>,
      %get3A_652 = vector.shape_cast %get3A_651 : vector<1x16xf32> to vector<16xf32>
      %mul3A_653 = arith.mulf %get3A_68, %get3A_652 : vector<16xf32>
      %add3A_654 = arith.addf %mul3A_648, %mul3A_653 : vector<16xf32>
      %swap3A_655 = arith.index_cast %scan3A_58 : i32 to index
      %swap3A_656 = arith.constant 576 : index
      %swap3A_657 = tpu.vector_load %arg12[%swap3A_655, %swap3A_656] {strides = array<i32>} : memref<32x1024xf32, #tpu.memory_space<vmem>>, vector<1x16xf32>,
      %swap3A_658 = vector.shape_cast %swap3A_657 : vector<1x16xf32> to vector<16xf32>
      %swap3A_659 = vector.shape_cast %add3A_654 : vector<16xf32> to vector<1x16xf32>
      tpu.vector_store %arg12[%swap3A_655, %swap3A_656], %swap3A_659 {strides = array<i32>} : memref<32x1024xf32, #tpu.memory_space<vmem>>, vector<1x16xf32>,
      %get3A_660 = arith.index_cast %scan3A_58 : i32 to index
      %get3A_661 = arith.constant 592 : index
      %get3A_662 = tpu.vector_load %arg12[%get3A_660, %get3A_661] {strides = array<i32>} : memref<32x1024xf32, #tpu.memory_space<vmem>>, vector<1x16xf32>,
      %get3A_663 = vector.shape_cast %get3A_662 : vector<1x16xf32> to vector<16xf32>
      %mul3A_664 = arith.mulf %get3A_64, %get3A_663 : vector<16xf32>
      %get3A_665 = arith.index_cast %scan3A_58 : i32 to index
      %get3A_666 = arith.constant 592 : index
      %get3A_667 = tpu.vector_load %arg13[%get3A_665, %get3A_666] {strides = array<i32>} : memref<32x1024xf32, #tpu.memory_space<vmem>>, vector<1x16xf32>,
      %get3A_668 = vector.shape_cast %get3A_667 : vector<1x16xf32> to vector<16xf32>
      %mul3A_669 = arith.mulf %get3A_68, %get3A_668 : vector<16xf32>
      %add3A_670 = arith.addf %mul3A_664, %mul3A_669 : vector<16xf32>
      %swap3A_671 = arith.index_cast %scan3A_58 : i32 to index
      %swap3A_672 = arith.constant 592 : index
      %swap3A_673 = tpu.vector_load %arg12[%swap3A_671, %swap3A_672] {strides = array<i32>} : memref<32x1024xf32, #tpu.memory_space<vmem>>, vector<1x16xf32>,
      %swap3A_674 = vector.shape_cast %swap3A_673 : vector<1x16xf32> to vector<16xf32>
      %swap3A_675 = vector.shape_cast %add3A_670 : vector<16xf32> to vector<1x16xf32>
      tpu.vector_store %arg12[%swap3A_671, %swap3A_672], %swap3A_675 {strides = array<i32>} : memref<32x1024xf32, #tpu.memory_space<vmem>>, vector<1x16xf32>,
      %get3A_676 = arith.index_cast %scan3A_58 : i32 to index
      %get3A_677 = arith.constant 608 : index
      %get3A_678 = tpu.vector_load %arg12[%get3A_676, %get3A_677] {strides = array<i32>} : memref<32x1024xf32, #tpu.memory_space<vmem>>, vector<1x16xf32>,
      %get3A_679 = vector.shape_cast %get3A_678 : vector<1x16xf32> to vector<16xf32>
      %mul3A_680 = arith.mulf %get3A_64, %get3A_679 : vector<16xf32>
      %get3A_681 = arith.index_cast %scan3A_58 : i32 to index
      %get3A_682 = arith.constant 608 : index
      %get3A_683 = tpu.vector_load %arg13[%get3A_681, %get3A_682] {strides = array<i32>} : memref<32x1024xf32, #tpu.memory_space<vmem>>, vector<1x16xf32>,
      %get3A_684 = vector.shape_cast %get3A_683 : vector<1x16xf32> to vector<16xf32>
      %mul3A_685 = arith.mulf %get3A_68, %get3A_684 : vector<16xf32>
      %add3A_686 = arith.addf %mul3A_680, %mul3A_685 : vector<16xf32>
      %swap3A_687 = arith.index_cast %scan3A_58 : i32 to index
      %swap3A_688 = arith.constant 608 : index
      %swap3A_689 = tpu.vector_load %arg12[%swap3A_687, %swap3A_688] {strides = array<i32>} : memref<32x1024xf32, #tpu.memory_space<vmem>>, vector<1x16xf32>,
      %swap3A_690 = vector.shape_cast %swap3A_689 : vector<1x16xf32> to vector<16xf32>
      %swap3A_691 = vector.shape_cast %add3A_686 : vector<16xf32> to vector<1x16xf32>
      tpu.vector_store %arg12[%swap3A_687, %swap3A_688], %swap3A_691 {strides = array<i32>} : memref<32x1024xf32, #tpu.memory_space<vmem>>, vector<1x16xf32>,
      %get3A_692 = arith.index_cast %scan3A_58 : i32 to index
      %get3A_693 = arith.constant 624 : index
      %get3A_694 = tpu.vector_load %arg12[%get3A_692, %get3A_693] {strides = array<i32>} : memref<32x1024xf32, #tpu.memory_space<vmem>>, vector<1x16xf32>,
      %get3A_695 = vector.shape_cast %get3A_694 : vector<1x16xf32> to vector<16xf32>
      %mul3A_696 = arith.mulf %get3A_64, %get3A_695 : vector<16xf32>
      %get3A_697 = arith.index_cast %scan3A_58 : i32 to index
      %get3A_698 = arith.constant 624 : index
      %get3A_699 = tpu.vector_load %arg13[%get3A_697, %get3A_698] {strides = array<i32>} : memref<32x1024xf32, #tpu.memory_space<vmem>>, vector<1x16xf32>,
      %get3A_700 = vector.shape_cast %get3A_699 : vector<1x16xf32> to vector<16xf32>
      %mul3A_701 = arith.mulf %get3A_68, %get3A_700 : vector<16xf32>
      %add3A_702 = arith.addf %mul3A_696, %mul3A_701 : vector<16xf32>
      %swap3A_703 = arith.index_cast %scan3A_58 : i32 to index
      %swap3A_704 = arith.constant 624 : index
      %swap3A_705 = tpu.vector_load %arg12[%swap3A_703, %swap3A_704] {strides = array<i32>} : memref<32x1024xf32, #tpu.memory_space<vmem>>, vector<1x16xf32>,
      %swap3A_706 = vector.shape_cast %swap3A_705 : vector<1x16xf32> to vector<16xf32>
      %swap3A_707 = vector.shape_cast %add3A_702 : vector<16xf32> to vector<1x16xf32>
      tpu.vector_store %arg12[%swap3A_703, %swap3A_704], %swap3A_707 {strides = array<i32>} : memref<32x1024xf32, #tpu.memory_space<vmem>>, vector<1x16xf32>,
      %get3A_708 = arith.index_cast %scan3A_58 : i32 to index
      %get3A_709 = arith.constant 640 : index
      %get3A_710 = tpu.vector_load %arg12[%get3A_708, %get3A_709] {strides = array<i32>} : memref<32x1024xf32, #tpu.memory_space<vmem>>, vector<1x16xf32>,
      %get3A_711 = vector.shape_cast %get3A_710 : vector<1x16xf32> to vector<16xf32>
      %mul3A_712 = arith.mulf %get3A_64, %get3A_711 : vector<16xf32>
      %get3A_713 = arith.index_cast %scan3A_58 : i32 to index
      %get3A_714 = arith.constant 640 : index
      %get3A_715 = tpu.vector_load %arg13[%get3A_713, %get3A_714] {strides = array<i32>} : memref<32x1024xf32, #tpu.memory_space<vmem>>, vector<1x16xf32>,
      %get3A_716 = vector.shape_cast %get3A_715 : vector<1x16xf32> to vector<16xf32>
      %mul3A_717 = arith.mulf %get3A_68, %get3A_716 : vector<16xf32>
      %add3A_718 = arith.addf %mul3A_712, %mul3A_717 : vector<16xf32>
      %swap3A_719 = arith.index_cast %scan3A_58 : i32 to index
      %swap3A_720 = arith.constant 640 : index
      %swap3A_721 = tpu.vector_load %arg12[%swap3A_719, %swap3A_720] {strides = array<i32>} : memref<32x1024xf32, #tpu.memory_space<vmem>>, vector<1x16xf32>,
      %swap3A_722 = vector.shape_cast %swap3A_721 : vector<1x16xf32> to vector<16xf32>
      %swap3A_723 = vector.shape_cast %add3A_718 : vector<16xf32> to vector<1x16xf32>
      tpu.vector_store %arg12[%swap3A_719, %swap3A_720], %swap3A_723 {strides = array<i32>} : memref<32x1024xf32, #tpu.memory_space<vmem>>, vector<1x16xf32>,
      %get3A_724 = arith.index_cast %scan3A_58 : i32 to index
      %get3A_725 = arith.constant 656 : index
      %get3A_726 = tpu.vector_load %arg12[%get3A_724, %get3A_725] {strides = array<i32>} : memref<32x1024xf32, #tpu.memory_space<vmem>>, vector<1x16xf32>,
      %get3A_727 = vector.shape_cast %get3A_726 : vector<1x16xf32> to vector<16xf32>
      %mul3A_728 = arith.mulf %get3A_64, %get3A_727 : vector<16xf32>
      %get3A_729 = arith.index_cast %scan3A_58 : i32 to index
      %get3A_730 = arith.constant 656 : index
      %get3A_731 = tpu.vector_load %arg13[%get3A_729, %get3A_730] {strides = array<i32>} : memref<32x1024xf32, #tpu.memory_space<vmem>>, vector<1x16xf32>,
      %get3A_732 = vector.shape_cast %get3A_731 : vector<1x16xf32> to vector<16xf32>
      %mul3A_733 = arith.mulf %get3A_68, %get3A_732 : vector<16xf32>
      %add3A_734 = arith.addf %mul3A_728, %mul3A_733 : vector<16xf32>
      %swap3A_735 = arith.index_cast %scan3A_58 : i32 to index
      %swap3A_736 = arith.constant 656 : index
      %swap3A_737 = tpu.vector_load %arg12[%swap3A_735, %swap3A_736] {strides = array<i32>} : memref<32x1024xf32, #tpu.memory_space<vmem>>, vector<1x16xf32>,
      %swap3A_738 = vector.shape_cast %swap3A_737 : vector<1x16xf32> to vector<16xf32>
      %swap3A_739 = vector.shape_cast %add3A_734 : vector<16xf32> to vector<1x16xf32>
      tpu.vector_store %arg12[%swap3A_735, %swap3A_736], %swap3A_739 {strides = array<i32>} : memref<32x1024xf32, #tpu.memory_space<vmem>>, vector<1x16xf32>,
      %get3A_740 = arith.index_cast %scan3A_58 : i32 to index
      %get3A_741 = arith.constant 672 : index
      %get3A_742 = tpu.vector_load %arg12[%get3A_740, %get3A_741] {strides = array<i32>} : memref<32x1024xf32, #tpu.memory_space<vmem>>, vector<1x16xf32>,
      %get3A_743 = vector.shape_cast %get3A_742 : vector<1x16xf32> to vector<16xf32>
      %mul3A_744 = arith.mulf %get3A_64, %get3A_743 : vector<16xf32>
      %get3A_745 = arith.index_cast %scan3A_58 : i32 to index
      %get3A_746 = arith.constant 672 : index
      %get3A_747 = tpu.vector_load %arg13[%get3A_745, %get3A_746] {strides = array<i32>} : memref<32x1024xf32, #tpu.memory_space<vmem>>, vector<1x16xf32>,
      %get3A_748 = vector.shape_cast %get3A_747 : vector<1x16xf32> to vector<16xf32>
      %mul3A_749 = arith.mulf %get3A_68, %get3A_748 : vector<16xf32>
      %add3A_750 = arith.addf %mul3A_744, %mul3A_749 : vector<16xf32>
      %swap3A_751 = arith.index_cast %scan3A_58 : i32 to index
      %swap3A_752 = arith.constant 672 : index
      %swap3A_753 = tpu.vector_load %arg12[%swap3A_751, %swap3A_752] {strides = array<i32>} : memref<32x1024xf32, #tpu.memory_space<vmem>>, vector<1x16xf32>,
      %swap3A_754 = vector.shape_cast %swap3A_753 : vector<1x16xf32> to vector<16xf32>
      %swap3A_755 = vector.shape_cast %add3A_750 : vector<16xf32> to vector<1x16xf32>
      tpu.vector_store %arg12[%swap3A_751, %swap3A_752], %swap3A_755 {strides = array<i32>} : memref<32x1024xf32, #tpu.memory_space<vmem>>, vector<1x16xf32>,
      %get3A_756 = arith.index_cast %scan3A_58 : i32 to index
      %get3A_757 = arith.constant 688 : index
      %get3A_758 = tpu.vector_load %arg12[%get3A_756, %get3A_757] {strides = array<i32>} : memref<32x1024xf32, #tpu.memory_space<vmem>>, vector<1x16xf32>,
      %get3A_759 = vector.shape_cast %get3A_758 : vector<1x16xf32> to vector<16xf32>
      %mul3A_760 = arith.mulf %get3A_64, %get3A_759 : vector<16xf32>
      %get3A_761 = arith.index_cast %scan3A_58 : i32 to index
      %get3A_762 = arith.constant 688 : index
      %get3A_763 = tpu.vector_load %arg13[%get3A_761, %get3A_762] {strides = array<i32>} : memref<32x1024xf32, #tpu.memory_space<vmem>>, vector<1x16xf32>,
      %get3A_764 = vector.shape_cast %get3A_763 : vector<1x16xf32> to vector<16xf32>
      %mul3A_765 = arith.mulf %get3A_68, %get3A_764 : vector<16xf32>
      %add3A_766 = arith.addf %mul3A_760, %mul3A_765 : vector<16xf32>
      %swap3A_767 = arith.index_cast %scan3A_58 : i32 to index
      %swap3A_768 = arith.constant 688 : index
      %swap3A_769 = tpu.vector_load %arg12[%swap3A_767, %swap3A_768] {strides = array<i32>} : memref<32x1024xf32, #tpu.memory_space<vmem>>, vector<1x16xf32>,
      %swap3A_770 = vector.shape_cast %swap3A_769 : vector<1x16xf32> to vector<16xf32>
      %swap3A_771 = vector.shape_cast %add3A_766 : vector<16xf32> to vector<1x16xf32>
      tpu.vector_store %arg12[%swap3A_767, %swap3A_768], %swap3A_771 {strides = array<i32>} : memref<32x1024xf32, #tpu.memory_space<vmem>>, vector<1x16xf32>,
      %get3A_772 = arith.index_cast %scan3A_58 : i32 to index
      %get3A_773 = arith.constant 704 : index
      %get3A_774 = tpu.vector_load %arg12[%get3A_772, %get3A_773] {strides = array<i32>} : memref<32x1024xf32, #tpu.memory_space<vmem>>, vector<1x16xf32>,
      %get3A_775 = vector.shape_cast %get3A_774 : vector<1x16xf32> to vector<16xf32>
      %mul3A_776 = arith.mulf %get3A_64, %get3A_775 : vector<16xf32>
      %get3A_777 = arith.index_cast %scan3A_58 : i32 to index
      %get3A_778 = arith.constant 704 : index
      %get3A_779 = tpu.vector_load %arg13[%get3A_777, %get3A_778] {strides = array<i32>} : memref<32x1024xf32, #tpu.memory_space<vmem>>, vector<1x16xf32>,
      %get3A_780 = vector.shape_cast %get3A_779 : vector<1x16xf32> to vector<16xf32>
      %mul3A_781 = arith.mulf %get3A_68, %get3A_780 : vector<16xf32>
      %add3A_782 = arith.addf %mul3A_776, %mul3A_781 : vector<16xf32>
      %swap3A_783 = arith.index_cast %scan3A_58 : i32 to index
      %swap3A_784 = arith.constant 704 : index
      %swap3A_785 = tpu.vector_load %arg12[%swap3A_783, %swap3A_784] {strides = array<i32>} : memref<32x1024xf32, #tpu.memory_space<vmem>>, vector<1x16xf32>,
      %swap3A_786 = vector.shape_cast %swap3A_785 : vector<1x16xf32> to vector<16xf32>
      %swap3A_787 = vector.shape_cast %add3A_782 : vector<16xf32> to vector<1x16xf32>
      tpu.vector_store %arg12[%swap3A_783, %swap3A_784], %swap3A_787 {strides = array<i32>} : memref<32x1024xf32, #tpu.memory_space<vmem>>, vector<1x16xf32>,
      %get3A_788 = arith.index_cast %scan3A_58 : i32 to index
      %get3A_789 = arith.constant 720 : index
      %get3A_790 = tpu.vector_load %arg12[%get3A_788, %get3A_789] {strides = array<i32>} : memref<32x1024xf32, #tpu.memory_space<vmem>>, vector<1x16xf32>,
      %get3A_791 = vector.shape_cast %get3A_790 : vector<1x16xf32> to vector<16xf32>
      %mul3A_792 = arith.mulf %get3A_64, %get3A_791 : vector<16xf32>
      %get3A_793 = arith.index_cast %scan3A_58 : i32 to index
      %get3A_794 = arith.constant 720 : index
      %get3A_795 = tpu.vector_load %arg13[%get3A_793, %get3A_794] {strides = array<i32>} : memref<32x1024xf32, #tpu.memory_space<vmem>>, vector<1x16xf32>,
      %get3A_796 = vector.shape_cast %get3A_795 : vector<1x16xf32> to vector<16xf32>
      %mul3A_797 = arith.mulf %get3A_68, %get3A_796 : vector<16xf32>
      %add3A_798 = arith.addf %mul3A_792, %mul3A_797 : vector<16xf32>
      %swap3A_799 = arith.index_cast %scan3A_58 : i32 to index
      %swap3A_800 = arith.constant 720 : index
      %swap3A_801 = tpu.vector_load %arg12[%swap3A_799, %swap3A_800] {strides = array<i32>} : memref<32x1024xf32, #tpu.memory_space<vmem>>, vector<1x16xf32>,
      %swap3A_802 = vector.shape_cast %swap3A_801 : vector<1x16xf32> to vector<16xf32>
      %swap3A_803 = vector.shape_cast %add3A_798 : vector<16xf32> to vector<1x16xf32>
      tpu.vector_store %arg12[%swap3A_799, %swap3A_800], %swap3A_803 {strides = array<i32>} : memref<32x1024xf32, #tpu.memory_space<vmem>>, vector<1x16xf32>,
      %get3A_804 = arith.index_cast %scan3A_58 : i32 to index
      %get3A_805 = arith.constant 736 : index
      %get3A_806 = tpu.vector_load %arg12[%get3A_804, %get3A_805] {strides = array<i32>} : memref<32x1024xf32, #tpu.memory_space<vmem>>, vector<1x16xf32>,
      %get3A_807 = vector.shape_cast %get3A_806 : vector<1x16xf32> to vector<16xf32>
      %mul3A_808 = arith.mulf %get3A_64, %get3A_807 : vector<16xf32>
      %get3A_809 = arith.index_cast %scan3A_58 : i32 to index
      %get3A_810 = arith.constant 736 : index
      %get3A_811 = tpu.vector_load %arg13[%get3A_809, %get3A_810] {strides = array<i32>} : memref<32x1024xf32, #tpu.memory_space<vmem>>, vector<1x16xf32>,
      %get3A_812 = vector.shape_cast %get3A_811 : vector<1x16xf32> to vector<16xf32>
      %mul3A_813 = arith.mulf %get3A_68, %get3A_812 : vector<16xf32>
      %add3A_814 = arith.addf %mul3A_808, %mul3A_813 : vector<16xf32>
      %swap3A_815 = arith.index_cast %scan3A_58 : i32 to index
      %swap3A_816 = arith.constant 736 : index
      %swap3A_817 = tpu.vector_load %arg12[%swap3A_815, %swap3A_816] {strides = array<i32>} : memref<32x1024xf32, #tpu.memory_space<vmem>>, vector<1x16xf32>,
      %swap3A_818 = vector.shape_cast %swap3A_817 : vector<1x16xf32> to vector<16xf32>
      %swap3A_819 = vector.shape_cast %add3A_814 : vector<16xf32> to vector<1x16xf32>
      tpu.vector_store %arg12[%swap3A_815, %swap3A_816], %swap3A_819 {strides = array<i32>} : memref<32x1024xf32, #tpu.memory_space<vmem>>, vector<1x16xf32>,
      %get3A_820 = arith.index_cast %scan3A_58 : i32 to index
      %get3A_821 = arith.constant 752 : index
      %get3A_822 = tpu.vector_load %arg12[%get3A_820, %get3A_821] {strides = array<i32>} : memref<32x1024xf32, #tpu.memory_space<vmem>>, vector<1x16xf32>,
      %get3A_823 = vector.shape_cast %get3A_822 : vector<1x16xf32> to vector<16xf32>
      %mul3A_824 = arith.mulf %get3A_64, %get3A_823 : vector<16xf32>
      %get3A_825 = arith.index_cast %scan3A_58 : i32 to index
      %get3A_826 = arith.constant 752 : index
      %get3A_827 = tpu.vector_load %arg13[%get3A_825, %get3A_826] {strides = array<i32>} : memref<32x1024xf32, #tpu.memory_space<vmem>>, vector<1x16xf32>,
      %get3A_828 = vector.shape_cast %get3A_827 : vector<1x16xf32> to vector<16xf32>
      %mul3A_829 = arith.mulf %get3A_68, %get3A_828 : vector<16xf32>
      %add3A_830 = arith.addf %mul3A_824, %mul3A_829 : vector<16xf32>
      %swap3A_831 = arith.index_cast %scan3A_58 : i32 to index
      %swap3A_832 = arith.constant 752 : index
      %swap3A_833 = tpu.vector_load %arg12[%swap3A_831, %swap3A_832] {strides = array<i32>} : memref<32x1024xf32, #tpu.memory_space<vmem>>, vector<1x16xf32>,
      %swap3A_834 = vector.shape_cast %swap3A_833 : vector<1x16xf32> to vector<16xf32>
      %swap3A_835 = vector.shape_cast %add3A_830 : vector<16xf32> to vector<1x16xf32>
      tpu.vector_store %arg12[%swap3A_831, %swap3A_832], %swap3A_835 {strides = array<i32>} : memref<32x1024xf32, #tpu.memory_space<vmem>>, vector<1x16xf32>,
      %get3A_836 = arith.index_cast %scan3A_58 : i32 to index
      %get3A_837 = arith.constant 768 : index
      %get3A_838 = tpu.vector_load %arg12[%get3A_836, %get3A_837] {strides = array<i32>} : memref<32x1024xf32, #tpu.memory_space<vmem>>, vector<1x16xf32>,
      %get3A_839 = vector.shape_cast %get3A_838 : vector<1x16xf32> to vector<16xf32>
      %mul3A_840 = arith.mulf %get3A_64, %get3A_839 : vector<16xf32>
      %get3A_841 = arith.index_cast %scan3A_58 : i32 to index
      %get3A_842 = arith.constant 768 : index
      %get3A_843 = tpu.vector_load %arg13[%get3A_841, %get3A_842] {strides = array<i32>} : memref<32x1024xf32, #tpu.memory_space<vmem>>, vector<1x16xf32>,
      %get3A_844 = vector.shape_cast %get3A_843 : vector<1x16xf32> to vector<16xf32>
      %mul3A_845 = arith.mulf %get3A_68, %get3A_844 : vector<16xf32>
      %add3A_846 = arith.addf %mul3A_840, %mul3A_845 : vector<16xf32>
      %swap3A_847 = arith.index_cast %scan3A_58 : i32 to index
      %swap3A_848 = arith.constant 768 : index
      %swap3A_849 = tpu.vector_load %arg12[%swap3A_847, %swap3A_848] {strides = array<i32>} : memref<32x1024xf32, #tpu.memory_space<vmem>>, vector<1x16xf32>,
      %swap3A_850 = vector.shape_cast %swap3A_849 : vector<1x16xf32> to vector<16xf32>
      %swap3A_851 = vector.shape_cast %add3A_846 : vector<16xf32> to vector<1x16xf32>
      tpu.vector_store %arg12[%swap3A_847, %swap3A_848], %swap3A_851 {strides = array<i32>} : memref<32x1024xf32, #tpu.memory_space<vmem>>, vector<1x16xf32>,
      %get3A_852 = arith.index_cast %scan3A_58 : i32 to index
      %get3A_853 = arith.constant 784 : index
      %get3A_854 = tpu.vector_load %arg12[%get3A_852, %get3A_853] {strides = array<i32>} : memref<32x1024xf32, #tpu.memory_space<vmem>>, vector<1x16xf32>,
      %get3A_855 = vector.shape_cast %get3A_854 : vector<1x16xf32> to vector<16xf32>
      %mul3A_856 = arith.mulf %get3A_64, %get3A_855 : vector<16xf32>
      %get3A_857 = arith.index_cast %scan3A_58 : i32 to index
      %get3A_858 = arith.constant 784 : index
      %get3A_859 = tpu.vector_load %arg13[%get3A_857, %get3A_858] {strides = array<i32>} : memref<32x1024xf32, #tpu.memory_space<vmem>>, vector<1x16xf32>,
      %get3A_860 = vector.shape_cast %get3A_859 : vector<1x16xf32> to vector<16xf32>
      %mul3A_861 = arith.mulf %get3A_68, %get3A_860 : vector<16xf32>
      %add3A_862 = arith.addf %mul3A_856, %mul3A_861 : vector<16xf32>
      %swap3A_863 = arith.index_cast %scan3A_58 : i32 to index
      %swap3A_864 = arith.constant 784 : index
      %swap3A_865 = tpu.vector_load %arg12[%swap3A_863, %swap3A_864] {strides = array<i32>} : memref<32x1024xf32, #tpu.memory_space<vmem>>, vector<1x16xf32>,
      %swap3A_866 = vector.shape_cast %swap3A_865 : vector<1x16xf32> to vector<16xf32>
      %swap3A_867 = vector.shape_cast %add3A_862 : vector<16xf32> to vector<1x16xf32>
      tpu.vector_store %arg12[%swap3A_863, %swap3A_864], %swap3A_867 {strides = array<i32>} : memref<32x1024xf32, #tpu.memory_space<vmem>>, vector<1x16xf32>,
      %get3A_868 = arith.index_cast %scan3A_58 : i32 to index
      %get3A_869 = arith.constant 800 : index
      %get3A_870 = tpu.vector_load %arg12[%get3A_868, %get3A_869] {strides = array<i32>} : memref<32x1024xf32, #tpu.memory_space<vmem>>, vector<1x16xf32>,
      %get3A_871 = vector.shape_cast %get3A_870 : vector<1x16xf32> to vector<16xf32>
      %mul3A_872 = arith.mulf %get3A_64, %get3A_871 : vector<16xf32>
      %get3A_873 = arith.index_cast %scan3A_58 : i32 to index
      %get3A_874 = arith.constant 800 : index
      %get3A_875 = tpu.vector_load %arg13[%get3A_873, %get3A_874] {strides = array<i32>} : memref<32x1024xf32, #tpu.memory_space<vmem>>, vector<1x16xf32>,
      %get3A_876 = vector.shape_cast %get3A_875 : vector<1x16xf32> to vector<16xf32>
      %mul3A_877 = arith.mulf %get3A_68, %get3A_876 : vector<16xf32>
      %add3A_878 = arith.addf %mul3A_872, %mul3A_877 : vector<16xf32>
      %swap3A_879 = arith.index_cast %scan3A_58 : i32 to index
      %swap3A_880 = arith.constant 800 : index
      %swap3A_881 = tpu.vector_load %arg12[%swap3A_879, %swap3A_880] {strides = array<i32>} : memref<32x1024xf32, #tpu.memory_space<vmem>>, vector<1x16xf32>,
      %swap3A_882 = vector.shape_cast %swap3A_881 : vector<1x16xf32> to vector<16xf32>
      %swap3A_883 = vector.shape_cast %add3A_878 : vector<16xf32> to vector<1x16xf32>
      tpu.vector_store %arg12[%swap3A_879, %swap3A_880], %swap3A_883 {strides = array<i32>} : memref<32x1024xf32, #tpu.memory_space<vmem>>, vector<1x16xf32>,
      %get3A_884 = arith.index_cast %scan3A_58 : i32 to index
      %get3A_885 = arith.constant 816 : index
      %get3A_886 = tpu.vector_load %arg12[%get3A_884, %get3A_885] {strides = array<i32>} : memref<32x1024xf32, #tpu.memory_space<vmem>>, vector<1x16xf32>,
      %get3A_887 = vector.shape_cast %get3A_886 : vector<1x16xf32> to vector<16xf32>
      %mul3A_888 = arith.mulf %get3A_64, %get3A_887 : vector<16xf32>
      %get3A_889 = arith.index_cast %scan3A_58 : i32 to index
      %get3A_890 = arith.constant 816 : index
      %get3A_891 = tpu.vector_load %arg13[%get3A_889, %get3A_890] {strides = array<i32>} : memref<32x1024xf32, #tpu.memory_space<vmem>>, vector<1x16xf32>,
      %get3A_892 = vector.shape_cast %get3A_891 : vector<1x16xf32> to vector<16xf32>
      %mul3A_893 = arith.mulf %get3A_68, %get3A_892 : vector<16xf32>
      %add3A_894 = arith.addf %mul3A_888, %mul3A_893 : vector<16xf32>
      %swap3A_895 = arith.index_cast %scan3A_58 : i32 to index
      %swap3A_896 = arith.constant 816 : index
      %swap3A_897 = tpu.vector_load %arg12[%swap3A_895, %swap3A_896] {strides = array<i32>} : memref<32x1024xf32, #tpu.memory_space<vmem>>, vector<1x16xf32>,
      %swap3A_898 = vector.shape_cast %swap3A_897 : vector<1x16xf32> to vector<16xf32>
      %swap3A_899 = vector.shape_cast %add3A_894 : vector<16xf32> to vector<1x16xf32>
      tpu.vector_store %arg12[%swap3A_895, %swap3A_896], %swap3A_899 {strides = array<i32>} : memref<32x1024xf32, #tpu.memory_space<vmem>>, vector<1x16xf32>,
      %get3A_900 = arith.index_cast %scan3A_58 : i32 to index
      %get3A_901 = arith.constant 832 : index
      %get3A_902 = tpu.vector_load %arg12[%get3A_900, %get3A_901] {strides = array<i32>} : memref<32x1024xf32, #tpu.memory_space<vmem>>, vector<1x16xf32>,
      %get3A_903 = vector.shape_cast %get3A_902 : vector<1x16xf32> to vector<16xf32>
      %mul3A_904 = arith.mulf %get3A_64, %get3A_903 : vector<16xf32>
      %get3A_905 = arith.index_cast %scan3A_58 : i32 to index
      %get3A_906 = arith.constant 832 : index
      %get3A_907 = tpu.vector_load %arg13[%get3A_905, %get3A_906] {strides = array<i32>} : memref<32x1024xf32, #tpu.memory_space<vmem>>, vector<1x16xf32>,
      %get3A_908 = vector.shape_cast %get3A_907 : vector<1x16xf32> to vector<16xf32>
      %mul3A_909 = arith.mulf %get3A_68, %get3A_908 : vector<16xf32>
      %add3A_910 = arith.addf %mul3A_904, %mul3A_909 : vector<16xf32>
      %swap3A_911 = arith.index_cast %scan3A_58 : i32 to index
      %swap3A_912 = arith.constant 832 : index
      %swap3A_913 = tpu.vector_load %arg12[%swap3A_911, %swap3A_912] {strides = array<i32>} : memref<32x1024xf32, #tpu.memory_space<vmem>>, vector<1x16xf32>,
      %swap3A_914 = vector.shape_cast %swap3A_913 : vector<1x16xf32> to vector<16xf32>
      %swap3A_915 = vector.shape_cast %add3A_910 : vector<16xf32> to vector<1x16xf32>
      tpu.vector_store %arg12[%swap3A_911, %swap3A_912], %swap3A_915 {strides = array<i32>} : memref<32x1024xf32, #tpu.memory_space<vmem>>, vector<1x16xf32>,
      %get3A_916 = arith.index_cast %scan3A_58 : i32 to index
      %get3A_917 = arith.constant 848 : index
      %get3A_918 = tpu.vector_load %arg12[%get3A_916, %get3A_917] {strides = array<i32>} : memref<32x1024xf32, #tpu.memory_space<vmem>>, vector<1x16xf32>,
      %get3A_919 = vector.shape_cast %get3A_918 : vector<1x16xf32> to vector<16xf32>
      %mul3A_920 = arith.mulf %get3A_64, %get3A_919 : vector<16xf32>
      %get3A_921 = arith.index_cast %scan3A_58 : i32 to index
      %get3A_922 = arith.constant 848 : index
      %get3A_923 = tpu.vector_load %arg13[%get3A_921, %get3A_922] {strides = array<i32>} : memref<32x1024xf32, #tpu.memory_space<vmem>>, vector<1x16xf32>,
      %get3A_924 = vector.shape_cast %get3A_923 : vector<1x16xf32> to vector<16xf32>
      %mul3A_925 = arith.mulf %get3A_68, %get3A_924 : vector<16xf32>
      %add3A_926 = arith.addf %mul3A_920, %mul3A_925 : vector<16xf32>
      %swap3A_927 = arith.index_cast %scan3A_58 : i32 to index
      %swap3A_928 = arith.constant 848 : index
      %swap3A_929 = tpu.vector_load %arg12[%swap3A_927, %swap3A_928] {strides = array<i32>} : memref<32x1024xf32, #tpu.memory_space<vmem>>, vector<1x16xf32>,
      %swap3A_930 = vector.shape_cast %swap3A_929 : vector<1x16xf32> to vector<16xf32>
      %swap3A_931 = vector.shape_cast %add3A_926 : vector<16xf32> to vector<1x16xf32>
      tpu.vector_store %arg12[%swap3A_927, %swap3A_928], %swap3A_931 {strides = array<i32>} : memref<32x1024xf32, #tpu.memory_space<vmem>>, vector<1x16xf32>,
      %get3A_932 = arith.index_cast %scan3A_58 : i32 to index
      %get3A_933 = arith.constant 864 : index
      %get3A_934 = tpu.vector_load %arg12[%get3A_932, %get3A_933] {strides = array<i32>} : memref<32x1024xf32, #tpu.memory_space<vmem>>, vector<1x16xf32>,
      %get3A_935 = vector.shape_cast %get3A_934 : vector<1x16xf32> to vector<16xf32>
      %mul3A_936 = arith.mulf %get3A_64, %get3A_935 : vector<16xf32>
      %get3A_937 = arith.index_cast %scan3A_58 : i32 to index
      %get3A_938 = arith.constant 864 : index
      %get3A_939 = tpu.vector_load %arg13[%get3A_937, %get3A_938] {strides = array<i32>} : memref<32x1024xf32, #tpu.memory_space<vmem>>, vector<1x16xf32>,
      %get3A_940 = vector.shape_cast %get3A_939 : vector<1x16xf32> to vector<16xf32>
      %mul3A_941 = arith.mulf %get3A_68, %get3A_940 : vector<16xf32>
      %add3A_942 = arith.addf %mul3A_936, %mul3A_941 : vector<16xf32>
      %swap3A_943 = arith.index_cast %scan3A_58 : i32 to index
      %swap3A_944 = arith.constant 864 : index
      %swap3A_945 = tpu.vector_load %arg12[%swap3A_943, %swap3A_944] {strides = array<i32>} : memref<32x1024xf32, #tpu.memory_space<vmem>>, vector<1x16xf32>,
      %swap3A_946 = vector.shape_cast %swap3A_945 : vector<1x16xf32> to vector<16xf32>
      %swap3A_947 = vector.shape_cast %add3A_942 : vector<16xf32> to vector<1x16xf32>
      tpu.vector_store %arg12[%swap3A_943, %swap3A_944], %swap3A_947 {strides = array<i32>} : memref<32x1024xf32, #tpu.memory_space<vmem>>, vector<1x16xf32>,
      %get3A_948 = arith.index_cast %scan3A_58 : i32 to index
      %get3A_949 = arith.constant 880 : index
      %get3A_950 = tpu.vector_load %arg12[%get3A_948, %get3A_949] {strides = array<i32>} : memref<32x1024xf32, #tpu.memory_space<vmem>>, vector<1x16xf32>,
      %get3A_951 = vector.shape_cast %get3A_950 : vector<1x16xf32> to vector<16xf32>
      %mul3A_952 = arith.mulf %get3A_64, %get3A_951 : vector<16xf32>
      %get3A_953 = arith.index_cast %scan3A_58 : i32 to index
      %get3A_954 = arith.constant 880 : index
      %get3A_955 = tpu.vector_load %arg13[%get3A_953, %get3A_954] {strides = array<i32>} : memref<32x1024xf32, #tpu.memory_space<vmem>>, vector<1x16xf32>,
      %get3A_956 = vector.shape_cast %get3A_955 : vector<1x16xf32> to vector<16xf32>
      %mul3A_957 = arith.mulf %get3A_68, %get3A_956 : vector<16xf32>
      %add3A_958 = arith.addf %mul3A_952, %mul3A_957 : vector<16xf32>
      %swap3A_959 = arith.index_cast %scan3A_58 : i32 to index
      %swap3A_960 = arith.constant 880 : index
      %swap3A_961 = tpu.vector_load %arg12[%swap3A_959, %swap3A_960] {strides = array<i32>} : memref<32x1024xf32, #tpu.memory_space<vmem>>, vector<1x16xf32>,
      %swap3A_962 = vector.shape_cast %swap3A_961 : vector<1x16xf32> to vector<16xf32>
      %swap3A_963 = vector.shape_cast %add3A_958 : vector<16xf32> to vector<1x16xf32>
      tpu.vector_store %arg12[%swap3A_959, %swap3A_960], %swap3A_963 {strides = array<i32>} : memref<32x1024xf32, #tpu.memory_space<vmem>>, vector<1x16xf32>,
      %get3A_964 = arith.index_cast %scan3A_58 : i32 to index
      %get3A_965 = arith.constant 896 : index
      %get3A_966 = tpu.vector_load %arg12[%get3A_964, %get3A_965] {strides = array<i32>} : memref<32x1024xf32, #tpu.memory_space<vmem>>, vector<1x16xf32>,
      %get3A_967 = vector.shape_cast %get3A_966 : vector<1x16xf32> to vector<16xf32>
      %mul3A_968 = arith.mulf %get3A_64, %get3A_967 : vector<16xf32>
      %get3A_969 = arith.index_cast %scan3A_58 : i32 to index
      %get3A_970 = arith.constant 896 : index
      %get3A_971 = tpu.vector_load %arg13[%get3A_969, %get3A_970] {strides = array<i32>} : memref<32x1024xf32, #tpu.memory_space<vmem>>, vector<1x16xf32>,
      %get3A_972 = vector.shape_cast %get3A_971 : vector<1x16xf32> to vector<16xf32>
      %mul3A_973 = arith.mulf %get3A_68, %get3A_972 : vector<16xf32>
      %add3A_974 = arith.addf %mul3A_968, %mul3A_973 : vector<16xf32>
      %swap3A_975 = arith.index_cast %scan3A_58 : i32 to index
      %swap3A_976 = arith.constant 896 : index
      %swap3A_977 = tpu.vector_load %arg12[%swap3A_975, %swap3A_976] {strides = array<i32>} : memref<32x1024xf32, #tpu.memory_space<vmem>>, vector<1x16xf32>,
      %swap3A_978 = vector.shape_cast %swap3A_977 : vector<1x16xf32> to vector<16xf32>
      %swap3A_979 = vector.shape_cast %add3A_974 : vector<16xf32> to vector<1x16xf32>
      tpu.vector_store %arg12[%swap3A_975, %swap3A_976], %swap3A_979 {strides = array<i32>} : memref<32x1024xf32, #tpu.memory_space<vmem>>, vector<1x16xf32>,
      %get3A_980 = arith.index_cast %scan3A_58 : i32 to index
      %get3A_981 = arith.constant 912 : index
      %get3A_982 = tpu.vector_load %arg12[%get3A_980, %get3A_981] {strides = array<i32>} : memref<32x1024xf32, #tpu.memory_space<vmem>>, vector<1x16xf32>,
      %get3A_983 = vector.shape_cast %get3A_982 : vector<1x16xf32> to vector<16xf32>
      %mul3A_984 = arith.mulf %get3A_64, %get3A_983 : vector<16xf32>
      %get3A_985 = arith.index_cast %scan3A_58 : i32 to index
      %get3A_986 = arith.constant 912 : index
      %get3A_987 = tpu.vector_load %arg13[%get3A_985, %get3A_986] {strides = array<i32>} : memref<32x1024xf32, #tpu.memory_space<vmem>>, vector<1x16xf32>,
      %get3A_988 = vector.shape_cast %get3A_987 : vector<1x16xf32> to vector<16xf32>
      %mul3A_989 = arith.mulf %get3A_68, %get3A_988 : vector<16xf32>
      %add3A_990 = arith.addf %mul3A_984, %mul3A_989 : vector<16xf32>
      %swap3A_991 = arith.index_cast %scan3A_58 : i32 to index
      %swap3A_992 = arith.constant 912 : index
      %swap3A_993 = tpu.vector_load %arg12[%swap3A_991, %swap3A_992] {strides = array<i32>} : memref<32x1024xf32, #tpu.memory_space<vmem>>, vector<1x16xf32>,
      %swap3A_994 = vector.shape_cast %swap3A_993 : vector<1x16xf32> to vector<16xf32>
      %swap3A_995 = vector.shape_cast %add3A_990 : vector<16xf32> to vector<1x16xf32>
      tpu.vector_store %arg12[%swap3A_991, %swap3A_992], %swap3A_995 {strides = array<i32>} : memref<32x1024xf32, #tpu.memory_space<vmem>>, vector<1x16xf32>,
      %get3A_996 = arith.index_cast %scan3A_58 : i32 to index
      %get3A_997 = arith.constant 928 : index
      %get3A_998 = tpu.vector_load %arg12[%get3A_996, %get3A_997] {strides = array<i32>} : memref<32x1024xf32, #tpu.memory_space<vmem>>, vector<1x16xf32>,
      %get3A_999 = vector.shape_cast %get3A_998 : vector<1x16xf32> to vector<16xf32>
      %mul3A_1000 = arith.mulf %get3A_64, %get3A_999 : vector<16xf32>
      %get3A_1001 = arith.index_cast %scan3A_58 : i32 to index
      %get3A_1002 = arith.constant 928 : index
      %get3A_1003 = tpu.vector_load %arg13[%get3A_1001, %get3A_1002] {strides = array<i32>} : memref<32x1024xf32, #tpu.memory_space<vmem>>, vector<1x16xf32>,
      %get3A_1004 = vector.shape_cast %get3A_1003 : vector<1x16xf32> to vector<16xf32>
      %mul3A_1005 = arith.mulf %get3A_68, %get3A_1004 : vector<16xf32>
      %add3A_1006 = arith.addf %mul3A_1000, %mul3A_1005 : vector<16xf32>
      %swap3A_1007 = arith.index_cast %scan3A_58 : i32 to index
      %swap3A_1008 = arith.constant 928 : index
      %swap3A_1009 = tpu.vector_load %arg12[%swap3A_1007, %swap3A_1008] {strides = array<i32>} : memref<32x1024xf32, #tpu.memory_space<vmem>>, vector<1x16xf32>,
      %swap3A_1010 = vector.shape_cast %swap3A_1009 : vector<1x16xf32> to vector<16xf32>
      %swap3A_1011 = vector.shape_cast %add3A_1006 : vector<16xf32> to vector<1x16xf32>
      tpu.vector_store %arg12[%swap3A_1007, %swap3A_1008], %swap3A_1011 {strides = array<i32>} : memref<32x1024xf32, #tpu.memory_space<vmem>>, vector<1x16xf32>,
      %get3A_1012 = arith.index_cast %scan3A_58 : i32 to index
      %get3A_1013 = arith.constant 944 : index
      %get3A_1014 = tpu.vector_load %arg12[%get3A_1012, %get3A_1013] {strides = array<i32>} : memref<32x1024xf32, #tpu.memory_space<vmem>>, vector<1x16xf32>,
      %get3A_1015 = vector.shape_cast %get3A_1014 : vector<1x16xf32> to vector<16xf32>
      %mul3A_1016 = arith.mulf %get3A_64, %get3A_1015 : vector<16xf32>
      %get3A_1017 = arith.index_cast %scan3A_58 : i32 to index
      %get3A_1018 = arith.constant 944 : index
      %get3A_1019 = tpu.vector_load %arg13[%get3A_1017, %get3A_1018] {strides = array<i32>} : memref<32x1024xf32, #tpu.memory_space<vmem>>, vector<1x16xf32>,
      %get3A_1020 = vector.shape_cast %get3A_1019 : vector<1x16xf32> to vector<16xf32>
      %mul3A_1021 = arith.mulf %get3A_68, %get3A_1020 : vector<16xf32>
      %add3A_1022 = arith.addf %mul3A_1016, %mul3A_1021 : vector<16xf32>
      %swap3A_1023 = arith.index_cast %scan3A_58 : i32 to index
      %swap3A_1024 = arith.constant 944 : index
      %swap3A_1025 = tpu.vector_load %arg12[%swap3A_1023, %swap3A_1024] {strides = array<i32>} : memref<32x1024xf32, #tpu.memory_space<vmem>>, vector<1x16xf32>,
      %swap3A_1026 = vector.shape_cast %swap3A_1025 : vector<1x16xf32> to vector<16xf32>
      %swap3A_1027 = vector.shape_cast %add3A_1022 : vector<16xf32> to vector<1x16xf32>
      tpu.vector_store %arg12[%swap3A_1023, %swap3A_1024], %swap3A_1027 {strides = array<i32>} : memref<32x1024xf32, #tpu.memory_space<vmem>>, vector<1x16xf32>,
      %get3A_1028 = arith.index_cast %scan3A_58 : i32 to index
      %get3A_1029 = arith.constant 960 : index
      %get3A_1030 = tpu.vector_load %arg12[%get3A_1028, %get3A_1029] {strides = array<i32>} : memref<32x1024xf32, #tpu.memory_space<vmem>>, vector<1x16xf32>,
      %get3A_1031 = vector.shape_cast %get3A_1030 : vector<1x16xf32> to vector<16xf32>
      %mul3A_1032 = arith.mulf %get3A_64, %get3A_1031 : vector<16xf32>
      %get3A_1033 = arith.index_cast %scan3A_58 : i32 to index
      %get3A_1034 = arith.constant 960 : index
      %get3A_1035 = tpu.vector_load %arg13[%get3A_1033, %get3A_1034] {strides = array<i32>} : memref<32x1024xf32, #tpu.memory_space<vmem>>, vector<1x16xf32>,
      %get3A_1036 = vector.shape_cast %get3A_1035 : vector<1x16xf32> to vector<16xf32>
      %mul3A_1037 = arith.mulf %get3A_68, %get3A_1036 : vector<16xf32>
      %add3A_1038 = arith.addf %mul3A_1032, %mul3A_1037 : vector<16xf32>
      %swap3A_1039 = arith.index_cast %scan3A_58 : i32 to index
      %swap3A_1040 = arith.constant 960 : index
      %swap3A_1041 = tpu.vector_load %arg12[%swap3A_1039, %swap3A_1040] {strides = array<i32>} : memref<32x1024xf32, #tpu.memory_space<vmem>>, vector<1x16xf32>,
      %swap3A_1042 = vector.shape_cast %swap3A_1041 : vector<1x16xf32> to vector<16xf32>
      %swap3A_1043 = vector.shape_cast %add3A_1038 : vector<16xf32> to vector<1x16xf32>
      tpu.vector_store %arg12[%swap3A_1039, %swap3A_1040], %swap3A_1043 {strides = array<i32>} : memref<32x1024xf32, #tpu.memory_space<vmem>>, vector<1x16xf32>,
      %get3A_1044 = arith.index_cast %scan3A_58 : i32 to index
      %get3A_1045 = arith.constant 976 : index
      %get3A_1046 = tpu.vector_load %arg12[%get3A_1044, %get3A_1045] {strides = array<i32>} : memref<32x1024xf32, #tpu.memory_space<vmem>>, vector<1x16xf32>,
      %get3A_1047 = vector.shape_cast %get3A_1046 : vector<1x16xf32> to vector<16xf32>
      %mul3A_1048 = arith.mulf %get3A_64, %get3A_1047 : vector<16xf32>
      %get3A_1049 = arith.index_cast %scan3A_58 : i32 to index
      %get3A_1050 = arith.constant 976 : index
      %get3A_1051 = tpu.vector_load %arg13[%get3A_1049, %get3A_1050] {strides = array<i32>} : memref<32x1024xf32, #tpu.memory_space<vmem>>, vector<1x16xf32>,
      %get3A_1052 = vector.shape_cast %get3A_1051 : vector<1x16xf32> to vector<16xf32>
      %mul3A_1053 = arith.mulf %get3A_68, %get3A_1052 : vector<16xf32>
      %add3A_1054 = arith.addf %mul3A_1048, %mul3A_1053 : vector<16xf32>
      %swap3A_1055 = arith.index_cast %scan3A_58 : i32 to index
      %swap3A_1056 = arith.constant 976 : index
      %swap3A_1057 = tpu.vector_load %arg12[%swap3A_1055, %swap3A_1056] {strides = array<i32>} : memref<32x1024xf32, #tpu.memory_space<vmem>>, vector<1x16xf32>,
      %swap3A_1058 = vector.shape_cast %swap3A_1057 : vector<1x16xf32> to vector<16xf32>
      %swap3A_1059 = vector.shape_cast %add3A_1054 : vector<16xf32> to vector<1x16xf32>
      tpu.vector_store %arg12[%swap3A_1055, %swap3A_1056], %swap3A_1059 {strides = array<i32>} : memref<32x1024xf32, #tpu.memory_space<vmem>>, vector<1x16xf32>,
      %get3A_1060 = arith.index_cast %scan3A_58 : i32 to index
      %get3A_1061 = arith.constant 992 : index
      %get3A_1062 = tpu.vector_load %arg12[%get3A_1060, %get3A_1061] {strides = array<i32>} : memref<32x1024xf32, #tpu.memory_space<vmem>>, vector<1x16xf32>,
      %get3A_1063 = vector.shape_cast %get3A_1062 : vector<1x16xf32> to vector<16xf32>
      %mul3A_1064 = arith.mulf %get3A_64, %get3A_1063 : vector<16xf32>
      %get3A_1065 = arith.index_cast %scan3A_58 : i32 to index
      %get3A_1066 = arith.constant 992 : index
      %get3A_1067 = tpu.vector_load %arg13[%get3A_1065, %get3A_1066] {strides = array<i32>} : memref<32x1024xf32, #tpu.memory_space<vmem>>, vector<1x16xf32>,
      %get3A_1068 = vector.shape_cast %get3A_1067 : vector<1x16xf32> to vector<16xf32>
      %mul3A_1069 = arith.mulf %get3A_68, %get3A_1068 : vector<16xf32>
      %add3A_1070 = arith.addf %mul3A_1064, %mul3A_1069 : vector<16xf32>
      %swap3A_1071 = arith.index_cast %scan3A_58 : i32 to index
      %swap3A_1072 = arith.constant 992 : index
      %swap3A_1073 = tpu.vector_load %arg12[%swap3A_1071, %swap3A_1072] {strides = array<i32>} : memref<32x1024xf32, #tpu.memory_space<vmem>>, vector<1x16xf32>,
      %swap3A_1074 = vector.shape_cast %swap3A_1073 : vector<1x16xf32> to vector<16xf32>
      %swap3A_1075 = vector.shape_cast %add3A_1070 : vector<16xf32> to vector<1x16xf32>
      tpu.vector_store %arg12[%swap3A_1071, %swap3A_1072], %swap3A_1075 {strides = array<i32>} : memref<32x1024xf32, #tpu.memory_space<vmem>>, vector<1x16xf32>,
      %get3A_1076 = arith.index_cast %scan3A_58 : i32 to index
      %get3A_1077 = arith.constant 1008 : index
      %get3A_1078 = tpu.vector_load %arg12[%get3A_1076, %get3A_1077] {strides = array<i32>} : memref<32x1024xf32, #tpu.memory_space<vmem>>, vector<1x16xf32>,
      %get3A_1079 = vector.shape_cast %get3A_1078 : vector<1x16xf32> to vector<16xf32>
      %mul3A_1080 = arith.mulf %get3A_64, %get3A_1079 : vector<16xf32>
      %get3A_1081 = arith.index_cast %scan3A_58 : i32 to index
      %get3A_1082 = arith.constant 1008 : index
      %get3A_1083 = tpu.vector_load %arg13[%get3A_1081, %get3A_1082] {strides = array<i32>} : memref<32x1024xf32, #tpu.memory_space<vmem>>, vector<1x16xf32>,
      %get3A_1084 = vector.shape_cast %get3A_1083 : vector<1x16xf32> to vector<16xf32>
      %mul3A_1085 = arith.mulf %get3A_68, %get3A_1084 : vector<16xf32>
      %add3A_1086 = arith.addf %mul3A_1080, %mul3A_1085 : vector<16xf32>
      %swap3A_1087 = arith.index_cast %scan3A_58 : i32 to index
      %swap3A_1088 = arith.constant 1008 : index
      %swap3A_1089 = tpu.vector_load %arg12[%swap3A_1087, %swap3A_1088] {strides = array<i32>} : memref<32x1024xf32, #tpu.memory_space<vmem>>, vector<1x16xf32>,
      %swap3A_1090 = vector.shape_cast %swap3A_1089 : vector<1x16xf32> to vector<16xf32>
      %swap3A_1091 = vector.shape_cast %add3A_1086 : vector<16xf32> to vector<1x16xf32>
      tpu.vector_store %arg12[%swap3A_1087, %swap3A_1088], %swap3A_1091 {strides = array<i32>} : memref<32x1024xf32, #tpu.memory_space<vmem>>, vector<1x16xf32>,
      %scan3A_1092 = arith.constant 0 : i32
      scf.yield %scan3A_1092 : i32
    }
    %scan3A_55 = arith.constant 32 : i32
    %add3A_56 = arith.constant 32 : i32
    %add3A_57 = arith.addi %mul3A_2, %add3A_56 : i32
    "tpu.region"() ({
      %run_scoped3A = tpu.sem_alloc : memref<!tpu.dma_semaphore, #tpu.memory_space<semaphore_mem>>
      %dma_start3A_58 = arith.constant 0 : i32
      %dma_start3A_59 = tpu.memref_slice %arg7[%add3A_57, %dma_start3A_58] : memref<2048x1024xf32, #tpu.memory_space<hbm>> -> memref<32x1024xf32, #tpu.memory_space<hbm>>
      %dma_start3A_60 = arith.constant 0 : i32
      %dma_start3A_61 = tpu.memref_slice %arg7[%add3A_57, %dma_start3A_60] : memref<2048x1024xf32, #tpu.memory_space<hbm>> -> memref<32x1024xf32, #tpu.memory_space<hbm>>
      tpu.enqueue_dma source(%arg12 : memref<32x1024xf32, #tpu.memory_space<vmem>>) target(%dma_start3A_61 : memref<32x1024xf32, #tpu.memory_space<hbm>>) target_semaphore(%run_scoped3A : memref<!tpu.dma_semaphore, #tpu.memory_space<semaphore_mem>>)
      %dma_wait3A_62 = arith.constant 0 : i32
      %dma_wait3A_63 = tpu.memref_slice %arg7[%add3A_57, %dma_wait3A_62] : memref<2048x1024xf32, #tpu.memory_space<hbm>> -> memref<32x1024xf32, #tpu.memory_space<hbm>>
      %dma_wait3A_64 = arith.constant 0 : i32
      %dma_wait3A_65 = tpu.memref_slice %arg7[%add3A_57, %dma_wait3A_64] : memref<2048x1024xf32, #tpu.memory_space<hbm>> -> memref<32x1024xf32, #tpu.memory_space<hbm>>
      tpu.wait_dma2 semaphore(%run_scoped3A : memref<!tpu.dma_semaphore, #tpu.memory_space<semaphore_mem>>) src(%arg12 : memref<32x1024xf32, #tpu.memory_space<vmem>>) dst(%dma_wait3A_65 : memref<32x1024xf32, #tpu.memory_space<hbm>>)
      tpu.yield
    }) : () -> ()
    return
  }
}

module attributes {stable_mosaic.version = 14 : i64} {
  func.func @_gate_body(%arg0: i32, %arg1: memref<512x1024xf32, #tpu.memory_space<vmem>>, %arg2: memref<1024x1024xf32, #tpu.memory_space<vmem>>, %arg3: memref<1x1024xf32, #tpu.memory_space<vmem>>, %arg4: memref<1024x8xf32, #tpu.memory_space<vmem>>, %arg5: memref<1x8xf32, #tpu.memory_space<vmem>>, %arg6: memref<512x1xi32, #tpu.memory_space<vmem>>, %arg7: memref<512x1xi32, #tpu.memory_space<vmem>>, %arg8: memref<512x1xf32, #tpu.memory_space<vmem>>, %arg9: memref<512x1xf32, #tpu.memory_space<vmem>>) attributes {dimension_semantics = [#tpu.dimension_semantics<arbitrary>], iteration_bounds = array<i64: 4>, scalar_prefetch = 0 : i64, scratch_operands = 0 : i64, tpu.core_type = #tpu.core_type<tc>, window_params = [{transform_indices = @transform_0, window_bounds = array<i64: 512, 1024>}, {pipeline_mode = #tpu.pipeline_mode<synchronous>, transform_indices = @transform_1, window_bounds = array<i64: 1024, 1024>}, {pipeline_mode = #tpu.pipeline_mode<synchronous>, transform_indices = @transform_2, window_bounds = array<i64: 1, 1024>}, {pipeline_mode = #tpu.pipeline_mode<synchronous>, transform_indices = @transform_3, window_bounds = array<i64: 1024, 8>}, {pipeline_mode = #tpu.pipeline_mode<synchronous>, transform_indices = @transform_4, window_bounds = array<i64: 1, 8>}, {transform_indices = @transform_5, window_bounds = array<i64: 512, 1>}, {transform_indices = @transform_6, window_bounds = array<i64: 512, 1>}, {transform_indices = @transform_7, window_bounds = array<i64: 512, 1>}, {transform_indices = @transform_8, window_bounds = array<i64: 512, 1>}]} {
    %get3A = arith.constant 0 : index
    %get3A_0 = arith.constant 0 : index
    %get3A_1 = vector.load %arg1[%get3A, %get3A_0] : memref<512x1024xf32, #tpu.memory_space<vmem>>, vector<512x1024xf32>
    %get3A_2 = arith.constant 0 : index
    %get3A_3 = arith.constant 0 : index
    %get3A_4 = vector.load %arg2[%get3A_2, %get3A_3] : memref<1024x1024xf32, #tpu.memory_space<vmem>>, vector<1024x1024xf32>
    %dot_general3A = arith.constant dense<0.000000e+00> : vector<512x1024xf32>
    %dot_general3A_5 = tpu.matmul %get3A_1, %get3A_4, %dot_general3A {dimension_numbers = #tpu.dot_dimension_numbers<[1], [0], [0], [1], [0, 0, 1, 1], [], []>, transpose_lhs_hint = false} : vector<512x1024xf32>, vector<1024x1024xf32>, vector<512x1024xf32> -> vector<512x1024xf32>
    %get3A_6 = arith.constant 0 : index
    %get3A_7 = arith.constant 0 : index
    %get3A_8 = vector.load %arg3[%get3A_6, %get3A_7] : memref<1x1024xf32, #tpu.memory_space<vmem>>, vector<1x1024xf32>
    %add3A = vector.broadcast %get3A_8 : vector<1x1024xf32> to vector<512x1024xf32>
    %add3A_9 = arith.addf %dot_general3A_5, %add3A : vector<512x1024xf32>
    %max3A = arith.constant 0.000000e+00 : f32
    %max3A_10 = vector.broadcast %max3A : f32 to vector<512x1024xf32>
    %max3A_11 = arith.maximumf %add3A_9, %max3A_10 : vector<512x1024xf32>
    %get3A_12 = arith.constant 0 : index
    %get3A_13 = arith.constant 0 : index
    %get3A_14 = vector.load %arg4[%get3A_12, %get3A_13] : memref<1024x8xf32, #tpu.memory_space<vmem>>, vector<1024x8xf32>
    %dot_general3A_15 = arith.constant dense<0.000000e+00> : vector<512x8xf32>
    %dot_general3A_16 = tpu.matmul %max3A_11, %get3A_14, %dot_general3A_15 {dimension_numbers = #tpu.dot_dimension_numbers<[1], [0], [0], [1], [0, 0, 1, 1], [], []>, transpose_lhs_hint = false} : vector<512x1024xf32>, vector<1024x8xf32>, vector<512x8xf32> -> vector<512x8xf32>
    %get3A_17 = arith.constant 0 : index
    %get3A_18 = arith.constant 0 : index
    %get3A_19 = vector.load %arg5[%get3A_17, %get3A_18] : memref<1x8xf32, #tpu.memory_space<vmem>>, vector<1x8xf32>
    %add3A_20 = vector.broadcast %get3A_19 : vector<1x8xf32> to vector<512x8xf32>
    %add3A_21 = arith.addf %dot_general3A_16, %add3A_20 : vector<512x8xf32>
    %iota3A = tpu.iota {dimensions = array<i32: 1>} : vector<512x8xi32>
    %reduce_max3A = arith.constant dense<0xFF800000> : vector<512xf32>
    %reduce_max3A_22 = vector.multi_reduction <maximumf>, %add3A_21, %reduce_max3A [1] : vector<512x8xf32> to vector<512xf32>
    %broadcast_in_dim3A = vector.shape_cast %reduce_max3A_22 : vector<512xf32> to vector<512x1xf32>
    %eq3A = vector.broadcast %broadcast_in_dim3A : vector<512x1xf32> to vector<512x8xf32>
    %eq3A_23 = arith.cmpf oeq, %add3A_21, %eq3A : vector<512x8xf32>
    %jit3A = arith.constant 8 : i32
    %broadcast_in_dim3A_24 = vector.broadcast %jit3A : i32 to vector<512x8xi32>
    %select_n3A = arith.select %eq3A_23, %iota3A, %broadcast_in_dim3A_24 : vector<512x8xi1>, vector<512x8xi32>
    %reduce_min3A = arith.constant dense<2147483647> : vector<512xi32>
    %reduce_min3A_25 = vector.multi_reduction <minsi>, %select_n3A, %reduce_min3A [1] : vector<512x8xi32> to vector<512xi32>
    %broadcast_in_dim3A_26 = vector.shape_cast %reduce_min3A_25 : vector<512xi32> to vector<512x1xi32>
    %eq3A_27 = vector.broadcast %broadcast_in_dim3A_26 : vector<512x1xi32> to vector<512x8xi32>
    %eq3A_28 = arith.cmpi eq, %iota3A, %eq3A_27 : vector<512x8xi32>
    %jit3A_29 = arith.constant 0xFF800000 : f32
    %broadcast_in_dim3A_30 = vector.broadcast %jit3A_29 : f32 to vector<512x8xf32>
    %select_n3A_31 = arith.select %eq3A_28, %broadcast_in_dim3A_30, %add3A_21 : vector<512x8xi1>, vector<512x8xf32>
    %reduce_max3A_32 = arith.constant dense<0xFF800000> : vector<512xf32>
    %reduce_max3A_33 = vector.multi_reduction <maximumf>, %select_n3A_31, %reduce_max3A_32 [1] : vector<512x8xf32> to vector<512xf32>
    %broadcast_in_dim3A_34 = vector.shape_cast %reduce_max3A_33 : vector<512xf32> to vector<512x1xf32>
    %eq3A_35 = vector.broadcast %broadcast_in_dim3A_34 : vector<512x1xf32> to vector<512x8xf32>
    %eq3A_36 = arith.cmpf oeq, %select_n3A_31, %eq3A_35 : vector<512x8xf32>
    %jit3A_37 = arith.constant 8 : i32
    %broadcast_in_dim3A_38 = vector.broadcast %jit3A_37 : i32 to vector<512x8xi32>
    %select_n3A_39 = arith.select %eq3A_36, %iota3A, %broadcast_in_dim3A_38 : vector<512x8xi1>, vector<512x8xi32>
    %reduce_min3A_40 = arith.constant dense<2147483647> : vector<512xi32>
    %reduce_min3A_41 = vector.multi_reduction <minsi>, %select_n3A_39, %reduce_min3A_40 [1] : vector<512x8xi32> to vector<512xi32>
    %broadcast_in_dim3A_42 = vector.shape_cast %reduce_min3A_41 : vector<512xi32> to vector<512x1xi32>
    %sub3A = arith.subf %broadcast_in_dim3A_34, %broadcast_in_dim3A : vector<512x1xf32>
    %exp3A = math.exp %sub3A : vector<512x1xf32>
    %add3A_43 = arith.constant 1.000000e+00 : f32
    %add3A_44 = vector.broadcast %add3A_43 : f32 to vector<512x1xf32>
    %add3A_45 = arith.addf %add3A_44, %exp3A : vector<512x1xf32>
    %div3A = arith.constant 1.000000e+00 : f32
    %div3A_46 = vector.broadcast %div3A : f32 to vector<512x1xf32>
    %div3A_47 = arith.divf %div3A_46, %add3A_45 : vector<512x1xf32>
    %swap3A = arith.constant 0 : index
    %swap3A_48 = arith.constant 0 : index
    %swap3A_49 = vector.load %arg6[%swap3A, %swap3A_48] : memref<512x1xi32, #tpu.memory_space<vmem>>, vector<512x1xi32>
    tpu.vector_store %arg6[%swap3A, %swap3A_48], %broadcast_in_dim3A_26 {strides = array<i32>} : memref<512x1xi32, #tpu.memory_space<vmem>>, vector<512x1xi32>,
    %swap3A_50 = arith.constant 0 : index
    %swap3A_51 = arith.constant 0 : index
    %swap3A_52 = vector.load %arg7[%swap3A_50, %swap3A_51] : memref<512x1xi32, #tpu.memory_space<vmem>>, vector<512x1xi32>
    tpu.vector_store %arg7[%swap3A_50, %swap3A_51], %broadcast_in_dim3A_42 {strides = array<i32>} : memref<512x1xi32, #tpu.memory_space<vmem>>, vector<512x1xi32>,
    %swap3A_53 = arith.constant 0 : index
    %swap3A_54 = arith.constant 0 : index
    %swap3A_55 = vector.load %arg8[%swap3A_53, %swap3A_54] : memref<512x1xf32, #tpu.memory_space<vmem>>, vector<512x1xf32>
    tpu.vector_store %arg8[%swap3A_53, %swap3A_54], %div3A_47 {strides = array<i32>} : memref<512x1xf32, #tpu.memory_space<vmem>>, vector<512x1xf32>,
    %sub3A_56 = arith.constant 1.000000e+00 : f32
    %sub3A_57 = vector.broadcast %sub3A_56 : f32 to vector<512x1xf32>
    %sub3A_58 = arith.subf %sub3A_57, %div3A_47 : vector<512x1xf32>
    %swap3A_59 = arith.constant 0 : index
    %swap3A_60 = arith.constant 0 : index
    %swap3A_61 = vector.load %arg9[%swap3A_59, %swap3A_60] : memref<512x1xf32, #tpu.memory_space<vmem>>, vector<512x1xf32>
    tpu.vector_store %arg9[%swap3A_59, %swap3A_60], %sub3A_58 {strides = array<i32>} : memref<512x1xf32, #tpu.memory_space<vmem>>, vector<512x1xf32>,
    return
  }
  func.func @transform_0(%arg0: i32) -> (i32, i32) {
    %c0_i32 = arith.constant 0 : i32
    %c0_i32_0 = arith.constant 0 : i32
    return %arg0, %c0_i32 : i32, i32
  }
  func.func @transform_1(%arg0: i32) -> (i32, i32) {
    %c0_i32 = arith.constant 0 : i32
    %c0_i32_0 = arith.constant 0 : i32
    %c0_i32_1 = arith.constant 0 : i32
    return %c0_i32, %c0_i32_0 : i32, i32
  }
  func.func @transform_2(%arg0: i32) -> (i32, i32) {
    %c0_i32 = arith.constant 0 : i32
    %c0_i32_0 = arith.constant 0 : i32
    %c0_i32_1 = arith.constant 0 : i32
    return %c0_i32, %c0_i32_0 : i32, i32
  }
  func.func @transform_3(%arg0: i32) -> (i32, i32) {
    %c0_i32 = arith.constant 0 : i32
    %c0_i32_0 = arith.constant 0 : i32
    %c0_i32_1 = arith.constant 0 : i32
    return %c0_i32, %c0_i32_0 : i32, i32
  }
  func.func @transform_4(%arg0: i32) -> (i32, i32) {
    %c0_i32 = arith.constant 0 : i32
    %c0_i32_0 = arith.constant 0 : i32
    %c0_i32_1 = arith.constant 0 : i32
    return %c0_i32, %c0_i32_0 : i32, i32
  }
  func.func @transform_5(%arg0: i32) -> (i32, i32) {
    %c0_i32 = arith.constant 0 : i32
    %c0_i32_0 = arith.constant 0 : i32
    return %arg0, %c0_i32 : i32, i32
  }
  func.func @transform_6(%arg0: i32) -> (i32, i32) {
    %c0_i32 = arith.constant 0 : i32
    %c0_i32_0 = arith.constant 0 : i32
    return %arg0, %c0_i32 : i32, i32
  }
  func.func @transform_7(%arg0: i32) -> (i32, i32) {
    %c0_i32 = arith.constant 0 : i32
    %c0_i32_0 = arith.constant 0 : i32
    return %arg0, %c0_i32 : i32, i32
  }
  func.func @transform_8(%arg0: i32) -> (i32, i32) {
    %c0_i32 = arith.constant 0 : i32
    %c0_i32_0 = arith.constant 0 : i32
    return %arg0, %c0_i32 : i32, i32
  }
}

module attributes {stable_mosaic.version = 14 : i64} {
  func.func @_cast_body(%arg0: i32, %arg1: memref<128x8192xf32, #tpu.memory_space<vmem>>, %arg2: memref<128x8192xf32, #tpu.memory_space<vmem>>, %arg3: memref<128x8192xf32, #tpu.memory_space<vmem>>, %arg4: memref<128x8192xbf16, #tpu.memory_space<vmem>>, %arg5: memref<128x8192xbf16, #tpu.memory_space<vmem>>, %arg6: memref<128x8192xbf16, #tpu.memory_space<vmem>>) attributes {dimension_semantics = [#tpu.dimension_semantics<arbitrary>], iteration_bounds = array<i64: 8>, scalar_prefetch = 0 : i64, scratch_operands = 0 : i64, tpu.core_type = #tpu.core_type<tc>, window_params = [{transform_indices = @transform_0, window_bounds = array<i64: 128, 8192>}, {transform_indices = @transform_1, window_bounds = array<i64: 128, 8192>}, {transform_indices = @transform_2, window_bounds = array<i64: 128, 8192>}, {transform_indices = @transform_3, window_bounds = array<i64: 128, 8192>}, {transform_indices = @transform_4, window_bounds = array<i64: 128, 8192>}, {transform_indices = @transform_5, window_bounds = array<i64: 128, 8192>}]} {
    %get3A = arith.constant 0 : index
    %get3A_0 = arith.constant 0 : index
    %get3A_1 = vector.load %arg1[%get3A, %get3A_0] : memref<128x8192xf32, #tpu.memory_space<vmem>>, vector<128x8192xf32>
    %convert_element_type3A = arith.truncf %get3A_1 : vector<128x8192xf32> to vector<128x8192xbf16>
    %swap3A = arith.constant 0 : index
    %swap3A_2 = arith.constant 0 : index
    %swap3A_3 = vector.load %arg4[%swap3A, %swap3A_2] : memref<128x8192xbf16, #tpu.memory_space<vmem>>, vector<128x8192xbf16>
    tpu.vector_store %arg4[%swap3A, %swap3A_2], %convert_element_type3A {strides = array<i32>} : memref<128x8192xbf16, #tpu.memory_space<vmem>>, vector<128x8192xbf16>,
    %get3A_4 = arith.constant 0 : index
    %get3A_5 = arith.constant 0 : index
    %get3A_6 = vector.load %arg2[%get3A_4, %get3A_5] : memref<128x8192xf32, #tpu.memory_space<vmem>>, vector<128x8192xf32>
    %convert_element_type3A_7 = arith.truncf %get3A_6 : vector<128x8192xf32> to vector<128x8192xbf16>
    %swap3A_8 = arith.constant 0 : index
    %swap3A_9 = arith.constant 0 : index
    %swap3A_10 = vector.load %arg5[%swap3A_8, %swap3A_9] : memref<128x8192xbf16, #tpu.memory_space<vmem>>, vector<128x8192xbf16>
    tpu.vector_store %arg5[%swap3A_8, %swap3A_9], %convert_element_type3A_7 {strides = array<i32>} : memref<128x8192xbf16, #tpu.memory_space<vmem>>, vector<128x8192xbf16>,
    %get3A_11 = arith.constant 0 : index
    %get3A_12 = arith.constant 0 : index
    %get3A_13 = vector.load %arg3[%get3A_11, %get3A_12] : memref<128x8192xf32, #tpu.memory_space<vmem>>, vector<128x8192xf32>
    %convert_element_type3A_14 = arith.truncf %get3A_13 : vector<128x8192xf32> to vector<128x8192xbf16>
    %swap3A_15 = arith.constant 0 : index
    %swap3A_16 = arith.constant 0 : index
    %swap3A_17 = vector.load %arg6[%swap3A_15, %swap3A_16] : memref<128x8192xbf16, #tpu.memory_space<vmem>>, vector<128x8192xbf16>
    tpu.vector_store %arg6[%swap3A_15, %swap3A_16], %convert_element_type3A_14 {strides = array<i32>} : memref<128x8192xbf16, #tpu.memory_space<vmem>>, vector<128x8192xbf16>,
    return
  }
  func.func @transform_0(%arg0: i32) -> (i32, i32) {
    %c0_i32 = arith.constant 0 : i32
    %c0_i32_0 = arith.constant 0 : i32
    return %arg0, %c0_i32 : i32, i32
  }
  func.func @transform_1(%arg0: i32) -> (i32, i32) {
    %c0_i32 = arith.constant 0 : i32
    %c0_i32_0 = arith.constant 0 : i32
    return %arg0, %c0_i32 : i32, i32
  }
  func.func @transform_2(%arg0: i32) -> (i32, i32) {
    %c0_i32 = arith.constant 0 : i32
    %c0_i32_0 = arith.constant 0 : i32
    return %arg0, %c0_i32 : i32, i32
  }
  func.func @transform_3(%arg0: i32) -> (i32, i32) {
    %c0_i32 = arith.constant 0 : i32
    %c0_i32_0 = arith.constant 0 : i32
    return %arg0, %c0_i32 : i32, i32
  }
  func.func @transform_4(%arg0: i32) -> (i32, i32) {
    %c0_i32 = arith.constant 0 : i32
    %c0_i32_0 = arith.constant 0 : i32
    return %arg0, %c0_i32 : i32, i32
  }
  func.func @transform_5(%arg0: i32) -> (i32, i32) {
    %c0_i32 = arith.constant 0 : i32
    %c0_i32_0 = arith.constant 0 : i32
    return %arg0, %c0_i32 : i32, i32
  }
}

module attributes {stable_mosaic.version = 14 : i64} {
  func.func @_gemm_body(%arg0: i32, %arg1: memref<25xi32, #tpu.memory_space<smem>>, %arg2: memref<256x1024xf32, #tpu.memory_space<vmem>>, %arg3: memref<1024x1024xbf16, #tpu.memory_space<vmem>>, %arg4: memref<1x1024xf32, #tpu.memory_space<vmem>>, %arg5: memref<1024x1024xbf16, #tpu.memory_space<vmem>>, %arg6: memref<1x1024xf32, #tpu.memory_space<vmem>>, %arg7: memref<1024x1024xbf16, #tpu.memory_space<vmem>>, %arg8: memref<1x1024xf32, #tpu.memory_space<vmem>>, %arg9: memref<256x1024xf32, #tpu.memory_space<vmem>>) attributes {dimension_semantics = [#tpu.dimension_semantics<arbitrary>], iteration_bounds = array<i64: 24>, scalar_prefetch = 1 : i64, scratch_operands = 0 : i64, tpu.core_type = #tpu.core_type<tc>, window_params = [{transform_indices = @transform_0, window_bounds = array<i64: 256, 1024>}, {transform_indices = @transform_1, window_bounds = array<i64: 1024, 1024>}, {transform_indices = @transform_2, window_bounds = array<i64: 1, 1024>}, {transform_indices = @transform_3, window_bounds = array<i64: 1024, 1024>}, {transform_indices = @transform_4, window_bounds = array<i64: 1, 1024>}, {transform_indices = @transform_5, window_bounds = array<i64: 1024, 1024>}, {transform_indices = @transform_6, window_bounds = array<i64: 1, 1024>}, {transform_indices = @transform_7, window_bounds = array<i64: 256, 1024>}]} {
    %get3A = arith.constant 24 : index
    %get3A_0 = memref.load %arg1[%get3A] : memref<25xi32, #tpu.memory_space<smem>>
    %lt3A = arith.cmpi slt, %arg0, %get3A_0 : i32
    %convert_element_type3A = arith.extui %lt3A : i1 to i32
    %cond3A = arith.constant 0 : i32
    %cond3A_1 = arith.cmpi ne, %convert_element_type3A, %cond3A : i32
    scf.if %cond3A_1 {
      %get3A_2 = arith.constant 0 : index
      %get3A_3 = arith.constant 0 : index
      %get3A_4 = vector.load %arg2[%get3A_2, %get3A_3] : memref<256x1024xf32, #tpu.memory_space<vmem>>, vector<256x1024xf32>
      %convert_element_type3A_5 = arith.truncf %get3A_4 : vector<256x1024xf32> to vector<256x1024xbf16>
      %get3A_6 = arith.constant 0 : index
      %get3A_7 = arith.constant 0 : index
      %get3A_8 = vector.load %arg3[%get3A_6, %get3A_7] : memref<1024x1024xbf16, #tpu.memory_space<vmem>>, vector<1024x1024xbf16>
      %dot_general3A = arith.constant dense<0.000000e+00> : vector<256x1024xf32>
      %dot_general3A_9 = tpu.matmul %convert_element_type3A_5, %get3A_8, %dot_general3A {dimension_numbers = #tpu.dot_dimension_numbers<[1], [0], [0], [1], [0, 0, 1, 1], [], []>, transpose_lhs_hint = false} : vector<256x1024xbf16>, vector<1024x1024xbf16>, vector<256x1024xf32> -> vector<256x1024xf32>
      %get3A_10 = arith.constant 0 : index
      %get3A_11 = arith.constant 0 : index
      %get3A_12 = vector.load %arg4[%get3A_10, %get3A_11] : memref<1x1024xf32, #tpu.memory_space<vmem>>, vector<1x1024xf32>
      %add3A = vector.broadcast %get3A_12 : vector<1x1024xf32> to vector<256x1024xf32>
      %add3A_13 = arith.addf %dot_general3A_9, %add3A : vector<256x1024xf32>
      %max3A = arith.constant 0.000000e+00 : f32
      %max3A_14 = vector.broadcast %max3A : f32 to vector<256x1024xf32>
      %max3A_15 = arith.maximumf %add3A_13, %max3A_14 : vector<256x1024xf32>
      %convert_element_type3A_16 = arith.truncf %max3A_15 : vector<256x1024xf32> to vector<256x1024xbf16>
      %get3A_17 = arith.constant 0 : index
      %get3A_18 = arith.constant 0 : index
      %get3A_19 = vector.load %arg5[%get3A_17, %get3A_18] : memref<1024x1024xbf16, #tpu.memory_space<vmem>>, vector<1024x1024xbf16>
      %dot_general3A_20 = arith.constant dense<0.000000e+00> : vector<256x1024xf32>
      %dot_general3A_21 = tpu.matmul %convert_element_type3A_16, %get3A_19, %dot_general3A_20 {dimension_numbers = #tpu.dot_dimension_numbers<[1], [0], [0], [1], [0, 0, 1, 1], [], []>, transpose_lhs_hint = false} : vector<256x1024xbf16>, vector<1024x1024xbf16>, vector<256x1024xf32> -> vector<256x1024xf32>
      %get3A_22 = arith.constant 0 : index
      %get3A_23 = arith.constant 0 : index
      %get3A_24 = vector.load %arg6[%get3A_22, %get3A_23] : memref<1x1024xf32, #tpu.memory_space<vmem>>, vector<1x1024xf32>
      %add3A_25 = vector.broadcast %get3A_24 : vector<1x1024xf32> to vector<256x1024xf32>
      %add3A_26 = arith.addf %dot_general3A_21, %add3A_25 : vector<256x1024xf32>
      %max3A_27 = arith.constant 0.000000e+00 : f32
      %max3A_28 = vector.broadcast %max3A_27 : f32 to vector<256x1024xf32>
      %max3A_29 = arith.maximumf %add3A_26, %max3A_28 : vector<256x1024xf32>
      %convert_element_type3A_30 = arith.truncf %max3A_29 : vector<256x1024xf32> to vector<256x1024xbf16>
      %get3A_31 = arith.constant 0 : index
      %get3A_32 = arith.constant 0 : index
      %get3A_33 = vector.load %arg7[%get3A_31, %get3A_32] : memref<1024x1024xbf16, #tpu.memory_space<vmem>>, vector<1024x1024xbf16>
      %dot_general3A_34 = arith.constant dense<0.000000e+00> : vector<256x1024xf32>
      %dot_general3A_35 = tpu.matmul %convert_element_type3A_30, %get3A_33, %dot_general3A_34 {dimension_numbers = #tpu.dot_dimension_numbers<[1], [0], [0], [1], [0, 0, 1, 1], [], []>, transpose_lhs_hint = false} : vector<256x1024xbf16>, vector<1024x1024xbf16>, vector<256x1024xf32> -> vector<256x1024xf32>
      %get3A_36 = arith.constant 0 : index
      %get3A_37 = arith.constant 0 : index
      %get3A_38 = vector.load %arg8[%get3A_36, %get3A_37] : memref<1x1024xf32, #tpu.memory_space<vmem>>, vector<1x1024xf32>
      %add3A_39 = vector.broadcast %get3A_38 : vector<1x1024xf32> to vector<256x1024xf32>
      %add3A_40 = arith.addf %dot_general3A_35, %add3A_39 : vector<256x1024xf32>
      %swap3A = arith.constant 0 : index
      %swap3A_41 = arith.constant 0 : index
      %swap3A_42 = vector.load %arg9[%swap3A, %swap3A_41] : memref<256x1024xf32, #tpu.memory_space<vmem>>, vector<256x1024xf32>
      tpu.vector_store %arg9[%swap3A, %swap3A_41], %add3A_40 {strides = array<i32>} : memref<256x1024xf32, #tpu.memory_space<vmem>>, vector<256x1024xf32>,
    } else {
    }
    return
  }
  func.func @transform_0(%arg0: i32, %arg1: memref<25xi32, #tpu.memory_space<smem>>) -> (i32, i32) {
    %c0_i32 = arith.constant 0 : i32
    %c0_i32_0 = arith.constant 0 : i32
    return %arg0, %c0_i32 : i32, i32
  }
  func.func @transform_1(%arg0: i32, %arg1: memref<25xi32, #tpu.memory_space<smem>>) -> (i32, i32) {
    %get3A = arith.index_cast %arg0 : i32 to index
    %get3A_0 = memref.load %arg1[%get3A] : memref<25xi32, #tpu.memory_space<smem>>
    %c0_i32 = arith.constant 0 : i32
    %c0_i32_1 = arith.constant 0 : i32
    return %c0_i32, %get3A_0 : i32, i32
  }
  func.func @transform_2(%arg0: i32, %arg1: memref<25xi32, #tpu.memory_space<smem>>) -> (i32, i32) {
    %get3A = arith.index_cast %arg0 : i32 to index
    %get3A_0 = memref.load %arg1[%get3A] : memref<25xi32, #tpu.memory_space<smem>>
    %c0_i32 = arith.constant 0 : i32
    %c0_i32_1 = arith.constant 0 : i32
    return %c0_i32, %get3A_0 : i32, i32
  }
  func.func @transform_3(%arg0: i32, %arg1: memref<25xi32, #tpu.memory_space<smem>>) -> (i32, i32) {
    %get3A = arith.index_cast %arg0 : i32 to index
    %get3A_0 = memref.load %arg1[%get3A] : memref<25xi32, #tpu.memory_space<smem>>
    %c0_i32 = arith.constant 0 : i32
    %c0_i32_1 = arith.constant 0 : i32
    return %c0_i32, %get3A_0 : i32, i32
  }
  func.func @transform_4(%arg0: i32, %arg1: memref<25xi32, #tpu.memory_space<smem>>) -> (i32, i32) {
    %get3A = arith.index_cast %arg0 : i32 to index
    %get3A_0 = memref.load %arg1[%get3A] : memref<25xi32, #tpu.memory_space<smem>>
    %c0_i32 = arith.constant 0 : i32
    %c0_i32_1 = arith.constant 0 : i32
    return %c0_i32, %get3A_0 : i32, i32
  }
  func.func @transform_5(%arg0: i32, %arg1: memref<25xi32, #tpu.memory_space<smem>>) -> (i32, i32) {
    %get3A = arith.index_cast %arg0 : i32 to index
    %get3A_0 = memref.load %arg1[%get3A] : memref<25xi32, #tpu.memory_space<smem>>
    %c0_i32 = arith.constant 0 : i32
    %c0_i32_1 = arith.constant 0 : i32
    return %c0_i32, %get3A_0 : i32, i32
  }
  func.func @transform_6(%arg0: i32, %arg1: memref<25xi32, #tpu.memory_space<smem>>) -> (i32, i32) {
    %get3A = arith.index_cast %arg0 : i32 to index
    %get3A_0 = memref.load %arg1[%get3A] : memref<25xi32, #tpu.memory_space<smem>>
    %c0_i32 = arith.constant 0 : i32
    %c0_i32_1 = arith.constant 0 : i32
    return %c0_i32, %get3A_0 : i32, i32
  }
  func.func @transform_7(%arg0: i32, %arg1: memref<25xi32, #tpu.memory_space<smem>>) -> (i32, i32) {
    %c0_i32 = arith.constant 0 : i32
    %c0_i32_0 = arith.constant 0 : i32
    return %arg0, %c0_i32 : i32, i32
  }
}

</mosaic_0001>

<sc_bundles>
// kernel: gather_offload_async_start
scs
__scs_entry_jumppad:
0x0: {  	(pc) =	sbr.rel $0x88, $3  }
0x1: {  	(tag) =	ssettag $0x0;
	lr =	simm.s32 $0x1  }
0x2: {  	[smem:$0x3F96] =	sst lr;
	_ =	strace $0xD0000000  }
0x3: {  	_ = 	snop  }
0x4: {  	_ = 	snop  }
0x5: {  	_ = 	snop  }
0x6: {  	_ = 	snop  }
0x7: {  	_ = 	snop  }
__scs_overlays_trampoline_lowered:
0x8: {  	[smem:$0x3FA5] =	sst s0  }
0x9: {  	[smem:$0x3FA6] =	sst s1  }
0xa: {  	[smem:$0x3FA7] =	sst s2  }
0xb: {  	[smem:$0x3FA8] =	sst s3  }
0xc: {  	[smem:$0x3FA9] =	sst s4  }
0xd: {  	[smem:$0x3FAA] =	sst s5  }
0xe: {  	[smem:$0x3FAB] =	sst s6  }
0xf: {  	[smem:$0x3FAC] =	sst s7  }
0x10: {  	[smem:$0x3FAD] =	sst s8  }
0x11: {  	[smem:$0x3FAE] =	sst s9;
	s0 =	simm.s32 @!p0 $0x0  }
0x12: {  	s1 =	sld [smem:$0x3F94];
	s0 =	simm.s32 @p0 $0x1  }
0x13: {  	[smem:$0x3FAF] =	sst s0;
	s0 =	simm.s32 @!p1 $0x0  }
0x14: {  	s2 =	sld [smem:$0x3F93];
	s0 =	simm.s32 @p1 $0x1  }
0x15: {  	[smem:$0x3FB0] =	sst s0;
	s0 =	simm.s32 @!p2 $0x0  }
0x16: {  	s3 =	sld [smem:$0x3FDB];
	s0 =	simm.s32 @p2 $0x1  }
0x17: {  	s4 =	simm.s32 $0x1BF5;
	[smem:$0x3FB2] =	sst s0  }
0x18: {  	s0 =	sld [smem:$0x3F95];
	_ =	swait.ge [sflag:s4], $0x0  }
0x19: {  	s7 =	sld [smem:$0x3F96]  }
0x1a: {  	s8 =	sadd.s32 $0xFFFFE003, lr  }
0x1b: {  	s9 =	sadd.s32 $0xFFFFFEF7, lr;
	s5 =	simm.s32 $0xFFFFFFFF;
	p2 =	slt.u32 s8, $0xFFFFF086  }
0x1c: {  	p1 =	slt.u32 s9, $0xF7A;
	s5 =	simm.s32 @!p2 $0x0  }
0x1d: {  	s5 =	simm.s32 @p1 $0x1;
	p0 =	seq.s32 s7, s2  }
0x1e: {  	s7 =	smul.u32 @!p0 $0xF7A, s2;
	p2 =	seq.s32 @!p0 s5, $0x0  }
0x1f: {  	s9 =	smul.u32 $0xF7A, s1;
	s8 =	simm.s32 @!p0 $0x1BF5;
	p2 =	por !p2, p0  }
0x20: {  	[sflag:s8] =	ssyncset.s32 @!p0 $0xFFFFF086;
	s6 =	sadd.s32 @!p0 s3, s7;
	s7 =	simm.s32 @!p0 $0x108  }
0x21: {  	s3 =	sadd.s32 s3, s9;
	s6 =	sadd.s32 @!p0 $0x88, s6;
	s7 =	simm.s32 @p2 $0x1082  }
0x22: {  	[simem:s7], [sflag:s8] =	dma.local @!p0 [hbm:s6], $0xF7A  }
0x23: {  	s9 =	sor.u32 $0xD0000000, s2;
	s6 =	simm.s32 $0x108;
	_ =	swait.ge @!p0 [sflag:s8], $0x0  }
0x24: {  	s3 =	sadd.s32 $0x88, s3;
	s6 =	simm.s32 @!p1 $0x1082;
	[sflag:s4] =	ssyncset.s32 $0xFFFFF086  }
0x25: {  	[simem:s6], [sflag:s4] =	dma.local [hbm:s3], $0xF7A  }
0x26: {  	[smem:$0x3F96] =	sst s1;
	(tag) =	ssettag s2;
	_ =	strace s9  }
0x27: {  	s1 =	sld [smem:$0x3FA6]  }
0x28: {  	s2 =	sld [smem:$0x3FA7]  }
0x29: {  	s4 =	sld [smem:$0x3FA9]  }
0x2a: {  	p0 =	seq.s32 s5, $0x0;
	s5 =	sld [smem:$0x3FAA]  }
0x2b: {  	s6 =	sld [smem:$0x3FAB]  }
0x2c: {  	s7 =	sld [smem:$0x3FAC]  }
0x2d: {  	s3 =	simm.s32 $0x108;
	s8 =	sld [smem:$0x3FAD]  }
0x2e: {  	s3 =	simm.s32 @!p0 $0x1082;
	s9 =	sld [smem:$0x3FAE]  }
0x2f: {  	lr =	sadd.s32 s0, s3;
	s0 =	sld [smem:$0x3FA5]  }
0x30: {  	s3 =	sld [smem:$0x3FA8]  }
0x31: {  	[smem:$0x3FB1] =	sst s10  }
0x32: {  	s10 =	sld [smem:$0x3FAF];
	_ =	sdelay $0x3  }
0x33: {  	p0 =	seq.s32 s10, $0x1;
	s10 =	sld [smem:$0x3FB1];
	_ =	sdelay $0x3  }
0x34: {  	[smem:$0x3FB1] =	sst s10  }
0x35: {  	s10 =	sld [smem:$0x3FB0];
	_ =	sdelay $0x3  }
0x36: {  	p1 =	seq.s32 s10, $0x1;
	s10 =	sld [smem:$0x3FB1];
	_ =	sdelay $0x3  }
0x37: {  	[smem:$0x3FB1] =	sst s10  }
0x38: {  	s10 =	sld [smem:$0x3FB2]  }
0x39: {  	_ = 	snop;
	(pc) =	sbr.ind lr, $3  }
0x3a: {  	_ = 	snop  }
0x3b: {  	_ = 	snop  }
0x3c: {  	p2 =	seq.s32 s10, $0x1;
	s10 =	sld [smem:$0x3FB1]  }
0x3d: {  	_ =	shalt  }
0x3e: {  	_ =	shalt  }
0x3f: {  	_ =	shalt  }
0x40: {  	_ =	shalt  }
0x41: {  	_ =	shalt  }
0x42: {  	_ =	shalt  }
0x43: {  	_ =	shalt  }
0x44: {  	_ =	shalt  }
0x45: {  	_ =	shalt  }
0x46: {  	_ =	shalt  }
0x47: {  	_ =	shalt  }
0x48: {  	_ =	shalt  }
0x49: {  	_ =	shalt  }
0x4a: {  	_ =	shalt  }
0x4b: {  	_ =	shalt  }
0x4c: {  	_ =	shalt  }
0x4d: {  	_ =	shalt  }
0x4e: {  	_ =	shalt  }
0x4f: {  	_ =	shalt  }
0x50: {  	_ =	shalt  }
0x51: {  	_ =	shalt  }
0x52: {  	_ =	shalt  }
0x53: {  	_ =	shalt  }
0x54: {  	_ =	shalt  }
0x55: {  	_ =	shalt  }
0x56: {  	_ =	shalt  }
0x57: {  	_ =	shalt  }
0x58: {  	_ =	shalt  }
0x59: {  	_ =	shalt  }
0x5a: {  	_ =	shalt  }
0x5b: {  	_ =	shalt  }
0x5c: {  	_ =	shalt  }
0x5d: {  	_ =	shalt  }
0x5e: {  	_ =	shalt  }
0x5f: {  	_ =	shalt  }
0x60: {  	_ =	shalt  }
0x61: {  	_ =	shalt  }
0x62: {  	_ =	shalt  }
0x63: {  	_ =	shalt  }
0x64: {  	_ =	shalt  }
0x65: {  	_ =	shalt  }
0x66: {  	_ =	shalt  }
0x67: {  	_ =	shalt  }
0x68: {  	_ =	shalt  }
0x69: {  	_ =	shalt  }
0x6a: {  	_ =	shalt  }
0x6b: {  	_ =	shalt  }
0x6c: {  	_ =	shalt  }
0x6d: {  	_ =	shalt  }
0x6e: {  	_ =	shalt  }
0x6f: {  	_ =	shalt  }
0x70: {  	_ =	shalt  }
0x71: {  	_ =	shalt  }
0x72: {  	_ =	shalt  }
0x73: {  	_ =	shalt  }
0x74: {  	_ =	shalt  }
0x75: {  	_ =	shalt  }
0x76: {  	_ =	shalt  }
0x77: {  	_ =	shalt  }
0x78: {  	_ =	shalt  }
0x79: {  	_ =	shalt  }
0x7a: {  	_ =	shalt  }
0x7b: {  	_ =	shalt  }
0x7c: {  	_ =	shalt  }
0x7d: {  	_ =	shalt  }
0x7e: {  	_ =	shalt  }
0x7f: {  	_ =	shalt  }
0x80: {  	_ =	shalt  }
0x81: {  	_ =	shalt  }
0x82: {  	_ =	shalt  }
0x83: {  	_ =	shalt  }
0x84: {  	_ =	shalt  }
0x85: {  	_ =	shalt  }
0x86: {  	_ =	shalt  }
0x87: {  	_ =	shalt  }
.Lfunc_end0:
.L_simem_size_0:
called_computation.3_lowered:
.L_overlay_start_0:
0x88: {  	s2 =	sld [smem:$0x3FD9]  }
0x89: {  	s3 =	sld [smem:$0x3FFE];
	_ =	sdelay $0x1  }
0x8a: {  	s1 =	srdreg.scid  }
0x8b: {  	s0 =	sand.u32 $0x1, s1  }
0x8c: {  	s16 =	sshll.u32 s0, $0xA;
	s2 =	sadd.s32 s3, s2  }
0x8d: {  	s2 =	sadd.s32 s2, s16  }
0x8e: {  	[smem:$0x3FBD] =	sst s2  }
0x8f: {  	_ = 	snop  }
0x90: {  	(tm) =	ssettm $0x1  }
0x91: {  	s17 =	sld [smem:$0x3FFB];
	_ =	sdelay $0x3  }
0x92: {  	_ =	strace s17  }
0x93: {  	s2 =	sld [smem:$0x3FFC];
	_ =	sdelay $0x3  }
0x94: {  	_ =	strace s2  }
0x95: {  	s2 =	sld [smem:$0x3FFD];
	_ =	sdelay $0x3  }
0x96: {  	_ =	strace s2  }
0x97: {  	_ =	strace $0x8FFFFFFF  }
0x98: {  	s18 =	sld [smem:$0x3FDB];
	_ =	sdelay $0x1  }
0x99: {  	s19 =	simm.s32 $_scs_section_size  }
0x9a: {  	s4 =	simm.s32 $_size__tile_overlayer_lowered;
	s5 =	simm.s32 $_tile_overlayer_lowered  }
0x9b: {  	s22 =	simm.s32 $0x1BFF;
	s21 =	sshll.u32 s5, $0x1;
	s2 =	sadd.s32 s19, s18  }
0x9c: {  	s6 =	simm.s32 $0x0;
	s20 =	sshll.u32 s4, $0x1;
	s4 =	sadd.s32 s21, s2  }
0x9d: {  	[timem:s6], [sflag:s22] =	dma.local [hbm:s4], s20  }
0x9e: {  	_ =	swait.ge [sflag:s22], s20  }
0x9f: {  	s3 =	ssub.s32 $0x0, s20;
	[sflag:s22] =	ssyncset.done $0x0  }
0xa0: {  	[sflag:s22] =	ssyncadd.s32 s3;
	_ =	sdelay $0x1  }
0xa1: {  	s23 =	simm.s32 $0x1B8B  }
0xa2: {  	_ =	swait.ge [sflag:s23], $0x1  }
0xa3: {  	[sflag:s23] =	ssyncset.done $0x0  }
0xa4: {  	s25 =	simm.s32 $0x1B8E;
	s24 =	sld [smem:$0x3FFE];
	[sflag:s23] =	ssyncadd.s32 $0xFFFFFFFF  }
0xa5: {  	s26 =	simm.s32 $execute0_lowered;
	[smem:$0x3FD2] =	sst s25  }
0xa6: {  	s4 =	sshll.u32 s26, $0x1;
	_ =	strace $0x80000046;
	[dreg:$0x1] =	wrdreg $0xFFFFFFFF  }
0xa7: {  	s28 =	simm.s32 $_size_execute0_lowered;
	s2 =	sadd.s32 s2, s4;
	[dreg:$0x0] =	wrdreg $0x0  }
0xa8: {  	s4 =	sshll.u32 s28, $0x1;
	[dreg:$0x2] =	wrdreg s2  }
0xa9: {  	[dreg:$0x3] =	wrdreg s4  }
0xaa: {  	[dreg:$0x4] =	wrdreg $0xC0  }
0xab: {  	_ =	task [dreg:s6], $0x5FFFF  }
0xac: {  	[dreg:$0x1] =	wrdreg $0xFFFFFFFF  }
0xad: {  	[dreg:$0x0] =	wrdreg $0x60  }
0xae: {  	[dreg:$0x2] =	wrdreg s24  }
0xaf: {  	[dreg:$0x3] =	wrdreg $0xC  }
0xb0: {  	_ =	task.clear_ibuf [dreg:s6], $0x4FFFF;
	_ =	strace $0x90000046  }
0xb1: {  	s29 =	simm.s32 $0xC;
	_ =	strace $0x80000048  }
0xb2: {  	_ =	swait.ge [sflag:s29], $0x1  }
0xb3: {  	[sflag:s29] =	ssyncadd.s32 $0xFFFFFFFF  }
0xb4: {  	_ =	strace $0x90000048  }
0xb5: {  	_ =	sfence  }
0xb6: {  	s30 =	sld [smem:$0x0];
	_ =	sdelay $0x2  }
0xb7: {  	s31 =	sshll.u32 s1, $0xD;
	s1 =	sshrl.u32 s1, $0x2  }
0xb8: {  	s3 =	sand.u32 $0x4000, s31;
	s1 =	sadd.s32 s1, s30  }
0xb9: {  	s0 =	sor.u32 s3, s0;
	s1 =	sshll.u32 s1, $0x11  }
0xba: {  	s0 =	sor.u32 s1, s0  }
0xbb: {  	s0 =	sadd.s32 $0x8F2B, s0  }
0xbc: {  	[sflag:s0] =	ssyncadd.remote.s32 $0x1  }
0xbd: {  	_ =	sfence.sel $0xFFFF  }
0xbe: {  	[dreg:$0x0] =	wrdreg $0xFFFFFFFF;
	(pc) =	sbr.abs _section_cstart, $3  }
0xbf: {  	[dreg:$0x1] =	wrdreg $0xFFFFFFFF  }
0xc0: {  	_ =	task.clear_ibuf [dreg:s6], $0x2FFFF;
	_ =	strace $0x9FFFFFFF  }
0xc1: {  	(tm) =	ssettm $0x7FFFFFFF  }
tec
execute0_lowered:
.L_overlay_start_1:
0x0: {  	(tag) =	ssettag $0x1  }
0x1: {  	s0 =	srdreg.scid;
	s5 =	rddreg [dreg:$0x0]  }
0x2: {  	s1 =	stileid.u32;
	s6 =	simm.s32 $0x1;
	s9 =	simm.s32 $0x1  }
0x3: {  	s10 =	simm.s32 $0x3;
	s13 =	simm.s32 $0x0;
	s2 =	sshll.u32 s0, $0x6  }
0x4: {  	s12 =	simm.s32 $0x0;
	s3 =	sshll.u32 s1, $0x7;
	s2 =	sand.u32 $0x40, s2  }
0x5: {  	s0 =	rddreg [dreg:$0x1];
	_ =	strace $0x80000047;
	s2 =	sor.u32 s3, s2  }
0x6: {  	s4 =	sadd.s32 $0x12000, s5;
	[sflag:s6] =	ssyncpa.u1 $0x0;
	s8 =	ssub.s32 $0x1000, s2  }
.Ltmp0:
0x7: {  	s3 =	sadd.s32 $0x12400, s5;
	s7 =	sand.u32 $0x7C0, s8;
	(pc) =	sbr.rel .LBB2_1-.Ltmp0, $4  }
0x8: {  	s5 =	sadd.s32 $0x13400, s5;
	s11 =	smov.u32 s2;
	p0 =	sne.s32 s7, $0x0  }
0x9: {  	s8 =	sshrl.u32 s8, $0xB;
	s7 =	simm.s32 $0x2;
	s9 =	simm.s32 @!p0 $0x0  }
0xa: {  	[sflag:s7] =	ssyncpa.u1 $0x0;
	p0 =	por $0x0, $0x0;
	s8 =	sadd.s32 s9, s8  }
0xb: {  	vm0 =	vmmov $0xffff;
	[sflag:s10] =	ssyncpa.u1 $0x0;
	s10 =	simm.s32 $0x0;
	s9 =	sadd.s32 $0x1, s8  }
.LBB2_4:
0xc: {  	v1 =	vsel vm1, $0xFFFFFFFF, v1;
	v2 =	vand.u32 $0x7, v2  }
0xd: {  	v2 =	vsel vm1, $0xFFFFFFFF, v2;
	v3 =	vshll.u32 v1, $0x3  }
0xe: {  	v4 =	vand.u32 $0xFFFF8000, v2;
	v3 =	vand.u32 $0xFFFFFC00, v3;
	v2 =	vshll.u32 v2, $0x7  }
0xf: {  	v3 =	vadd.s32 v3, v4;
	v2 =	vand.u32 $0x380, v2  }
0x10: {  	v1 =	vand.u32 $0x7F, v1;
	v2 =	vor.u32 v2, v3  }
0x11: {  	v1 =	vor.u32 v1, v2;
	_ =	sdelay $0x1  }
0x12: {  	(ifvalue) =	ssetifvalue $0x7FFFFFFF;
	s15 =	sadd.s32 $0x10, s15  }
0x13: {  	[tilespmem:s15], [sflag:$0x1] =	stream.indirect_vreg.gather [hbm4b:s3+s10], $0x1, v0, vm0, $0x4038;
	[tilespmem:$0x100] =	vst v63  }
0x14: {  	(ifvalue) =	ssetifvalue $0x7FFFFFFF;
	s15 =	sadd.s32 $0x10, s15  }
0x15: {  	[tilespmem:s15], [sflag:$0x1] =	stream.indirect_vreg.gather [hbm4b:s3+s10], $0x1, v1, vm0, $0x4038;
	[tilespmem:$0x100] =	vst v63  }
0x16: {  	_ =	swait.ge [sflag:s6], $0x40  }
0x17: {  	s30 =	sshrl.u32 s13, $0x3;
	[sflag:s6] =	ssyncset.done $0x0  }
0x18: {  	s31 =	sand.u32 $0x7, s13;
	s15 =	sadd.s32 s5, s30;
	[sflag:s6] =	ssyncadd.s32 $0xFFFFFFC0  }
0x19: {  	[hbm4b:s15+s31] =	stream.linear.scatter [tilespmem:s14], [sflag:$0x3], $0x40, $0x38;
	[tilespmem:$0x100] =	vst v63  }
.LBB2_5:
0x1a: {  	s15 =	sadd.s32 $0x800, s11  }
0x1b: {  	p2 =	sgt.s32 s15, $0xFFF  }
0x1c: {  	s15 =	smov.u32 @p2 s2;
	p2 =	sne.s32 s12, s9  }
.Ltmp1:
0x1d: {  	p1 =	slt.u32 s12, $0x2;
	(pc) =	sbr.rel @!p2 .LBB2_6-.Ltmp1, $4  }
0x1e: {  	s14 =	simm.s32 @!p1 $0x3  }
0x1f: {  	s16 =	sadd.s32 $0x1, s12;
	_ =	swait.ge @!p1 [sflag:s14], $0x40  }
0x20: {  	s13 =	smov.u32 s11;
	p0 =	por !p0, !p0;
	[sflag:s14] =	ssyncset.done @!p1 $0x0  }
0x21: {  	s12 =	smov.u32 s16;
	s11 =	smov.u32 s15;
	[sflag:s14] =	ssyncadd.s32 @!p1 $0xFFFFFFC0  }
.LBB2_1:
0x22: {  	p1 =	sge.u32 s12, s8  }
0x23: {  	s14 =	sxor.u32 @!p1 $0xFFFFFFFF, s12  }
0x24: {  	s31 =	sadd.s32 $0xFFFFFFFF, s12;
	s15 =	sshrl.u32 @!p1 s11, $0x3;
	s14 =	sshll.u32 @!p1 s14, $0x6  }
0x25: {  	s16 =	sand.u32 @!p1 $0x7, s11;
	s15 =	sadd.s32 @!p1 s4, s15;
	s14 =	sand.u32 @!p1 $0x40, s14  }
0x26: {  	[tilespmem:s14], [sflag:$0x2] =	stream.linear.gather @!p1 [hbm4b:s15+s16], $0x40, $0x38;
	[tilespmem:$0x100] =	vst v63  }
0x27: {  	p1 =	sge.u32 s31, s8  }
.Ltmp2:
0x28: {  	_ = 	snop;
	(pc) =	sbr.rel @p1 .LBB2_5-.Ltmp2, $1  }
0x29: {  	_ =	sdelay $0x3  }
0x2a: {  	s14 =	simm.s32 $0x1  }
0x2b: {  	_ =	swait.ge [sflag:s7], $0x40;
	s14 =	simm.s32 @!p0 $0x0  }
0x2c: {  	[sflag:s7] =	ssyncset.done $0x0;
	s14 =	sshll.u32 s14, $0x6  }
0x2d: {  	[sflag:s7] =	ssyncadd.s32 $0xFFFFFFC0;
	(ifvalue) =	ssetifvalue $0x7FFFFFFF;
	v0 =	vld.msk [tilespmem:s14+$0x0 ss:$0x1], $0xffff;
	_ =	sdelay $0x3  }
0x2e: {  	s15 =	sadd.s32 $0x10, s14  }
0x2f: {  	v2 =	vld.msk [tilespmem:s15+$0x0 ss:$0x1], $0xffff;
	vm1 =	veq.s32 v0, $0x80000000;
	v1 =	vand.u32 $0xFFF, v0;
	v0 =	vshrl.u32 v0, $0xC  }
0x30: {  	v1 =	vsel vm1, $0xFFFFFFFF, v1;
	v0 =	vand.u32 $0x7, v0  }
0x31: {  	v0 =	vsel vm1, $0xFFFFFFFF, v0;
	v3 =	vshll.u32 v1, $0x3  }
0x32: {  	v4 =	vand.u32 $0xFFFF8000, v0;
	v3 =	vand.u32 $0xFFFFFC00, v3;
	v0 =	vshll.u32 v0, $0x7  }
0x33: {  	v3 =	vadd.s32 v3, v4;
	v0 =	vand.u32 $0x380, v0  }
0x34: {  	v1 =	vand.u32 $0x7F, v1;
	vm1 =	veq.s32 v2, $0x80000000;
	v0 =	vor.u32 v0, v3  }
0x35: {  	v0 =	vor.u32 v1, v0;
	v1 =	vand.u32 $0xFFF, v2;
	v2 =	vshrl.u32 v2, $0xC  }
0x36: {  	s17 =	sadd.s32 $0x10, s15;
	v1 =	vsel vm1, $0xFFFFFFFF, v1;
	v2 =	vand.u32 $0x7, v2  }
0x37: {  	v3 =	vld.msk [tilespmem:s17+$0x0 ss:$0x1], $0xffff;
	v2 =	vsel vm1, $0xFFFFFFFF, v2;
	v63 =	vshll.u32 v1, $0x3  }
0x38: {  	v5 =	vand.u32 $0xFFFF8000, v2;
	v4 =	vand.u32 $0xFFFFFC00, v63;
	v2 =	vshll.u32 v2, $0x7  }
0x39: {  	s31 =	sshll.u32 s12, $0x6;
	s15 =	sor.u32 $0x80, s14;
	(ifvalue) =	ssetifvalue $0x7FFFFFFF;
	v4 =	vadd.s32 v4, v5;
	v2 =	vand.u32 $0x380, v2  }
0x3a: {  	[tilespmem:s15], [sflag:$0x1] =	stream.indirect_vreg.gather [hbm4b:s3+s10], $0x1, v0, vm0, $0x4038;
	v0 =	vand.u32 $0x7F, v1;
	v1 =	vor.u32 v2, v4;
	[tilespmem:$0x100] =	vst v63  }
0x3b: {  	s14 =	sand.u32 $0x40, s31;
	v0 =	vor.u32 v0, v1  }
0x3c: {  	s16 =	simm.s32 $0x20;
	s14 =	sor.u32 $0x80, s14;
	s17 =	sadd.s32 $0x10, s17;
	vm1 =	veq.s32 v3, $0x80000000;
	v2 =	vshrl.u32 v3, $0xC;
	v1 =	vand.u32 $0xFFF, v3  }
.LBB2_3:
0x3d: {  	v3 =	vld.msk [tilespmem:s17+$0x0 ss:$0x1], $0xffff;
	s16 =	sadd.s32 $0x10, s16;
	v1 =	vsel vm1, $0xFFFFFFFF, v1;
	v2 =	vand.u32 $0x7, v2  }
0x3e: {  	p1 =	slt.u32 s16, $0x30;
	v2 =	vsel vm1, $0xFFFFFFFF, v2;
	v4 =	vshll.u32 v1, $0x3  }
.Ltmp3:
0x3f: {  	s15 =	sadd.s32 $0x10, s15;
	v5 =	vand.u32 $0xFFFF8000, v2;
	v4 =	vand.u32 $0xFFFFFC00, v4;
	v2 =	vshll.u32 v2, $0x7;
	(ifvalue) =	ssetifvalue $0x7FFFFFFF;
	(pc) =	sbr.rel @p1 .LBB2_3-.Ltmp3, $4  }
0x40: {  	v4 =	vadd.s32 v4, v5;
	v2 =	vand.u32 $0x380, v2;
	[tilespmem:s15], [sflag:$0x1] =	stream.indirect_vreg.gather [hbm4b:s3+s10], $0x1, v0, vm0, $0x4038;
	[tilespmem:$0x100] =	vst v63  }
0x41: {  	v0 =	vand.u32 $0x7F, v1;
	v1 =	vor.u32 v2, v4  }
0x42: {  	v0 =	vor.u32 v0, v1  }
0x43: {  	s17 =	sadd.s32 $0x10, s17;
	vm1 =	veq.s32 v3, $0x80000000;
	v1 =	vand.u32 $0xFFF, v3;
	v2 =	vshrl.u32 v3, $0xC  }
.Ltmp4:
0x44: {  	_ = 	snop;
	(pc) =	sbr.rel .LBB2_4-.Ltmp4, $1  }
0x45: {  	_ =	sdelay $0x3  }
.LBB2_6:
0x46: {  	_ =	sfence.sel $0x180000  }
0x47: {  	s2 =	simm.s32 $0x2;
	[bflag:$0x0] =	sbarrier.arrive $0xFFFF  }
0x48: {  	s30 =	simm.s32 $0x3;
	[sflag:s2] =	ssyncpa.u1 $0x1  }
0x49: {  	s31 =	simm.s32 $0x1;
	[sflag:s30] =	ssyncpa.u1 $0x1  }
0x4a: {  	[sflag:s31] =	ssyncpa.u1 $0x1  }
0x4b: {  	p0 =	sne.s32 s1, $0x0;
	_ =	strace $0x90000047  }
0x4c: {  	s0 =	sadd.s32 @!p0 $0x100000, s0;
	[bflag:$0x2] =	sbarrier.arrive $0xFFFF  }
0x4d: {  	[sflag:s0] =	ssyncadd.tile.s32 @!p0 $0x1;
	_ =	shalt  }
.Lfunc_end2:
_tile_overlayer_lowered:
.L_overlay_start_2:
0x4e: {  	(tag) =	ssettag $0x2  }
0x4f: {  	s0 =	rddreg [dreg:$0x0];
	s2 =	stileid.u32  }
0x50: {  	s1 =	rddreg [dreg:$0x1];
	p0 =	sne.s32 s2, $0x0  }
0x51: {  	s3 =	rddreg [dreg:$0x2];
	[bflag:$0x3] =	sbarrier.arrive $0xFFFF;
	s2 =	simm.s32 @!p0 $0x1C01  }
0x52: {  	[timem:s3], [sflag:s2] =	dma.local @!p0 [hbm:s0], s1  }
0x53: {  	s0 =	simm.s32 @!p0 $0x1  }
0x54: {  	_ =	swait.ge @!p0 [sflag:s0], s1  }
0x55: {  	s1 =	ssub.s32 @!p0 $0x0, s1;
	[sflag:s0] =	ssyncset.done @!p0 $0x0  }
0x56: {  	[sflag:s0] =	ssyncadd.s32 @!p0 s1  }
0x57: {  	[bflag:$0x3] =	sbarrier.arrive $0xFFFF  }
0x58: {  	_ =	shalt  }

// kernel: kernel.10.cloned.1.call-start
scs
__scs_entry_jumppad:
0x0: {  	(pc) =	sbr.rel $0x88, $3  }
0x1: {  	(tag) =	ssettag $0x0;
	lr =	simm.s32 $0x1  }
0x2: {  	[smem:$0x3F96] =	sst lr;
	_ =	strace $0xD0000000  }
0x3: {  	_ = 	snop  }
0x4: {  	_ = 	snop  }
0x5: {  	_ = 	snop  }
0x6: {  	_ = 	snop  }
0x7: {  	_ = 	snop  }
__scs_overlays_trampoline_lowered:
0x8: {  	[smem:$0x3FA5] =	sst s0  }
0x9: {  	[smem:$0x3FA6] =	sst s1  }
0xa: {  	[smem:$0x3FA7] =	sst s2  }
0xb: {  	[smem:$0x3FA8] =	sst s3  }
0xc: {  	[smem:$0x3FA9] =	sst s4  }
0xd: {  	[smem:$0x3FAA] =	sst s5  }
0xe: {  	[smem:$0x3FAB] =	sst s6  }
0xf: {  	[smem:$0x3FAC] =	sst s7  }
0x10: {  	[smem:$0x3FAD] =	sst s8  }
0x11: {  	[smem:$0x3FAE] =	sst s9;
	s0 =	simm.s32 @!p0 $0x0  }
0x12: {  	s1 =	sld [smem:$0x3F94];
	s0 =	simm.s32 @p0 $0x1  }
0x13: {  	[smem:$0x3FAF] =	sst s0;
	s0 =	simm.s32 @!p1 $0x0  }
0x14: {  	s2 =	sld [smem:$0x3F93];
	s0 =	simm.s32 @p1 $0x1  }
0x15: {  	[smem:$0x3FB0] =	sst s0;
	s0 =	simm.s32 @!p2 $0x0  }
0x16: {  	s3 =	sld [smem:$0x3FDB];
	s0 =	simm.s32 @p2 $0x1  }
0x17: {  	s4 =	simm.s32 $0x1BF5;
	[smem:$0x3FB2] =	sst s0  }
0x18: {  	s0 =	sld [smem:$0x3F95];
	_ =	swait.ge [sflag:s4], $0x0  }
0x19: {  	s7 =	sld [smem:$0x3F96]  }
0x1a: {  	s8 =	sadd.s32 $0xFFFFE003, lr  }
0x1b: {  	s9 =	sadd.s32 $0xFFFFFEF7, lr;
	s5 =	simm.s32 $0xFFFFFFFF;
	p2 =	slt.u32 s8, $0xFFFFF086  }
0x1c: {  	p1 =	slt.u32 s9, $0xF7A;
	s5 =	simm.s32 @!p2 $0x0  }
0x1d: {  	s5 =	simm.s32 @p1 $0x1;
	p0 =	seq.s32 s7, s2  }
0x1e: {  	s7 =	smul.u32 @!p0 $0xF7A, s2;
	p2 =	seq.s32 @!p0 s5, $0x0  }
0x1f: {  	s9 =	smul.u32 $0xF7A, s1;
	s8 =	simm.s32 @!p0 $0x1BF5;
	p2 =	por !p2, p0  }
0x20: {  	[sflag:s8] =	ssyncset.s32 @!p0 $0xFFFFF086;
	s6 =	sadd.s32 @!p0 s3, s7;
	s7 =	simm.s32 @!p0 $0x108  }
0x21: {  	s3 =	sadd.s32 s3, s9;
	s6 =	sadd.s32 @!p0 $0x88, s6;
	s7 =	simm.s32 @p2 $0x1082  }
0x22: {  	[simem:s7], [sflag:s8] =	dma.local @!p0 [hbm:s6], $0xF7A  }
0x23: {  	s9 =	sor.u32 $0xD0000000, s2;
	s6 =	simm.s32 $0x108;
	_ =	swait.ge @!p0 [sflag:s8], $0x0  }
0x24: {  	s3 =	sadd.s32 $0x88, s3;
	s6 =	simm.s32 @!p1 $0x1082;
	[sflag:s4] =	ssyncset.s32 $0xFFFFF086  }
0x25: {  	[simem:s6], [sflag:s4] =	dma.local [hbm:s3], $0xF7A  }
0x26: {  	[smem:$0x3F96] =	sst s1;
	(tag) =	ssettag s2;
	_ =	strace s9  }
0x27: {  	s1 =	sld [smem:$0x3FA6]  }
0x28: {  	s2 =	sld [smem:$0x3FA7]  }
0x29: {  	s4 =	sld [smem:$0x3FA9]  }
0x2a: {  	p0 =	seq.s32 s5, $0x0;
	s5 =	sld [smem:$0x3FAA]  }
0x2b: {  	s6 =	sld [smem:$0x3FAB]  }
0x2c: {  	s7 =	sld [smem:$0x3FAC]  }
0x2d: {  	s3 =	simm.s32 $0x108;
	s8 =	sld [smem:$0x3FAD]  }
0x2e: {  	s3 =	simm.s32 @!p0 $0x1082;
	s9 =	sld [smem:$0x3FAE]  }
0x2f: {  	lr =	sadd.s32 s0, s3;
	s0 =	sld [smem:$0x3FA5]  }
0x30: {  	s3 =	sld [smem:$0x3FA8]  }
0x31: {  	[smem:$0x3FB1] =	sst s10  }
0x32: {  	s10 =	sld [smem:$0x3FAF];
	_ =	sdelay $0x3  }
0x33: {  	p0 =	seq.s32 s10, $0x1;
	s10 =	sld [smem:$0x3FB1];
	_ =	sdelay $0x3  }
0x34: {  	[smem:$0x3FB1] =	sst s10  }
0x35: {  	s10 =	sld [smem:$0x3FB0];
	_ =	sdelay $0x3  }
0x36: {  	p1 =	seq.s32 s10, $0x1;
	s10 =	sld [smem:$0x3FB1];
	_ =	sdelay $0x3  }
0x37: {  	[smem:$0x3FB1] =	sst s10  }
0x38: {  	s10 =	sld [smem:$0x3FB2]  }
0x39: {  	_ = 	snop;
	(pc) =	sbr.ind lr, $3  }
0x3a: {  	_ = 	snop  }
0x3b: {  	_ = 	snop  }
0x3c: {  	p2 =	seq.s32 s10, $0x1;
	s10 =	sld [smem:$0x3FB1]  }
0x3d: {  	_ =	shalt  }
0x3e: {  	_ =	shalt  }
0x3f: {  	_ =	shalt  }
0x40: {  	_ =	shalt  }
0x41: {  	_ =	shalt  }
0x42: {  	_ =	shalt  }
0x43: {  	_ =	shalt  }
0x44: {  	_ =	shalt  }
0x45: {  	_ =	shalt  }
0x46: {  	_ =	shalt  }
0x47: {  	_ =	shalt  }
0x48: {  	_ =	shalt  }
0x49: {  	_ =	shalt  }
0x4a: {  	_ =	shalt  }
0x4b: {  	_ =	shalt  }
0x4c: {  	_ =	shalt  }
0x4d: {  	_ =	shalt  }
0x4e: {  	_ =	shalt  }
0x4f: {  	_ =	shalt  }
0x50: {  	_ =	shalt  }
0x51: {  	_ =	shalt  }
0x52: {  	_ =	shalt  }
0x53: {  	_ =	shalt  }
0x54: {  	_ =	shalt  }
0x55: {  	_ =	shalt  }
0x56: {  	_ =	shalt  }
0x57: {  	_ =	shalt  }
0x58: {  	_ =	shalt  }
0x59: {  	_ =	shalt  }
0x5a: {  	_ =	shalt  }
0x5b: {  	_ =	shalt  }
0x5c: {  	_ =	shalt  }
0x5d: {  	_ =	shalt  }
0x5e: {  	_ =	shalt  }
0x5f: {  	_ =	shalt  }
0x60: {  	_ =	shalt  }
0x61: {  	_ =	shalt  }
0x62: {  	_ =	shalt  }
0x63: {  	_ =	shalt  }
0x64: {  	_ =	shalt  }
0x65: {  	_ =	shalt  }
0x66: {  	_ =	shalt  }
0x67: {  	_ =	shalt  }
0x68: {  	_ =	shalt  }
0x69: {  	_ =	shalt  }
0x6a: {  	_ =	shalt  }
0x6b: {  	_ =	shalt  }
0x6c: {  	_ =	shalt  }
0x6d: {  	_ =	shalt  }
0x6e: {  	_ =	shalt  }
0x6f: {  	_ =	shalt  }
0x70: {  	_ =	shalt  }
0x71: {  	_ =	shalt  }
0x72: {  	_ =	shalt  }
0x73: {  	_ =	shalt  }
0x74: {  	_ =	shalt  }
0x75: {  	_ =	shalt  }
0x76: {  	_ =	shalt  }
0x77: {  	_ =	shalt  }
0x78: {  	_ =	shalt  }
0x79: {  	_ =	shalt  }
0x7a: {  	_ =	shalt  }
0x7b: {  	_ =	shalt  }
0x7c: {  	_ =	shalt  }
0x7d: {  	_ =	shalt  }
0x7e: {  	_ =	shalt  }
0x7f: {  	_ =	shalt  }
0x80: {  	_ =	shalt  }
0x81: {  	_ =	shalt  }
0x82: {  	_ =	shalt  }
0x83: {  	_ =	shalt  }
0x84: {  	_ =	shalt  }
0x85: {  	_ =	shalt  }
0x86: {  	_ =	shalt  }
0x87: {  	_ =	shalt  }
.Lfunc_end0:
.L_simem_size_0:
called_computation.5_lowered:
.L_overlay_start_0:
0x88: {  	s2 =	sld [smem:$0x3FD9]  }
0x89: {  	s3 =	sld [smem:$0x3FFE];
	_ =	sdelay $0x1  }
0x8a: {  	s1 =	srdreg.scid  }
0x8b: {  	s0 =	sand.u32 $0x1, s1  }
0x8c: {  	s17 =	sshll.u32 s0, $0xA;
	s2 =	sadd.s32 s3, s2  }
0x8d: {  	s2 =	sadd.s32 s2, s17  }
0x8e: {  	[smem:$0x3FBD] =	sst s2  }
0x8f: {  	_ = 	snop  }
0x90: {  	s2 =	sld [smem:$0x3FD0];
	(tm) =	ssettm $0x1  }
0x91: {  	s18 =	sld [smem:$0x3FFB];
	_ =	sdelay $0x3  }
0x92: {  	_ =	strace s18  }
0x93: {  	s3 =	sld [smem:$0x3FFC];
	_ =	sdelay $0x3  }
0x94: {  	_ =	strace s3  }
0x95: {  	s3 =	sld [smem:$0x3FFD];
	_ =	sdelay $0x3  }
0x96: {  	_ =	strace s3  }
0x97: {  	_ =	strace $0x8FFFFFFF  }
0x98: {  	s19 =	sld [smem:$0x3FDB];
	_ =	sdelay $0x1  }
0x99: {  	s4 =	simm.s32 $_scs_section_size  }
0x9a: {  	s5 =	simm.s32 $_size__tile_overlayer_lowered;
	s6 =	simm.s32 $_tile_overlayer_lowered  }
0x9b: {  	s22 =	simm.s32 $0x1BFF;
	s21 =	sshll.u32 s6, $0x1;
	s3 =	sadd.s32 s4, s19  }
0x9c: {  	s7 =	simm.s32 $0x0;
	s20 =	sshll.u32 s5, $0x1;
	s5 =	sadd.s32 s21, s3  }
0x9d: {  	[timem:s7], [sflag:s22] =	dma.local [hbm:s5], s20  }
0x9e: {  	_ =	swait.ge [sflag:s22], s20  }
0x9f: {  	s4 =	ssub.s32 $0x0, s20;
	[sflag:s22] =	ssyncset.done $0x0  }
0xa0: {  	[sflag:s22] =	ssyncadd.s32 s4;
	_ =	sdelay $0x1  }
0xa1: {  	s23 =	simm.s32 $0x1B8B  }
0xa2: {  	_ =	swait.ge [sflag:s23], $0x1  }
0xa3: {  	[sflag:s23] =	ssyncset.done $0x0  }
0xa4: {  	s25 =	simm.s32 $0x1B8E;
	s24 =	sld [smem:$0x3FFE];
	[sflag:s23] =	ssyncadd.s32 $0xFFFFFFFF  }
0xa5: {  	s26 =	simm.s32 $execute0_lowered;
	[smem:$0x3FD2] =	sst s25  }
0xa6: {  	s5 =	sshll.u32 s26, $0x1;
	_ =	strace $0x80000055;
	[dreg:$0x1] =	wrdreg $0xFFFFFFFF  }
0xa7: {  	s28 =	simm.s32 $_size_execute0_lowered;
	s3 =	sadd.s32 s3, s5;
	[dreg:$0x0] =	wrdreg $0x0  }
0xa8: {  	s5 =	sshll.u32 s28, $0x1;
	[dreg:$0x2] =	wrdreg s3  }
0xa9: {  	[dreg:$0x3] =	wrdreg s5  }
0xaa: {  	[dreg:$0x4] =	wrdreg $0xC0  }
0xab: {  	_ =	task [dreg:s7], $0x5FFFF  }
0xac: {  	[dreg:$0x1] =	wrdreg $0xFFFFFFFF  }
0xad: {  	[dreg:$0x0] =	wrdreg $0x60  }
0xae: {  	[dreg:$0x2] =	wrdreg s24  }
0xaf: {  	[dreg:$0x3] =	wrdreg s2  }
0xb0: {  	[dreg:$0x4] =	wrdreg $0x9  }
0xb1: {  	_ =	task.clear_ibuf [dreg:s7], $0x5FFFF;
	_ =	strace $0x90000055  }
0xb2: {  	s29 =	simm.s32 $0x9;
	_ =	strace $0x80000057  }
0xb3: {  	_ =	swait.ge [sflag:s29], $0x1  }
0xb4: {  	[sflag:s29] =	ssyncadd.s32 $0xFFFFFFFF  }
0xb5: {  	_ =	strace $0x90000057  }
0xb6: {  	_ =	sfence  }
0xb7: {  	s30 =	sld [smem:$0x0];
	_ =	sdelay $0x2  }
0xb8: {  	s31 =	sshll.u32 s1, $0xD;
	s1 =	sshrl.u32 s1, $0x2  }
0xb9: {  	s3 =	sand.u32 $0x4000, s31;
	s1 =	sadd.s32 s1, s30  }
0xba: {  	s0 =	sor.u32 s3, s0;
	s1 =	sshll.u32 s1, $0x11  }
0xbb: {  	s0 =	sor.u32 s1, s0  }
0xbc: {  	s0 =	sadd.s32 $0x8F2B, s0  }
0xbd: {  	[sflag:s0] =	ssyncadd.remote.s32 $0x1  }
0xbe: {  	_ =	sfence.sel $0xFFFF  }
0xbf: {  	[dreg:$0x0] =	wrdreg $0xFFFFFFFF;
	(pc) =	sbr.abs _section_cstart, $3  }
0xc0: {  	[dreg:$0x1] =	wrdreg $0xFFFFFFFF  }
0xc1: {  	_ =	task.clear_ibuf [dreg:s7], $0x2FFFF;
	_ =	strace $0x9FFFFFFF  }
0xc2: {  	(tm) =	ssettm $0x7FFFFFFF  }
0xc3: {  	_ =	shalt  }
tec
execute0_lowered:
.L_overlay_start_1:
0x0: {  	(tag) =	ssettag $0x1  }
0x1: {  	s0 =	rddreg [dreg:$0x0]  }
0x2: {  	s1 =	rddreg [dreg:$0x1]  }
0x3: {  	s2 =	simm.s32 $0x0;
	s3 =	srdreg.scid;
	s5 =	stileid.u32  }
0x4: {  	s14 =	simm.s32 $0x3;
	s16 =	simm.s32 $0x4100;
	s19 =	simm.s32 $0xE100  }
0x5: {  	s20 =	simm.s32 $0xF100;
	s21 =	simm.s32 $0x10100;
	s22 =	simm.s32 $0x11100  }
0x6: {  	s23 =	simm.s32 $0x12100;
	s28 =	simm.s32 $0x1;
	s29 =	simm.s32 $0x2  }
0x7: {  	s12 =	simm.s32 $0x0;
	[smem:$0x7FF] =	sst s2;
	s4 =	sand.u32 $0x1, s3  }
0x8: {  	s5 =	sshll.u32 s5, $0x7;
	s3 =	sadd.s32 $0x12000, s0;
	s9 =	sadd.s32 $0x12200, s0  }
0x9: {  	s10 =	sadd.s32 $0x12300, s0;
	s6 =	sshll.u32 s4, $0x6;
	s4 =	ssub.s32 $0x2, s4  }
0xa: {  	_ =	strace $0x80000056;
	s5 =	sor.u32 s6, s5;
	s8 =	sshrl.u32 s4, $0x1  }
0xb: {  	s6 =	sshrl.u32 s5, $0x3;
	s7 =	sshll.u32 s5, $0x4;
	s4 =	ssub.s32 s4, s8  }
0xc: {  	s8 =	sadd.s32 $0x12100, s0;
	s6 =	sadd.s32 s6, s0;
	s31 =	smax.u32 s4, $0x1  }
0xd: {  	s5 =	sshll.u32 s5, $0x7;
	s24 =	sadd.s32 $0x11E00, s6;
	[dreg:$0x8] =	wrdreg s31  }
0xe: {  	s7 =	sadd.s32 s7, s0;
	s6 =	sadd.s32 $0x11C00, s6;
	[dreg:$0x3] =	wrdreg s24  }
0xf: {  	v2 =	vlaneseq.u32;
	s11 =	sadd.s32 s1, s5;
	s25 =	sadd.s32 $0x1C00, s7;
	[dreg:$0x4] =	wrdreg s6  }
0x10: {  	v0 =	vand.u32 $0x7, v2;
	v1 =	vshrl.u32 v2, $0x3;
	s4 =	simm.s32 $0xE900;
	s26 =	sadd.s32 $0x9C00, s7;
	[dreg:$0x5] =	wrdreg s25  }
0x11: {  	v63 =	vor.u32 $0x8, v2;
	[tilespmem:$0x1FFD0] =	vst v0;
	v62 =	vmul.u32 $0x8, v1;
	s5 =	simm.s32 $0xF900;
	s30 =	sadd.s32 $0x1000, s11;
	[dreg:$0x6] =	wrdreg s26  }
0x12: {  	[tilespmem:$0x1FFF0] =	vst v63;
	s7 =	simm.s32 $0x11900;
	[dreg:$0x7] =	wrdreg s30;
	s6 =	simm.s32 $0x10900  }
0x13: {  	vm0 =	vmmov $0xffff;
	[tilespmem:$0x1FFE0] =	vst v62;
	s24 =	simm.s32 $0x12900;
	s25 =	simm.s32 $0x13100;
	s26 =	simm.s32 $0x13900  }
.LBB2_1:
0x14: {  	s0 =	rddreg [dreg:$0x3]  }
0x15: {  	[tilespmem:s2], [sflag:$0x3] =	stream.linear.gather [hbm4b:s0+s2], $0x40, $0x38;
	[tilespmem:$0x14100] =	vst v63  }
0x16: {  	_ =	swait.ge [sflag:s14], $0x40  }
0x17: {  	[sflag:s14] =	ssyncset.done $0x0  }
0x18: {  	s1 =	simm.s32 $0x80;
	s17 =	rddreg [dreg:$0x4];
	[sflag:s14] =	ssyncadd.s32 $0xFFFFFFC0  }
0x19: {  	[tilespmem:s1], [sflag:$0x3] =	stream.linear.gather [hbm4b:s17+s2], $0x40, $0x38;
	[tilespmem:$0x14100] =	vst v63  }
0x1a: {  	_ =	swait.ge [sflag:s14], $0x40  }
0x1b: {  	[sflag:s14] =	ssyncset.done $0x0  }
0x1c: {  	s30 =	simm.s32 $0x100;
	s18 =	rddreg [dreg:$0x5];
	[sflag:s14] =	ssyncadd.s32 $0xFFFFFFC0  }
0x1d: {  	[tilespmem:s30], [sflag:$0x3] =	stream.linear.gather [hbm4b:s18+s2], $0x2000, $0x38;
	[tilespmem:$0x14100] =	vst v63  }
0x1e: {  	_ =	swait.ge [sflag:s14], $0x2000  }
0x1f: {  	[sflag:s14] =	ssyncset.done $0x0  }
0x20: {  	s13 =	simm.s32 $0x2100;
	s1 =	rddreg [dreg:$0x6];
	[sflag:s14] =	ssyncadd.s32 $0xFFFFE000  }
0x21: {  	[tilespmem:s13], [sflag:$0x3] =	stream.linear.gather [hbm4b:s1+s2], $0x2000, $0x38;
	[tilespmem:$0x14100] =	vst v63  }
0x22: {  	_ =	swait.ge [sflag:s14], $0x2000  }
0x23: {  	[sflag:s14] =	ssyncset.done $0x0  }
0x24: {  	[sflag:s14] =	ssyncadd.s32 $0xFFFFE000  }
0x25: {  	v3 =	vld [tilespmem:$0x0];
	_ =	sdelay $0x2  }
0x26: {  	v0 =	vld [tilespmem:$0x1FFD0];
	_ =	sdelay $0x1  }
0x27: {  	v1 =	vld [tilespmem:$0x1FFE0];
	v4 =	vshll.u32 v3, $0x3  }
0x28: {  	v3 =	vand.u32 $0x7, v3;
	v4 =	vand.u32 $0xFFFFFFC0, v4  }
0x29: {  	v3 =	vor.u32 v3, v4  }
0x2a: {  	v4 =	vperm.xlane v3, v0;
	_ =	sdelay $0x1  }
0x2b: {  	v4 =	vadd.s32 v1, v4  }
0x2c: {  	v2 =	vld [tilespmem:$0x1FFF0];
	_ =	sdelay $0x3  }
0x2d: {  	[tilespmem:s16], [sflag:$0x1] =	stream.indirect_vreg.gather [hbm4b:s3+s2], $0x80, v4, vm0, $0xb8;
	[tilespmem:$0x14100] =	vst v63  }
0x2e: {  	s15 =	simm.s32 $0x4900;
	v3 =	vperm.xlane v3, v2  }
0x2f: {  	[tilespmem:s15], [sflag:$0x1] =	stream.indirect_vreg.gather [hbm4b:s8+s2], $0x80, v4, vm0, $0xb8;
	[tilespmem:$0x14100] =	vst v63  }
0x30: {  	s17 =	simm.s32 $0x5100;
	v3 =	vadd.s32 v1, v3  }
0x31: {  	[tilespmem:s17], [sflag:$0x1] =	stream.indirect_vreg.gather [hbm4b:s9+s2], $0x80, v4, vm0, $0xb8;
	[tilespmem:$0x14100] =	vst v63  }
0x32: {  	s18 =	simm.s32 $0x5900  }
0x33: {  	[tilespmem:s18], [sflag:$0x1] =	stream.indirect_vreg.gather [hbm4b:s10+s2], $0x80, v4, vm0, $0xb8;
	[tilespmem:$0x14100] =	vst v63  }
0x34: {  	s1 =	simm.s32 $0x6100  }
0x35: {  	[tilespmem:s1], [sflag:$0x1] =	stream.indirect_vreg.gather [hbm4b:s3+s2], $0x80, v3, vm0, $0xb8;
	[tilespmem:$0x14100] =	vst v63  }
0x36: {  	s15 =	simm.s32 $0x6900  }
0x37: {  	[tilespmem:s15], [sflag:$0x1] =	stream.indirect_vreg.gather [hbm4b:s8+s2], $0x80, v3, vm0, $0xb8;
	[tilespmem:$0x14100] =	vst v63  }
0x38: {  	s17 =	simm.s32 $0x7100  }
0x39: {  	[tilespmem:s17], [sflag:$0x1] =	stream.indirect_vreg.gather [hbm4b:s9+s2], $0x80, v3, vm0, $0xb8;
	[tilespmem:$0x14100] =	vst v63  }
0x3a: {  	s18 =	simm.s32 $0x7900  }
0x3b: {  	[tilespmem:s18], [sflag:$0x1] =	stream.indirect_vreg.gather [hbm4b:s10+s2], $0x80, v3, vm0, $0xb8;
	[tilespmem:$0x14100] =	vst v63  }
0x3c: {  	v3 =	vld [tilespmem:$0x10];
	_ =	sdelay $0x4  }
0x3d: {  	v61 =	vshll.u32 v3, $0x3  }
0x3e: {  	v3 =	vand.u32 $0x7, v3;
	v4 =	vand.u32 $0xFFFFFFC0, v61  }
0x3f: {  	v3 =	vor.u32 v3, v4  }
0x40: {  	v4 =	vperm.xlane v3, v0;
	_ =	sdelay $0x1  }
0x41: {  	v4 =	vadd.s32 v1, v4;
	_ =	sdelay $0x3  }
0x42: {  	s1 =	simm.s32 $0x8100  }
0x43: {  	[tilespmem:s1], [sflag:$0x1] =	stream.indirect_vreg.gather [hbm4b:s3+s2], $0x80, v4, vm0, $0xb8;
	[tilespmem:$0x14100] =	vst v63  }
0x44: {  	s15 =	simm.s32 $0x8900;
	v3 =	vperm.xlane v3, v2  }
0x45: {  	[tilespmem:s15], [sflag:$0x1] =	stream.indirect_vreg.gather [hbm4b:s8+s2], $0x80, v4, vm0, $0xb8;
	[tilespmem:$0x14100] =	vst v63  }
0x46: {  	s17 =	simm.s32 $0x9100;
	v3 =	vadd.s32 v1, v3  }
0x47: {  	[tilespmem:s17], [sflag:$0x1] =	stream.indirect_vreg.gather [hbm4b:s9+s2], $0x80, v4, vm0, $0xb8;
	[tilespmem:$0x14100] =	vst v63  }
0x48: {  	s18 =	simm.s32 $0x9900  }
0x49: {  	[tilespmem:s18], [sflag:$0x1] =	stream.indirect_vreg.gather [hbm4b:s10+s2], $0x80, v4, vm0, $0xb8;
	[tilespmem:$0x14100] =	vst v63  }
0x4a: {  	s1 =	simm.s32 $0xA100  }
0x4b: {  	[tilespmem:s1], [sflag:$0x1] =	stream.indirect_vreg.gather [hbm4b:s3+s2], $0x80, v3, vm0, $0xb8;
	[tilespmem:$0x14100] =	vst v63  }
0x4c: {  	s15 =	simm.s32 $0xA900  }
0x4d: {  	[tilespmem:s15], [sflag:$0x1] =	stream.indirect_vreg.gather [hbm4b:s8+s2], $0x80, v3, vm0, $0xb8;
	[tilespmem:$0x14100] =	vst v63  }
0x4e: {  	s17 =	simm.s32 $0xB100  }
0x4f: {  	[tilespmem:s17], [sflag:$0x1] =	stream.indirect_vreg.gather [hbm4b:s9+s2], $0x80, v3, vm0, $0xb8;
	[tilespmem:$0x14100] =	vst v63  }
0x50: {  	s18 =	simm.s32 $0xB900  }
0x51: {  	[tilespmem:s18], [sflag:$0x1] =	stream.indirect_vreg.gather [hbm4b:s10+s2], $0x80, v3, vm0, $0xb8;
	[tilespmem:$0x14100] =	vst v63  }
0x52: {  	v3 =	vld [tilespmem:$0x80];
	_ =	sdelay $0x4  }
0x53: {  	v62 =	vshll.u32 v3, $0x3  }
0x54: {  	v3 =	vand.u32 $0x7, v3;
	v4 =	vand.u32 $0xFFFFFFC0, v62  }
0x55: {  	v3 =	vor.u32 v3, v4  }
0x56: {  	v4 =	vperm.xlane v3, v0;
	_ =	sdelay $0x1  }
0x57: {  	v4 =	vadd.s32 v1, v4;
	_ =	sdelay $0x3  }
0x58: {  	s1 =	simm.s32 $0xC100  }
0x59: {  	[tilespmem:s1], [sflag:$0x2] =	stream.indirect_vreg.gather [hbm4b:s3+s2], $0x80, v4, vm0, $0xb8;
	[tilespmem:$0x14100] =	vst v63  }
0x5a: {  	s15 =	simm.s32 $0xC900;
	v3 =	vperm.xlane v3, v2  }
0x5b: {  	[tilespmem:s15], [sflag:$0x2] =	stream.indirect_vreg.gather [hbm4b:s8+s2], $0x80, v4, vm0, $0xb8;
	[tilespmem:$0x14100] =	vst v63  }
0x5c: {  	s17 =	simm.s32 $0xD100;
	v3 =	vadd.s32 v1, v3  }
0x5d: {  	[tilespmem:s17], [sflag:$0x2] =	stream.indirect_vreg.gather [hbm4b:s9+s2], $0x80, v4, vm0, $0xb8;
	[tilespmem:$0x14100] =	vst v63  }
0x5e: {  	s18 =	simm.s32 $0xD900  }
0x5f: {  	[tilespmem:s18], [sflag:$0x2] =	stream.indirect_vreg.gather [hbm4b:s10+s2], $0x80, v4, vm0, $0xb8;
	[tilespmem:$0x14100] =	vst v63  }
0x60: {  	_ = 	snop  }
0x61: {  	[tilespmem:s19], [sflag:$0x2] =	stream.indirect_vreg.gather [hbm4b:s3+s2], $0x80, v3, vm0, $0xb8;
	[tilespmem:$0x14100] =	vst v63  }
0x62: {  	_ = 	snop  }
0x63: {  	[tilespmem:s4], [sflag:$0x2] =	stream.indirect_vreg.gather [hbm4b:s8+s2], $0x80, v3, vm0, $0xb8;
	[tilespmem:$0x14100] =	vst v63  }
0x64: {  	_ = 	snop  }
0x65: {  	[tilespmem:s20], [sflag:$0x2] =	stream.indirect_vreg.gather [hbm4b:s9+s2], $0x80, v3, vm0, $0xb8;
	[tilespmem:$0x14100] =	vst v63  }
0x66: {  	_ = 	snop  }
0x67: {  	[tilespmem:s5], [sflag:$0x2] =	stream.indirect_vreg.gather [hbm4b:s10+s2], $0x80, v3, vm0, $0xb8;
	[tilespmem:$0x14100] =	vst v63  }
0x68: {  	v3 =	vld [tilespmem:$0x90];
	_ =	sdelay $0x4  }
0x69: {  	v63 =	vshll.u32 v3, $0x3  }
0x6a: {  	v3 =	vand.u32 $0x7, v3;
	v4 =	vand.u32 $0xFFFFFFC0, v63  }
0x6b: {  	v3 =	vor.u32 v3, v4  }
0x6c: {  	v4 =	vperm.xlane v3, v0;
	_ =	sdelay $0x1  }
0x6d: {  	v4 =	vadd.s32 v1, v4;
	_ =	sdelay $0x4  }
0x6e: {  	[tilespmem:s21], [sflag:$0x2] =	stream.indirect_vreg.gather [hbm4b:s3+s2], $0x80, v4, vm0, $0xb8;
	[tilespmem:$0x14100] =	vst v63  }
0x6f: {  	v3 =	vperm.xlane v3, v2  }
0x70: {  	[tilespmem:s6], [sflag:$0x2] =	stream.indirect_vreg.gather [hbm4b:s8+s2], $0x80, v4, vm0, $0xb8;
	[tilespmem:$0x14100] =	vst v63  }
0x71: {  	v3 =	vadd.s32 v1, v3  }
0x72: {  	[tilespmem:s22], [sflag:$0x2] =	stream.indirect_vreg.gather [hbm4b:s9+s2], $0x80, v4, vm0, $0xb8;
	[tilespmem:$0x14100] =	vst v63  }
0x73: {  	_ = 	snop  }
0x74: {  	[tilespmem:s7], [sflag:$0x2] =	stream.indirect_vreg.gather [hbm4b:s10+s2], $0x80, v4, vm0, $0xb8;
	[tilespmem:$0x14100] =	vst v63  }
0x75: {  	_ = 	snop  }
0x76: {  	[tilespmem:s23], [sflag:$0x2] =	stream.indirect_vreg.gather [hbm4b:s3+s2], $0x80, v3, vm0, $0xb8;
	[tilespmem:$0x14100] =	vst v63  }
0x77: {  	_ = 	snop  }
0x78: {  	[tilespmem:s24], [sflag:$0x2] =	stream.indirect_vreg.gather [hbm4b:s8+s2], $0x80, v3, vm0, $0xb8;
	[tilespmem:$0x14100] =	vst v63  }
0x79: {  	_ = 	snop  }
0x7a: {  	[tilespmem:s25], [sflag:$0x2] =	stream.indirect_vreg.gather [hbm4b:s9+s2], $0x80, v3, vm0, $0xb8;
	[tilespmem:$0x14100] =	vst v63  }
0x7b: {  	_ = 	snop  }
0x7c: {  	[tilespmem:s26], [sflag:$0x2] =	stream.indirect_vreg.gather [hbm4b:s10+s2], $0x80, v3, vm0, $0xb8;
	[tilespmem:$0x14100] =	vst v63  }
0x7d: {  	_ =	swait.ge [sflag:s28], $0x8000  }
0x7e: {  	[sflag:s28] =	ssyncset.done $0x0  }
0x7f: {  	[sflag:s28] =	ssyncadd.s32 $0xFFFF8000  }
0x80: {  	_ =	swait.ge [sflag:s29], $0x8000  }
0x81: {  	s31 =	simm.s32 $0x0;
	[sflag:s29] =	ssyncset.done $0x0  }
0x82: {  	s0 =	simm.s32 $0x0;
	s1 =	simm.s32 $0x0;
	[sflag:s29] =	ssyncadd.s32 $0xFFFF8000  }
.LBB2_2:
0x83: {  	v3 =	vld [tilespmem:s30+$0x0];
	s15 =	sand.u32 $0x6000, s0;
	s17 =	sand.u32 $0x380, s1  }
0x84: {  	v4 =	vld [tilespmem:s13+$0x0];
	s15 =	sor.u32 s17, s15  }
0x85: {  	v6 =	vld [tilespmem:s15+$0x4100]  }
0x86: {  	v7 =	vld [tilespmem:s15+$0xC100]  }
0x87: {  	v10 =	vld [tilespmem:s15+$0x4110]  }
0x88: {  	v11 =	vld [tilespmem:s15+$0xC110]  }
0x89: {  	v14 =	vld [tilespmem:s15+$0x4120]  }
0x8a: {  	v17 =	vld [tilespmem:s15+$0xC120]  }
0x8b: {  	v20 =	vld [tilespmem:s15+$0x4130]  }
0x8c: {  	v21 =	vld [tilespmem:s15+$0xC130]  }
0x8d: {  	v26 =	vld [tilespmem:s15+$0x4140]  }
0x8e: {  	v27 =	vld [tilespmem:s15+$0xC140]  }
0x8f: {  	v28 =	vld [tilespmem:s15+$0x4150]  }
0x90: {  	v29 =	vld [tilespmem:s15+$0xC150]  }
0x91: {  	v30 =	vld [tilespmem:s15+$0x4160]  }
0x92: {  	v31 =	vld [tilespmem:s15+$0xC160]  }
0x93: {  	v32 =	vld [tilespmem:s15+$0x4170]  }
0x94: {  	v33 =	vld [tilespmem:s15+$0xC170]  }
0x95: {  	v34 =	vld [tilespmem:s15+$0x4500]  }
0x96: {  	v35 =	vld [tilespmem:s15+$0xC500]  }
0x97: {  	v36 =	vld [tilespmem:s15+$0x4510]  }
0x98: {  	v37 =	vld [tilespmem:s15+$0xC510]  }
0x99: {  	v38 =	vld [tilespmem:s15+$0x4520]  }
0x9a: {  	v39 =	vld [tilespmem:s15+$0xC520]  }
0x9b: {  	v40 =	vld [tilespmem:s15+$0x4530]  }
0x9c: {  	v41 =	vld [tilespmem:s15+$0xC530]  }
0x9d: {  	v42 =	vld [tilespmem:s15+$0x4540]  }
0x9e: {  	v43 =	vld [tilespmem:s15+$0xC540]  }
0x9f: {  	v44 =	vld [tilespmem:s15+$0x4550]  }
0xa0: {  	v45 =	vld [tilespmem:s15+$0xC550]  }
0xa1: {  	v46 =	vld [tilespmem:s15+$0x4560]  }
0xa2: {  	v47 =	vld [tilespmem:s15+$0xC560]  }
0xa3: {  	v48 =	vld [tilespmem:s15+$0x4570]  }
0xa4: {  	v49 =	vld [tilespmem:s15+$0xC570]  }
0xa5: {  	v50 =	vld [tilespmem:s15+$0x4900]  }
0xa6: {  	v51 =	vld [tilespmem:s15+$0xC900]  }
0xa7: {  	v52 =	vld [tilespmem:s15+$0x4910]  }
0xa8: {  	v53 =	vld [tilespmem:s15+$0xC910]  }
0xa9: {  	v54 =	vld [tilespmem:s15+$0x4920]  }
0xaa: {  	v55 =	vld [tilespmem:s15+$0xC920]  }
0xab: {  	v56 =	vld [tilespmem:s15+$0x4930]  }
0xac: {  	v57 =	vld [tilespmem:s15+$0xC930]  }
0xad: {  	v58 =	vld [tilespmem:s15+$0x4940]  }
0xae: {  	v59 =	vld [tilespmem:s15+$0xC940]  }
0xaf: {  	v60 =	vld [tilespmem:s15+$0x4950]  }
0xb0: {  	v61 =	vld [tilespmem:s15+$0xC950]  }
0xb1: {  	v62 =	vld [tilespmem:s15+$0x4960]  }
0xb2: {  	v63 =	vld [tilespmem:s15+$0xC960]  }
0xb3: {  	v5 =	vld [tilespmem:s15+$0x4970]  }
0xb4: {  	v2 =	vld [tilespmem:s15+$0xC970]  }
0xb5: {  	v24 =	vld [tilespmem:s15+$0x4D00]  }
0xb6: {  	v25 =	vld [tilespmem:s15+$0xCD00]  }
0xb7: {  	v22 =	vld [tilespmem:s15+$0x4D10]  }
0xb8: {  	v23 =	vld [tilespmem:s15+$0xCD10]  }
0xb9: {  	v18 =	vld [tilespmem:s15+$0x4D20]  }
0xba: {  	v0 =	vld [tilespmem:s15+$0x4D60]  }
0xbb: {  	v19 =	vld [tilespmem:s15+$0xCD20]  }
0xbc: {  	v15 =	vld [tilespmem:s15+$0x4D30]  }
0xbd: {  	v16 =	vld [tilespmem:s15+$0xCD30]  }
0xbe: {  	v12 =	vld [tilespmem:s15+$0x4D40];
	v1 =	vmul.f32 v6, v3  }
0xbf: {  	v13 =	vld [tilespmem:s15+$0xCD40];
	[tilespmem:$0x1FFC0] =	vst v0;
	v0 =	vmul.f32 v7, v4;
	v10 =	vmul.f32 v10, v3  }
0xc0: {  	v8 =	vld [tilespmem:s15+$0x4D50];
	v11 =	vmul.f32 v11, v4;
	v14 =	vmul.f32 v14, v3  }
0xc1: {  	v9 =	vld [tilespmem:s15+$0xCD50];
	v17 =	vmul.f32 v17, v4;
	v20 =	vmul.f32 v20, v3  }
0xc2: {  	v7 =	vld [tilespmem:s15+$0xCD60];
	v21 =	vmul.f32 v21, v4;
	v26 =	vmul.f32 v26, v3  }
0xc3: {  	v6 =	vld [tilespmem:s15+$0x4D70];
	v27 =	vmul.f32 v27, v4;
	v34 =	vmul.f32 v34, v3  }
0xc4: {  	v35 =	vmul.f32 v35, v4;
	v38 =	vmul.f32 v38, v3;
	v1 =	vadd.f32 v0, v1;
	v0 =	vld [tilespmem:s15+$0xCD70]  }
0xc5: {  	v39 =	vmul.f32 v39, v4;
	v40 =	vmul.f32 v40, v3;
	v10 =	vadd.f32 v11, v10;
	v11 =	vld [tilespmem:s15+$0x5100]  }
0xc6: {  	v5 =	vmul.f32 v5, v3;
	v2 =	vmul.f32 v2, v4;
	[tilespmem:s15+$0x4100] =	vst v1;
	v1 =	vadd.f32 v17, v14;
	v14 =	vld [tilespmem:s15+$0xD100]  }
0xc7: {  	[tilespmem:s15+$0x4110] =	vst v10;
	v10 =	vadd.f32 v21, v20;
	v21 =	vmul.f32 v28, v3;
	v28 =	vmul.f32 v29, v4;
	v17 =	vld [tilespmem:s15+$0x5110]  }
0xc8: {  	v52 =	vmul.f32 v52, v3;
	v2 =	vadd.f32 v2, v5;
	v20 =	vld [tilespmem:s15+$0xD110];
	v29 =	vmul.f32 v33, v4;
	[tilespmem:s15+$0x4120] =	vst v1  }
0xc9: {  	v1 =	vadd.f32 v27, v26;
	v26 =	vmul.f32 v30, v3;
	[tilespmem:s15+$0x4130] =	vst v10;
	v10 =	vadd.f32 v28, v21;
	v21 =	vld [tilespmem:s15+$0x5120]  }
0xca: {  	v27 =	vmul.f32 v31, v4;
	v28 =	vmul.f32 v32, v3;
	v31 =	vld [tilespmem:s15+$0x5130]  }
0xcb: {  	v24 =	vmul.f32 v24, v3;
	v25 =	vmul.f32 v25, v4;
	[tilespmem:s15+$0x4970] =	vst v2;
	v32 =	vld [tilespmem:s15+$0xD130]  }
0xcc: {  	v18 =	vmul.f32 v18, v3;
	v33 =	vadd.f32 v27, v26;
	v26 =	vld [tilespmem:s15+$0xD120];
	[tilespmem:s15+$0x4150] =	vst v10;
	v10 =	vadd.f32 v29, v28  }
0xcd: {  	[tilespmem:s15+$0x4140] =	vst v1;
	v28 =	vmul.f32 v36, v3;
	v36 =	vmul.f32 v37, v4;
	v37 =	vadd.f32 v35, v34;
	v34 =	vld [tilespmem:s15+$0xD140]  }
0xce: {  	v19 =	vmul.f32 v19, v4;
	v12 =	vmul.f32 v12, v3;
	v35 =	vld [tilespmem:s15+$0x5150];
	[tilespmem:s15+$0x4160] =	vst v33  }
0xcf: {  	v13 =	vmul.f32 v13, v4;
	v27 =	vld [tilespmem:s15+$0xD520];
	v29 =	vadd.f32 v25, v24;
	[tilespmem:s15+$0x4170] =	vst v10;
	v10 =	vadd.f32 v36, v28  }
0xd0: {  	v36 =	vmul.f32 v41, v4;
	v33 =	vld [tilespmem:s15+$0x5140];
	[tilespmem:s15+$0x4500] =	vst v37;
	v37 =	vadd.f32 v39, v38;
	v38 =	vmul.f32 v42, v3  }
0xd1: {  	v39 =	vmul.f32 v43, v4;
	v41 =	vmul.f32 v45, v4;
	v28 =	vld [tilespmem:s15+$0x5520];
	[tilespmem:s15+$0x4D00] =	vst v29  }
0xd2: {  	v43 =	vmul.f32 v46, v3;
	[tilespmem:s15+$0x4510] =	vst v10;
	v10 =	vadd.f32 v36, v40;
	v40 =	vmul.f32 v44, v3;
	v36 =	vld [tilespmem:s15+$0xD150]  }
0xd3: {  	v46 =	vmul.f32 v48, v3;
	[tilespmem:s15+$0x4520] =	vst v37;
	v42 =	vadd.f32 v39, v38;
	v44 =	vmul.f32 v47, v4;
	v37 =	vld [tilespmem:s15+$0x5160]  }
0xd4: {  	v47 =	vmul.f32 v49, v4;
	v49 =	vmul.f32 v50, v3;
	v38 =	vld [tilespmem:s15+$0xD160];
	[tilespmem:s15+$0x4530] =	vst v10;
	v45 =	vadd.f32 v41, v40  }
0xd5: {  	v50 =	vmul.f32 v51, v4;
	v39 =	vld [tilespmem:s15+$0x5170];
	[tilespmem:s15+$0x4540] =	vst v42;
	v48 =	vadd.f32 v44, v43;
	v44 =	vmul.f32 v53, v4  }
0xd6: {  	v51 =	vadd.f32 v47, v46;
	v46 =	vmul.f32 v54, v3;
	v47 =	vmul.f32 v55, v4;
	v40 =	vld [tilespmem:s15+$0xD170];
	[tilespmem:s15+$0x4550] =	vst v45  }
0xd7: {  	v41 =	vld [tilespmem:s15+$0x5500];
	v53 =	vmul.f32 v59, v4;
	v55 =	vmul.f32 v60, v3;
	[tilespmem:s15+$0x4560] =	vst v48;
	v45 =	vadd.f32 v50, v49  }
0xd8: {  	v42 =	vld [tilespmem:s15+$0xD500];
	v59 =	vmul.f32 v63, v4;
	v63 =	vmul.f32 v23, v4;
	[tilespmem:s15+$0x4570] =	vst v51;
	v48 =	vadd.f32 v44, v52  }
0xd9: {  	v43 =	vld [tilespmem:s15+$0x5510];
	v49 =	vmul.f32 v56, v3;
	v50 =	vmul.f32 v57, v4;
	v51 =	vadd.f32 v47, v46;
	[tilespmem:s15+$0x4900] =	vst v45  }
0xda: {  	v23 =	vld [tilespmem:s15+$0xD530];
	v25 =	vmul.f32 v33, v3;
	v52 =	vmul.f32 v58, v3;
	v47 =	vadd.f32 v19, v18;
	[tilespmem:s15+$0x4910] =	vst v48  }
0xdb: {  	v56 =	vmul.f32 v61, v4;
	v58 =	vmul.f32 v62, v3;
	v44 =	vld [tilespmem:s15+$0xD510];
	v54 =	vadd.f32 v50, v49;
	[tilespmem:s15+$0x4920] =	vst v51  }
0xdc: {  	v62 =	vmul.f32 v22, v3;
	v22 =	vld [tilespmem:s15+$0x5530];
	v46 =	vmul.f32 v16, v4;
	v57 =	vadd.f32 v53, v52;
	[tilespmem:s15+$0x4D20] =	vst v47  }
0xdd: {  	v16 =	vld [tilespmem:s15+$0xD540];
	v33 =	vmul.f32 v37, v3;
	v60 =	vadd.f32 v56, v55;
	v45 =	vmul.f32 v15, v3;
	[tilespmem:s15+$0x4930] =	vst v54  }
0xde: {  	v18 =	vld [tilespmem:s15+$0x5910];
	v61 =	vadd.f32 v59, v58;
	v49 =	vmul.f32 v8, v3;
	v50 =	vmul.f32 v9, v4;
	[tilespmem:s15+$0x4940] =	vst v57  }
0xdf: {  	v19 =	vld [tilespmem:s15+$0xD910];
	v30 =	vadd.f32 v63, v62;
	v56 =	vmul.f32 v11, v3;
	v58 =	vmul.f32 v17, v3;
	[tilespmem:s15+$0x4950] =	vst v60  }
0xe0: {  	v15 =	vld [tilespmem:s15+$0x5540];
	v51 =	vadd.f32 v13, v12;
	v59 =	vmul.f32 v20, v4;
	v62 =	vmul.f32 v26, v4;
	[tilespmem:s15+$0x4960] =	vst v61  }
0xe1: {  	v9 =	vld [tilespmem:s15+$0x5550];
	v20 =	vmul.f32 v31, v3;
	v26 =	vmul.f32 v34, v4;
	[tilespmem:s15+$0x4D10] =	vst v30;
	v48 =	vadd.f32 v46, v45  }
0xe2: {  	v52 =	vld [tilespmem:$0x1FFC0];
	v31 =	vmul.f32 v36, v4;
	v34 =	vmul.f32 v38, v4;
	v53 =	vadd.f32 v50, v49;
	[tilespmem:s15+$0x4D40] =	vst v51  }
0xe3: {  	v12 =	vld [tilespmem:s15+$0xD550];
	v36 =	vmul.f32 v39, v3;
	v37 =	vmul.f32 v40, v4;
	v63 =	vadd.f32 v59, v58;
	[tilespmem:s15+$0x4D30] =	vst v48  }
0xe4: {  	v11 =	vld [tilespmem:s15+$0x5570];
	v61 =	vmul.f32 v21, v3;
	v21 =	vmul.f32 v32, v4;
	v32 =	vadd.f32 v26, v25;
	[tilespmem:s15+$0x4D50] =	vst v53  }
0xe5: {  	v13 =	vld [tilespmem:s15+$0xD570];
	v39 =	vmul.f32 v41, v3;
	v40 =	vmul.f32 v42, v4;
	v38 =	vadd.f32 v34, v33;
	[tilespmem:s15+$0x5110] =	vst v63  }
0xe6: {  	v0 =	vmul.f32 v0, v4;
	v17 =	vld [tilespmem:s15+$0xD900];
	v54 =	vmul.f32 v6, v3;
	v42 =	vadd.f32 v37, v36;
	[tilespmem:s15+$0x5140] =	vst v32  }
0xe7: {  	v41 =	vld [tilespmem:s15+$0xD920];
	v57 =	vmul.f32 v14, v4;
	v47 =	vadd.f32 v40, v39;
	[tilespmem:s15+$0x5160] =	vst v38  }
0xe8: {  	v6 =	vld [tilespmem:s15+$0x5560];
	v0 =	vadd.f32 v0, v54;
	[tilespmem:s15+$0x5170] =	vst v42  }
0xe9: {  	v14 =	vld [tilespmem:s15+$0x5900];
	v60 =	vadd.f32 v57, v56;
	[tilespmem:s15+$0x5500] =	vst v47  }
0xea: {  	v7 =	vmul.f32 v7, v4;
	v30 =	vmul.f32 v35, v3;
	v46 =	vld [tilespmem:s15+$0x5930];
	v24 =	vadd.f32 v62, v61;
	[tilespmem:s15+$0x4D70] =	vst v0  }
0xeb: {  	v43 =	vmul.f32 v43, v3;
	v50 =	vld [tilespmem:s15+$0xD930];
	v45 =	vmul.f32 v44, v4;
	v29 =	vadd.f32 v21, v20;
	[tilespmem:s15+$0x5100] =	vst v60  }
0xec: {  	v49 =	vmul.f32 v27, v4;
	v58 =	vld [tilespmem:s15+$0x5950];
	v35 =	vadd.f32 v31, v30;
	v10 =	vmul.f32 v52, v3;
	[tilespmem:s15+$0x5120] =	vst v24  }
0xed: {  	v36 =	vld [tilespmem:s15+$0xD970];
	v53 =	vmul.f32 v23, v4;
	v51 =	vadd.f32 v45, v43;
	v52 =	vmul.f32 v22, v3;
	[tilespmem:s15+$0x5130] =	vst v29  }
0xee: {  	v40 =	vld [tilespmem:s15+$0xD940];
	v57 =	vmul.f32 v16, v4;
	v56 =	vmul.f32 v15, v3;
	[tilespmem:s15+$0x5150] =	vst v35;
	v55 =	vadd.f32 v7, v10  }
0xef: {  	v20 =	vld [tilespmem:s15+$0x5920];
	v26 =	vmul.f32 v11, v3;
	v27 =	vmul.f32 v13, v4;
	[tilespmem:s15+$0x5510] =	vst v51;
	v59 =	vadd.f32 v53, v52  }
0xf0: {  	v62 =	vld [tilespmem:s15+$0xD950];
	v61 =	vmul.f32 v12, v4;
	v60 =	vmul.f32 v9, v3;
	v63 =	vadd.f32 v57, v56;
	[tilespmem:s15+$0x4D60] =	vst v55  }
0xf1: {  	v34 =	vmul.f32 v18, v3;
	v16 =	vld [tilespmem:s15+$0x5960];
	v35 =	vmul.f32 v19, v4;
	v33 =	vadd.f32 v27, v26;
	[tilespmem:s15+$0x5530] =	vst v59  }
0xf2: {  	v48 =	vmul.f32 v28, v3;
	v28 =	vld [tilespmem:s15+$0xD960];
	v31 =	vmul.f32 v17, v4;
	v23 =	vadd.f32 v61, v60;
	[tilespmem:s15+$0x5540] =	vst v63  }
0xf3: {  	v32 =	vld [tilespmem:s15+$0x5970];
	v39 =	vmul.f32 v41, v4;
	v30 =	vmul.f32 v14, v3;
	v41 =	vadd.f32 v35, v34;
	[tilespmem:s15+$0x5570] =	vst v33  }
0xf4: {  	v10 =	vld [tilespmem:s15+$0xD560];
	v42 =	vmul.f32 v46, v3;
	v43 =	vmul.f32 v50, v4;
	v55 =	vadd.f32 v49, v48;
	[tilespmem:s15+$0x5550] =	vst v23  }
0xf5: {  	v54 =	vld [tilespmem:s15+$0x5940];
	v37 =	vadd.f32 v31, v30;
	v38 =	vmul.f32 v20, v3;
	[tilespmem:s15+$0x5910] =	vst v41  }
0xf6: {  	v45 =	vmul.f32 v58, v3;
	v46 =	vmul.f32 v62, v4;
	v47 =	vadd.f32 v43, v42;
	[tilespmem:s15+$0x5520] =	vst v55  }
0xf7: {  	v48 =	vmul.f32 v16, v3;
	v49 =	vmul.f32 v28, v4;
	[tilespmem:s15+$0x5900] =	vst v37;
	v44 =	vadd.f32 v39, v38  }
0xf8: {  	v52 =	vmul.f32 v36, v4;
	v51 =	vmul.f32 v32, v3;
	v50 =	vadd.f32 v46, v45;
	[tilespmem:s15+$0x5930] =	vst v47  }
0xf9: {  	v6 =	vmul.f32 v6, v3;
	v53 =	vadd.f32 v49, v48;
	v12 =	vmul.f32 v10, v4;
	[tilespmem:s15+$0x5920] =	vst v44  }
0xfa: {  	s18 =	sand.u32 $0x7, s31;
	v54 =	vmul.f32 v54, v3;
	v55 =	vmul.f32 v40, v4;
	v56 =	vadd.f32 v52, v51;
	[tilespmem:s15+$0x5950] =	vst v50  }
0xfb: {  	s17 =	sshll.u32 s18, $0x7;
	[tilespmem:s15+$0x5960] =	vst v53;
	v29 =	vadd.f32 v12, v6  }
0xfc: {  	s17 =	sadd.s32 s17, s0;
	v2 =	vadd.f32 v55, v54;
	[tilespmem:s15+$0x5970] =	vst v56  }
0xfd: {  	s18 =	sor.u32 $0x1C00, s17;
	[tilespmem:s15+$0x5560] =	vst v29  }
0xfe: {  	[tilespmem:s15+$0x5940] =	vst v2;
	v0 =	vld [tilespmem:s18+$0x4100]  }
0xff: {  	v1 =	vld [tilespmem:s18+$0xC100];
	_ =	sdelay $0x4  }
0x100: {  	v0 =	vmul.f32 v0, v3;
	v1 =	vmul.f32 v1, v4;
	_ =	sdelay $0x1  }
0x101: {  	v0 =	vadd.f32 v1, v0;
	_ =	sdelay $0x1  }
0x102: {  	[tilespmem:s18+$0x4100] =	vst v0;
	s18 =	sor.u32 $0x1C10, s17  }
0x103: {  	v0 =	vld [tilespmem:s18+$0x4100]  }
0x104: {  	v57 =	vld [tilespmem:s18+$0xC100];
	_ =	sdelay $0x4  }
0x105: {  	v0 =	vmul.f32 v0, v3;
	v1 =	vmul.f32 v57, v4;
	_ =	sdelay $0x1  }
0x106: {  	v0 =	vadd.f32 v1, v0;
	_ =	sdelay $0x1  }
0x107: {  	[tilespmem:s18+$0x4100] =	vst v0;
	s18 =	sor.u32 $0x1C20, s17  }
0x108: {  	v0 =	vld [tilespmem:s18+$0x4100]  }
0x109: {  	v58 =	vld [tilespmem:s18+$0xC100];
	_ =	sdelay $0x4  }
0x10a: {  	v0 =	vmul.f32 v0, v3;
	v1 =	vmul.f32 v58, v4;
	_ =	sdelay $0x1  }
0x10b: {  	v0 =	vadd.f32 v1, v0;
	_ =	sdelay $0x1  }
0x10c: {  	[tilespmem:s18+$0x4100] =	vst v0;
	s18 =	sor.u32 $0x1C30, s17  }
0x10d: {  	v0 =	vld [tilespmem:s18+$0x4100]  }
0x10e: {  	v59 =	vld [tilespmem:s18+$0xC100];
	_ =	sdelay $0x4  }
0x10f: {  	v0 =	vmul.f32 v0, v3;
	v1 =	vmul.f32 v59, v4;
	_ =	sdelay $0x1  }
0x110: {  	v0 =	vadd.f32 v1, v0;
	_ =	sdelay $0x1  }
0x111: {  	[tilespmem:s18+$0x4100] =	vst v0;
	s18 =	sor.u32 $0x1C40, s17  }
0x112: {  	v0 =	vld [tilespmem:s18+$0x4100]  }
0x113: {  	v60 =	vld [tilespmem:s18+$0xC100];
	_ =	sdelay $0x4  }
0x114: {  	v0 =	vmul.f32 v0, v3;
	v1 =	vmul.f32 v60, v4;
	_ =	sdelay $0x1  }
0x115: {  	v0 =	vadd.f32 v1, v0;
	_ =	sdelay $0x1  }
0x116: {  	[tilespmem:s18+$0x4100] =	vst v0;
	s18 =	sor.u32 $0x1C50, s17  }
0x117: {  	v0 =	vld [tilespmem:s18+$0x4100]  }
0x118: {  	v61 =	vld [tilespmem:s18+$0xC100];
	_ =	sdelay $0x4  }
0x119: {  	v0 =	vmul.f32 v0, v3;
	v1 =	vmul.f32 v61, v4;
	_ =	sdelay $0x1  }
0x11a: {  	v0 =	vadd.f32 v1, v0;
	_ =	sdelay $0x1  }
0x11b: {  	[tilespmem:s18+$0x4100] =	vst v0;
	s18 =	sor.u32 $0x1C60, s17  }
0x11c: {  	v0 =	vld [tilespmem:s18+$0x4100]  }
0x11d: {  	v62 =	vld [tilespmem:s18+$0xC100];
	_ =	sdelay $0x4  }
0x11e: {  	v0 =	vmul.f32 v0, v3;
	v1 =	vmul.f32 v62, v4;
	_ =	sdelay $0x1  }
0x11f: {  	v0 =	vadd.f32 v1, v0;
	_ =	sdelay $0x1  }
0x120: {  	[tilespmem:s18+$0x4100] =	vst v0;
	s18 =	sor.u32 $0x1C70, s17  }
0x121: {  	v0 =	vld [tilespmem:s18+$0x4100]  }
0x122: {  	v63 =	vld [tilespmem:s18+$0xC100];
	_ =	sdelay $0x3  }
0x123: {  	p0 =	sne.s32 s1, $0xF80  }
.Ltmp0:
0x124: {  	v0 =	vmul.f32 v0, v3;
	v1 =	vmul.f32 v63, v4;
	(pc) =	sbr.rel @p0 .LBB2_2-.Ltmp0, $4  }
0x125: {  	_ = 	snop  }
0x126: {  	v0 =	vadd.f32 v1, v0  }
0x127: {  	s31 =	sadd.s32 $0x1, s31;
	s30 =	sadd.s32 $0x80, s30  }
0x128: {  	s13 =	sadd.s32 $0x80, s13;
	s1 =	sadd.s32 $0x80, s1;
	s0 =	sadd.s32 $0x400, s0;
	[tilespmem:s18+$0x4100] =	vst v0  }
0x129: {  	s30 =	simm.s32 $0x0  }
0x12a: {  	[hbm4b:s11+s30] =	stream.linear.scatter [tilespmem:s16], [sflag:$0x3], $0x8000, $0x38;
	[tilespmem:$0x14100] =	vst v63  }
0x12b: {  	_ =	swait.ge [sflag:s14], $0x8000  }
0x12c: {  	[sflag:s14] =	ssyncset.done $0x0  }
0x12d: {  	[sflag:s14] =	ssyncadd.s32 $0xFFFF8000  }
0x12e: {  	v0 =	vld [tilespmem:$0x20];
	_ =	sdelay $0x2  }
0x12f: {  	v2 =	vld [tilespmem:$0x1FFD0];
	_ =	sdelay $0x1  }
0x130: {  	v3 =	vld [tilespmem:$0x1FFE0];
	v1 =	vshll.u32 v0, $0x3  }
0x131: {  	v0 =	vand.u32 $0x7, v0;
	v1 =	vand.u32 $0xFFFFFFC0, v1  }
0x132: {  	v0 =	vor.u32 v0, v1  }
0x133: {  	v1 =	vperm.xlane v0, v2;
	_ =	sdelay $0x1  }
0x134: {  	v1 =	vadd.s32 v3, v1  }
0x135: {  	v4 =	vld [tilespmem:$0x1FFF0];
	_ =	sdelay $0x3  }
0x136: {  	[tilespmem:s16], [sflag:$0x1] =	stream.indirect_vreg.gather [hbm4b:s3+s30], $0x80, v1, vm0, $0xb8;
	[tilespmem:$0x14100] =	vst v63  }
0x137: {  	s0 =	simm.s32 $0x4900;
	v0 =	vperm.xlane v0, v4  }
0x138: {  	[tilespmem:s0], [sflag:$0x1] =	stream.indirect_vreg.gather [hbm4b:s8+s30], $0x80, v1, vm0, $0xb8;
	[tilespmem:$0x14100] =	vst v63  }
0x139: {  	s15 =	simm.s32 $0x5100;
	v0 =	vadd.s32 v3, v0  }
0x13a: {  	[tilespmem:s15], [sflag:$0x1] =	stream.indirect_vreg.gather [hbm4b:s9+s30], $0x80, v1, vm0, $0xb8;
	[tilespmem:$0x14100] =	vst v63  }
0x13b: {  	s17 =	simm.s32 $0x5900  }
0x13c: {  	[tilespmem:s17], [sflag:$0x1] =	stream.indirect_vreg.gather [hbm4b:s10+s30], $0x80, v1, vm0, $0xb8;
	[tilespmem:$0x14100] =	vst v63  }
0x13d: {  	s18 =	simm.s32 $0x6100  }
0x13e: {  	[tilespmem:s18], [sflag:$0x1] =	stream.indirect_vreg.gather [hbm4b:s3+s30], $0x80, v0, vm0, $0xb8;
	[tilespmem:$0x14100] =	vst v63  }
0x13f: {  	s1 =	simm.s32 $0x6900  }
0x140: {  	[tilespmem:s1], [sflag:$0x1] =	stream.indirect_vreg.gather [hbm4b:s8+s30], $0x80, v0, vm0, $0xb8;
	[tilespmem:$0x14100] =	vst v63  }
0x141: {  	s13 =	simm.s32 $0x7100  }
0x142: {  	[tilespmem:s13], [sflag:$0x1] =	stream.indirect_vreg.gather [hbm4b:s9+s30], $0x80, v0, vm0, $0xb8;
	[tilespmem:$0x14100] =	vst v63  }
0x143: {  	s15 =	simm.s32 $0x7900  }
0x144: {  	[tilespmem:s15], [sflag:$0x1] =	stream.indirect_vreg.gather [hbm4b:s10+s30], $0x80, v0, vm0, $0xb8;
	[tilespmem:$0x14100] =	vst v63  }
0x145: {  	v0 =	vld [tilespmem:$0x30];
	_ =	sdelay $0x4  }
0x146: {  	v61 =	vshll.u32 v0, $0x3  }
0x147: {  	v0 =	vand.u32 $0x7, v0;
	v1 =	vand.u32 $0xFFFFFFC0, v61  }
0x148: {  	v0 =	vor.u32 v0, v1  }
0x149: {  	v1 =	vperm.xlane v0, v2;
	_ =	sdelay $0x1  }
0x14a: {  	v1 =	vadd.s32 v3, v1;
	_ =	sdelay $0x3  }
0x14b: {  	s17 =	simm.s32 $0x8100  }
0x14c: {  	[tilespmem:s17], [sflag:$0x1] =	stream.indirect_vreg.gather [hbm4b:s3+s30], $0x80, v1, vm0, $0xb8;
	[tilespmem:$0x14100] =	vst v63  }
0x14d: {  	s18 =	simm.s32 $0x8900;
	v0 =	vperm.xlane v0, v4  }
0x14e: {  	[tilespmem:s18], [sflag:$0x1] =	stream.indirect_vreg.gather [hbm4b:s8+s30], $0x80, v1, vm0, $0xb8;
	[tilespmem:$0x14100] =	vst v63  }
0x14f: {  	s1 =	simm.s32 $0x9100;
	v0 =	vadd.s32 v3, v0  }
0x150: {  	[tilespmem:s1], [sflag:$0x1] =	stream.indirect_vreg.gather [hbm4b:s9+s30], $0x80, v1, vm0, $0xb8;
	[tilespmem:$0x14100] =	vst v63  }
0x151: {  	s13 =	simm.s32 $0x9900  }
0x152: {  	[tilespmem:s13], [sflag:$0x1] =	stream.indirect_vreg.gather [hbm4b:s10+s30], $0x80, v1, vm0, $0xb8;
	[tilespmem:$0x14100] =	vst v63  }
0x153: {  	s15 =	simm.s32 $0xA100  }
0x154: {  	[tilespmem:s15], [sflag:$0x1] =	stream.indirect_vreg.gather [hbm4b:s3+s30], $0x80, v0, vm0, $0xb8;
	[tilespmem:$0x14100] =	vst v63  }
0x155: {  	s17 =	simm.s32 $0xA900  }
0x156: {  	[tilespmem:s17], [sflag:$0x1] =	stream.indirect_vreg.gather [hbm4b:s8+s30], $0x80, v0, vm0, $0xb8;
	[tilespmem:$0x14100] =	vst v63  }
0x157: {  	s18 =	simm.s32 $0xB100  }
0x158: {  	[tilespmem:s18], [sflag:$0x1] =	stream.indirect_vreg.gather [hbm4b:s9+s30], $0x80, v0, vm0, $0xb8;
	[tilespmem:$0x14100] =	vst v63  }
0x159: {  	s1 =	simm.s32 $0xB900  }
0x15a: {  	[tilespmem:s1], [sflag:$0x1] =	stream.indirect_vreg.gather [hbm4b:s10+s30], $0x80, v0, vm0, $0xb8;
	[tilespmem:$0x14100] =	vst v63  }
0x15b: {  	v0 =	vld [tilespmem:$0xA0];
	_ =	sdelay $0x4  }
0x15c: {  	v62 =	vshll.u32 v0, $0x3  }
0x15d: {  	v0 =	vand.u32 $0x7, v0;
	v1 =	vand.u32 $0xFFFFFFC0, v62  }
0x15e: {  	v0 =	vor.u32 v0, v1  }
0x15f: {  	v1 =	vperm.xlane v0, v2;
	_ =	sdelay $0x1  }
0x160: {  	v1 =	vadd.s32 v3, v1;
	_ =	sdelay $0x3  }
0x161: {  	s13 =	simm.s32 $0xC100  }
0x162: {  	[tilespmem:s13], [sflag:$0x2] =	stream.indirect_vreg.gather [hbm4b:s3+s30], $0x80, v1, vm0, $0xb8;
	[tilespmem:$0x14100] =	vst v63  }
0x163: {  	s15 =	simm.s32 $0xC900;
	v0 =	vperm.xlane v0, v4  }
0x164: {  	[tilespmem:s15], [sflag:$0x2] =	stream.indirect_vreg.gather [hbm4b:s8+s30], $0x80, v1, vm0, $0xb8;
	[tilespmem:$0x14100] =	vst v63  }
0x165: {  	s17 =	simm.s32 $0xD100;
	v0 =	vadd.s32 v3, v0  }
0x166: {  	[tilespmem:s17], [sflag:$0x2] =	stream.indirect_vreg.gather [hbm4b:s9+s30], $0x80, v1, vm0, $0xb8;
	[tilespmem:$0x14100] =	vst v63  }
0x167: {  	s18 =	simm.s32 $0xD900  }
0x168: {  	[tilespmem:s18], [sflag:$0x2] =	stream.indirect_vreg.gather [hbm4b:s10+s30], $0x80, v1, vm0, $0xb8;
	[tilespmem:$0x14100] =	vst v63  }
0x169: {  	_ = 	snop  }
0x16a: {  	[tilespmem:s19], [sflag:$0x2] =	stream.indirect_vreg.gather [hbm4b:s3+s30], $0x80, v0, vm0, $0xb8;
	[tilespmem:$0x14100] =	vst v63  }
0x16b: {  	_ = 	snop  }
0x16c: {  	[tilespmem:s4], [sflag:$0x2] =	stream.indirect_vreg.gather [hbm4b:s8+s30], $0x80, v0, vm0, $0xb8;
	[tilespmem:$0x14100] =	vst v63  }
0x16d: {  	_ = 	snop  }
0x16e: {  	[tilespmem:s20], [sflag:$0x2] =	stream.indirect_vreg.gather [hbm4b:s9+s30], $0x80, v0, vm0, $0xb8;
	[tilespmem:$0x14100] =	vst v63  }
0x16f: {  	_ = 	snop  }
0x170: {  	[tilespmem:s5], [sflag:$0x2] =	stream.indirect_vreg.gather [hbm4b:s10+s30], $0x80, v0, vm0, $0xb8;
	[tilespmem:$0x14100] =	vst v63  }
0x171: {  	v0 =	vld [tilespmem:$0xB0];
	_ =	sdelay $0x4  }
0x172: {  	v63 =	vshll.u32 v0, $0x3  }
0x173: {  	v0 =	vand.u32 $0x7, v0;
	v1 =	vand.u32 $0xFFFFFFC0, v63  }
0x174: {  	v0 =	vor.u32 v0, v1  }
0x175: {  	v1 =	vperm.xlane v0, v2;
	_ =	sdelay $0x1  }
0x176: {  	v1 =	vadd.s32 v3, v1;
	_ =	sdelay $0x4  }
0x177: {  	[tilespmem:s21], [sflag:$0x2] =	stream.indirect_vreg.gather [hbm4b:s3+s30], $0x80, v1, vm0, $0xb8;
	[tilespmem:$0x14100] =	vst v63  }
0x178: {  	v0 =	vperm.xlane v0, v4  }
0x179: {  	[tilespmem:s6], [sflag:$0x2] =	stream.indirect_vreg.gather [hbm4b:s8+s30], $0x80, v1, vm0, $0xb8;
	[tilespmem:$0x14100] =	vst v63  }
0x17a: {  	v0 =	vadd.s32 v3, v0  }
0x17b: {  	[tilespmem:s22], [sflag:$0x2] =	stream.indirect_vreg.gather [hbm4b:s9+s30], $0x80, v1, vm0, $0xb8;
	[tilespmem:$0x14100] =	vst v63  }
0x17c: {  	_ = 	snop  }
0x17d: {  	[tilespmem:s7], [sflag:$0x2] =	stream.indirect_vreg.gather [hbm4b:s10+s30], $0x80, v1, vm0, $0xb8;
	[tilespmem:$0x14100] =	vst v63  }
0x17e: {  	_ = 	snop  }
0x17f: {  	[tilespmem:s23], [sflag:$0x2] =	stream.indirect_vreg.gather [hbm4b:s3+s30], $0x80, v0, vm0, $0xb8;
	[tilespmem:$0x14100] =	vst v63  }
0x180: {  	_ = 	snop  }
0x181: {  	[tilespmem:s24], [sflag:$0x2] =	stream.indirect_vreg.gather [hbm4b:s8+s30], $0x80, v0, vm0, $0xb8;
	[tilespmem:$0x14100] =	vst v63  }
0x182: {  	_ = 	snop  }
0x183: {  	[tilespmem:s25], [sflag:$0x2] =	stream.indirect_vreg.gather [hbm4b:s9+s30], $0x80, v0, vm0, $0xb8;
	[tilespmem:$0x14100] =	vst v63  }
0x184: {  	_ = 	snop  }
0x185: {  	[tilespmem:s26], [sflag:$0x2] =	stream.indirect_vreg.gather [hbm4b:s10+s30], $0x80, v0, vm0, $0xb8;
	[tilespmem:$0x14100] =	vst v63  }
0x186: {  	_ =	swait.ge [sflag:s28], $0x8000  }
0x187: {  	[sflag:s28] =	ssyncset.done $0x0  }
0x188: {  	[sflag:s28] =	ssyncadd.s32 $0xFFFF8000  }
0x189: {  	_ =	swait.ge [sflag:s29], $0x8000  }
0x18a: {  	s31 =	simm.s32 $0x3100;
	s0 =	simm.s32 $0x0;
	[sflag:s29] =	ssyncset.done $0x0  }
0x18b: {  	s1 =	simm.s32 $0x0;
	s13 =	simm.s32 $0x1100;
	[sflag:s29] =	ssyncadd.s32 $0xFFFF8000  }
.LBB2_4:
0x18c: {  	v3 =	vld [tilespmem:s13+$0x0];
	s15 =	sand.u32 $0x6000, s0;
	s17 =	sand.u32 $0x380, s1  }
0x18d: {  	v4 =	vld [tilespmem:s31+$0x0];
	s15 =	sor.u32 s17, s15  }
0x18e: {  	v0 =	vld [tilespmem:s15+$0x4100]  }
0x18f: {  	v1 =	vld [tilespmem:s15+$0xC100]  }
0x190: {  	v2 =	vld [tilespmem:s15+$0x4110]  }
0x191: {  	v6 =	vld [tilespmem:s15+$0xC110]  }
0x192: {  	v10 =	vld [tilespmem:s15+$0x4120]  }
0x193: {  	v11 =	vld [tilespmem:s15+$0xC120]  }
0x194: {  	v14 =	vld [tilespmem:s15+$0x4130]  }
0x195: {  	v17 =	vld [tilespmem:s15+$0xC130]  }
0x196: {  	v20 =	vld [tilespmem:s15+$0x4140]  }
0x197: {  	v21 =	vld [tilespmem:s15+$0xC140]  }
0x198: {  	v26 =	vld [tilespmem:s15+$0x4150]  }
0x199: {  	v27 =	vld [tilespmem:s15+$0xC150]  }
0x19a: {  	v28 =	vld [tilespmem:s15+$0x4160]  }
0x19b: {  	v29 =	vld [tilespmem:s15+$0xC160]  }
0x19c: {  	v30 =	vld [tilespmem:s15+$0x4170]  }
0x19d: {  	v31 =	vld [tilespmem:s15+$0xC170]  }
0x19e: {  	v32 =	vld [tilespmem:s15+$0x4500]  }
0x19f: {  	v33 =	vld [tilespmem:s15+$0xC500]  }
0x1a0: {  	v34 =	vld [tilespmem:s15+$0x4510]  }
0x1a1: {  	v35 =	vld [tilespmem:s15+$0xC510]  }
0x1a2: {  	v36 =	vld [tilespmem:s15+$0x4520]  }
0x1a3: {  	v37 =	vld [tilespmem:s15+$0xC520]  }
0x1a4: {  	v38 =	vld [tilespmem:s15+$0x4530]  }
0x1a5: {  	v39 =	vld [tilespmem:s15+$0xC530]  }
0x1a6: {  	v40 =	vld [tilespmem:s15+$0x4540]  }
0x1a7: {  	v41 =	vld [tilespmem:s15+$0xC540]  }
0x1a8: {  	v42 =	vld [tilespmem:s15+$0x4550]  }
0x1a9: {  	v43 =	vld [tilespmem:s15+$0xC550]  }
0x1aa: {  	v44 =	vld [tilespmem:s15+$0x4560]  }
0x1ab: {  	v45 =	vld [tilespmem:s15+$0xC560]  }
0x1ac: {  	v46 =	vld [tilespmem:s15+$0x4570]  }
0x1ad: {  	v47 =	vld [tilespmem:s15+$0xC570]  }
0x1ae: {  	v48 =	vld [tilespmem:s15+$0x4900]  }
0x1af: {  	v49 =	vld [tilespmem:s15+$0xC900]  }
0x1b0: {  	v50 =	vld [tilespmem:s15+$0x4910]  }
0x1b1: {  	v51 =	vld [tilespmem:s15+$0xC910]  }
0x1b2: {  	v52 =	vld [tilespmem:s15+$0x4920]  }
0x1b3: {  	v53 =	vld [tilespmem:s15+$0xC920]  }
0x1b4: {  	v54 =	vld [tilespmem:s15+$0x4930]  }
0x1b5: {  	v55 =	vld [tilespmem:s15+$0xC930]  }
0x1b6: {  	v56 =	vld [tilespmem:s15+$0x4940]  }
0x1b7: {  	v57 =	vld [tilespmem:s15+$0xC940]  }
0x1b8: {  	v58 =	vld [tilespmem:s15+$0x4950]  }
0x1b9: {  	v59 =	vld [tilespmem:s15+$0xC950]  }
0x1ba: {  	v60 =	vld [tilespmem:s15+$0x4960]  }
0x1bb: {  	v61 =	vld [tilespmem:s15+$0xC960]  }
0x1bc: {  	v62 =	vld [tilespmem:s15+$0x4970]  }
0x1bd: {  	v63 =	vld [tilespmem:s15+$0xC970]  }
0x1be: {  	v24 =	vld [tilespmem:s15+$0x4D00]  }
0x1bf: {  	v25 =	vld [tilespmem:s15+$0xCD00]  }
0x1c0: {  	v22 =	vld [tilespmem:s15+$0x4D10]  }
0x1c1: {  	v23 =	vld [tilespmem:s15+$0xCD10]  }
0x1c2: {  	v18 =	vld [tilespmem:s15+$0x4D20]  }
0x1c3: {  	v19 =	vld [tilespmem:s15+$0xCD20]  }
0x1c4: {  	v15 =	vld [tilespmem:s15+$0x4D30]  }
0x1c5: {  	v16 =	vld [tilespmem:s15+$0xCD30]  }
0x1c6: {  	v5 =	vld [tilespmem:s15+$0x4D60]  }
0x1c7: {  	v12 =	vld [tilespmem:s15+$0x4D40]  }
0x1c8: {  	v13 =	vld [tilespmem:s15+$0xCD40]  }
0x1c9: {  	v8 =	vld [tilespmem:s15+$0x4D50]  }
0x1ca: {  	v9 =	vld [tilespmem:s15+$0xCD50];
	v0 =	vmul.f32 v0, v3;
	v1 =	vmul.f32 v1, v4  }
0x1cb: {  	v7 =	vld [tilespmem:s15+$0xCD60];
	[tilespmem:$0x1FFA0] =	vst v5;
	v5 =	vmul.f32 v2, v3;
	v2 =	vmul.f32 v6, v4  }
0x1cc: {  	v6 =	vld [tilespmem:s15+$0x4D70];
	v17 =	vmul.f32 v17, v4;
	v0 =	vadd.f32 v1, v0  }
0x1cd: {  	v1 =	vmul.f32 v10, v3;
	v10 =	vld [tilespmem:s15+$0xCD70];
	v5 =	vadd.f32 v2, v5;
	v2 =	vmul.f32 v14, v3  }
0x1ce: {  	v11 =	vmul.f32 v11, v4;
	v14 =	vld [tilespmem:s15+$0xD100]  }
0x1cf: {  	v26 =	vmul.f32 v26, v3;
	v2 =	vadd.f32 v17, v2;
	v17 =	vld [tilespmem:s15+$0x5110]  }
0x1d0: {  	[tilespmem:s15+$0x4100] =	vst v0;
	v0 =	vadd.f32 v11, v1;
	v1 =	vmul.f32 v20, v3;
	v11 =	vmul.f32 v21, v4;
	v20 =	vld [tilespmem:s15+$0xD110]  }
0x1d1: {  	v27 =	vmul.f32 v27, v4;
	v30 =	vmul.f32 v30, v3;
	v21 =	vld [tilespmem:s15+$0x5120];
	[tilespmem:$0x1FFB0] =	vst v6  }
0x1d2: {  	v31 =	vmul.f32 v31, v4;
	v33 =	vmul.f32 v33, v4;
	v6 =	vld [tilespmem:s15+$0x5100];
	[tilespmem:s15+$0x4120] =	vst v0;
	v0 =	vadd.f32 v11, v1  }
0x1d3: {  	v1 =	vmul.f32 v28, v3;
	v11 =	vmul.f32 v29, v4;
	[tilespmem:s15+$0x4130] =	vst v2;
	v2 =	vadd.f32 v27, v26;
	v26 =	vld [tilespmem:s15+$0xD120]  }
0x1d4: {  	v42 =	vmul.f32 v42, v3;
	[tilespmem:s15+$0x4110] =	vst v5;
	v5 =	vmul.f32 v34, v3;
	v28 =	vld [tilespmem:s15+$0x5130]  }
0x1d5: {  	v34 =	vmul.f32 v37, v4;
	v29 =	vld [tilespmem:s15+$0xD130];
	[tilespmem:s15+$0x4140] =	vst v0;
	v0 =	vadd.f32 v11, v1;
	v1 =	vmul.f32 v32, v3  }
0x1d6: {  	v37 =	vmul.f32 v39, v4;
	[tilespmem:s15+$0x4150] =	vst v2;
	v2 =	vadd.f32 v31, v30;
	v32 =	vmul.f32 v35, v4;
	v30 =	vld [tilespmem:s15+$0x5140]  }
0x1d7: {  	v31 =	vld [tilespmem:s15+$0xD140];
	[tilespmem:s15+$0x4160] =	vst v0;
	v0 =	vadd.f32 v33, v1;
	v33 =	vmul.f32 v36, v3;
	v36 =	vmul.f32 v38, v3  }
0x1d8: {  	v39 =	vmul.f32 v40, v3;
	v40 =	vmul.f32 v41, v4;
	v11 =	vld [tilespmem:s15+$0xD550];
	[tilespmem:s15+$0x4170] =	vst v2;
	v35 =	vadd.f32 v32, v5  }
0x1d9: {  	v56 =	vmul.f32 v56, v3;
	v32 =	vld [tilespmem:s15+$0x5150];
	[tilespmem:s15+$0x4500] =	vst v0;
	v38 =	vadd.f32 v34, v33;
	v41 =	vadd.f32 v37, v36  }
0x1da: {  	[tilespmem:s15+$0x4510] =	vst v35;
	v36 =	vmul.f32 v43, v4;
	v37 =	vadd.f32 v40, v39;
	v39 =	vmul.f32 v45, v4;
	v33 =	vld [tilespmem:s15+$0xD150]  }
0x1db: {  	v34 =	vld [tilespmem:s15+$0x5160];
	v45 =	vmul.f32 v49, v4;
	[tilespmem:s15+$0x4520] =	vst v38;
	v38 =	vmul.f32 v44, v3  }
0x1dc: {  	v35 =	vld [tilespmem:s15+$0xD160];
	[tilespmem:s15+$0x4530] =	vst v41;
	v40 =	vadd.f32 v36, v42;
	v41 =	vmul.f32 v46, v3;
	v42 =	vmul.f32 v47, v4  }
0x1dd: {  	[tilespmem:s15+$0x4540] =	vst v37;
	v44 =	vmul.f32 v48, v3;
	v47 =	vmul.f32 v50, v3;
	v36 =	vld [tilespmem:s15+$0x5170];
	v43 =	vadd.f32 v39, v38  }
0x1de: {  	v48 =	vmul.f32 v51, v4;
	v50 =	vmul.f32 v52, v3;
	v37 =	vld [tilespmem:s15+$0xD170];
	[tilespmem:s15+$0x4550] =	vst v40;
	v46 =	vadd.f32 v42, v41  }
0x1df: {  	v51 =	vmul.f32 v53, v4;
	v53 =	vmul.f32 v54, v3;
	v49 =	vadd.f32 v45, v44;
	v38 =	vld [tilespmem:s15+$0x5500];
	[tilespmem:s15+$0x4560] =	vst v43  }
0x1e0: {  	v54 =	vmul.f32 v55, v4;
	v52 =	vadd.f32 v48, v47;
	v44 =	vmul.f32 v57, v4;
	v39 =	vld [tilespmem:s15+$0xD500];
	[tilespmem:s15+$0x4570] =	vst v46  }
0x1e1: {  	v55 =	vadd.f32 v51, v50;
	v47 =	vmul.f32 v59, v4;
	v40 =	vld [tilespmem:s15+$0x5510];
	v50 =	vmul.f32 v61, v4;
	[tilespmem:s15+$0x4900] =	vst v49  }
0x1e2: {  	v45 =	vadd.f32 v54, v53;
	v41 =	vld [tilespmem:s15+$0xD510];
	v53 =	vmul.f32 v63, v4;
	[tilespmem:s15+$0x4910] =	vst v52;
	v46 =	vmul.f32 v58, v3  }
0x1e3: {  	v42 =	vld [tilespmem:s15+$0x5520];
	v59 =	vmul.f32 v23, v4;
	[tilespmem:s15+$0x4920] =	vst v55;
	v48 =	vadd.f32 v44, v56;
	v49 =	vmul.f32 v60, v3  }
0x1e4: {  	v23 =	vld [tilespmem:s15+$0x5530];
	v61 =	vmul.f32 v18, v3;
	[tilespmem:s15+$0x4930] =	vst v45;
	v52 =	vmul.f32 v62, v3;
	v51 =	vadd.f32 v47, v46  }
0x1e5: {  	v18 =	vld [tilespmem:s15+$0xD530];
	v55 =	vmul.f32 v24, v3;
	v56 =	vmul.f32 v25, v4;
	[tilespmem:s15+$0x4940] =	vst v48;
	v54 =	vadd.f32 v50, v49  }
0x1e6: {  	v24 =	vld [tilespmem:s15+$0xD520];
	v58 =	vmul.f32 v22, v3;
	v62 =	vmul.f32 v19, v4;
	v57 =	vadd.f32 v53, v52;
	[tilespmem:s15+$0x4950] =	vst v51  }
0x1e7: {  	v22 =	vmul.f32 v15, v3;
	v25 =	vmul.f32 v16, v4;
	v16 =	vld [tilespmem:s15+$0x5540];
	v60 =	vadd.f32 v56, v55;
	[tilespmem:s15+$0x4960] =	vst v54  }
0x1e8: {  	v43 =	vmul.f32 v12, v3;
	v44 =	vmul.f32 v13, v4;
	v12 =	vld [tilespmem:s15+$0xD540];
	v63 =	vadd.f32 v59, v58;
	[tilespmem:s15+$0x4970] =	vst v57  }
0x1e9: {  	v13 =	vld [tilespmem:s15+$0x5570];
	v27 =	vadd.f32 v62, v61;
	v46 =	vmul.f32 v8, v3;
	v47 =	vmul.f32 v9, v4;
	[tilespmem:s15+$0x4D00] =	vst v60  }
0x1ea: {  	v15 =	vld [tilespmem:s15+$0x5900];
	v45 =	vadd.f32 v25, v22;
	v55 =	vmul.f32 v14, v4;
	v58 =	vmul.f32 v20, v4;
	[tilespmem:s15+$0x4D10] =	vst v63  }
0x1eb: {  	v19 =	vld [tilespmem:s15+$0x5910];
	v48 =	vadd.f32 v44, v43;
	v22 =	vmul.f32 v30, v3;
	v25 =	vmul.f32 v31, v4;
	[tilespmem:s15+$0x4D20] =	vst v27  }
0x1ec: {  	v9 =	vld [tilespmem:s15+$0x5550];
	v30 =	vmul.f32 v34, v3;
	v31 =	vmul.f32 v35, v4;
	[tilespmem:s15+$0x4D30] =	vst v45;
	v50 =	vadd.f32 v47, v46  }
0x1ed: {  	v49 =	vld [tilespmem:$0x1FFA0];
	v20 =	vmul.f32 v29, v4;
	[tilespmem:s15+$0x4D40] =	vst v48;
	v54 =	vmul.f32 v6, v3;
	v29 =	vadd.f32 v25, v22  }
0x1ee: {  	v52 =	vmul.f32 v10, v4;
	v10 =	vld [tilespmem:s15+$0x5560];
	v57 =	vmul.f32 v17, v3;
	v35 =	vadd.f32 v31, v30;
	[tilespmem:s15+$0x4D50] =	vst v50  }
0x1ef: {  	v61 =	vmul.f32 v26, v4;
	v14 =	vld [tilespmem:s15+$0xD570];
	v60 =	vmul.f32 v21, v3;
	v59 =	vadd.f32 v55, v54;
	[tilespmem:s15+$0x5140] =	vst v29  }
0x1f0: {  	v7 =	vmul.f32 v7, v4;
	v44 =	vld [tilespmem:s15+$0x5930];
	v63 =	vmul.f32 v28, v3;
	v62 =	vadd.f32 v58, v57;
	[tilespmem:s15+$0x5160] =	vst v35  }
0x1f1: {  	v51 =	vld [tilespmem:$0x1FFB0];
	v27 =	vmul.f32 v32, v3;
	v28 =	vmul.f32 v33, v4;
	v21 =	vadd.f32 v61, v60;
	[tilespmem:s15+$0x5100] =	vst v59  }
0x1f2: {  	v34 =	vmul.f32 v37, v4;
	v17 =	vld [tilespmem:s15+$0xD900];
	v33 =	vmul.f32 v36, v3;
	v26 =	vadd.f32 v20, v63;
	[tilespmem:s15+$0x5110] =	vst v62  }
0x1f3: {  	v37 =	vmul.f32 v39, v4;
	v36 =	vmul.f32 v38, v3;
	v38 =	vld [tilespmem:s15+$0xD920];
	v32 =	vadd.f32 v28, v27;
	[tilespmem:s15+$0x5120] =	vst v21  }
0x1f4: {  	v40 =	vmul.f32 v40, v3;
	v43 =	vmul.f32 v41, v4;
	v48 =	vld [tilespmem:s15+$0xD930];
	v39 =	vadd.f32 v34, v33;
	[tilespmem:s15+$0x5130] =	vst v26  }
0x1f5: {  	v31 =	vld [tilespmem:s15+$0x5970];
	v45 =	vadd.f32 v37, v36;
	v50 =	vmul.f32 v23, v3;
	v1 =	vmul.f32 v49, v3;
	[tilespmem:s15+$0x5150] =	vst v32  }
0x1f6: {  	v20 =	vld [tilespmem:s15+$0xD910];
	v23 =	vmul.f32 v13, v3;
	v49 =	vadd.f32 v43, v40;
	[tilespmem:s15+$0x5170] =	vst v39;
	v26 =	vmul.f32 v14, v4  }
0x1f7: {  	v46 =	vmul.f32 v42, v3;
	v55 =	vld [tilespmem:s15+$0x5950];
	[tilespmem:s15+$0x5500] =	vst v45;
	v5 =	vmul.f32 v51, v3;
	v53 =	vadd.f32 v7, v1  }
0x1f8: {  	v47 =	vmul.f32 v24, v4;
	v58 =	vmul.f32 v11, v4;
	v63 =	vld [tilespmem:s15+$0x5960];
	[tilespmem:s15+$0x5510] =	vst v49;
	v32 =	vadd.f32 v26, v23  }
0x1f9: {  	v27 =	vld [tilespmem:s15+$0xD960];
	v29 =	vmul.f32 v15, v3;
	v57 =	vmul.f32 v9, v3;
	v56 =	vadd.f32 v52, v5;
	[tilespmem:s15+$0x4D60] =	vst v53  }
0x1fa: {  	v35 =	vld [tilespmem:s15+$0xD970];
	v41 =	vmul.f32 v44, v3;
	v30 =	vmul.f32 v17, v4;
	v52 =	vadd.f32 v47, v46;
	[tilespmem:s15+$0x5570] =	vst v32  }
0x1fb: {  	v21 =	vld [tilespmem:s15+$0x5920];
	v42 =	vmul.f32 v48, v4;
	v53 =	vmul.f32 v16, v3;
	v16 =	vadd.f32 v58, v57;
	[tilespmem:s15+$0x4D70] =	vst v56  }
0x1fc: {  	v59 =	vld [tilespmem:s15+$0xD950];
	v51 =	vmul.f32 v18, v4;
	v36 =	vadd.f32 v30, v29;
	[tilespmem:s15+$0x5520] =	vst v52  }
0x1fd: {  	v54 =	vmul.f32 v12, v4;
	v39 =	vld [tilespmem:s15+$0xD940];
	v46 =	vadd.f32 v42, v41;
	[tilespmem:s15+$0x5550] =	vst v16  }
0x1fe: {  	v33 =	vmul.f32 v19, v3;
	v7 =	vld [tilespmem:s15+$0xD560];
	v34 =	vmul.f32 v20, v4;
	v56 =	vadd.f32 v51, v50;
	[tilespmem:s15+$0x5900] =	vst v36  }
0x1ff: {  	v18 =	vld [tilespmem:s15+$0x5940];
	v47 =	vmul.f32 v63, v3;
	v48 =	vmul.f32 v27, v4;
	v60 =	vadd.f32 v54, v53;
	[tilespmem:s15+$0x5930] =	vst v46  }
0x200: {  	v38 =	vmul.f32 v38, v4;
	v37 =	vmul.f32 v21, v3;
	v40 =	vadd.f32 v34, v33;
	[tilespmem:s15+$0x5530] =	vst v56  }
0x201: {  	v44 =	vmul.f32 v55, v3;
	v45 =	vmul.f32 v59, v4;
	v52 =	vadd.f32 v48, v47;
	[tilespmem:s15+$0x5540] =	vst v60  }
0x202: {  	v50 =	vmul.f32 v31, v3;
	v51 =	vmul.f32 v35, v4;
	v43 =	vadd.f32 v38, v37;
	[tilespmem:s15+$0x5910] =	vst v40  }
0x203: {  	v61 =	vmul.f32 v10, v3;
	v62 =	vmul.f32 v7, v4;
	v49 =	vadd.f32 v45, v44;
	[tilespmem:s15+$0x5960] =	vst v52  }
0x204: {  	s18 =	sand.u32 $0x7, s30;
	v54 =	vmul.f32 v39, v4;
	v53 =	vmul.f32 v18, v3;
	v55 =	vadd.f32 v51, v50;
	[tilespmem:s15+$0x5920] =	vst v43  }
0x205: {  	s17 =	sshll.u32 s18, $0x7;
	v28 =	vadd.f32 v62, v61;
	[tilespmem:s15+$0x5950] =	vst v49  }
0x206: {  	s17 =	sadd.s32 s17, s0;
	v56 =	vadd.f32 v54, v53;
	[tilespmem:s15+$0x5970] =	vst v55  }
0x207: {  	s18 =	sor.u32 $0x1C00, s17;
	[tilespmem:s15+$0x5560] =	vst v28  }
0x208: {  	[tilespmem:s15+$0x5940] =	vst v56;
	v0 =	vld [tilespmem:s18+$0x4100]  }
0x209: {  	v1 =	vld [tilespmem:s18+$0xC100];
	_ =	sdelay $0x4  }
0x20a: {  	v0 =	vmul.f32 v0, v3;
	v1 =	vmul.f32 v1, v4;
	_ =	sdelay $0x1  }
0x20b: {  	v0 =	vadd.f32 v1, v0;
	_ =	sdelay $0x1  }
0x20c: {  	[tilespmem:s18+$0x4100] =	vst v0;
	s18 =	sor.u32 $0x1C10, s17  }
0x20d: {  	v0 =	vld [tilespmem:s18+$0x4100]  }
0x20e: {  	v57 =	vld [tilespmem:s18+$0xC100];
	_ =	sdelay $0x4  }
0x20f: {  	v0 =	vmul.f32 v0, v3;
	v1 =	vmul.f32 v57, v4;
	_ =	sdelay $0x1  }
0x210: {  	v0 =	vadd.f32 v1, v0;
	_ =	sdelay $0x1  }
0x211: {  	[tilespmem:s18+$0x4100] =	vst v0;
	s18 =	sor.u32 $0x1C20, s17  }
0x212: {  	v0 =	vld [tilespmem:s18+$0x4100]  }
0x213: {  	v58 =	vld [tilespmem:s18+$0xC100];
	_ =	sdelay $0x4  }
0x214: {  	v0 =	vmul.f32 v0, v3;
	v1 =	vmul.f32 v58, v4;
	_ =	sdelay $0x1  }
0x215: {  	v0 =	vadd.f32 v1, v0;
	_ =	sdelay $0x1  }
0x216: {  	[tilespmem:s18+$0x4100] =	vst v0;
	s18 =	sor.u32 $0x1C30, s17  }
0x217: {  	v0 =	vld [tilespmem:s18+$0x4100]  }
0x218: {  	v59 =	vld [tilespmem:s18+$0xC100];
	_ =	sdelay $0x4  }
0x219: {  	v0 =	vmul.f32 v0, v3;
	v1 =	vmul.f32 v59, v4;
	_ =	sdelay $0x1  }
0x21a: {  	v0 =	vadd.f32 v1, v0;
	_ =	sdelay $0x1  }
0x21b: {  	[tilespmem:s18+$0x4100] =	vst v0;
	s18 =	sor.u32 $0x1C40, s17  }
0x21c: {  	v0 =	vld [tilespmem:s18+$0x4100]  }
0x21d: {  	v60 =	vld [tilespmem:s18+$0xC100];
	_ =	sdelay $0x4  }
0x21e: {  	v0 =	vmul.f32 v0, v3;
	v1 =	vmul.f32 v60, v4;
	_ =	sdelay $0x1  }
0x21f: {  	v0 =	vadd.f32 v1, v0;
	_ =	sdelay $0x1  }
0x220: {  	[tilespmem:s18+$0x4100] =	vst v0;
	s18 =	sor.u32 $0x1C50, s17  }
0x221: {  	v0 =	vld [tilespmem:s18+$0x4100]  }
0x222: {  	v61 =	vld [tilespmem:s18+$0xC100];
	_ =	sdelay $0x4  }
0x223: {  	v0 =	vmul.f32 v0, v3;
	v1 =	vmul.f32 v61, v4;
	_ =	sdelay $0x1  }
0x224: {  	v0 =	vadd.f32 v1, v0;
	_ =	sdelay $0x1  }
0x225: {  	[tilespmem:s18+$0x4100] =	vst v0;
	s18 =	sor.u32 $0x1C60, s17  }
0x226: {  	v0 =	vld [tilespmem:s18+$0x4100]  }
0x227: {  	v62 =	vld [tilespmem:s18+$0xC100];
	_ =	sdelay $0x4  }
0x228: {  	v0 =	vmul.f32 v0, v3;
	v1 =	vmul.f32 v62, v4;
	_ =	sdelay $0x1  }
0x229: {  	v0 =	vadd.f32 v1, v0;
	_ =	sdelay $0x1  }
0x22a: {  	[tilespmem:s18+$0x4100] =	vst v0;
	s18 =	sor.u32 $0x1C70, s17  }
0x22b: {  	v0 =	vld [tilespmem:s18+$0x4100]  }
0x22c: {  	v63 =	vld [tilespmem:s18+$0xC100];
	_ =	sdelay $0x3  }
0x22d: {  	p0 =	sne.s32 s1, $0xF80  }
.Ltmp1:
0x22e: {  	v0 =	vmul.f32 v0, v3;
	v1 =	vmul.f32 v63, v4;
	(pc) =	sbr.rel @p0 .LBB2_4-.Ltmp1, $4  }
0x22f: {  	_ = 	snop  }
0x230: {  	v0 =	vadd.f32 v1, v0  }
0x231: {  	s30 =	sadd.s32 $0x1, s30;
	s13 =	sadd.s32 $0x80, s13  }
0x232: {  	s31 =	sadd.s32 $0x80, s31;
	s1 =	sadd.s32 $0x80, s1;
	s0 =	sadd.s32 $0x400, s0;
	[tilespmem:s18+$0x4100] =	vst v0  }
0x233: {  	s0 =	rddreg [dreg:$0x7]  }
0x234: {  	[hbm4b:s0+s2] =	stream.linear.scatter [tilespmem:s16], [sflag:$0x3], $0x8000, $0x38;
	[tilespmem:$0x14100] =	vst v63  }
0x235: {  	_ =	swait.ge [sflag:s14], $0x8000  }
0x236: {  	s12 =	sadd.s32 $0x1, s12;
	s31 =	rddreg [dreg:$0x8]  }
0x237: {  	p0 =	sne.s32 s12, s31  }
.Ltmp2:
0x238: {  	_ = 	snop;
	(pc) =	sbr.rel @p0 .LBB2_1-.Ltmp2, $3  }
0x239: {  	_ =	sdelay $0x1  }
0x23a: {  	[sflag:s14] =	ssyncset.done $0x0  }
0x23b: {  	[sflag:s14] =	ssyncadd.s32 $0xFFFF8000  }
0x23c: {  	_ =	sfence.sel $0x180000  }
0x23d: {  	[bflag:$0x0] =	sbarrier.arrive $0xFFFF  }
0x23e: {  	_ =	strace $0x90000056  }
0x23f: {  	s0 =	stileid.u32;
	[bflag:$0x2] =	sbarrier.arrive $0xFFFF  }
0x240: {  	p0 =	sne.s32 s0, $0x0;
	s0 =	rddreg [dreg:$0x2]  }
0x241: {  	s0 =	sadd.s32 @!p0 $0x100000, s0  }
0x242: {  	[sflag:s0] =	ssyncadd.tile.s32 @!p0 $0x1;
	_ =	shalt  }
.Lfunc_end2:
_tile_overlayer_lowered:
.L_overlay_start_2:
0x243: {  	(tag) =	ssettag $0x2  }
0x244: {  	s0 =	rddreg [dreg:$0x0];
	s2 =	stileid.u32  }
0x245: {  	s1 =	rddreg [dreg:$0x1];
	p0 =	sne.s32 s2, $0x0  }
0x246: {  	s3 =	rddreg [dreg:$0x2];
	[bflag:$0x3] =	sbarrier.arrive $0xFFFF;
	s2 =	simm.s32 @!p0 $0x1C03  }
0x247: {  	[timem:s3], [sflag:s2] =	dma.local @!p0 [hbm:s0], s1  }
0x248: {  	s0 =	simm.s32 @!p0 $0x3  }
0x249: {  	_ =	swait.ge @!p0 [sflag:s0], s1  }
0x24a: {  	s1 =	ssub.s32 @!p0 $0x0, s1;
	[sflag:s0] =	ssyncset.done @!p0 $0x0  }
0x24b: {  	[sflag:s0] =	ssyncadd.s32 @!p0 s1  }
0x24c: {  	[bflag:$0x3] =	sbarrier.arrive $0xFFFF  }
0x24d: {  	_ =	shalt  }

// kernel: kernel.7.cloned.1.call-start
scs
__scs_entry_jumppad:
0x0: {  	(pc) =	sbr.rel $0x88, $3  }
0x1: {  	(tag) =	ssettag $0x0;
	lr =	simm.s32 $0x1  }
0x2: {  	[smem:$0x3F96] =	sst lr;
	_ =	strace $0xD0000000  }
0x3: {  	_ = 	snop  }
0x4: {  	_ = 	snop  }
0x5: {  	_ = 	snop  }
0x6: {  	_ = 	snop  }
0x7: {  	_ = 	snop  }
__scs_overlays_trampoline_lowered:
0x8: {  	[smem:$0x3FA5] =	sst s0  }
0x9: {  	[smem:$0x3FA6] =	sst s1  }
0xa: {  	[smem:$0x3FA7] =	sst s2  }
0xb: {  	[smem:$0x3FA8] =	sst s3  }
0xc: {  	[smem:$0x3FA9] =	sst s4  }
0xd: {  	[smem:$0x3FAA] =	sst s5  }
0xe: {  	[smem:$0x3FAB] =	sst s6  }
0xf: {  	[smem:$0x3FAC] =	sst s7  }
0x10: {  	[smem:$0x3FAD] =	sst s8  }
0x11: {  	[smem:$0x3FAE] =	sst s9;
	s0 =	simm.s32 @!p0 $0x0  }
0x12: {  	s1 =	sld [smem:$0x3F94];
	s0 =	simm.s32 @p0 $0x1  }
0x13: {  	[smem:$0x3FAF] =	sst s0;
	s0 =	simm.s32 @!p1 $0x0  }
0x14: {  	s2 =	sld [smem:$0x3F93];
	s0 =	simm.s32 @p1 $0x1  }
0x15: {  	[smem:$0x3FB0] =	sst s0;
	s0 =	simm.s32 @!p2 $0x0  }
0x16: {  	s3 =	sld [smem:$0x3FDB];
	s0 =	simm.s32 @p2 $0x1  }
0x17: {  	s4 =	simm.s32 $0x1BF5;
	[smem:$0x3FB2] =	sst s0  }
0x18: {  	s0 =	sld [smem:$0x3F95];
	_ =	swait.ge [sflag:s4], $0x0  }
0x19: {  	s7 =	sld [smem:$0x3F96]  }
0x1a: {  	s8 =	sadd.s32 $0xFFFFE003, lr  }
0x1b: {  	s9 =	sadd.s32 $0xFFFFFEF7, lr;
	s5 =	simm.s32 $0xFFFFFFFF;
	p2 =	slt.u32 s8, $0xFFFFF086  }
0x1c: {  	p1 =	slt.u32 s9, $0xF7A;
	s5 =	simm.s32 @!p2 $0x0  }
0x1d: {  	s5 =	simm.s32 @p1 $0x1;
	p0 =	seq.s32 s7, s2  }
0x1e: {  	s7 =	smul.u32 @!p0 $0xF7A, s2;
	p2 =	seq.s32 @!p0 s5, $0x0  }
0x1f: {  	s9 =	smul.u32 $0xF7A, s1;
	s8 =	simm.s32 @!p0 $0x1BF5;
	p2 =	por !p2, p0  }
0x20: {  	[sflag:s8] =	ssyncset.s32 @!p0 $0xFFFFF086;
	s6 =	sadd.s32 @!p0 s3, s7;
	s7 =	simm.s32 @!p0 $0x108  }
0x21: {  	s3 =	sadd.s32 s3, s9;
	s6 =	sadd.s32 @!p0 $0x88, s6;
	s7 =	simm.s32 @p2 $0x1082  }
0x22: {  	[simem:s7], [sflag:s8] =	dma.local @!p0 [hbm:s6], $0xF7A  }
0x23: {  	s9 =	sor.u32 $0xD0000000, s2;
	s6 =	simm.s32 $0x108;
	_ =	swait.ge @!p0 [sflag:s8], $0x0  }
0x24: {  	s3 =	sadd.s32 $0x88, s3;
	s6 =	simm.s32 @!p1 $0x1082;
	[sflag:s4] =	ssyncset.s32 $0xFFFFF086  }
0x25: {  	[simem:s6], [sflag:s4] =	dma.local [hbm:s3], $0xF7A  }
0x26: {  	[smem:$0x3F96] =	sst s1;
	(tag) =	ssettag s2;
	_ =	strace s9  }
0x27: {  	s1 =	sld [smem:$0x3FA6]  }
0x28: {  	s2 =	sld [smem:$0x3FA7]  }
0x29: {  	s4 =	sld [smem:$0x3FA9]  }
0x2a: {  	p0 =	seq.s32 s5, $0x0;
	s5 =	sld [smem:$0x3FAA]  }
0x2b: {  	s6 =	sld [smem:$0x3FAB]  }
0x2c: {  	s7 =	sld [smem:$0x3FAC]  }
0x2d: {  	s3 =	simm.s32 $0x108;
	s8 =	sld [smem:$0x3FAD]  }
0x2e: {  	s3 =	simm.s32 @!p0 $0x1082;
	s9 =	sld [smem:$0x3FAE]  }
0x2f: {  	lr =	sadd.s32 s0, s3;
	s0 =	sld [smem:$0x3FA5]  }
0x30: {  	s3 =	sld [smem:$0x3FA8]  }
0x31: {  	[smem:$0x3FB1] =	sst s10  }
0x32: {  	s10 =	sld [smem:$0x3FAF];
	_ =	sdelay $0x3  }
0x33: {  	p0 =	seq.s32 s10, $0x1;
	s10 =	sld [smem:$0x3FB1];
	_ =	sdelay $0x3  }
0x34: {  	[smem:$0x3FB1] =	sst s10  }
0x35: {  	s10 =	sld [smem:$0x3FB0];
	_ =	sdelay $0x3  }
0x36: {  	p1 =	seq.s32 s10, $0x1;
	s10 =	sld [smem:$0x3FB1];
	_ =	sdelay $0x3  }
0x37: {  	[smem:$0x3FB1] =	sst s10  }
0x38: {  	s10 =	sld [smem:$0x3FB2]  }
0x39: {  	_ = 	snop;
	(pc) =	sbr.ind lr, $3  }
0x3a: {  	_ = 	snop  }
0x3b: {  	_ = 	snop  }
0x3c: {  	p2 =	seq.s32 s10, $0x1;
	s10 =	sld [smem:$0x3FB1]  }
0x3d: {  	_ =	shalt  }
0x3e: {  	_ =	shalt  }
0x3f: {  	_ =	shalt  }
0x40: {  	_ =	shalt  }
0x41: {  	_ =	shalt  }
0x42: {  	_ =	shalt  }
0x43: {  	_ =	shalt  }
0x44: {  	_ =	shalt  }
0x45: {  	_ =	shalt  }
0x46: {  	_ =	shalt  }
0x47: {  	_ =	shalt  }
0x48: {  	_ =	shalt  }
0x49: {  	_ =	shalt  }
0x4a: {  	_ =	shalt  }
0x4b: {  	_ =	shalt  }
0x4c: {  	_ =	shalt  }
0x4d: {  	_ =	shalt  }
0x4e: {  	_ =	shalt  }
0x4f: {  	_ =	shalt  }
0x50: {  	_ =	shalt  }
0x51: {  	_ =	shalt  }
0x52: {  	_ =	shalt  }
0x53: {  	_ =	shalt  }
0x54: {  	_ =	shalt  }
0x55: {  	_ =	shalt  }
0x56: {  	_ =	shalt  }
0x57: {  	_ =	shalt  }
0x58: {  	_ =	shalt  }
0x59: {  	_ =	shalt  }
0x5a: {  	_ =	shalt  }
0x5b: {  	_ =	shalt  }
0x5c: {  	_ =	shalt  }
0x5d: {  	_ =	shalt  }
0x5e: {  	_ =	shalt  }
0x5f: {  	_ =	shalt  }
0x60: {  	_ =	shalt  }
0x61: {  	_ =	shalt  }
0x62: {  	_ =	shalt  }
0x63: {  	_ =	shalt  }
0x64: {  	_ =	shalt  }
0x65: {  	_ =	shalt  }
0x66: {  	_ =	shalt  }
0x67: {  	_ =	shalt  }
0x68: {  	_ =	shalt  }
0x69: {  	_ =	shalt  }
0x6a: {  	_ =	shalt  }
0x6b: {  	_ =	shalt  }
0x6c: {  	_ =	shalt  }
0x6d: {  	_ =	shalt  }
0x6e: {  	_ =	shalt  }
0x6f: {  	_ =	shalt  }
0x70: {  	_ =	shalt  }
0x71: {  	_ =	shalt  }
0x72: {  	_ =	shalt  }
0x73: {  	_ =	shalt  }
0x74: {  	_ =	shalt  }
0x75: {  	_ =	shalt  }
0x76: {  	_ =	shalt  }
0x77: {  	_ =	shalt  }
0x78: {  	_ =	shalt  }
0x79: {  	_ =	shalt  }
0x7a: {  	_ =	shalt  }
0x7b: {  	_ =	shalt  }
0x7c: {  	_ =	shalt  }
0x7d: {  	_ =	shalt  }
0x7e: {  	_ =	shalt  }
0x7f: {  	_ =	shalt  }
0x80: {  	_ =	shalt  }
0x81: {  	_ =	shalt  }
0x82: {  	_ =	shalt  }
0x83: {  	_ =	shalt  }
0x84: {  	_ =	shalt  }
0x85: {  	_ =	shalt  }
0x86: {  	_ =	shalt  }
0x87: {  	_ =	shalt  }
.Lfunc_end0:
.L_simem_size_0:
called_computation.4_lowered:
.L_overlay_start_0:
0x88: {  	s2 =	sld [smem:$0x3FD9]  }
0x89: {  	s3 =	sld [smem:$0x3FFE];
	_ =	sdelay $0x1  }
0x8a: {  	s1 =	srdreg.scid  }
0x8b: {  	s0 =	sand.u32 $0x1, s1  }
0x8c: {  	s17 =	sshll.u32 s0, $0xA;
	s2 =	sadd.s32 s3, s2  }
0x8d: {  	s2 =	sadd.s32 s2, s17  }
0x8e: {  	[smem:$0x3FBD] =	sst s2  }
0x8f: {  	_ = 	snop  }
0x90: {  	s18 =	sld [smem:$0x3FC9];
	(tm) =	ssettm $0x1  }
0x91: {  	s19 =	sld [smem:$0x3FFB];
	_ =	sdelay $0x3  }
0x92: {  	_ =	strace s19  }
0x93: {  	s2 =	sld [smem:$0x3FFC];
	_ =	sdelay $0x3  }
0x94: {  	_ =	strace s2  }
0x95: {  	s2 =	sld [smem:$0x3FFD];
	_ =	sdelay $0x3  }
0x96: {  	_ =	strace s2  }
0x97: {  	_ =	strace $0x8FFFFFFF  }
0x98: {  	s20 =	sld [smem:$0x3FDB];
	_ =	sdelay $0x1  }
0x99: {  	s4 =	simm.s32 $_scs_section_size  }
0x9a: {  	s5 =	simm.s32 $_size__tile_overlayer_lowered;
	s6 =	simm.s32 $_tile_overlayer_lowered  }
0x9b: {  	s7 =	simm.s32 $0x1BFF;
	s21 =	sshll.u32 s6, $0x1;
	s4 =	sadd.s32 s4, s20  }
0x9c: {  	s22 =	simm.s32 $0x0;
	s5 =	sshll.u32 s5, $0x1;
	s6 =	sadd.s32 s21, s4  }
0x9d: {  	[timem:s22], [sflag:s7] =	dma.local [hbm:s6], s5  }
0x9e: {  	_ =	swait.ge [sflag:s7], s5  }
0x9f: {  	s5 =	ssub.s32 $0x0, s5;
	[sflag:s7] =	ssyncset.done $0x0  }
0xa0: {  	[sflag:s7] =	ssyncadd.s32 s5;
	_ =	sdelay $0x1  }
0xa1: {  	s23 =	simm.s32 $0x1B8B  }
0xa2: {  	_ =	swait.ge [sflag:s23], $0x1  }
0xa3: {  	[sflag:s23] =	ssyncset.done $0x0  }
0xa4: {  	[sflag:s23] =	ssyncadd.s32 $0xFFFFFFFF  }
0xa5: {  	s5 =	sld [smem:$0x0]  }
0xa6: {  	s6 =	sand.u32 $0xFFFFFFFE, s1  }
0xa7: {  	p0 =	sne.s32 s1, s6  }
0xa8: {  	s6 =	sshll.u32 @p0 s6, $0xE  }
0xa9: {  	s6 =	sadd.s32 @p0 $0x11B8D, s6;
	s7 =	sshll.u32 @p0 s5, $0x11  }
0xaa: {  	s6 =	sor.u32 @p0 s7, s6  }
0xab: {  	[sflag:s6] =	ssyncadd.remote.s32 @p0 $0x1;
	_ =	sdelay $0x1  }
0xac: {  	s6 =	simm.s32 @p0 $0x1B8D  }
0xad: {  	_ =	swait.eq @p0 [sflag:s6], $0x1  }
0xae: {  	[sflag:s6] =	ssyncadd.s32 @p0 $0xFFFFFFFF  }
0xaf: {  	s7 =	sshll.u32 @!p0 s1, $0xE  }
0xb0: {  	s7 =	sor.u32 @!p0 $0x4000, s7;
	s6 =	simm.s32 @!p0 $0x1B8D  }
0xb1: {  	s5 =	sshll.u32 @!p0 s5, $0x11;
	s7 =	sadd.s32 @!p0 $0x11B8D, s7;
	_ =	swait.eq @!p0 [sflag:s6], $0x1  }
0xb2: {  	s5 =	sor.u32 @!p0 s5, s7;
	[sflag:s6] =	ssyncadd.s32 @!p0 $0xFFFFFFFF  }
0xb3: {  	s25 =	simm.s32 $0x1B8E;
	s24 =	sld [smem:$0x3FFE];
	[sflag:s5] =	ssyncadd.remote.s32 @!p0 $0x1  }
0xb4: {  	s26 =	simm.s32 $execute0_lowered;
	[smem:$0x3FD2] =	sst s25  }
0xb5: {  	s6 =	sshll.u32 s26, $0x1;
	_ =	strace $0x80000052;
	[dreg:$0x1] =	wrdreg $0xFFFFFFFF  }
0xb6: {  	s28 =	simm.s32 $_size_execute0_lowered;
	s4 =	sadd.s32 s4, s6;
	[dreg:$0x0] =	wrdreg $0x0  }
0xb7: {  	s6 =	sshll.u32 s28, $0x1;
	[dreg:$0x2] =	wrdreg s4  }
0xb8: {  	[dreg:$0x3] =	wrdreg s6  }
0xb9: {  	[dreg:$0x4] =	wrdreg $0xC0  }
0xba: {  	_ =	task [dreg:s22], $0x5FFFF  }
0xbb: {  	[dreg:$0x1] =	wrdreg $0xFFFFFFFF  }
0xbc: {  	[dreg:$0x0] =	wrdreg $0x60  }
0xbd: {  	[dreg:$0x2] =	wrdreg s18  }
0xbe: {  	[dreg:$0x3] =	wrdreg s24  }
0xbf: {  	[dreg:$0x4] =	wrdreg $0xC  }
0xc0: {  	_ =	task.clear_ibuf [dreg:s22], $0x5FFFF;
	_ =	strace $0x90000052  }
0xc1: {  	s29 =	simm.s32 $0xC;
	_ =	strace $0x80000054  }
0xc2: {  	_ =	swait.ge [sflag:s29], $0x1  }
0xc3: {  	[sflag:s29] =	ssyncadd.s32 $0xFFFFFFFF  }
0xc4: {  	_ =	strace $0x90000054  }
0xc5: {  	_ =	sfence  }
0xc6: {  	s30 =	sld [smem:$0x0];
	_ =	sdelay $0x2  }
0xc7: {  	s31 =	sshll.u32 s1, $0xD;
	s1 =	sshrl.u32 s1, $0x2  }
0xc8: {  	s4 =	sand.u32 $0x4000, s31;
	s1 =	sadd.s32 s1, s30  }
0xc9: {  	s0 =	sor.u32 s4, s0;
	s1 =	sshll.u32 s1, $0x11  }
0xca: {  	s0 =	sor.u32 s1, s0  }
0xcb: {  	s0 =	sadd.s32 $0x8F2B, s0  }
0xcc: {  	[sflag:s0] =	ssyncadd.remote.s32 $0x1  }
0xcd: {  	_ =	sfence.sel $0xFFFF  }
0xce: {  	[dreg:$0x0] =	wrdreg $0xFFFFFFFF;
	(pc) =	sbr.abs _section_cstart, $3  }
0xcf: {  	[dreg:$0x1] =	wrdreg $0xFFFFFFFF  }
0xd0: {  	_ =	task.clear_ibuf [dreg:s22], $0x2FFFF;
	_ =	strace $0x9FFFFFFF  }
0xd1: {  	(tm) =	ssettm $0x7FFFFFFF  }
tec
execute0_lowered:
.L_overlay_start_1:
0x0: {  	(tag) =	ssettag $0x1  }
0x1: {  	s0 =	srdreg.scid  }
0x2: {  	s1 =	rddreg [dreg:$0x0];
	s2 =	stileid.u32  }
0x3: {  	s6 =	rddreg [dreg:$0x1];
	s26 =	simm.s32 $0x80;
	s18 =	simm.s32 $0x100  }
0x4: {  	s22 =	simm.s32 $0x1900;
	s23 =	simm.s32 $0x2100;
	s24 =	simm.s32 $0x2900  }
0x5: {  	s25 =	simm.s32 $0x3100;
	s28 =	simm.s32 $0x4100;
	s29 =	simm.s32 $0x4900  }
0x6: {  	s30 =	simm.s32 $0x5100;
	s31 =	simm.s32 $0x5900;
	s10 =	simm.s32 $0x7100  }
0x7: {  	s11 =	simm.s32 $0x7900;
	s12 =	simm.s32 $0x8100;
	s13 =	simm.s32 $0x8900  }
0x8: {  	s14 =	simm.s32 $0x9100;
	s15 =	simm.s32 $0x9900;
	s16 =	simm.s32 $0xA100  }
0x9: {  	s17 =	simm.s32 $0xA900;
	s9 =	simm.s32 $0xB100;
	s19 =	simm.s32 $0xB900  }
0xa: {  	s0 =	sand.u32 $0x1, s0;
	s3 =	sshll.u32 s2, $0x7;
	s2 =	simm.s32 $0x0  }
0xb: {  	s4 =	sshll.u32 s0, $0x6;
	[smem:$0x7FF] =	sst s2;
	s0 =	ssub.s32 $0x2, s0  }
0xc: {  	s4 =	sor.u32 s4, s3;
	_ =	strace $0x80000053;
	s7 =	sshrl.u32 s0, $0x1  }
0xd: {  	[dreg:$0x6] =	wrdreg s26;
	s3 =	sshrl.u32 s4, $0x3;
	s4 =	sshll.u32 s4, $0x7  }
0xe: {  	s26 =	simm.s32 $0x3900;
	s5 =	sadd.s32 s3, s6;
	s1 =	sadd.s32 s1, s4  }
0xf: {  	s0 =	ssub.s32 s0, s7;
	s8 =	sadd.s32 $0x11E00, s5;
	[dreg:$0x5] =	wrdreg s1  }
0x10: {  	v2 =	vlaneseq.u32;
	s3 =	sadd.s32 $0x313600, s6;
	s5 =	sadd.s32 $0x11C00, s5;
	[dreg:$0x3] =	wrdreg s8  }
0x11: {  	vm0 =	vmmov $0xffff;
	v1 =	vshrl.u32 v2, $0x3;
	s4 =	sadd.s32 $0x313700, s6;
	s7 =	smax.u32 s0, $0x1;
	[dreg:$0x4] =	wrdreg s5  }
0x12: {  	v0 =	vand.u32 $0x7, v2;
	v2 =	vor.u32 $0x8, v2;
	v1 =	vmul.u32 $0x8, v1;
	s5 =	sadd.s32 $0x313800, s6;
	s6 =	sadd.s32 $0x313900, s6;
	s8 =	simm.s32 $0x3  }
.LBB2_1:
0x13: {  	s20 =	rddreg [dreg:$0x3]  }
0x14: {  	[tilespmem:s2], [sflag:$0x3] =	stream.linear.gather [hbm4b:s20+s2], $0x40, $0x38;
	[tilespmem:$0x10100] =	vst v63  }
0x15: {  	_ =	swait.ge [sflag:s8], $0x40  }
0x16: {  	s0 =	rddreg [dreg:$0x4];
	[sflag:s8] =	ssyncset.done $0x0  }
0x17: {  	s21 =	rddreg [dreg:$0x6];
	[sflag:s8] =	ssyncadd.s32 $0xFFFFFFC0  }
0x18: {  	[tilespmem:s21], [sflag:$0x3] =	stream.linear.gather [hbm4b:s0+s2], $0x40, $0x38;
	[tilespmem:$0x10100] =	vst v63  }
0x19: {  	_ =	swait.ge [sflag:s8], $0x40  }
0x1a: {  	[sflag:s8] =	ssyncset.done $0x0  }
0x1b: {  	s1 =	rddreg [dreg:$0x5];
	[sflag:s8] =	ssyncadd.s32 $0xFFFFFFC0  }
0x1c: {  	[tilespmem:s18], [sflag:$0x3] =	stream.linear.gather [hbm4b:s1+s2], $0x10000, $0x38;
	[tilespmem:$0x10100] =	vst v63  }
0x1d: {  	_ =	swait.ge [sflag:s8], $0x10000  }
0x1e: {  	[sflag:s8] =	ssyncset.done $0x0  }
0x1f: {  	[sflag:s8] =	ssyncadd.s32 $0xFFFF0000  }
0x20: {  	v3 =	vld [tilespmem:$0x0];
	_ =	sdelay $0x4  }
0x21: {  	v4 =	vshll.u32 v3, $0x3  }
0x22: {  	v3 =	vand.u32 $0x7, v3;
	v4 =	vand.u32 $0xFFFFFFC0, v4  }
0x23: {  	v3 =	vor.u32 v3, v4  }
0x24: {  	v4 =	vperm.xlane v3, v0;
	_ =	sdelay $0x1  }
0x25: {  	v4 =	vadd.s32 v1, v4;
	_ =	sdelay $0x4  }
0x26: {  	[hbm4b:s3+s2] =	stream.indirect_vreg.scatter [tilespmem:s18], [sflag:$0x1], $0x80, v4, vm0, $0xb8;
	[tilespmem:$0x10100] =	vst v63  }
0x27: {  	s20 =	simm.s32 $0x900;
	v3 =	vperm.xlane v3, v2  }
0x28: {  	[hbm4b:s4+s2] =	stream.indirect_vreg.scatter [tilespmem:s20], [sflag:$0x1], $0x80, v4, vm0, $0xb8;
	[tilespmem:$0x10100] =	vst v63  }
0x29: {  	s21 =	simm.s32 $0x1100;
	v3 =	vadd.s32 v1, v3  }
0x2a: {  	[hbm4b:s5+s2] =	stream.indirect_vreg.scatter [tilespmem:s21], [sflag:$0x1], $0x80, v4, vm0, $0xb8;
	[tilespmem:$0x10100] =	vst v63  }
0x2b: {  	_ = 	snop  }
0x2c: {  	[hbm4b:s6+s2] =	stream.indirect_vreg.scatter [tilespmem:s22], [sflag:$0x1], $0x80, v4, vm0, $0xb8;
	[tilespmem:$0x10100] =	vst v63  }
0x2d: {  	_ = 	snop  }
0x2e: {  	[hbm4b:s3+s2] =	stream.indirect_vreg.scatter [tilespmem:s23], [sflag:$0x1], $0x80, v3, vm0, $0xb8;
	[tilespmem:$0x10100] =	vst v63  }
0x2f: {  	_ = 	snop  }
0x30: {  	[hbm4b:s4+s2] =	stream.indirect_vreg.scatter [tilespmem:s24], [sflag:$0x1], $0x80, v3, vm0, $0xb8;
	[tilespmem:$0x10100] =	vst v63  }
0x31: {  	_ = 	snop  }
0x32: {  	[hbm4b:s5+s2] =	stream.indirect_vreg.scatter [tilespmem:s25], [sflag:$0x1], $0x80, v3, vm0, $0xb8;
	[tilespmem:$0x10100] =	vst v63  }
0x33: {  	_ = 	snop  }
0x34: {  	[hbm4b:s6+s2] =	stream.indirect_vreg.scatter [tilespmem:s26], [sflag:$0x1], $0x80, v3, vm0, $0xb8;
	[tilespmem:$0x10100] =	vst v63  }
0x35: {  	v3 =	vld [tilespmem:$0x10];
	_ =	sdelay $0x4  }
0x36: {  	v57 =	vshll.u32 v3, $0x3  }
0x37: {  	v3 =	vand.u32 $0x7, v3;
	v4 =	vand.u32 $0xFFFFFFC0, v57  }
0x38: {  	v3 =	vor.u32 v3, v4  }
0x39: {  	v4 =	vperm.xlane v3, v0;
	_ =	sdelay $0x1  }
0x3a: {  	v4 =	vadd.s32 v1, v4;
	_ =	sdelay $0x4  }
0x3b: {  	[hbm4b:s3+s2] =	stream.indirect_vreg.scatter [tilespmem:s28], [sflag:$0x1], $0x80, v4, vm0, $0xb8;
	[tilespmem:$0x10100] =	vst v63  }
0x3c: {  	v3 =	vperm.xlane v3, v2  }
0x3d: {  	[hbm4b:s4+s2] =	stream.indirect_vreg.scatter [tilespmem:s29], [sflag:$0x1], $0x80, v4, vm0, $0xb8;
	[tilespmem:$0x10100] =	vst v63  }
0x3e: {  	v3 =	vadd.s32 v1, v3  }
0x3f: {  	[hbm4b:s5+s2] =	stream.indirect_vreg.scatter [tilespmem:s30], [sflag:$0x1], $0x80, v4, vm0, $0xb8;
	[tilespmem:$0x10100] =	vst v63  }
0x40: {  	_ = 	snop  }
0x41: {  	[hbm4b:s6+s2] =	stream.indirect_vreg.scatter [tilespmem:s31], [sflag:$0x1], $0x80, v4, vm0, $0xb8;
	[tilespmem:$0x10100] =	vst v63  }
0x42: {  	s1 =	simm.s32 $0x6100  }
0x43: {  	[hbm4b:s3+s2] =	stream.indirect_vreg.scatter [tilespmem:s1], [sflag:$0x1], $0x80, v3, vm0, $0xb8;
	[tilespmem:$0x10100] =	vst v63  }
0x44: {  	s0 =	simm.s32 $0x6900  }
0x45: {  	[hbm4b:s4+s2] =	stream.indirect_vreg.scatter [tilespmem:s0], [sflag:$0x1], $0x80, v3, vm0, $0xb8;
	[tilespmem:$0x10100] =	vst v63  }
0x46: {  	_ = 	snop  }
0x47: {  	[hbm4b:s5+s2] =	stream.indirect_vreg.scatter [tilespmem:s10], [sflag:$0x1], $0x80, v3, vm0, $0xb8;
	[tilespmem:$0x10100] =	vst v63  }
0x48: {  	_ = 	snop  }
0x49: {  	[hbm4b:s6+s2] =	stream.indirect_vreg.scatter [tilespmem:s11], [sflag:$0x1], $0x80, v3, vm0, $0xb8;
	[tilespmem:$0x10100] =	vst v63  }
0x4a: {  	v3 =	vld [tilespmem:$0x20];
	_ =	sdelay $0x4  }
0x4b: {  	v58 =	vshll.u32 v3, $0x3  }
0x4c: {  	v3 =	vand.u32 $0x7, v3;
	v4 =	vand.u32 $0xFFFFFFC0, v58  }
0x4d: {  	v3 =	vor.u32 v3, v4  }
0x4e: {  	v4 =	vperm.xlane v3, v0;
	_ =	sdelay $0x1  }
0x4f: {  	v4 =	vadd.s32 v1, v4;
	_ =	sdelay $0x4  }
0x50: {  	[hbm4b:s3+s2] =	stream.indirect_vreg.scatter [tilespmem:s12], [sflag:$0x1], $0x80, v4, vm0, $0xb8;
	[tilespmem:$0x10100] =	vst v63  }
0x51: {  	v3 =	vperm.xlane v3, v2  }
0x52: {  	[hbm4b:s4+s2] =	stream.indirect_vreg.scatter [tilespmem:s13], [sflag:$0x1], $0x80, v4, vm0, $0xb8;
	[tilespmem:$0x10100] =	vst v63  }
0x53: {  	v3 =	vadd.s32 v1, v3  }
0x54: {  	[hbm4b:s5+s2] =	stream.indirect_vreg.scatter [tilespmem:s14], [sflag:$0x1], $0x80, v4, vm0, $0xb8;
	[tilespmem:$0x10100] =	vst v63  }
0x55: {  	_ = 	snop  }
0x56: {  	[hbm4b:s6+s2] =	stream.indirect_vreg.scatter [tilespmem:s15], [sflag:$0x1], $0x80, v4, vm0, $0xb8;
	[tilespmem:$0x10100] =	vst v63  }
0x57: {  	_ = 	snop  }
0x58: {  	[hbm4b:s3+s2] =	stream.indirect_vreg.scatter [tilespmem:s16], [sflag:$0x1], $0x80, v3, vm0, $0xb8;
	[tilespmem:$0x10100] =	vst v63  }
0x59: {  	_ = 	snop  }
0x5a: {  	[hbm4b:s4+s2] =	stream.indirect_vreg.scatter [tilespmem:s17], [sflag:$0x1], $0x80, v3, vm0, $0xb8;
	[tilespmem:$0x10100] =	vst v63  }
0x5b: {  	_ = 	snop  }
0x5c: {  	[hbm4b:s5+s2] =	stream.indirect_vreg.scatter [tilespmem:s9], [sflag:$0x1], $0x80, v3, vm0, $0xb8;
	[tilespmem:$0x10100] =	vst v63  }
0x5d: {  	_ = 	snop  }
0x5e: {  	[hbm4b:s6+s2] =	stream.indirect_vreg.scatter [tilespmem:s19], [sflag:$0x1], $0x80, v3, vm0, $0xb8;
	[tilespmem:$0x10100] =	vst v63  }
0x5f: {  	v3 =	vld [tilespmem:$0x30];
	_ =	sdelay $0x4  }
0x60: {  	v59 =	vshll.u32 v3, $0x3  }
0x61: {  	v3 =	vand.u32 $0x7, v3;
	v4 =	vand.u32 $0xFFFFFFC0, v59  }
0x62: {  	v3 =	vor.u32 v3, v4  }
0x63: {  	v4 =	vperm.xlane v3, v0;
	_ =	sdelay $0x1  }
0x64: {  	v4 =	vadd.s32 v1, v4;
	_ =	sdelay $0x3  }
0x65: {  	s0 =	simm.s32 $0xC100  }
0x66: {  	[hbm4b:s3+s2] =	stream.indirect_vreg.scatter [tilespmem:s0], [sflag:$0x1], $0x80, v4, vm0, $0xb8;
	[tilespmem:$0x10100] =	vst v63  }
0x67: {  	v3 =	vperm.xlane v3, v2;
	s0 =	simm.s32 $0xC900  }
0x68: {  	[hbm4b:s4+s2] =	stream.indirect_vreg.scatter [tilespmem:s0], [sflag:$0x1], $0x80, v4, vm0, $0xb8;
	[tilespmem:$0x10100] =	vst v63  }
0x69: {  	v3 =	vadd.s32 v1, v3;
	s0 =	simm.s32 $0xD100  }
0x6a: {  	[hbm4b:s5+s2] =	stream.indirect_vreg.scatter [tilespmem:s0], [sflag:$0x1], $0x80, v4, vm0, $0xb8;
	[tilespmem:$0x10100] =	vst v63  }
0x6b: {  	s0 =	simm.s32 $0xD900  }
0x6c: {  	[hbm4b:s6+s2] =	stream.indirect_vreg.scatter [tilespmem:s0], [sflag:$0x1], $0x80, v4, vm0, $0xb8;
	[tilespmem:$0x10100] =	vst v63  }
0x6d: {  	s0 =	simm.s32 $0xE100  }
0x6e: {  	[hbm4b:s3+s2] =	stream.indirect_vreg.scatter [tilespmem:s0], [sflag:$0x1], $0x80, v3, vm0, $0xb8;
	[tilespmem:$0x10100] =	vst v63  }
0x6f: {  	s0 =	simm.s32 $0xE900  }
0x70: {  	[hbm4b:s4+s2] =	stream.indirect_vreg.scatter [tilespmem:s0], [sflag:$0x1], $0x80, v3, vm0, $0xb8;
	[tilespmem:$0x10100] =	vst v63  }
0x71: {  	s0 =	simm.s32 $0xF100  }
0x72: {  	[hbm4b:s5+s2] =	stream.indirect_vreg.scatter [tilespmem:s0], [sflag:$0x1], $0x80, v3, vm0, $0xb8;
	[tilespmem:$0x10100] =	vst v63  }
0x73: {  	s0 =	simm.s32 $0xF900  }
0x74: {  	[hbm4b:s6+s2] =	stream.indirect_vreg.scatter [tilespmem:s0], [sflag:$0x1], $0x80, v3, vm0, $0xb8;
	[tilespmem:$0x10100] =	vst v63  }
0x75: {  	v3 =	vld [tilespmem:$0x80];
	_ =	sdelay $0x4  }
0x76: {  	v60 =	vshll.u32 v3, $0x3  }
0x77: {  	v3 =	vand.u32 $0x7, v3;
	v4 =	vand.u32 $0xFFFFFFC0, v60  }
0x78: {  	v3 =	vor.u32 v3, v4  }
0x79: {  	v4 =	vperm.xlane v3, v0;
	_ =	sdelay $0x1  }
0x7a: {  	v4 =	vadd.s32 v1, v4;
	_ =	sdelay $0x4  }
0x7b: {  	[hbm4b:s3+s2] =	stream.indirect_vreg.scatter [tilespmem:s18], [sflag:$0x2], $0x80, v4, vm0, $0xb8;
	[tilespmem:$0x10100] =	vst v63  }
0x7c: {  	v3 =	vperm.xlane v3, v2  }
0x7d: {  	[hbm4b:s4+s2] =	stream.indirect_vreg.scatter [tilespmem:s20], [sflag:$0x2], $0x80, v4, vm0, $0xb8;
	[tilespmem:$0x10100] =	vst v63  }
0x7e: {  	v3 =	vadd.s32 v1, v3  }
0x7f: {  	[hbm4b:s5+s2] =	stream.indirect_vreg.scatter [tilespmem:s21], [sflag:$0x2], $0x80, v4, vm0, $0xb8;
	[tilespmem:$0x10100] =	vst v63  }
0x80: {  	_ = 	snop  }
0x81: {  	[hbm4b:s6+s2] =	stream.indirect_vreg.scatter [tilespmem:s22], [sflag:$0x2], $0x80, v4, vm0, $0xb8;
	[tilespmem:$0x10100] =	vst v63  }
0x82: {  	_ = 	snop  }
0x83: {  	[hbm4b:s3+s2] =	stream.indirect_vreg.scatter [tilespmem:s23], [sflag:$0x2], $0x80, v3, vm0, $0xb8;
	[tilespmem:$0x10100] =	vst v63  }
0x84: {  	_ = 	snop  }
0x85: {  	[hbm4b:s4+s2] =	stream.indirect_vreg.scatter [tilespmem:s24], [sflag:$0x2], $0x80, v3, vm0, $0xb8;
	[tilespmem:$0x10100] =	vst v63  }
0x86: {  	_ = 	snop  }
0x87: {  	[hbm4b:s5+s2] =	stream.indirect_vreg.scatter [tilespmem:s25], [sflag:$0x2], $0x80, v3, vm0, $0xb8;
	[tilespmem:$0x10100] =	vst v63  }
0x88: {  	_ = 	snop  }
0x89: {  	[hbm4b:s6+s2] =	stream.indirect_vreg.scatter [tilespmem:s26], [sflag:$0x2], $0x80, v3, vm0, $0xb8;
	[tilespmem:$0x10100] =	vst v63  }
0x8a: {  	v3 =	vld [tilespmem:$0x90];
	_ =	sdelay $0x4  }
0x8b: {  	v61 =	vshll.u32 v3, $0x3  }
0x8c: {  	v3 =	vand.u32 $0x7, v3;
	v4 =	vand.u32 $0xFFFFFFC0, v61  }
0x8d: {  	v3 =	vor.u32 v3, v4  }
0x8e: {  	v4 =	vperm.xlane v3, v0;
	_ =	sdelay $0x1  }
0x8f: {  	v4 =	vadd.s32 v1, v4;
	_ =	sdelay $0x4  }
0x90: {  	[hbm4b:s3+s2] =	stream.indirect_vreg.scatter [tilespmem:s28], [sflag:$0x2], $0x80, v4, vm0, $0xb8;
	[tilespmem:$0x10100] =	vst v63  }
0x91: {  	v3 =	vperm.xlane v3, v2  }
0x92: {  	[hbm4b:s4+s2] =	stream.indirect_vreg.scatter [tilespmem:s29], [sflag:$0x2], $0x80, v4, vm0, $0xb8;
	[tilespmem:$0x10100] =	vst v63  }
0x93: {  	v3 =	vadd.s32 v1, v3  }
0x94: {  	[hbm4b:s5+s2] =	stream.indirect_vreg.scatter [tilespmem:s30], [sflag:$0x2], $0x80, v4, vm0, $0xb8;
	[tilespmem:$0x10100] =	vst v63  }
0x95: {  	_ = 	snop  }
0x96: {  	[hbm4b:s6+s2] =	stream.indirect_vreg.scatter [tilespmem:s31], [sflag:$0x2], $0x80, v4, vm0, $0xb8;
	[tilespmem:$0x10100] =	vst v63  }
0x97: {  	_ = 	snop  }
0x98: {  	[hbm4b:s3+s2] =	stream.indirect_vreg.scatter [tilespmem:s1], [sflag:$0x2], $0x80, v3, vm0, $0xb8;
	[tilespmem:$0x10100] =	vst v63  }
0x99: {  	s20 =	simm.s32 $0x6900  }
0x9a: {  	[hbm4b:s4+s2] =	stream.indirect_vreg.scatter [tilespmem:s20], [sflag:$0x2], $0x80, v3, vm0, $0xb8;
	[tilespmem:$0x10100] =	vst v63  }
0x9b: {  	_ = 	snop  }
0x9c: {  	[hbm4b:s5+s2] =	stream.indirect_vreg.scatter [tilespmem:s10], [sflag:$0x2], $0x80, v3, vm0, $0xb8;
	[tilespmem:$0x10100] =	vst v63  }
0x9d: {  	_ = 	snop  }
0x9e: {  	[hbm4b:s6+s2] =	stream.indirect_vreg.scatter [tilespmem:s11], [sflag:$0x2], $0x80, v3, vm0, $0xb8;
	[tilespmem:$0x10100] =	vst v63  }
0x9f: {  	v3 =	vld [tilespmem:$0xA0];
	_ =	sdelay $0x4  }
0xa0: {  	v62 =	vshll.u32 v3, $0x3  }
0xa1: {  	v3 =	vand.u32 $0x7, v3;
	v4 =	vand.u32 $0xFFFFFFC0, v62  }
0xa2: {  	v3 =	vor.u32 v3, v4  }
0xa3: {  	v4 =	vperm.xlane v3, v0;
	_ =	sdelay $0x1  }
0xa4: {  	v4 =	vadd.s32 v1, v4;
	_ =	sdelay $0x4  }
0xa5: {  	[hbm4b:s3+s2] =	stream.indirect_vreg.scatter [tilespmem:s12], [sflag:$0x2], $0x80, v4, vm0, $0xb8;
	[tilespmem:$0x10100] =	vst v63  }
0xa6: {  	v3 =	vperm.xlane v3, v2  }
0xa7: {  	[hbm4b:s4+s2] =	stream.indirect_vreg.scatter [tilespmem:s13], [sflag:$0x2], $0x80, v4, vm0, $0xb8;
	[tilespmem:$0x10100] =	vst v63  }
0xa8: {  	v3 =	vadd.s32 v1, v3  }
0xa9: {  	[hbm4b:s5+s2] =	stream.indirect_vreg.scatter [tilespmem:s14], [sflag:$0x2], $0x80, v4, vm0, $0xb8;
	[tilespmem:$0x10100] =	vst v63  }
0xaa: {  	_ = 	snop  }
0xab: {  	[hbm4b:s6+s2] =	stream.indirect_vreg.scatter [tilespmem:s15], [sflag:$0x2], $0x80, v4, vm0, $0xb8;
	[tilespmem:$0x10100] =	vst v63  }
0xac: {  	_ = 	snop  }
0xad: {  	[hbm4b:s3+s2] =	stream.indirect_vreg.scatter [tilespmem:s16], [sflag:$0x2], $0x80, v3, vm0, $0xb8;
	[tilespmem:$0x10100] =	vst v63  }
0xae: {  	_ = 	snop  }
0xaf: {  	[hbm4b:s4+s2] =	stream.indirect_vreg.scatter [tilespmem:s17], [sflag:$0x2], $0x80, v3, vm0, $0xb8;
	[tilespmem:$0x10100] =	vst v63  }
0xb0: {  	_ = 	snop  }
0xb1: {  	[hbm4b:s5+s2] =	stream.indirect_vreg.scatter [tilespmem:s9], [sflag:$0x2], $0x80, v3, vm0, $0xb8;
	[tilespmem:$0x10100] =	vst v63  }
0xb2: {  	_ = 	snop  }
0xb3: {  	[hbm4b:s6+s2] =	stream.indirect_vreg.scatter [tilespmem:s19], [sflag:$0x2], $0x80, v3, vm0, $0xb8;
	[tilespmem:$0x10100] =	vst v63  }
0xb4: {  	v3 =	vld [tilespmem:$0xB0];
	_ =	sdelay $0x4  }
0xb5: {  	v63 =	vshll.u32 v3, $0x3  }
0xb6: {  	v3 =	vand.u32 $0x7, v3;
	v4 =	vand.u32 $0xFFFFFFC0, v63  }
0xb7: {  	v3 =	vor.u32 v3, v4  }
0xb8: {  	v4 =	vperm.xlane v3, v0;
	_ =	sdelay $0x1  }
0xb9: {  	v4 =	vadd.s32 v1, v4;
	_ =	sdelay $0x3  }
0xba: {  	s21 =	simm.s32 $0xC100  }
0xbb: {  	[hbm4b:s3+s2] =	stream.indirect_vreg.scatter [tilespmem:s21], [sflag:$0x2], $0x80, v4, vm0, $0xb8;
	[tilespmem:$0x10100] =	vst v63  }
0xbc: {  	s20 =	simm.s32 $0xC900;
	v3 =	vperm.xlane v3, v2  }
0xbd: {  	[hbm4b:s4+s2] =	stream.indirect_vreg.scatter [tilespmem:s20], [sflag:$0x2], $0x80, v4, vm0, $0xb8;
	[tilespmem:$0x10100] =	vst v63  }
0xbe: {  	v3 =	vadd.s32 v1, v3;
	s21 =	simm.s32 $0xD100  }
0xbf: {  	[hbm4b:s5+s2] =	stream.indirect_vreg.scatter [tilespmem:s21], [sflag:$0x2], $0x80, v4, vm0, $0xb8;
	[tilespmem:$0x10100] =	vst v63  }
0xc0: {  	s20 =	simm.s32 $0xD900  }
0xc1: {  	[hbm4b:s6+s2] =	stream.indirect_vreg.scatter [tilespmem:s20], [sflag:$0x2], $0x80, v4, vm0, $0xb8;
	[tilespmem:$0x10100] =	vst v63  }
0xc2: {  	s21 =	simm.s32 $0xE100  }
0xc3: {  	[hbm4b:s3+s2] =	stream.indirect_vreg.scatter [tilespmem:s21], [sflag:$0x2], $0x80, v3, vm0, $0xb8;
	[tilespmem:$0x10100] =	vst v63  }
0xc4: {  	s20 =	simm.s32 $0xE900  }
0xc5: {  	[hbm4b:s4+s2] =	stream.indirect_vreg.scatter [tilespmem:s20], [sflag:$0x2], $0x80, v3, vm0, $0xb8;
	[tilespmem:$0x10100] =	vst v63  }
0xc6: {  	s21 =	simm.s32 $0xF100  }
0xc7: {  	[hbm4b:s5+s2] =	stream.indirect_vreg.scatter [tilespmem:s21], [sflag:$0x2], $0x80, v3, vm0, $0xb8;
	[tilespmem:$0x10100] =	vst v63  }
0xc8: {  	s20 =	simm.s32 $0x1  }
0xc9: {  	[hbm4b:s6+s2] =	stream.indirect_vreg.scatter [tilespmem:s0], [sflag:$0x2], $0x80, v3, vm0, $0xb8;
	[tilespmem:$0x10100] =	vst v63  }
0xca: {  	p0 =	sne.s32 s7, $0x1;
	_ =	swait.ge [sflag:s20], $0x10000  }
.Ltmp0:
0xcb: {  	[sflag:s20] =	ssyncset.done $0x0;
	(pc) =	sbr.rel @p0 .LBB2_1-.Ltmp0, $4  }
0xcc: {  	s21 =	simm.s32 $0x2;
	[sflag:s20] =	ssyncadd.s32 $0xFFFF0000  }
0xcd: {  	_ =	swait.ge [sflag:s21], $0x10000  }
0xce: {  	[sflag:s21] =	ssyncset.done $0x0  }
0xcf: {  	s7 =	sadd.s32 $0xFFFFFFFF, s7;
	[sflag:s21] =	ssyncadd.s32 $0xFFFF0000  }
0xd0: {  	_ =	sfence.sel $0x180000  }
0xd1: {  	[bflag:$0x0] =	sbarrier.arrive $0xFFFF  }
0xd2: {  	_ =	strace $0x90000053  }
0xd3: {  	s0 =	stileid.u32;
	[bflag:$0x2] =	sbarrier.arrive $0xFFFF  }
0xd4: {  	p0 =	sne.s32 s0, $0x0;
	s0 =	rddreg [dreg:$0x2]  }
0xd5: {  	s0 =	sadd.s32 @!p0 $0x100000, s0  }
0xd6: {  	[sflag:s0] =	ssyncadd.tile.s32 @!p0 $0x1;
	_ =	shalt  }
.Lfunc_end2:
_tile_overlayer_lowered:
.L_overlay_start_2:
0xd7: {  	(tag) =	ssettag $0x2  }
0xd8: {  	s0 =	rddreg [dreg:$0x0];
	s2 =	stileid.u32  }
0xd9: {  	s1 =	rddreg [dreg:$0x1];
	p0 =	sne.s32 s2, $0x0  }
0xda: {  	s3 =	rddreg [dreg:$0x2];
	[bflag:$0x3] =	sbarrier.arrive $0xFFFF;
	s2 =	simm.s32 @!p0 $0x1C03  }
0xdb: {  	[timem:s3], [sflag:s2] =	dma.local @!p0 [hbm:s0], s1  }
0xdc: {  	s0 =	simm.s32 @!p0 $0x3  }
0xdd: {  	_ =	swait.ge @!p0 [sflag:s0], s1  }
0xde: {  	s1 =	ssub.s32 @!p0 $0x0, s1;
	[sflag:s0] =	ssyncset.done @!p0 $0x0  }
0xdf: {  	[sflag:s0] =	ssyncadd.s32 @!p0 s1  }
0xe0: {  	[bflag:$0x3] =	sbarrier.arrive $0xFFFF  }
0xe1: {  	_ =	shalt  }

// kernel: sparse-core-data-format-call.1.cloned.1.call-start
scs
called_computation.1_lowered:
.L_overlay_start_0:
0x0: {  	s2 =	sld [smem:$0x3FD9]  }
0x1: {  	s3 =	sld [smem:$0x3FFE];
	_ =	sdelay $0x1  }
0x2: {  	s1 =	srdreg.scid  }
0x3: {  	s0 =	sand.u32 $0x1, s1  }
0x4: {  	s18 =	sshll.u32 s0, $0xA;
	s2 =	sadd.s32 s3, s2  }
0x5: {  	s2 =	sadd.s32 s2, s18  }
0x6: {  	[smem:$0x3FBD] =	sst s2  }
0x7: {  	_ = 	snop  }
0x8: {  	s19 =	sld [smem:$0x3FC2];
	(tm) =	ssettm $0x1  }
0x9: {  	s20 =	sld [smem:$0x3FFB];
	_ =	sdelay $0x3  }
0xa: {  	_ =	strace s20  }
0xb: {  	s2 =	sld [smem:$0x3FFC];
	_ =	sdelay $0x3  }
0xc: {  	_ =	strace s2  }
0xd: {  	s2 =	sld [smem:$0x3FFD];
	_ =	sdelay $0x3  }
0xe: {  	_ =	strace s2  }
0xf: {  	_ =	strace $0x8FFFFFFF  }
0x10: {  	s21 =	sld [smem:$0x3FDB];
	_ =	sdelay $0x1  }
0x11: {  	s4 =	simm.s32 $_scs_section_size  }
0x12: {  	s5 =	simm.s32 $_size__tile_overlayer_lowered;
	s6 =	simm.s32 $_tile_overlayer_lowered  }
0x13: {  	s7 =	simm.s32 $0x1BFF;
	s22 =	sshll.u32 s6, $0x1;
	s4 =	sadd.s32 s4, s21  }
0x14: {  	s23 =	simm.s32 $0x0;
	s5 =	sshll.u32 s5, $0x1;
	s6 =	sadd.s32 s22, s4  }
0x15: {  	[timem:s23], [sflag:s7] =	dma.local [hbm:s6], s5  }
0x16: {  	_ =	swait.ge [sflag:s7], s5  }
0x17: {  	s5 =	ssub.s32 $0x0, s5;
	[sflag:s7] =	ssyncset.done $0x0  }
0x18: {  	[sflag:s7] =	ssyncadd.s32 s5;
	_ =	sdelay $0x1  }
0x19: {  	s24 =	simm.s32 $0x1B8B  }
0x1a: {  	_ =	swait.ge [sflag:s24], $0x1  }
0x1b: {  	[sflag:s24] =	ssyncset.done $0x0  }
0x1c: {  	[sflag:s24] =	ssyncadd.s32 $0xFFFFFFFF  }
0x1d: {  	s5 =	sld [smem:$0x0]  }
0x1e: {  	s6 =	sand.u32 $0xFFFFFFFE, s1  }
0x1f: {  	p0 =	sne.s32 s1, s6  }
0x20: {  	s6 =	sshll.u32 @p0 s6, $0xE  }
0x21: {  	s6 =	sadd.s32 @p0 $0x11B8D, s6;
	s7 =	sshll.u32 @p0 s5, $0x11  }
0x22: {  	s6 =	sor.u32 @p0 s7, s6  }
0x23: {  	[sflag:s6] =	ssyncadd.remote.s32 @p0 $0x1;
	_ =	sdelay $0x1  }
0x24: {  	s6 =	simm.s32 @p0 $0x1B8D  }
0x25: {  	_ =	swait.eq @p0 [sflag:s6], $0x1  }
0x26: {  	[sflag:s6] =	ssyncadd.s32 @p0 $0xFFFFFFFF  }
0x27: {  	s7 =	sshll.u32 @!p0 s1, $0xE  }
0x28: {  	s7 =	sor.u32 @!p0 $0x4000, s7;
	s6 =	simm.s32 @!p0 $0x1B8D  }
0x29: {  	s5 =	sshll.u32 @!p0 s5, $0x11;
	s7 =	sadd.s32 @!p0 $0x11B8D, s7;
	_ =	swait.eq @!p0 [sflag:s6], $0x1  }
0x2a: {  	s5 =	sor.u32 @!p0 s5, s7;
	[sflag:s6] =	ssyncadd.s32 @!p0 $0xFFFFFFFF  }
0x2b: {  	s26 =	simm.s32 $0x1B8E;
	s25 =	sld [smem:$0x3FFE];
	[sflag:s5] =	ssyncadd.remote.s32 @!p0 $0x1  }
0x2c: {  	s27 =	simm.s32 $execute0_lowered;
	[smem:$0x3FD2] =	sst s26  }
0x2d: {  	s6 =	sshll.u32 s27, $0x1;
	_ =	strace $0x8000004C;
	[dreg:$0x1] =	wrdreg $0xFFFFFFFF  }
0x2e: {  	s28 =	simm.s32 $_size_execute0_lowered;
	s4 =	sadd.s32 s4, s6;
	[dreg:$0x0] =	wrdreg $0x0  }
0x2f: {  	s6 =	sshll.u32 s28, $0x1;
	[dreg:$0x2] =	wrdreg s4  }
0x30: {  	[dreg:$0x3] =	wrdreg s6  }
0x31: {  	[dreg:$0x4] =	wrdreg $0xC0  }
0x32: {  	_ =	task [dreg:s23], $0x5FFFF  }
0x33: {  	[dreg:$0x1] =	wrdreg $0xFFFFFFFF  }
0x34: {  	[dreg:$0x0] =	wrdreg $0x60  }
0x35: {  	[dreg:$0x2] =	wrdreg s19  }
0x36: {  	[dreg:$0x3] =	wrdreg s25  }
0x37: {  	[dreg:$0x4] =	wrdreg $0xA  }
0x38: {  	_ =	task.clear_ibuf [dreg:s23], $0x5FFFF;
	_ =	strace $0x9000004C  }
0x39: {  	s29 =	simm.s32 $0xA;
	_ =	strace $0x8000004E  }
0x3a: {  	_ =	swait.ge [sflag:s29], $0x1  }
0x3b: {  	[sflag:s29] =	ssyncadd.s32 $0xFFFFFFFF  }
0x3c: {  	_ =	strace $0x9000004E  }
0x3d: {  	_ =	sfence  }
0x3e: {  	s30 =	sld [smem:$0x0];
	_ =	sdelay $0x2  }
0x3f: {  	s31 =	sshll.u32 s1, $0xD;
	s1 =	sshrl.u32 s1, $0x2  }
0x40: {  	s4 =	sand.u32 $0x4000, s31;
	s1 =	sadd.s32 s1, s30  }
0x41: {  	s0 =	sor.u32 s4, s0;
	s1 =	sshll.u32 s1, $0x11  }
0x42: {  	s0 =	sor.u32 s1, s0  }
0x43: {  	s0 =	sadd.s32 $0x8F2B, s0  }
0x44: {  	[sflag:s0] =	ssyncadd.remote.s32 $0x1  }
0x45: {  	_ =	sfence.sel $0xFFFF  }
0x46: {  	[dreg:$0x0] =	wrdreg $0xFFFFFFFF;
	(pc) =	sbr.abs _section_cstart, $3  }
0x47: {  	[dreg:$0x1] =	wrdreg $0xFFFFFFFF  }
0x48: {  	_ =	task.clear_ibuf [dreg:s23], $0x2FFFF;
	_ =	strace $0x9FFFFFFF  }
0x49: {  	(tm) =	ssettm $0x7FFFFFFF  }
tec
execute0_lowered:
.L_overlay_start_1:
0x0: {  	(tag) =	ssettag $0x1  }
0x1: {  	s2 =	rddreg [dreg:$0x0]  }
0x2: {  	s1 =	rddreg [dreg:$0x1]  }
0x3: {  	s0 =	rddreg [dreg:$0x2]  }
0x4: {  	_ =	strace $0x8000004D;
	s4 =	srdreg.scid;
	s6 =	simm.s32 $0x2  }
0x5: {  	s12 =	simm.s32 $0x0;
	p0 =	por $0x0, $0x0;
	s13 =	simm.s32 $0x0  }
0x6: {  	s15 =	simm.s32 $0x0;
	s14 =	simm.s32 $0x0;
	s8 =	simm.s32 $0x0  }
.Ltmp0:
0x7: {  	s9 =	simm.s32 $0x0;
	s10 =	simm.s32 $0x0;
	(pc) =	sbr.rel .LBB1_1-.Ltmp0, $4  }
0x8: {  	s7 =	simm.s32 $0x0;
	s3 =	sadd.s32 $0x113600, s1;
	s5 =	sshll.u32 s4, $0x4  }
0x9: {  	s1 =	stileid.u32;
	s4 =	simm.s32 $0x1;
	s5 =	sand.u32 $0x10, s5  }
0xa: {  	s21 =	simm.s32 $0x0;
	[sflag:s4] =	ssyncpa.u1 $0x0;
	s5 =	sor.u32 s1, s5  }
0xb: {  	[sflag:s6] =	ssyncpa.u1 $0x0;
	s6 =	simm.s32 $0x2000;
	s11 =	smov.u32 s5  }
.LBB1_7:
0xc: {  	s16 =	sadd.s32 $0x100, s8  }
0xd: {  	s12 =	sadd.s32 $0x8, s9;
	s17 =	smov.u32 s9;
	p2 =	sgt.s32 s16, $0x3FF  }
0xe: {  	s17 =	smov.u32 @p2 s12  }
0xf: {  	s18 =	smov.u32 s10;
	s12 =	sadd.s32 $0x8, s10;
	p3 =	sgt.s32 s17, $0x7  }
0x10: {  	s18 =	smov.u32 @p3 s12  }
0x11: {  	s19 =	smov.u32 s11;
	s12 =	sadd.s32 $0x20, s11;
	p4 =	sgt.s32 s18, $0x7  }
0x12: {  	p1 =	slt.u32 s7, $0x2;
	s19 =	smov.u32 @p4 s12  }
0x13: {  	s7 =	sadd.s32 $0x1, s7;
	s16 =	simm.s32 @p2 $0x0;
	p2 =	sgt.s32 s19, $0x7F  }
0x14: {  	s20 =	simm.s32 @!p1 $0x2;
	s19 =	smov.u32 @p2 s5;
	p2 =	sne.s32 s7, $0x12  }
.Ltmp1:
0x15: {  	s13 =	smov.u32 s9;
	_ =	swait.ge @!p1 [sflag:s20], $0x4000;
	(pc) =	sbr.rel @!p2 .LBB1_8-.Ltmp1, $4  }
0x16: {  	s15 =	smov.u32 s10;
	s14 =	smov.u32 s11;
	[sflag:s20] =	ssyncset.done @!p1 $0x0  }
0x17: {  	p0 =	por !p0, !p0;
	s17 =	simm.s32 @p3 $0x0;
	[sflag:s20] =	ssyncadd.s32 @!p1 $0xFFFFC000  }
0x18: {  	s9 =	smov.u32 s17;
	s18 =	simm.s32 @p4 $0x0;
	s12 =	smov.u32 s8  }
0x19: {  	s8 =	smov.u32 s16;
	s10 =	smov.u32 s18;
	s11 =	smov.u32 s19  }
.LBB1_1:
0x1a: {  	p1 =	sgt.u32 s7, $0xF  }
0x1b: {  	s16 =	sxor.u32 @!p1 $0xFFFFFFFF, s7  }
0x1c: {  	s17 =	sshll.u32 @!p1 s9, $0x7;
	s18 =	sand.u32 @!p1 $0x78, s8;
	s19 =	sshll.u32 @!p1 s11, $0xD  }
0x1d: {  	s20 =	sand.u32 @!p1 $0x380, s8;
	s16 =	sshll.u32 @!p1 s16, $0xE;
	s17 =	sand.u32 @!p1 $0x380, s17  }
0x1e: {  	s19 =	sadd.s32 @!p1 s2, s19;
	s17 =	sor.u32 @!p1 s18, s17;
	s18 =	sshll.u32 @!p1 s10, $0xA  }
0x1f: {  	s16 =	sand.u32 @!p1 $0x4000, s16;
	s18 =	sadd.s32 @!p1 s18, s19;
	s19 =	sand.u32 @!p1 $0x7, s8  }
0x20: {  	s17 =	sshrl.u32 @!p1 s17, $0x3;
	s18 =	sadd.s32 @!p1 s20, s18;
	s19 =	sshll.u32 @!p1 s19, $0x12  }
0x21: {  	s17 =	sadd.s32 @!p1 s17, s18;
	s18 =	sor.u32 @!p1 $0x800, s19;
	s19 =	simm.s32 @!p1 $0x2000  }
0x22: {  	[tilespmem:s16], [sflag:$0x1] =	stream.strided.gather @!p1 [hbm4b:s17+s18], $0x4000, s19, s18, $0x38;
	[tilespmem:$0x10000] =	vst v63  }
0x23: {  	p1 =	seq.s32 s7, $0x0  }
0x24: {  	p2 =	seq.s32 @!p1 s7, $0x11  }
0x25: {  	p1 =	por p1, p2  }
.Ltmp2:
0x26: {  	_ = 	snop;
	(pc) =	sbr.rel @p1 .LBB1_7-.Ltmp2, $1  }
0x27: {  	_ =	sdelay $0x3  }
0x28: {  	s16 =	simm.s32 $0x1  }
0x29: {  	_ =	swait.ge [sflag:s4], $0x4000;
	s31 =	sshll.u32 s7, $0xE;
	p1 =	por $0x0, $0x0  }
0x2a: {  	s22 =	simm.s32 $0x0;
	s23 =	simm.s32 $0x0;
	s16 =	simm.s32 @!p0 $0x0  }
0x2b: {  	[sflag:s4] =	ssyncset.done $0x0;
	s19 =	sand.u32 $0x4000, s31;
	s16 =	sshll.u32 s16, $0x10  }
0x2c: {  	[sflag:s4] =	ssyncadd.s32 $0xFFFFC000;
	s20 =	sshrl.u32 s16, $0x2;
	s16 =	sor.u32 $0x8000, s19  }
0x2d: {  	s17 =	sor.u32 $0x40, s20;
	s18 =	sor.u32 $0x8410, s20;
	s20 =	sadd.s32 $0x8400, s20  }
.LBB1_3:
0x2e: {  	v1 =	vld [tilespmem:s17+$0xFFFFFFD0]  }
0x2f: {  	v2 =	vld [tilespmem:s17+$0x430]  }
0x30: {  	s24 =	sshll.u32 s23, $0xB;
	v4 =	vld [tilespmem:s17+$0xFFFFFFE0]  }
0x31: {  	v7 =	vld [tilespmem:s17+$0xFFFFFFF0];
	v0 =	vmov s24  }
0x32: {  	v8 =	vld [tilespmem:s17+$0x0]  }
0x33: {  	s30 =	sand.u32 $0x300, s21;
	v9 =	vld [tilespmem:s17+$0x10]  }
0x34: {  	s25 =	sand.u32 $0x80, s21;
	v10 =	vld [tilespmem:s17+$0x20];
	s24 =	sadd.s32 s30, s19  }
0x35: {  	v11 =	vld [tilespmem:s17+$0x30];
	s24 =	sadd.s32 s25, s24;
	s25 =	simm.s32 $0x1;
	[tilespmem:s18+$0x60] =	vst v2  }
0x36: {  	s31 =	sshll.u32 s22, $0x2;
	s25 =	simm.s32 @!p1 $0x0;
	[tilespmem:s18+$0xFFFFFC00] =	vst v1;
	v3 =	vld.idx.msk [tilespmem:v0+s24+$0x400 ss:$0x1], $0xffff  }
0x37: {  	v6 =	vld [tilespmem:s17+$0x3D0];
	s25 =	sshll.u32 s25, $0x9;
	[tilespmem:s18+$0xFFFFFC10] =	vst v4;
	s24 =	sand.u32 $0xFFFFFC00, s31  }
0x38: {  	v5 =	vld [tilespmem:s17+$0x3E0];
	[tilespmem:s18+$0xFFFFFC20] =	vst v7;
	s24 =	sor.u32 s25, s24  }
0x39: {  	[tilespmem:s18+$0xFFFFFC30] =	vst v8;
	v4 =	vld [tilespmem:s17+$0x400];
	s24 =	sshrl.u32 s24, $0x2  }
0x3a: {  	[tilespmem:s18+$0xFFFFFC40] =	vst v9;
	v1 =	vld [tilespmem:s17+$0x410];
	s24 =	sadd.s32 s24, s20  }
0x3b: {  	[tilespmem:s24+$0x0] =	vst v3;
	v3 =	vld [tilespmem:s17+$0x3F0]  }
0x3c: {  	s28 =	simm.s32 $0x80;
	s27 =	simm.s32 $0x100;
	[tilespmem:s18+$0xFFFFFC50] =	vst v10;
	v2 =	vld [tilespmem:s17+$0x420]  }
0x3d: {  	s26 =	smov.u32 s18;
	s29 =	sand.u32 $0x300, s28;
	v7 =	vld [tilespmem:s17+$0xFFFFFFC0];
	[tilespmem:s18+$0xFFFFFC60] =	vst v11;
	s25 =	sadd.s32 $0x80, s17  }
.LBB1_4:
0x3e: {  	p2 =	sne.s32 s27, $0x380;
	v8 =	vld [tilespmem:s25+$0xFFFFFFD0];
	s28 =	sand.u32 $0x80, s28;
	s29 =	sadd.s32 s29, s19;
	[tilespmem:s26+$0x0] =	vst v6  }
0x3f: {  	s29 =	sadd.s32 s28, s29;
	v6 =	vld [tilespmem:s25+$0x430];
	[tilespmem:s26+$0x10] =	vst v5;
	s28 =	smov.u32 s27  }
0x40: {  	v5 =	vld.idx.msk [tilespmem:v0+s29+$0x400 ss:$0x1], $0xffff;
	[tilespmem:s26+$0x20] =	vst v3  }
0x41: {  	v3 =	vld [tilespmem:s25+$0xFFFFFFE0];
	[tilespmem:s26+$0x30] =	vst v4  }
0x42: {  	v4 =	vld [tilespmem:s25+$0xFFFFFFF0];
	[tilespmem:s26+$0xFFFFFBF0] =	vst v7  }
0x43: {  	v7 =	vld [tilespmem:s25+$0x0];
	[tilespmem:s26+$0x40] =	vst v1  }
0x44: {  	v1 =	vld [tilespmem:s25+$0x10];
	[tilespmem:s26+$0x50] =	vst v2;
	s26 =	sadd.s32 $0x800, s26  }
0x45: {  	s24 =	sadd.s32 $0x800, s24;
	v2 =	vld [tilespmem:s25+$0x20];
	[tilespmem:s26+$0x60] =	vst v6  }
0x46: {  	v9 =	vld [tilespmem:s25+$0x30];
	[tilespmem:s24+$0x0] =	vst v5  }
0x47: {  	[tilespmem:s26+$0xFFFFFC00] =	vst v8;
	v6 =	vld [tilespmem:s25+$0x3D0]  }
0x48: {  	[tilespmem:s26+$0xFFFFFC10] =	vst v3;
	v5 =	vld [tilespmem:s25+$0x3E0]  }
.Ltmp3:
0x49: {  	[tilespmem:s26+$0xFFFFFC20] =	vst v4;
	v3 =	vld [tilespmem:s25+$0x3F0];
	(pc) =	sbr.rel @p2 .LBB1_4-.Ltmp3, $4  }
0x4a: {  	[tilespmem:s26+$0xFFFFFC30] =	vst v7;
	v4 =	vld [tilespmem:s25+$0x400]  }
0x4b: {  	[tilespmem:s26+$0xFFFFFC40] =	vst v1;
	v1 =	vld [tilespmem:s25+$0x410]  }
0x4c: {  	[tilespmem:s26+$0xFFFFFC50] =	vst v2;
	v2 =	vld [tilespmem:s25+$0x420]  }
0x4d: {  	s27 =	sadd.s32 $0x80, s27;
	s29 =	sand.u32 $0x300, s28;
	v7 =	vld [tilespmem:s25+$0xFFFFFFC0];
	[tilespmem:s26+$0xFFFFFC60] =	vst v9;
	s25 =	sadd.s32 $0x80, s25  }
0x4e: {  	[tilespmem:s26+$0x0] =	vst v6  }
0x4f: {  	[tilespmem:s26+$0x10] =	vst v5  }
0x50: {  	v49 =	vld [tilespmem:s25+$0x430];
	[tilespmem:s26+$0x20] =	vst v3  }
0x51: {  	v50 =	vld [tilespmem:s25+$0xFFFFFFD0];
	[tilespmem:s26+$0x30] =	vst v4  }
0x52: {  	v51 =	vld [tilespmem:s25+$0xFFFFFFE0];
	[tilespmem:s26+$0x40] =	vst v1  }
0x53: {  	v52 =	vld [tilespmem:s25+$0xFFFFFFF0];
	[tilespmem:s26+$0x50] =	vst v2  }
0x54: {  	s31 =	sadd.s32 $0x800, s26;
	v53 =	vld [tilespmem:s25+$0x0];
	[tilespmem:s26+$0xFFFFFBF0] =	vst v7  }
0x55: {  	v54 =	vld [tilespmem:s25+$0x10];
	[tilespmem:s31+$0x60] =	vst v49  }
0x56: {  	v55 =	vld [tilespmem:s25+$0x20];
	[tilespmem:s31+$0xFFFFFC00] =	vst v50  }
0x57: {  	v56 =	vld [tilespmem:s25+$0x30];
	[tilespmem:s31+$0xFFFFFC10] =	vst v51  }
0x58: {  	v57 =	vld [tilespmem:s25+$0x3D0];
	[tilespmem:s31+$0xFFFFFC20] =	vst v52  }
0x59: {  	v58 =	vld [tilespmem:s25+$0x3E0];
	[tilespmem:s31+$0xFFFFFC30] =	vst v53  }
0x5a: {  	v59 =	vld [tilespmem:s25+$0x3F0];
	[tilespmem:s31+$0xFFFFFC40] =	vst v54  }
0x5b: {  	v60 =	vld [tilespmem:s25+$0x400];
	[tilespmem:s31+$0xFFFFFC50] =	vst v55  }
0x5c: {  	v61 =	vld [tilespmem:s25+$0xFFFFFFC0];
	[tilespmem:s31+$0xFFFFFC60] =	vst v56  }
0x5d: {  	s27 =	sand.u32 $0x80, s28;
	s30 =	sadd.s32 s29, s19;
	v62 =	vld [tilespmem:s25+$0x410];
	[tilespmem:s31+$0x0] =	vst v57  }
0x5e: {  	v63 =	vld [tilespmem:s25+$0x420];
	s23 =	sadd.s32 $0x1, s23;
	s27 =	sadd.s32 s27, s30;
	[tilespmem:s31+$0x10] =	vst v58  }
0x5f: {  	p2 =	sne.s32 s23, $0x8;
	v0 =	vld.idx.msk [tilespmem:v0+s27+$0x400 ss:$0x1], $0xffff;
	[tilespmem:s31+$0x20] =	vst v59  }
.Ltmp4:
0x60: {  	[tilespmem:s31+$0x30] =	vst v60;
	(pc) =	sbr.rel @p2 .LBB1_3-.Ltmp4, $4  }
0x61: {  	[tilespmem:s31+$0xFFFFFBF0] =	vst v61  }
0x62: {  	[tilespmem:s31+$0x40] =	vst v62  }
0x63: {  	s24 =	sadd.s32 $0x800, s24;
	s17 =	sadd.s32 $0x800, s17;
	[tilespmem:s31+$0x50] =	vst v63  }
0x64: {  	s22 =	sadd.s32 $0x80, s22;
	p1 =	por !p1, !p1;
	s18 =	sadd.s32 $0x80, s18;
	[tilespmem:s24+$0x0] =	vst v0  }
0x65: {  	s15 =	sshll.u32 s15, $0x7;
	s17 =	sand.u32 $0x78, s12  }
0x66: {  	s14 =	sshll.u32 s14, $0xD;
	s13 =	sshll.u32 s13, $0xA;
	s29 =	sand.u32 $0x380, s12  }
.Ltmp5:
0x67: {  	s15 =	sand.u32 $0x380, s15;
	s14 =	sadd.s32 s3, s14;
	(pc) =	sbr.rel .LBB1_7-.Ltmp5, $4  }
0x68: {  	s30 =	sand.u32 $0x7, s12;
	s15 =	sor.u32 s15, s17;
	s13 =	sadd.s32 s13, s14  }
0x69: {  	s12 =	sshll.u32 s30, $0x12;
	s31 =	sshrl.u32 s15, $0x3;
	s13 =	sadd.s32 s29, s13  }
0x6a: {  	s12 =	sor.u32 $0x800, s12;
	s13 =	sadd.s32 s31, s13  }
0x6b: {  	[hbm4b:s13+s12] =	stream.strided.scatter [tilespmem:s16], [sflag:$0x2], $0x4000, s6, s12, $0x38;
	[tilespmem:$0x10000] =	vst v63  }
.LBB1_8:
0x6c: {  	_ =	sfence.sel $0x180000  }
0x6d: {  	s2 =	simm.s32 $0x1;
	[bflag:$0x0] =	sbarrier.arrive $0xFFFF  }
0x6e: {  	s31 =	simm.s32 $0x2;
	[sflag:s2] =	ssyncpa.u1 $0x1  }
0x6f: {  	[sflag:s31] =	ssyncpa.u1 $0x1  }
0x70: {  	p0 =	sne.s32 s1, $0x0;
	_ =	strace $0x9000004D  }
0x71: {  	s0 =	sadd.s32 @!p0 $0x100000, s0;
	[bflag:$0x2] =	sbarrier.arrive $0xFFFF  }
0x72: {  	[sflag:s0] =	ssyncadd.tile.s32 @!p0 $0x1;
	_ =	shalt  }
.Lfunc_end1:
_tile_overlayer_lowered:
.L_overlay_start_2:
0x73: {  	(tag) =	ssettag $0x2  }
0x74: {  	s0 =	rddreg [dreg:$0x0];
	s2 =	stileid.u32  }
0x75: {  	s1 =	rddreg [dreg:$0x1];
	p0 =	sne.s32 s2, $0x0  }
0x76: {  	s3 =	rddreg [dreg:$0x2];
	[bflag:$0x3] =	sbarrier.arrive $0xFFFF;
	s2 =	simm.s32 @!p0 $0x1C01  }
0x77: {  	[timem:s3], [sflag:s2] =	dma.local @!p0 [hbm:s0], s1  }
0x78: {  	s0 =	simm.s32 @!p0 $0x1  }
0x79: {  	_ =	swait.ge @!p0 [sflag:s0], s1  }
0x7a: {  	s1 =	ssub.s32 @!p0 $0x0, s1;
	[sflag:s0] =	ssyncset.done @!p0 $0x0  }
0x7b: {  	[sflag:s0] =	ssyncadd.s32 @!p0 s1  }
0x7c: {  	[bflag:$0x3] =	sbarrier.arrive $0xFFFF  }
0x7d: {  	_ =	shalt  }

// kernel: sparse-core-data-format-call.2.cloned.1.call-start
scs
called_computation.2_lowered:
.L_overlay_start_0:
0x0: {  	s2 =	sld [smem:$0x3FD9]  }
0x1: {  	s3 =	sld [smem:$0x3FFE];
	_ =	sdelay $0x1  }
0x2: {  	s1 =	srdreg.scid  }
0x3: {  	s0 =	sand.u32 $0x1, s1  }
0x4: {  	s18 =	sshll.u32 s0, $0xA;
	s2 =	sadd.s32 s3, s2  }
0x5: {  	s2 =	sadd.s32 s2, s18  }
0x6: {  	[smem:$0x3FBD] =	sst s2  }
0x7: {  	_ = 	snop  }
0x8: {  	s19 =	sld [smem:$0x3FC4];
	(tm) =	ssettm $0x1  }
0x9: {  	s20 =	sld [smem:$0x3FFB];
	_ =	sdelay $0x3  }
0xa: {  	_ =	strace s20  }
0xb: {  	s2 =	sld [smem:$0x3FFC];
	_ =	sdelay $0x3  }
0xc: {  	_ =	strace s2  }
0xd: {  	s2 =	sld [smem:$0x3FFD];
	_ =	sdelay $0x3  }
0xe: {  	_ =	strace s2  }
0xf: {  	_ =	strace $0x8FFFFFFF  }
0x10: {  	s21 =	sld [smem:$0x3FDB];
	_ =	sdelay $0x1  }
0x11: {  	s4 =	simm.s32 $_scs_section_size  }
0x12: {  	s5 =	simm.s32 $_size__tile_overlayer_lowered;
	s6 =	simm.s32 $_tile_overlayer_lowered  }
0x13: {  	s7 =	simm.s32 $0x1BFF;
	s22 =	sshll.u32 s6, $0x1;
	s4 =	sadd.s32 s4, s21  }
0x14: {  	s23 =	simm.s32 $0x0;
	s5 =	sshll.u32 s5, $0x1;
	s6 =	sadd.s32 s22, s4  }
0x15: {  	[timem:s23], [sflag:s7] =	dma.local [hbm:s6], s5  }
0x16: {  	_ =	swait.ge [sflag:s7], s5  }
0x17: {  	s5 =	ssub.s32 $0x0, s5;
	[sflag:s7] =	ssyncset.done $0x0  }
0x18: {  	[sflag:s7] =	ssyncadd.s32 s5;
	_ =	sdelay $0x1  }
0x19: {  	s24 =	simm.s32 $0x1B8B  }
0x1a: {  	_ =	swait.ge [sflag:s24], $0x1  }
0x1b: {  	[sflag:s24] =	ssyncset.done $0x0  }
0x1c: {  	[sflag:s24] =	ssyncadd.s32 $0xFFFFFFFF  }
0x1d: {  	s5 =	sld [smem:$0x0]  }
0x1e: {  	s6 =	sand.u32 $0xFFFFFFFE, s1  }
0x1f: {  	p0 =	sne.s32 s1, s6  }
0x20: {  	s6 =	sshll.u32 @p0 s6, $0xE  }
0x21: {  	s6 =	sadd.s32 @p0 $0x11B8D, s6;
	s7 =	sshll.u32 @p0 s5, $0x11  }
0x22: {  	s6 =	sor.u32 @p0 s7, s6  }
0x23: {  	[sflag:s6] =	ssyncadd.remote.s32 @p0 $0x1;
	_ =	sdelay $0x1  }
0x24: {  	s6 =	simm.s32 @p0 $0x1B8D  }
0x25: {  	_ =	swait.eq @p0 [sflag:s6], $0x1  }
0x26: {  	[sflag:s6] =	ssyncadd.s32 @p0 $0xFFFFFFFF  }
0x27: {  	s7 =	sshll.u32 @!p0 s1, $0xE  }
0x28: {  	s7 =	sor.u32 @!p0 $0x4000, s7;
	s6 =	simm.s32 @!p0 $0x1B8D  }
0x29: {  	s5 =	sshll.u32 @!p0 s5, $0x11;
	s7 =	sadd.s32 @!p0 $0x11B8D, s7;
	_ =	swait.eq @!p0 [sflag:s6], $0x1  }
0x2a: {  	s5 =	sor.u32 @!p0 s5, s7;
	[sflag:s6] =	ssyncadd.s32 @!p0 $0xFFFFFFFF  }
0x2b: {  	s26 =	simm.s32 $0x1B8E;
	s25 =	sld [smem:$0x3FFE];
	[sflag:s5] =	ssyncadd.remote.s32 @!p0 $0x1  }
0x2c: {  	s27 =	simm.s32 $execute0_lowered;
	[smem:$0x3FD2] =	sst s26  }
0x2d: {  	s6 =	sshll.u32 s27, $0x1;
	_ =	strace $0x80000049;
	[dreg:$0x1] =	wrdreg $0xFFFFFFFF  }
0x2e: {  	s28 =	simm.s32 $_size_execute0_lowered;
	s4 =	sadd.s32 s4, s6;
	[dreg:$0x0] =	wrdreg $0x0  }
0x2f: {  	s6 =	sshll.u32 s28, $0x1;
	[dreg:$0x2] =	wrdreg s4  }
0x30: {  	[dreg:$0x3] =	wrdreg s6  }
0x31: {  	[dreg:$0x4] =	wrdreg $0xC0  }
0x32: {  	_ =	task [dreg:s23], $0x5FFFF  }
0x33: {  	[dreg:$0x1] =	wrdreg $0xFFFFFFFF  }
0x34: {  	[dreg:$0x0] =	wrdreg $0x60  }
0x35: {  	[dreg:$0x2] =	wrdreg s19  }
0x36: {  	[dreg:$0x3] =	wrdreg s25  }
0x37: {  	[dreg:$0x4] =	wrdreg $0xB  }
0x38: {  	_ =	task.clear_ibuf [dreg:s23], $0x5FFFF;
	_ =	strace $0x90000049  }
0x39: {  	s29 =	simm.s32 $0xB;
	_ =	strace $0x8000004B  }
0x3a: {  	_ =	swait.ge [sflag:s29], $0x1  }
0x3b: {  	[sflag:s29] =	ssyncadd.s32 $0xFFFFFFFF  }
0x3c: {  	_ =	strace $0x9000004B  }
0x3d: {  	_ =	sfence  }
0x3e: {  	s30 =	sld [smem:$0x0];
	_ =	sdelay $0x2  }
0x3f: {  	s31 =	sshll.u32 s1, $0xD;
	s1 =	sshrl.u32 s1, $0x2  }
0x40: {  	s4 =	sand.u32 $0x4000, s31;
	s1 =	sadd.s32 s1, s30  }
0x41: {  	s0 =	sor.u32 s4, s0;
	s1 =	sshll.u32 s1, $0x11  }
0x42: {  	s0 =	sor.u32 s1, s0  }
0x43: {  	s0 =	sadd.s32 $0x8F2B, s0  }
0x44: {  	[sflag:s0] =	ssyncadd.remote.s32 $0x1  }
0x45: {  	_ =	sfence.sel $0xFFFF  }
0x46: {  	[dreg:$0x0] =	wrdreg $0xFFFFFFFF;
	(pc) =	sbr.abs _section_cstart, $3  }
0x47: {  	[dreg:$0x1] =	wrdreg $0xFFFFFFFF  }
0x48: {  	_ =	task.clear_ibuf [dreg:s23], $0x2FFFF;
	_ =	strace $0x9FFFFFFF  }
0x49: {  	(tm) =	ssettm $0x7FFFFFFF  }
tec
execute0_lowered:
.L_overlay_start_1:
0x0: {  	(tag) =	ssettag $0x1  }
0x1: {  	s2 =	rddreg [dreg:$0x0]  }
0x2: {  	s1 =	rddreg [dreg:$0x1]  }
0x3: {  	s0 =	rddreg [dreg:$0x2]  }
0x4: {  	_ =	strace $0x8000004A;
	s4 =	srdreg.scid;
	s6 =	simm.s32 $0x2  }
0x5: {  	s12 =	simm.s32 $0x0;
	p0 =	por $0x0, $0x0;
	s13 =	simm.s32 $0x0  }
0x6: {  	s15 =	simm.s32 $0x0;
	s14 =	simm.s32 $0x0;
	s8 =	simm.s32 $0x0  }
.Ltmp0:
0x7: {  	s9 =	simm.s32 $0x0;
	s10 =	simm.s32 $0x0;
	(pc) =	sbr.rel .LBB1_1-.Ltmp0, $4  }
0x8: {  	s7 =	simm.s32 $0x0;
	s3 =	sadd.s32 $0x13600, s1;
	s5 =	sshll.u32 s4, $0x4  }
0x9: {  	s1 =	stileid.u32;
	s4 =	simm.s32 $0x1;
	s5 =	sand.u32 $0x10, s5  }
0xa: {  	s21 =	simm.s32 $0x0;
	[sflag:s4] =	ssyncpa.u1 $0x0;
	s5 =	sor.u32 s1, s5  }
0xb: {  	[sflag:s6] =	ssyncpa.u1 $0x0;
	s6 =	simm.s32 $0x2000;
	s11 =	smov.u32 s5  }
.LBB1_7:
0xc: {  	s16 =	sadd.s32 $0x100, s8  }
0xd: {  	s12 =	sadd.s32 $0x8, s9;
	s17 =	smov.u32 s9;
	p2 =	sgt.s32 s16, $0x3FF  }
0xe: {  	s17 =	smov.u32 @p2 s12  }
0xf: {  	s18 =	smov.u32 s10;
	s12 =	sadd.s32 $0x8, s10;
	p3 =	sgt.s32 s17, $0x7  }
0x10: {  	s18 =	smov.u32 @p3 s12  }
0x11: {  	s19 =	smov.u32 s11;
	s12 =	sadd.s32 $0x20, s11;
	p4 =	sgt.s32 s18, $0x7  }
0x12: {  	p1 =	slt.u32 s7, $0x2;
	s19 =	smov.u32 @p4 s12  }
0x13: {  	s7 =	sadd.s32 $0x1, s7;
	s16 =	simm.s32 @p2 $0x0;
	p2 =	sgt.s32 s19, $0x7F  }
0x14: {  	s20 =	simm.s32 @!p1 $0x2;
	s19 =	smov.u32 @p2 s5;
	p2 =	sne.s32 s7, $0x12  }
.Ltmp1:
0x15: {  	s13 =	smov.u32 s9;
	_ =	swait.ge @!p1 [sflag:s20], $0x4000;
	(pc) =	sbr.rel @!p2 .LBB1_8-.Ltmp1, $4  }
0x16: {  	s15 =	smov.u32 s10;
	s14 =	smov.u32 s11;
	[sflag:s20] =	ssyncset.done @!p1 $0x0  }
0x17: {  	p0 =	por !p0, !p0;
	s17 =	simm.s32 @p3 $0x0;
	[sflag:s20] =	ssyncadd.s32 @!p1 $0xFFFFC000  }
0x18: {  	s9 =	smov.u32 s17;
	s18 =	simm.s32 @p4 $0x0;
	s12 =	smov.u32 s8  }
0x19: {  	s8 =	smov.u32 s16;
	s10 =	smov.u32 s18;
	s11 =	smov.u32 s19  }
.LBB1_1:
0x1a: {  	p1 =	sgt.u32 s7, $0xF  }
0x1b: {  	s16 =	sxor.u32 @!p1 $0xFFFFFFFF, s7  }
0x1c: {  	s17 =	sshll.u32 @!p1 s9, $0x7;
	s18 =	sand.u32 @!p1 $0x78, s8;
	s19 =	sshll.u32 @!p1 s11, $0xD  }
0x1d: {  	s20 =	sand.u32 @!p1 $0x380, s8;
	s16 =	sshll.u32 @!p1 s16, $0xE;
	s17 =	sand.u32 @!p1 $0x380, s17  }
0x1e: {  	s19 =	sadd.s32 @!p1 s2, s19;
	s17 =	sor.u32 @!p1 s18, s17;
	s18 =	sshll.u32 @!p1 s10, $0xA  }
0x1f: {  	s16 =	sand.u32 @!p1 $0x4000, s16;
	s18 =	sadd.s32 @!p1 s18, s19;
	s19 =	sand.u32 @!p1 $0x7, s8  }
0x20: {  	s17 =	sshrl.u32 @!p1 s17, $0x3;
	s18 =	sadd.s32 @!p1 s20, s18;
	s19 =	sshll.u32 @!p1 s19, $0x12  }
0x21: {  	s17 =	sadd.s32 @!p1 s17, s18;
	s18 =	sor.u32 @!p1 $0x800, s19;
	s19 =	simm.s32 @!p1 $0x2000  }
0x22: {  	[tilespmem:s16], [sflag:$0x1] =	stream.strided.gather @!p1 [hbm4b:s17+s18], $0x4000, s19, s18, $0x38;
	[tilespmem:$0x10000] =	vst v63  }
0x23: {  	p1 =	seq.s32 s7, $0x0  }
0x24: {  	p2 =	seq.s32 @!p1 s7, $0x11  }
0x25: {  	p1 =	por p1, p2  }
.Ltmp2:
0x26: {  	_ = 	snop;
	(pc) =	sbr.rel @p1 .LBB1_7-.Ltmp2, $1  }
0x27: {  	_ =	sdelay $0x3  }
0x28: {  	s16 =	simm.s32 $0x1  }
0x29: {  	_ =	swait.ge [sflag:s4], $0x4000;
	s31 =	sshll.u32 s7, $0xE;
	p1 =	por $0x0, $0x0  }
0x2a: {  	s22 =	simm.s32 $0x0;
	s23 =	simm.s32 $0x0;
	s16 =	simm.s32 @!p0 $0x0  }
0x2b: {  	[sflag:s4] =	ssyncset.done $0x0;
	s19 =	sand.u32 $0x4000, s31;
	s16 =	sshll.u32 s16, $0x10  }
0x2c: {  	[sflag:s4] =	ssyncadd.s32 $0xFFFFC000;
	s20 =	sshrl.u32 s16, $0x2;
	s16 =	sor.u32 $0x8000, s19  }
0x2d: {  	s17 =	sor.u32 $0x40, s20;
	s18 =	sor.u32 $0x8410, s20;
	s20 =	sadd.s32 $0x8400, s20  }
.LBB1_3:
0x2e: {  	v1 =	vld [tilespmem:s17+$0xFFFFFFD0]  }
0x2f: {  	v2 =	vld [tilespmem:s17+$0x430]  }
0x30: {  	s24 =	sshll.u32 s23, $0xB;
	v4 =	vld [tilespmem:s17+$0xFFFFFFE0]  }
0x31: {  	v7 =	vld [tilespmem:s17+$0xFFFFFFF0];
	v0 =	vmov s24  }
0x32: {  	v8 =	vld [tilespmem:s17+$0x0]  }
0x33: {  	s30 =	sand.u32 $0x300, s21;
	v9 =	vld [tilespmem:s17+$0x10]  }
0x34: {  	s25 =	sand.u32 $0x80, s21;
	v10 =	vld [tilespmem:s17+$0x20];
	s24 =	sadd.s32 s30, s19  }
0x35: {  	v11 =	vld [tilespmem:s17+$0x30];
	s24 =	sadd.s32 s25, s24;
	s25 =	simm.s32 $0x1;
	[tilespmem:s18+$0x60] =	vst v2  }
0x36: {  	s31 =	sshll.u32 s22, $0x2;
	s25 =	simm.s32 @!p1 $0x0;
	[tilespmem:s18+$0xFFFFFC00] =	vst v1;
	v3 =	vld.idx.msk [tilespmem:v0+s24+$0x400 ss:$0x1], $0xffff  }
0x37: {  	v6 =	vld [tilespmem:s17+$0x3D0];
	s25 =	sshll.u32 s25, $0x9;
	[tilespmem:s18+$0xFFFFFC10] =	vst v4;
	s24 =	sand.u32 $0xFFFFFC00, s31  }
0x38: {  	v5 =	vld [tilespmem:s17+$0x3E0];
	[tilespmem:s18+$0xFFFFFC20] =	vst v7;
	s24 =	sor.u32 s25, s24  }
0x39: {  	[tilespmem:s18+$0xFFFFFC30] =	vst v8;
	v4 =	vld [tilespmem:s17+$0x400];
	s24 =	sshrl.u32 s24, $0x2  }
0x3a: {  	[tilespmem:s18+$0xFFFFFC40] =	vst v9;
	v1 =	vld [tilespmem:s17+$0x410];
	s24 =	sadd.s32 s24, s20  }
0x3b: {  	[tilespmem:s24+$0x0] =	vst v3;
	v3 =	vld [tilespmem:s17+$0x3F0]  }
0x3c: {  	s28 =	simm.s32 $0x80;
	s27 =	simm.s32 $0x100;
	[tilespmem:s18+$0xFFFFFC50] =	vst v10;
	v2 =	vld [tilespmem:s17+$0x420]  }
0x3d: {  	s26 =	smov.u32 s18;
	s29 =	sand.u32 $0x300, s28;
	v7 =	vld [tilespmem:s17+$0xFFFFFFC0];
	[tilespmem:s18+$0xFFFFFC60] =	vst v11;
	s25 =	sadd.s32 $0x80, s17  }
.LBB1_4:
0x3e: {  	p2 =	sne.s32 s27, $0x380;
	v8 =	vld [tilespmem:s25+$0xFFFFFFD0];
	s28 =	sand.u32 $0x80, s28;
	s29 =	sadd.s32 s29, s19;
	[tilespmem:s26+$0x0] =	vst v6  }
0x3f: {  	s29 =	sadd.s32 s28, s29;
	v6 =	vld [tilespmem:s25+$0x430];
	[tilespmem:s26+$0x10] =	vst v5;
	s28 =	smov.u32 s27  }
0x40: {  	v5 =	vld.idx.msk [tilespmem:v0+s29+$0x400 ss:$0x1], $0xffff;
	[tilespmem:s26+$0x20] =	vst v3  }
0x41: {  	v3 =	vld [tilespmem:s25+$0xFFFFFFE0];
	[tilespmem:s26+$0x30] =	vst v4  }
0x42: {  	v4 =	vld [tilespmem:s25+$0xFFFFFFF0];
	[tilespmem:s26+$0xFFFFFBF0] =	vst v7  }
0x43: {  	v7 =	vld [tilespmem:s25+$0x0];
	[tilespmem:s26+$0x40] =	vst v1  }
0x44: {  	v1 =	vld [tilespmem:s25+$0x10];
	[tilespmem:s26+$0x50] =	vst v2;
	s26 =	sadd.s32 $0x800, s26  }
0x45: {  	s24 =	sadd.s32 $0x800, s24;
	v2 =	vld [tilespmem:s25+$0x20];
	[tilespmem:s26+$0x60] =	vst v6  }
0x46: {  	v9 =	vld [tilespmem:s25+$0x30];
	[tilespmem:s24+$0x0] =	vst v5  }
0x47: {  	[tilespmem:s26+$0xFFFFFC00] =	vst v8;
	v6 =	vld [tilespmem:s25+$0x3D0]  }
0x48: {  	[tilespmem:s26+$0xFFFFFC10] =	vst v3;
	v5 =	vld [tilespmem:s25+$0x3E0]  }
.Ltmp3:
0x49: {  	[tilespmem:s26+$0xFFFFFC20] =	vst v4;
	v3 =	vld [tilespmem:s25+$0x3F0];
	(pc) =	sbr.rel @p2 .LBB1_4-.Ltmp3, $4  }
0x4a: {  	[tilespmem:s26+$0xFFFFFC30] =	vst v7;
	v4 =	vld [tilespmem:s25+$0x400]  }
0x4b: {  	[tilespmem:s26+$0xFFFFFC40] =	vst v1;
	v1 =	vld [tilespmem:s25+$0x410]  }
0x4c: {  	[tilespmem:s26+$0xFFFFFC50] =	vst v2;
	v2 =	vld [tilespmem:s25+$0x420]  }
0x4d: {  	s27 =	sadd.s32 $0x80, s27;
	s29 =	sand.u32 $0x300, s28;
	v7 =	vld [tilespmem:s25+$0xFFFFFFC0];
	[tilespmem:s26+$0xFFFFFC60] =	vst v9;
	s25 =	sadd.s32 $0x80, s25  }
0x4e: {  	[tilespmem:s26+$0x0] =	vst v6  }
0x4f: {  	[tilespmem:s26+$0x10] =	vst v5  }
0x50: {  	v49 =	vld [tilespmem:s25+$0x430];
	[tilespmem:s26+$0x20] =	vst v3  }
0x51: {  	v50 =	vld [tilespmem:s25+$0xFFFFFFD0];
	[tilespmem:s26+$0x30] =	vst v4  }
0x52: {  	v51 =	vld [tilespmem:s25+$0xFFFFFFE0];
	[tilespmem:s26+$0x40] =	vst v1  }
0x53: {  	v52 =	vld [tilespmem:s25+$0xFFFFFFF0];
	[tilespmem:s26+$0x50] =	vst v2  }
0x54: {  	s31 =	sadd.s32 $0x800, s26;
	v53 =	vld [tilespmem:s25+$0x0];
	[tilespmem:s26+$0xFFFFFBF0] =	vst v7  }
0x55: {  	v54 =	vld [tilespmem:s25+$0x10];
	[tilespmem:s31+$0x60] =	vst v49  }
0x56: {  	v55 =	vld [tilespmem:s25+$0x20];
	[tilespmem:s31+$0xFFFFFC00] =	vst v50  }
0x57: {  	v56 =	vld [tilespmem:s25+$0x30];
	[tilespmem:s31+$0xFFFFFC10] =	vst v51  }
0x58: {  	v57 =	vld [tilespmem:s25+$0x3D0];
	[tilespmem:s31+$0xFFFFFC20] =	vst v52  }
0x59: {  	v58 =	vld [tilespmem:s25+$0x3E0];
	[tilespmem:s31+$0xFFFFFC30] =	vst v53  }
0x5a: {  	v59 =	vld [tilespmem:s25+$0x3F0];
	[tilespmem:s31+$0xFFFFFC40] =	vst v54  }
0x5b: {  	v60 =	vld [tilespmem:s25+$0x400];
	[tilespmem:s31+$0xFFFFFC50] =	vst v55  }
0x5c: {  	v61 =	vld [tilespmem:s25+$0xFFFFFFC0];
	[tilespmem:s31+$0xFFFFFC60] =	vst v56  }
0x5d: {  	s27 =	sand.u32 $0x80, s28;
	s30 =	sadd.s32 s29, s19;
	v62 =	vld [tilespmem:s25+$0x410];
	[tilespmem:s31+$0x0] =	vst v57  }
0x5e: {  	v63 =	vld [tilespmem:s25+$0x420];
	s23 =	sadd.s32 $0x1, s23;
	s27 =	sadd.s32 s27, s30;
	[tilespmem:s31+$0x10] =	vst v58  }
0x5f: {  	p2 =	sne.s32 s23, $0x8;
	v0 =	vld.idx.msk [tilespmem:v0+s27+$0x400 ss:$0x1], $0xffff;
	[tilespmem:s31+$0x20] =	vst v59  }
.Ltmp4:
0x60: {  	[tilespmem:s31+$0x30] =	vst v60;
	(pc) =	sbr.rel @p2 .LBB1_3-.Ltmp4, $4  }
0x61: {  	[tilespmem:s31+$0xFFFFFBF0] =	vst v61  }
0x62: {  	[tilespmem:s31+$0x40] =	vst v62  }
0x63: {  	s24 =	sadd.s32 $0x800, s24;
	s17 =	sadd.s32 $0x800, s17;
	[tilespmem:s31+$0x50] =	vst v63  }
0x64: {  	s22 =	sadd.s32 $0x80, s22;
	p1 =	por !p1, !p1;
	s18 =	sadd.s32 $0x80, s18;
	[tilespmem:s24+$0x0] =	vst v0  }
0x65: {  	s15 =	sshll.u32 s15, $0x7;
	s17 =	sand.u32 $0x78, s12  }
0x66: {  	s14 =	sshll.u32 s14, $0xD;
	s13 =	sshll.u32 s13, $0xA;
	s29 =	sand.u32 $0x380, s12  }
.Ltmp5:
0x67: {  	s15 =	sand.u32 $0x380, s15;
	s14 =	sadd.s32 s3, s14;
	(pc) =	sbr.rel .LBB1_7-.Ltmp5, $4  }
0x68: {  	s30 =	sand.u32 $0x7, s12;
	s15 =	sor.u32 s15, s17;
	s13 =	sadd.s32 s13, s14  }
0x69: {  	s12 =	sshll.u32 s30, $0x12;
	s31 =	sshrl.u32 s15, $0x3;
	s13 =	sadd.s32 s29, s13  }
0x6a: {  	s12 =	sor.u32 $0x800, s12;
	s13 =	sadd.s32 s31, s13  }
0x6b: {  	[hbm4b:s13+s12] =	stream.strided.scatter [tilespmem:s16], [sflag:$0x2], $0x4000, s6, s12, $0x38;
	[tilespmem:$0x10000] =	vst v63  }
.LBB1_8:
0x6c: {  	_ =	sfence.sel $0x180000  }
0x6d: {  	s2 =	simm.s32 $0x1;
	[bflag:$0x0] =	sbarrier.arrive $0xFFFF  }
0x6e: {  	s31 =	simm.s32 $0x2;
	[sflag:s2] =	ssyncpa.u1 $0x1  }
0x6f: {  	[sflag:s31] =	ssyncpa.u1 $0x1  }
0x70: {  	p0 =	sne.s32 s1, $0x0;
	_ =	strace $0x9000004A  }
0x71: {  	s0 =	sadd.s32 @!p0 $0x100000, s0;
	[bflag:$0x2] =	sbarrier.arrive $0xFFFF  }
0x72: {  	[sflag:s0] =	ssyncadd.tile.s32 @!p0 $0x1;
	_ =	shalt  }
.Lfunc_end1:
_tile_overlayer_lowered:
.L_overlay_start_2:
0x73: {  	(tag) =	ssettag $0x2  }
0x74: {  	s0 =	rddreg [dreg:$0x0];
	s2 =	stileid.u32  }
0x75: {  	s1 =	rddreg [dreg:$0x1];
	p0 =	sne.s32 s2, $0x0  }
0x76: {  	s3 =	rddreg [dreg:$0x2];
	[bflag:$0x3] =	sbarrier.arrive $0xFFFF;
	s2 =	simm.s32 @!p0 $0x1C01  }
0x77: {  	[timem:s3], [sflag:s2] =	dma.local @!p0 [hbm:s0], s1  }
0x78: {  	s0 =	simm.s32 @!p0 $0x1  }
0x79: {  	_ =	swait.ge @!p0 [sflag:s0], s1  }
0x7a: {  	s1 =	ssub.s32 @!p0 $0x0, s1;
	[sflag:s0] =	ssyncset.done @!p0 $0x0  }
0x7b: {  	[sflag:s0] =	ssyncadd.s32 @!p0 s1  }
0x7c: {  	[bflag:$0x3] =	sbarrier.arrive $0xFFFF  }
0x7d: {  	_ =	shalt  }

// kernel: sparse-core-data-format-call.cloned.1.call-start
scs
called_computation_lowered:
.L_overlay_start_0:
0x0: {  	s2 =	sld [smem:$0x3FD9]  }
0x1: {  	s3 =	sld [smem:$0x3FFE];
	_ =	sdelay $0x1  }
0x2: {  	s1 =	srdreg.scid  }
0x3: {  	s0 =	sand.u32 $0x1, s1  }
0x4: {  	s18 =	sshll.u32 s0, $0xA;
	s2 =	sadd.s32 s3, s2  }
0x5: {  	s2 =	sadd.s32 s2, s18  }
0x6: {  	[smem:$0x3FBD] =	sst s2  }
0x7: {  	_ = 	snop  }
0x8: {  	s19 =	sld [smem:$0x3FC0];
	(tm) =	ssettm $0x1  }
0x9: {  	s20 =	sld [smem:$0x3FFB];
	_ =	sdelay $0x3  }
0xa: {  	_ =	strace s20  }
0xb: {  	s2 =	sld [smem:$0x3FFC];
	_ =	sdelay $0x3  }
0xc: {  	_ =	strace s2  }
0xd: {  	s2 =	sld [smem:$0x3FFD];
	_ =	sdelay $0x3  }
0xe: {  	_ =	strace s2  }
0xf: {  	_ =	strace $0x8FFFFFFF  }
0x10: {  	s21 =	sld [smem:$0x3FDB];
	_ =	sdelay $0x1  }
0x11: {  	s4 =	simm.s32 $_scs_section_size  }
0x12: {  	s5 =	simm.s32 $_size__tile_overlayer_lowered;
	s6 =	simm.s32 $_tile_overlayer_lowered  }
0x13: {  	s7 =	simm.s32 $0x1BFF;
	s22 =	sshll.u32 s6, $0x1;
	s4 =	sadd.s32 s4, s21  }
0x14: {  	s23 =	simm.s32 $0x0;
	s5 =	sshll.u32 s5, $0x1;
	s6 =	sadd.s32 s22, s4  }
0x15: {  	[timem:s23], [sflag:s7] =	dma.local [hbm:s6], s5  }
0x16: {  	_ =	swait.ge [sflag:s7], s5  }
0x17: {  	s5 =	ssub.s32 $0x0, s5;
	[sflag:s7] =	ssyncset.done $0x0  }
0x18: {  	[sflag:s7] =	ssyncadd.s32 s5;
	_ =	sdelay $0x1  }
0x19: {  	s24 =	simm.s32 $0x1B8B  }
0x1a: {  	_ =	swait.ge [sflag:s24], $0x1  }
0x1b: {  	[sflag:s24] =	ssyncset.done $0x0  }
0x1c: {  	[sflag:s24] =	ssyncadd.s32 $0xFFFFFFFF  }
0x1d: {  	s5 =	sld [smem:$0x0]  }
0x1e: {  	s6 =	sand.u32 $0xFFFFFFFE, s1  }
0x1f: {  	p0 =	sne.s32 s1, s6  }
0x20: {  	s6 =	sshll.u32 @p0 s6, $0xE  }
0x21: {  	s6 =	sadd.s32 @p0 $0x11B8D, s6;
	s7 =	sshll.u32 @p0 s5, $0x11  }
0x22: {  	s6 =	sor.u32 @p0 s7, s6  }
0x23: {  	[sflag:s6] =	ssyncadd.remote.s32 @p0 $0x1;
	_ =	sdelay $0x1  }
0x24: {  	s6 =	simm.s32 @p0 $0x1B8D  }
0x25: {  	_ =	swait.eq @p0 [sflag:s6], $0x1  }
0x26: {  	[sflag:s6] =	ssyncadd.s32 @p0 $0xFFFFFFFF  }
0x27: {  	s7 =	sshll.u32 @!p0 s1, $0xE  }
0x28: {  	s7 =	sor.u32 @!p0 $0x4000, s7;
	s6 =	simm.s32 @!p0 $0x1B8D  }
0x29: {  	s5 =	sshll.u32 @!p0 s5, $0x11;
	s7 =	sadd.s32 @!p0 $0x11B8D, s7;
	_ =	swait.eq @!p0 [sflag:s6], $0x1  }
0x2a: {  	s5 =	sor.u32 @!p0 s5, s7;
	[sflag:s6] =	ssyncadd.s32 @!p0 $0xFFFFFFFF  }
0x2b: {  	s26 =	simm.s32 $0x1B8E;
	s25 =	sld [smem:$0x3FFE];
	[sflag:s5] =	ssyncadd.remote.s32 @!p0 $0x1  }
0x2c: {  	s27 =	simm.s32 $execute0_lowered;
	[smem:$0x3FD2] =	sst s26  }
0x2d: {  	s6 =	sshll.u32 s27, $0x1;
	_ =	strace $0x8000004F;
	[dreg:$0x1] =	wrdreg $0xFFFFFFFF  }
0x2e: {  	s28 =	simm.s32 $_size_execute0_lowered;
	s4 =	sadd.s32 s4, s6;
	[dreg:$0x0] =	wrdreg $0x0  }
0x2f: {  	s6 =	sshll.u32 s28, $0x1;
	[dreg:$0x2] =	wrdreg s4  }
0x30: {  	[dreg:$0x3] =	wrdreg s6  }
0x31: {  	[dreg:$0x4] =	wrdreg $0xC0  }
0x32: {  	_ =	task [dreg:s23], $0x5FFFF  }
0x33: {  	[dreg:$0x1] =	wrdreg $0xFFFFFFFF  }
0x34: {  	[dreg:$0x0] =	wrdreg $0x60  }
0x35: {  	[dreg:$0x2] =	wrdreg s19  }
0x36: {  	[dreg:$0x3] =	wrdreg s25  }
0x37: {  	[dreg:$0x4] =	wrdreg $0x9  }
0x38: {  	_ =	task.clear_ibuf [dreg:s23], $0x5FFFF;
	_ =	strace $0x9000004F  }
0x39: {  	s29 =	simm.s32 $0x9;
	_ =	strace $0x80000051  }
0x3a: {  	_ =	swait.ge [sflag:s29], $0x1  }
0x3b: {  	[sflag:s29] =	ssyncadd.s32 $0xFFFFFFFF  }
0x3c: {  	_ =	strace $0x90000051  }
0x3d: {  	_ =	sfence  }
0x3e: {  	s30 =	sld [smem:$0x0];
	_ =	sdelay $0x2  }
0x3f: {  	s31 =	sshll.u32 s1, $0xD;
	s1 =	sshrl.u32 s1, $0x2  }
0x40: {  	s4 =	sand.u32 $0x4000, s31;
	s1 =	sadd.s32 s1, s30  }
0x41: {  	s0 =	sor.u32 s4, s0;
	s1 =	sshll.u32 s1, $0x11  }
0x42: {  	s0 =	sor.u32 s1, s0  }
0x43: {  	s0 =	sadd.s32 $0x8F2B, s0  }
0x44: {  	[sflag:s0] =	ssyncadd.remote.s32 $0x1  }
0x45: {  	_ =	sfence.sel $0xFFFF  }
0x46: {  	[dreg:$0x0] =	wrdreg $0xFFFFFFFF;
	(pc) =	sbr.abs _section_cstart, $3  }
0x47: {  	[dreg:$0x1] =	wrdreg $0xFFFFFFFF  }
0x48: {  	_ =	task.clear_ibuf [dreg:s23], $0x2FFFF;
	_ =	strace $0x9FFFFFFF  }
0x49: {  	(tm) =	ssettm $0x7FFFFFFF  }
tec
execute0_lowered:
.L_overlay_start_1:
0x0: {  	(tag) =	ssettag $0x1  }
0x1: {  	s2 =	rddreg [dreg:$0x0]  }
0x2: {  	s1 =	rddreg [dreg:$0x1]  }
0x3: {  	s0 =	rddreg [dreg:$0x2]  }
0x4: {  	_ =	strace $0x80000050;
	s4 =	srdreg.scid;
	s6 =	simm.s32 $0x2  }
0x5: {  	s12 =	simm.s32 $0x0;
	p0 =	por $0x0, $0x0;
	s13 =	simm.s32 $0x0  }
0x6: {  	s15 =	simm.s32 $0x0;
	s14 =	simm.s32 $0x0;
	s8 =	simm.s32 $0x0  }
.Ltmp0:
0x7: {  	s9 =	simm.s32 $0x0;
	s10 =	simm.s32 $0x0;
	(pc) =	sbr.rel .LBB1_1-.Ltmp0, $4  }
0x8: {  	s7 =	simm.s32 $0x0;
	s3 =	sadd.s32 $0x213600, s1;
	s5 =	sshll.u32 s4, $0x4  }
0x9: {  	s1 =	stileid.u32;
	s4 =	simm.s32 $0x1;
	s5 =	sand.u32 $0x10, s5  }
0xa: {  	s21 =	simm.s32 $0x0;
	[sflag:s4] =	ssyncpa.u1 $0x0;
	s5 =	sor.u32 s1, s5  }
0xb: {  	[sflag:s6] =	ssyncpa.u1 $0x0;
	s6 =	simm.s32 $0x2000;
	s11 =	smov.u32 s5  }
.LBB1_7:
0xc: {  	s16 =	sadd.s32 $0x100, s8  }
0xd: {  	s12 =	sadd.s32 $0x8, s9;
	s17 =	smov.u32 s9;
	p2 =	sgt.s32 s16, $0x3FF  }
0xe: {  	s17 =	smov.u32 @p2 s12  }
0xf: {  	s18 =	smov.u32 s10;
	s12 =	sadd.s32 $0x8, s10;
	p3 =	sgt.s32 s17, $0x7  }
0x10: {  	s18 =	smov.u32 @p3 s12  }
0x11: {  	s19 =	smov.u32 s11;
	s12 =	sadd.s32 $0x20, s11;
	p4 =	sgt.s32 s18, $0x7  }
0x12: {  	p1 =	slt.u32 s7, $0x2;
	s19 =	smov.u32 @p4 s12  }
0x13: {  	s7 =	sadd.s32 $0x1, s7;
	s16 =	simm.s32 @p2 $0x0;
	p2 =	sgt.s32 s19, $0x7F  }
0x14: {  	s20 =	simm.s32 @!p1 $0x2;
	s19 =	smov.u32 @p2 s5;
	p2 =	sne.s32 s7, $0x12  }
.Ltmp1:
0x15: {  	s13 =	smov.u32 s9;
	_ =	swait.ge @!p1 [sflag:s20], $0x4000;
	(pc) =	sbr.rel @!p2 .LBB1_8-.Ltmp1, $4  }
0x16: {  	s15 =	smov.u32 s10;
	s14 =	smov.u32 s11;
	[sflag:s20] =	ssyncset.done @!p1 $0x0  }
0x17: {  	p0 =	por !p0, !p0;
	s17 =	simm.s32 @p3 $0x0;
	[sflag:s20] =	ssyncadd.s32 @!p1 $0xFFFFC000  }
0x18: {  	s9 =	smov.u32 s17;
	s18 =	simm.s32 @p4 $0x0;
	s12 =	smov.u32 s8  }
0x19: {  	s8 =	smov.u32 s16;
	s10 =	smov.u32 s18;
	s11 =	smov.u32 s19  }
.LBB1_1:
0x1a: {  	p1 =	sgt.u32 s7, $0xF  }
0x1b: {  	s16 =	sxor.u32 @!p1 $0xFFFFFFFF, s7  }
0x1c: {  	s17 =	sshll.u32 @!p1 s9, $0x7;
	s18 =	sand.u32 @!p1 $0x78, s8;
	s19 =	sshll.u32 @!p1 s11, $0xD  }
0x1d: {  	s20 =	sand.u32 @!p1 $0x380, s8;
	s16 =	sshll.u32 @!p1 s16, $0xE;
	s17 =	sand.u32 @!p1 $0x380, s17  }
0x1e: {  	s19 =	sadd.s32 @!p1 s2, s19;
	s17 =	sor.u32 @!p1 s18, s17;
	s18 =	sshll.u32 @!p1 s10, $0xA  }
0x1f: {  	s16 =	sand.u32 @!p1 $0x4000, s16;
	s18 =	sadd.s32 @!p1 s18, s19;
	s19 =	sand.u32 @!p1 $0x7, s8  }
0x20: {  	s17 =	sshrl.u32 @!p1 s17, $0x3;
	s18 =	sadd.s32 @!p1 s20, s18;
	s19 =	sshll.u32 @!p1 s19, $0x12  }
0x21: {  	s17 =	sadd.s32 @!p1 s17, s18;
	s18 =	sor.u32 @!p1 $0x800, s19;
	s19 =	simm.s32 @!p1 $0x2000  }
0x22: {  	[tilespmem:s16], [sflag:$0x1] =	stream.strided.gather @!p1 [hbm4b:s17+s18], $0x4000, s19, s18, $0x38;
	[tilespmem:$0x10000] =	vst v63  }
0x23: {  	p1 =	seq.s32 s7, $0x0  }
0x24: {  	p2 =	seq.s32 @!p1 s7, $0x11  }
0x25: {  	p1 =	por p1, p2  }
.Ltmp2:
0x26: {  	_ = 	snop;
	(pc) =	sbr.rel @p1 .LBB1_7-.Ltmp2, $1  }
0x27: {  	_ =	sdelay $0x3  }
0x28: {  	s16 =	simm.s32 $0x1  }
0x29: {  	_ =	swait.ge [sflag:s4], $0x4000;
	s31 =	sshll.u32 s7, $0xE;
	p1 =	por $0x0, $0x0  }
0x2a: {  	s22 =	simm.s32 $0x0;
	s23 =	simm.s32 $0x0;
	s16 =	simm.s32 @!p0 $0x0  }
0x2b: {  	[sflag:s4] =	ssyncset.done $0x0;
	s19 =	sand.u32 $0x4000, s31;
	s16 =	sshll.u32 s16, $0x10  }
0x2c: {  	[sflag:s4] =	ssyncadd.s32 $0xFFFFC000;
	s20 =	sshrl.u32 s16, $0x2;
	s16 =	sor.u32 $0x8000, s19  }
0x2d: {  	s17 =	sor.u32 $0x40, s20;
	s18 =	sor.u32 $0x8410, s20;
	s20 =	sadd.s32 $0x8400, s20  }
.LBB1_3:
0x2e: {  	v1 =	vld [tilespmem:s17+$0xFFFFFFD0]  }
0x2f: {  	v2 =	vld [tilespmem:s17+$0x430]  }
0x30: {  	s24 =	sshll.u32 s23, $0xB;
	v4 =	vld [tilespmem:s17+$0xFFFFFFE0]  }
0x31: {  	v7 =	vld [tilespmem:s17+$0xFFFFFFF0];
	v0 =	vmov s24  }
0x32: {  	v8 =	vld [tilespmem:s17+$0x0]  }
0x33: {  	s30 =	sand.u32 $0x300, s21;
	v9 =	vld [tilespmem:s17+$0x10]  }
0x34: {  	s25 =	sand.u32 $0x80, s21;
	v10 =	vld [tilespmem:s17+$0x20];
	s24 =	sadd.s32 s30, s19  }
0x35: {  	v11 =	vld [tilespmem:s17+$0x30];
	s24 =	sadd.s32 s25, s24;
	s25 =	simm.s32 $0x1;
	[tilespmem:s18+$0x60] =	vst v2  }
0x36: {  	s31 =	sshll.u32 s22, $0x2;
	s25 =	simm.s32 @!p1 $0x0;
	[tilespmem:s18+$0xFFFFFC00] =	vst v1;
	v3 =	vld.idx.msk [tilespmem:v0+s24+$0x400 ss:$0x1], $0xffff  }
0x37: {  	v6 =	vld [tilespmem:s17+$0x3D0];
	s25 =	sshll.u32 s25, $0x9;
	[tilespmem:s18+$0xFFFFFC10] =	vst v4;
	s24 =	sand.u32 $0xFFFFFC00, s31  }
0x38: {  	v5 =	vld [tilespmem:s17+$0x3E0];
	[tilespmem:s18+$0xFFFFFC20] =	vst v7;
	s24 =	sor.u32 s25, s24  }
0x39: {  	[tilespmem:s18+$0xFFFFFC30] =	vst v8;
	v4 =	vld [tilespmem:s17+$0x400];
	s24 =	sshrl.u32 s24, $0x2  }
0x3a: {  	[tilespmem:s18+$0xFFFFFC40] =	vst v9;
	v1 =	vld [tilespmem:s17+$0x410];
	s24 =	sadd.s32 s24, s20  }
0x3b: {  	[tilespmem:s24+$0x0] =	vst v3;
	v3 =	vld [tilespmem:s17+$0x3F0]  }
0x3c: {  	s28 =	simm.s32 $0x80;
	s27 =	simm.s32 $0x100;
	[tilespmem:s18+$0xFFFFFC50] =	vst v10;
	v2 =	vld [tilespmem:s17+$0x420]  }
0x3d: {  	s26 =	smov.u32 s18;
	s29 =	sand.u32 $0x300, s28;
	v7 =	vld [tilespmem:s17+$0xFFFFFFC0];
	[tilespmem:s18+$0xFFFFFC60] =	vst v11;
	s25 =	sadd.s32 $0x80, s17  }
.LBB1_4:
0x3e: {  	p2 =	sne.s32 s27, $0x380;
	v8 =	vld [tilespmem:s25+$0xFFFFFFD0];
	s28 =	sand.u32 $0x80, s28;
	s29 =	sadd.s32 s29, s19;
	[tilespmem:s26+$0x0] =	vst v6  }
0x3f: {  	s29 =	sadd.s32 s28, s29;
	v6 =	vld [tilespmem:s25+$0x430];
	[tilespmem:s26+$0x10] =	vst v5;
	s28 =	smov.u32 s27  }
0x40: {  	v5 =	vld.idx.msk [tilespmem:v0+s29+$0x400 ss:$0x1], $0xffff;
	[tilespmem:s26+$0x20] =	vst v3  }
0x41: {  	v3 =	vld [tilespmem:s25+$0xFFFFFFE0];
	[tilespmem:s26+$0x30] =	vst v4  }
0x42: {  	v4 =	vld [tilespmem:s25+$0xFFFFFFF0];
	[tilespmem:s26+$0xFFFFFBF0] =	vst v7  }
0x43: {  	v7 =	vld [tilespmem:s25+$0x0];
	[tilespmem:s26+$0x40] =	vst v1  }
0x44: {  	v1 =	vld [tilespmem:s25+$0x10];
	[tilespmem:s26+$0x50] =	vst v2;
	s26 =	sadd.s32 $0x800, s26  }
0x45: {  	s24 =	sadd.s32 $0x800, s24;
	v2 =	vld [tilespmem:s25+$0x20];
	[tilespmem:s26+$0x60] =	vst v6  }
0x46: {  	v9 =	vld [tilespmem:s25+$0x30];
	[tilespmem:s24+$0x0] =	vst v5  }
0x47: {  	[tilespmem:s26+$0xFFFFFC00] =	vst v8;
	v6 =	vld [tilespmem:s25+$0x3D0]  }
0x48: {  	[tilespmem:s26+$0xFFFFFC10] =	vst v3;
	v5 =	vld [tilespmem:s25+$0x3E0]  }
.Ltmp3:
0x49: {  	[tilespmem:s26+$0xFFFFFC20] =	vst v4;
	v3 =	vld [tilespmem:s25+$0x3F0];
	(pc) =	sbr.rel @p2 .LBB1_4-.Ltmp3, $4  }
0x4a: {  	[tilespmem:s26+$0xFFFFFC30] =	vst v7;
	v4 =	vld [tilespmem:s25+$0x400]  }
0x4b: {  	[tilespmem:s26+$0xFFFFFC40] =	vst v1;
	v1 =	vld [tilespmem:s25+$0x410]  }
0x4c: {  	[tilespmem:s26+$0xFFFFFC50] =	vst v2;
	v2 =	vld [tilespmem:s25+$0x420]  }
0x4d: {  	s27 =	sadd.s32 $0x80, s27;
	s29 =	sand.u32 $0x300, s28;
	v7 =	vld [tilespmem:s25+$0xFFFFFFC0];
	[tilespmem:s26+$0xFFFFFC60] =	vst v9;
	s25 =	sadd.s32 $0x80, s25  }
0x4e: {  	[tilespmem:s26+$0x0] =	vst v6  }
0x4f: {  	[tilespmem:s26+$0x10] =	vst v5  }
0x50: {  	v49 =	vld [tilespmem:s25+$0x430];
	[tilespmem:s26+$0x20] =	vst v3  }
0x51: {  	v50 =	vld [tilespmem:s25+$0xFFFFFFD0];
	[tilespmem:s26+$0x30] =	vst v4  }
0x52: {  	v51 =	vld [tilespmem:s25+$0xFFFFFFE0];
	[tilespmem:s26+$0x40] =	vst v1  }
0x53: {  	v52 =	vld [tilespmem:s25+$0xFFFFFFF0];
	[tilespmem:s26+$0x50] =	vst v2  }
0x54: {  	s31 =	sadd.s32 $0x800, s26;
	v53 =	vld [tilespmem:s25+$0x0];
	[tilespmem:s26+$0xFFFFFBF0] =	vst v7  }
0x55: {  	v54 =	vld [tilespmem:s25+$0x10];
	[tilespmem:s31+$0x60] =	vst v49  }
0x56: {  	v55 =	vld [tilespmem:s25+$0x20];
	[tilespmem:s31+$0xFFFFFC00] =	vst v50  }
0x57: {  	v56 =	vld [tilespmem:s25+$0x30];
	[tilespmem:s31+$0xFFFFFC10] =	vst v51  }
0x58: {  	v57 =	vld [tilespmem:s25+$0x3D0];
	[tilespmem:s31+$0xFFFFFC20] =	vst v52  }
0x59: {  	v58 =	vld [tilespmem:s25+$0x3E0];
	[tilespmem:s31+$0xFFFFFC30] =	vst v53  }
0x5a: {  	v59 =	vld [tilespmem:s25+$0x3F0];
	[tilespmem:s31+$0xFFFFFC40] =	vst v54  }
0x5b: {  	v60 =	vld [tilespmem:s25+$0x400];
	[tilespmem:s31+$0xFFFFFC50] =	vst v55  }
0x5c: {  	v61 =	vld [tilespmem:s25+$0xFFFFFFC0];
	[tilespmem:s31+$0xFFFFFC60] =	vst v56  }
0x5d: {  	s27 =	sand.u32 $0x80, s28;
	s30 =	sadd.s32 s29, s19;
	v62 =	vld [tilespmem:s25+$0x410];
	[tilespmem:s31+$0x0] =	vst v57  }
0x5e: {  	v63 =	vld [tilespmem:s25+$0x420];
	s23 =	sadd.s32 $0x1, s23;
	s27 =	sadd.s32 s27, s30;
	[tilespmem:s31+$0x10] =	vst v58  }
0x5f: {  	p2 =	sne.s32 s23, $0x8;
	v0 =	vld.idx.msk [tilespmem:v0+s27+$0x400 ss:$0x1], $0xffff;
	[tilespmem:s31+$0x20] =	vst v59  }
.Ltmp4:
0x60: {  	[tilespmem:s31+$0x30] =	vst v60;
	(pc) =	sbr.rel @p2 .LBB1_3-.Ltmp4, $4  }
0x61: {  	[tilespmem:s31+$0xFFFFFBF0] =	vst v61  }
0x62: {  	[tilespmem:s31+$0x40] =	vst v62  }
0x63: {  	s24 =	sadd.s32 $0x800, s24;
	s17 =	sadd.s32 $0x800, s17;
	[tilespmem:s31+$0x50] =	vst v63  }
0x64: {  	s22 =	sadd.s32 $0x80, s22;
	p1 =	por !p1, !p1;
	s18 =	sadd.s32 $0x80, s18;
	[tilespmem:s24+$0x0] =	vst v0  }
0x65: {  	s15 =	sshll.u32 s15, $0x7;
	s17 =	sand.u32 $0x78, s12  }
0x66: {  	s14 =	sshll.u32 s14, $0xD;
	s13 =	sshll.u32 s13, $0xA;
	s29 =	sand.u32 $0x380, s12  }
.Ltmp5:
0x67: {  	s15 =	sand.u32 $0x380, s15;
	s14 =	sadd.s32 s3, s14;
	(pc) =	sbr.rel .LBB1_7-.Ltmp5, $4  }
0x68: {  	s30 =	sand.u32 $0x7, s12;
	s15 =	sor.u32 s15, s17;
	s13 =	sadd.s32 s13, s14  }
0x69: {  	s12 =	sshll.u32 s30, $0x12;
	s31 =	sshrl.u32 s15, $0x3;
	s13 =	sadd.s32 s29, s13  }
0x6a: {  	s12 =	sor.u32 $0x800, s12;
	s13 =	sadd.s32 s31, s13  }
0x6b: {  	[hbm4b:s13+s12] =	stream.strided.scatter [tilespmem:s16], [sflag:$0x2], $0x4000, s6, s12, $0x38;
	[tilespmem:$0x10000] =	vst v63  }
.LBB1_8:
0x6c: {  	_ =	sfence.sel $0x180000  }
0x6d: {  	s2 =	simm.s32 $0x1;
	[bflag:$0x0] =	sbarrier.arrive $0xFFFF  }
0x6e: {  	s31 =	simm.s32 $0x2;
	[sflag:s2] =	ssyncpa.u1 $0x1  }
0x6f: {  	[sflag:s31] =	ssyncpa.u1 $0x1  }
0x70: {  	p0 =	sne.s32 s1, $0x0;
	_ =	strace $0x90000050  }
0x71: {  	s0 =	sadd.s32 @!p0 $0x100000, s0;
	[bflag:$0x2] =	sbarrier.arrive $0xFFFF  }
0x72: {  	[sflag:s0] =	ssyncadd.tile.s32 @!p0 $0x1;
	_ =	shalt  }
.Lfunc_end1:
_tile_overlayer_lowered:
.L_overlay_start_2:
0x73: {  	(tag) =	ssettag $0x2  }
0x74: {  	s0 =	rddreg [dreg:$0x0];
	s2 =	stileid.u32  }
0x75: {  	s1 =	rddreg [dreg:$0x1];
	p0 =	sne.s32 s2, $0x0  }
0x76: {  	s3 =	rddreg [dreg:$0x2];
	[bflag:$0x3] =	sbarrier.arrive $0xFFFF;
	s2 =	simm.s32 @!p0 $0x1C01  }
0x77: {  	[timem:s3], [sflag:s2] =	dma.local @!p0 [hbm:s0], s1  }
0x78: {  	s0 =	simm.s32 @!p0 $0x1  }
0x79: {  	_ =	swait.ge @!p0 [sflag:s0], s1  }
0x7a: {  	s1 =	ssub.s32 @!p0 $0x0, s1;
	[sflag:s0] =	ssyncset.done @!p0 $0x0  }
0x7b: {  	[sflag:s0] =	ssyncadd.s32 @!p0 s1  }
0x7c: {  	[bflag:$0x3] =	sbarrier.arrive $0xFFFF  }
0x7d: {  	_ =	shalt  }

</sc_bundles>
